<compile_context>
chip_gen: v7x
topology: tpu7x:2x2x1
jax: 0.10.2.dev20260603
libtpu: 0.0.44.dev20260713+nightly
codegen_flags: <defaults>
</compile_context>

<pallas_src>
import functools

import jax
import jax.numpy as jnp
from jax import lax
from jax.experimental import pallas as pl
from jax.experimental.pallas import tpu as pltpu
from jax.experimental.pallas import tpu_sc as plsc

E = 8
D_IN = 1024
D_OUT = 1024
S = 2048

BLK = 512
NBLK = (2 * S) // BLK + E
CAP = NBLK * BLK

NC = 2
NS = 16
NW = NC * NS
TPW = S // NW

_NEG_INF = float("-inf")


def _router_body(x_ref, wg_ref, pos1_ref, pos2_ref, g1_ref, g2_ref,
                 be_ref, ba_ref, xi_ref, xpk_ref):
    x = x_ref[...]
    xu = pltpu.bitcast(x, jnp.uint32)
    rnd = ((xu >> 16) & 1) + 0x7FFF
    xb = (xu + rnd) >> 16
    lo = xb[:, :D_IN // 2]
    hi = xb[:, D_IN // 2:]
    xpk_ref[...] = pltpu.bitcast(lo | (hi << 16), jnp.int32)
    logits = jnp.dot(x, wg_ref[...], preferred_element_type=jnp.float32)
    e_iota = lax.broadcasted_iota(jnp.int32, (S, E), 1)
    m1 = jnp.max(logits, axis=-1, keepdims=True)
    i1 = jnp.min(jnp.where(logits == m1, e_iota, E), axis=-1, keepdims=True)
    masked = jnp.where(e_iota == i1, _NEG_INF, logits)
    m2 = jnp.max(masked, axis=-1, keepdims=True)
    i2 = jnp.min(jnp.where(masked == m2, e_iota, E), axis=-1, keepdims=True)
    t = jnp.exp(m2 - m1)
    g1_ref[...] = (1.0 / (1.0 + t)).reshape(NW, TPW)
    g2_ref[...] = (t / (1.0 + t)).reshape(NW, TPW)

    oh1 = (e_iota == i1).astype(jnp.float32)
    oh2 = (e_iota == i2).astype(jnp.float32)
    oh = jnp.concatenate([oh1, oh2], axis=1)
    TB = 256
    r_iota = lax.broadcasted_iota(jnp.int32, (TB, TB), 0)
    c_iota = lax.broadcasted_iota(jnp.int32, (TB, TB), 1)
    tril = (c_iota < r_iota).astype(jnp.float32)
    running = jnp.zeros((1, 2 * E), jnp.float32)
    ranks_parts = []
    for tb in range(S // TB):
        blk = oh[tb * TB:(tb + 1) * TB, :]
        ranks_parts.append(
            jnp.dot(tril, blk, preferred_element_type=jnp.float32) + running)
        running = running + jnp.sum(blk, axis=0, keepdims=True)
    ranks = jnp.concatenate(ranks_parts, axis=0)
    counts = running
    c1 = counts[:, :E]
    c = c1 + counts[:, E:]
    padded = jnp.ceil(c * (1.0 / BLK)) * BLK
    u8r = lax.broadcasted_iota(jnp.int32, (E, E), 0)
    u8c = lax.broadcasted_iota(jnp.int32, (E, E), 1)
    triu8 = (u8r < u8c).astype(jnp.float32)
    base = jnp.dot(padded, triu8, preferred_element_type=jnp.float32)

    rank1 = jnp.sum(oh1 * ranks[:, :E], axis=1, keepdims=True)
    rank2 = jnp.sum(oh2 * ranks[:, E:], axis=1, keepdims=True)
    base1 = jnp.sum(oh1 * base, axis=1, keepdims=True)
    base2 = jnp.sum(oh2 * base, axis=1, keepdims=True)
    c1sel = jnp.sum(oh2 * c1, axis=1, keepdims=True)
    pos1_ref[...] = (base1 + rank1).astype(jnp.int32).reshape(NW, TPW)
    pos2_ref[...] = (base2 + c1sel + rank2).astype(jnp.int32).reshape(NW, TPW)

    ends = base + padded
    total = jnp.max(ends, axis=-1, keepdims=True)
    b_iota = lax.broadcasted_iota(jnp.int32, (NBLK, 1), 0)
    starts = (b_iota * BLK).astype(jnp.float32)
    be = jnp.sum((starts >= ends).astype(jnp.int32), axis=1, keepdims=True)
    active = (starts < total).astype(jnp.int32)
    e_row = lax.broadcasted_iota(jnp.int32, (1, E), 1)
    lastexp = jnp.max(jnp.where(padded > 0, e_row, 0), axis=1, keepdims=True)
    be_ref[...] = jnp.where(active > 0, be, lastexp)
    ba_ref[...] = active
    lastblk = jnp.sum(active, axis=0, keepdims=True) - 1
    xi_ref[...] = jnp.where(active > 0, b_iota, lastblk)


def _router(x2, Wg):
    return pl.pallas_call(
        _router_body,
        out_shape=(
            jax.ShapeDtypeStruct((NW, TPW), jnp.int32),
            jax.ShapeDtypeStruct((NW, TPW), jnp.int32),
            jax.ShapeDtypeStruct((NW, TPW), jnp.float32),
            jax.ShapeDtypeStruct((NW, TPW), jnp.float32),
            jax.ShapeDtypeStruct((NBLK, 1), jnp.int32),
            jax.ShapeDtypeStruct((NBLK, 1), jnp.int32),
            jax.ShapeDtypeStruct((NBLK, 1), jnp.int32),
            jax.ShapeDtypeStruct((S, D_IN // 2), jnp.int32),
        ),
    )(x2, Wg)


@functools.cache
def _make_dispatch():
    mesh = plsc.VectorSubcoreMesh(core_axis_name="c", subcore_axis_name="s")

    @functools.partial(
        pl.kernel,
        out_type=jax.ShapeDtypeStruct((CAP, D_IN // 2), jnp.int32),
        mesh=mesh,
        scratch_types=[
            pltpu.VMEM((2, TPW), jnp.int32),
            pltpu.VMEM((TPW, D_IN // 2), jnp.int32),
            pltpu.SemaphoreType.DMA,
        ],
    )
    def _dispatch(pos1_hbm, pos2_hbm, xb_hbm, xs_hbm, idx_v, rows_v, sem):
        wid = lax.axis_index("s") * NC + lax.axis_index("c")
        pltpu.sync_copy(pos1_hbm.at[wid], idx_v.at[0])
        pltpu.sync_copy(pos2_hbm.at[wid], idx_v.at[1])
        pltpu.sync_copy(xb_hbm.at[pl.ds(wid * TPW, TPW)], rows_v)
        h0 = pltpu.async_copy(rows_v, xs_hbm.at[idx_v.at[0]], sem)
        h1 = pltpu.async_copy(rows_v, xs_hbm.at[idx_v.at[1]], sem)
        h0.wait()
        h1.wait()

    return _dispatch


def _gmm_body(be_ref, ba_ref, xi_ref, xs_ref, wg_ref, wu_ref, y_ref):
    b = pl.program_id(0)

    @pl.when(ba_ref[b, 0] > 0)
    def _():
        w32 = xs_ref[...]
        xlo = pltpu.bitcast((w32 & 0xFFFF).astype(jnp.uint16), jnp.bfloat16)
        xhi = pltpu.bitcast(
            ((w32 >> 16) & 0xFFFF).astype(jnp.uint16), jnp.bfloat16)
        H = D_IN // 2
        wg = wg_ref[0].astype(jnp.bfloat16)
        wu = wu_ref[0].astype(jnp.bfloat16)
        hg = (jnp.dot(xlo, wg[:H], preferred_element_type=jnp.float32)
              + jnp.dot(xhi, wg[H:], preferred_element_type=jnp.float32))
        hu = (jnp.dot(xlo, wu[:H], preferred_element_type=jnp.float32)
              + jnp.dot(xhi, wu[H:], preferred_element_type=jnp.float32))
        y_ref[...] = (hg * jax.nn.sigmoid(hg)) * hu


def _gmm(be, ba, xi, x_sorted, W_gate, W_up):
    grid_spec = pltpu.PrefetchScalarGridSpec(
        num_scalar_prefetch=3,
        grid=(NBLK,),
        in_specs=[
            pl.BlockSpec((BLK, D_IN // 2),
                         lambda b, be, ba, xi: (xi[b, 0], 0)),
            pl.BlockSpec((1, D_IN, D_OUT),
                         lambda b, be, ba, xi: (be[b, 0], 0, 0)),
            pl.BlockSpec((1, D_IN, D_OUT),
                         lambda b, be, ba, xi: (be[b, 0], 0, 0)),
        ],
        out_specs=pl.BlockSpec((BLK, D_OUT),
                               lambda b, be, ba, xi: (xi[b, 0], 0)),
    )
    return pl.pallas_call(
        _gmm_body,
        grid_spec=grid_spec,
        out_shape=jax.ShapeDtypeStruct((CAP, D_OUT), jnp.float32),
    )(be, ba, xi, x_sorted, W_gate, W_up)


@functools.cache
def _make_combine():
    mesh = plsc.VectorSubcoreMesh(core_axis_name="c", subcore_axis_name="s")

    CH = 16
    NCH = TPW // CH

    @functools.partial(
        pl.kernel,
        out_type=jax.ShapeDtypeStruct((S, D_OUT), jnp.float32),
        mesh=mesh,
        scratch_types=[
            pltpu.VMEM((TPW,), jnp.int32),
            pltpu.VMEM((TPW,), jnp.int32),
            pltpu.VMEM((TPW,), jnp.float32),
            pltpu.VMEM((TPW,), jnp.float32),
            pltpu.VMEM((CH, D_OUT), jnp.float32),
            pltpu.VMEM((CH, D_OUT), jnp.float32),
            pltpu.VMEM((CH, D_OUT), jnp.float32),
            pltpu.VMEM((CH, D_OUT), jnp.float32),
            pltpu.VMEM((CH, D_OUT), jnp.float32),
            pltpu.VMEM((CH, D_OUT), jnp.float32),
            pltpu.SemaphoreType.DMA,
            pltpu.SemaphoreType.DMA,
            pltpu.SemaphoreType.DMA,
            pltpu.SemaphoreType.DMA,
        ],
    )
    def _combine(pos1_hbm, pos2_hbm, g1_hbm, g2_hbm, y_hbm, out_hbm,
                 i1v, i2v, g1v, g2v, r1a, r2a, r1b, r2b, ova, ovb,
                 sem0, sem1, osem, osem2):
        wid = lax.axis_index("s") * NC + lax.axis_index("c")
        pltpu.sync_copy(pos1_hbm.at[wid], i1v)
        pltpu.sync_copy(pos2_hbm.at[wid], i2v)
        pltpu.sync_copy(g1_hbm.at[wid], g1v)
        pltpu.sync_copy(g2_hbm.at[wid], g2v)
        bufs = ((r1a, r2a, sem0), (r1b, r2b, sem1))

        def issue(ch):
            b1, b2, sem = bufs[ch % 2]
            ha = pltpu.async_copy(y_hbm.at[i1v.at[pl.ds(ch * CH, CH)]], b1,
                                  sem)
            hb = pltpu.async_copy(y_hbm.at[i2v.at[pl.ds(ch * CH, CH)]], b2,
                                  sem)
            return ha, hb

        hs = issue(0)
        ovs = (ova, ovb)
        osems = (osem, osem2)
        ohs = [None, None]
        for ch in range(NCH):
            b1, b2, _ = bufs[ch % 2]
            hsn = issue(ch + 1) if ch + 1 < NCH else None
            hs[0].wait()
            hs[1].wait()
            hs = hsn
            ov = ovs[ch % 2]
            if ohs[ch % 2] is not None:
                ohs[ch % 2].wait()
            gveca = g1v[pl.ds(ch * CH, 16)]
            gvecb = g2v[pl.ds(ch * CH, 16)]

            def col_body(j, carry):
                sl = pl.ds(16 * j, 16)
                for r in range(CH):
                    ov[r, sl] = (gveca[r] * b1[r, sl]
                                 + gvecb[r] * b2[r, sl])
                return carry

            lax.fori_loop(0, D_OUT // 16, col_body, 0)
            ohs[ch % 2] = pltpu.async_copy(
                ov, out_hbm.at[pl.ds(wid * TPW + ch * CH, CH)],
                osems[ch % 2])
        ohs[0].wait()
        ohs[1].wait()

    return _combine


def kernel(x, Wg, W_gate, W_up):
    B = x.shape[0]
    x2 = x.reshape(B * S, D_IN)
    pos1, pos2, g1, g2, be, ba, xi, xpk = _router(x2, Wg)
    x_sorted = _make_dispatch()(pos1, pos2, xpk)
    y_sorted = _gmm(be, ba, xi, x_sorted, W_gate, W_up)
    out = _make_combine()(pos1, pos2, g1, g2, y_sorted)
    return out.reshape(B, S, D_OUT)

# --- scband reference (transcript-rebuilt; emitter-appended) ---
"""Pipeline reference for scband-sparse-moe-18476949307432 (READ-ONLY COPY).

The authoritative reference and input builder live on the scoring server;
editing this copy changes nothing except your own understanding.
"""

import jax, jax.numpy as jnp
import numpy as np

E = 8
TOP_K = 2
D_IN = 1024
D_OUT = 1024
B = 1
S = 2048


def setup_inputs(seed: int = 0) -> dict:
    key = jax.random.key(seed)
    k0, k1, k2, k3 = jax.random.split(key, 4)
    x = jax.random.normal(k0, (B, S, D_IN), dtype=jnp.float32)
    # router weight: nn.Linear(in_features, num_experts, bias=False) -> stored transposed for x @ Wg
    Wg = jax.random.normal(k1, (D_IN, E), dtype=jnp.float32) * (1.0 / np.sqrt(D_IN))
    # SwiGLU expert weights: silu(x @ W_gate[e]) * (x @ W_up[e]) per expert
    W_gate = jax.random.normal(k2, (E, D_IN, D_OUT), dtype=jnp.float32) * 0.02
    W_up = jax.random.normal(k3, (E, D_IN, D_OUT), dtype=jnp.float32) * 0.02
    return {"x": x, "Wg": Wg, "W_gate": W_gate, "W_up": W_up}


def reference(x, Wg, W_gate, W_up):
    # logits = self.wg(x); include_noise=False so no noise added
    logits = jnp.einsum('bsi,ie->bse', x, Wg)  # (B, S, E)
    # topk over experts
    topk_values, topk_indices = jax.lax.top_k(logits, TOP_K)  # (B, S, K)
    # out = full_like(logits, -inf); out.scatter_(-1, topk_indices, topk_values)
    oh = jax.nn.one_hot(topk_indices, E, dtype=logits.dtype)  # (B, S, K, E)
    scattered = jnp.sum(oh * topk_values[..., None], axis=-2)  # (B, S, E)
    mask = jnp.sum(oh, axis=-2) > 0  # (B, S, E)
    gates_in = jnp.where(mask, scattered, -jnp.inf)
    gates = jax.nn.softmax(gates_in, axis=-1)  # (B, S, E)
    # expert_values = [expert(x) for expert in experts]; stacked at dim=1 -> (B, E, S, D_OUT)
    h_gate = jnp.einsum('bsi,eio->beso', x, W_gate)
    h_up = jnp.einsum('bsi,eio->beso', x, W_up)
    expert_values = jax.nn.silu(h_gate) * h_up  # (B, E, S, D_OUT)
    # einsum('ijk,ikjl->ijl', out, expert_values)
    return jnp.einsum('ijk,ikjl->ijl', gates, expert_values)

if __name__ == "__main__":
    import jax
    _d = setup_inputs()
    print(jax.jit(kernel)(*tuple(_d.values())))

</pallas_src>

<mosaic_0001>
#map = affine_map<(d0, d1) -> (0, 0)>
module attributes {stable_mosaic.version = 14 : i64} {
  func.func @_combine(%arg0: i32, %arg1: i32, %arg2: memref<32x64xi32, #tpu.memory_space<hbm>>, %arg3: memref<32x64xi32, #tpu.memory_space<hbm>>, %arg4: memref<32x64xf32, #tpu.memory_space<hbm>>, %arg5: memref<32x64xf32, #tpu.memory_space<hbm>>, %arg6: memref<8192x1024xf32, #tpu.memory_space<hbm>>, %arg7: memref<2048x1024xf32, #tpu.memory_space<hbm>>, %arg8: memref<64xi32, #tpu.memory_space<vmem>>, %arg9: memref<64xi32, #tpu.memory_space<vmem>>, %arg10: memref<64xf32, #tpu.memory_space<vmem>>, %arg11: memref<64xf32, #tpu.memory_space<vmem>>, %arg12: memref<16x1024xf32, #tpu.memory_space<vmem>>, %arg13: memref<16x1024xf32, #tpu.memory_space<vmem>>, %arg14: memref<16x1024xf32, #tpu.memory_space<vmem>>, %arg15: memref<16x1024xf32, #tpu.memory_space<vmem>>, %arg16: memref<16x1024xf32, #tpu.memory_space<vmem>>, %arg17: memref<16x1024xf32, #tpu.memory_space<vmem>>, %arg18: memref<!tpu.dma_semaphore, #tpu.memory_space<semaphore_mem>>, %arg19: memref<!tpu.dma_semaphore, #tpu.memory_space<semaphore_mem>>, %arg20: memref<!tpu.dma_semaphore, #tpu.memory_space<semaphore_mem>>, %arg21: memref<!tpu.dma_semaphore, #tpu.memory_space<semaphore_mem>>) attributes {dimension_semantics = [#tpu.dimension_semantics<core_parallel>, #tpu.dimension_semantics<subcore_parallel>], iteration_bounds = array<i64: 2, 16>, scalar_prefetch = 0 : i64, scratch_operands = 14 : i64, tpu.core_type = #tpu.core_type<sc_vector_subcore>, window_params = [{transform_indices = #map}, {transform_indices = #map}, {transform_indices = #map}, {transform_indices = #map}, {transform_indices = #map}, {transform_indices = #map}]} {
    %mul3A = arith.constant 2 : i32
    %mul3A_0 = arith.muli %arg1, %mul3A : i32
    %add3A = arith.addi %mul3A_0, %arg0 : i32
    "tpu.region"() ({
      %run_scoped3A = tpu.sem_alloc : memref<!tpu.dma_semaphore, #tpu.memory_space<semaphore_mem>>
      %dma_start3A_173 = arith.constant 0 : i32
      %dma_start3A_174 = tpu.memref_slice %arg2[%add3A, %dma_start3A_173] : memref<32x64xi32, #tpu.memory_space<hbm>> -> memref<1x64xi32, #tpu.memory_space<hbm>>
      %dma_start3A_175 = tpu.memref_squeeze %dma_start3A_174 : memref<1x64xi32, #tpu.memory_space<hbm>> -> memref<64xi32, #tpu.memory_space<hbm>>
      %dma_start3A_176 = arith.constant 0 : i32
      %dma_start3A_177 = tpu.memref_slice %arg2[%add3A, %dma_start3A_176] : memref<32x64xi32, #tpu.memory_space<hbm>> -> memref<1x64xi32, #tpu.memory_space<hbm>>
      %dma_start3A_178 = tpu.memref_squeeze %dma_start3A_177 : memref<1x64xi32, #tpu.memory_space<hbm>> -> memref<64xi32, #tpu.memory_space<hbm>>
      tpu.enqueue_dma source(%dma_start3A_178 : memref<64xi32, #tpu.memory_space<hbm>>) target(%arg8 : memref<64xi32, #tpu.memory_space<vmem>>) target_semaphore(%run_scoped3A : memref<!tpu.dma_semaphore, #tpu.memory_space<semaphore_mem>>)
      %dma_wait3A_179 = arith.constant 0 : i32
      %dma_wait3A_180 = tpu.memref_slice %arg2[%add3A, %dma_wait3A_179] : memref<32x64xi32, #tpu.memory_space<hbm>> -> memref<1x64xi32, #tpu.memory_space<hbm>>
      %dma_wait3A_181 = tpu.memref_squeeze %dma_wait3A_180 : memref<1x64xi32, #tpu.memory_space<hbm>> -> memref<64xi32, #tpu.memory_space<hbm>>
      %dma_wait3A_182 = arith.constant 0 : i32
      %dma_wait3A_183 = tpu.memref_slice %arg2[%add3A, %dma_wait3A_182] : memref<32x64xi32, #tpu.memory_space<hbm>> -> memref<1x64xi32, #tpu.memory_space<hbm>>
      %dma_wait3A_184 = tpu.memref_squeeze %dma_wait3A_183 : memref<1x64xi32, #tpu.memory_space<hbm>> -> memref<64xi32, #tpu.memory_space<hbm>>
      tpu.wait_dma2 semaphore(%run_scoped3A : memref<!tpu.dma_semaphore, #tpu.memory_space<semaphore_mem>>) src(%dma_wait3A_184 : memref<64xi32, #tpu.memory_space<hbm>>) dst(%arg8 : memref<64xi32, #tpu.memory_space<vmem>>)
      tpu.yield
    }) : () -> ()
    "tpu.region"() ({
      %run_scoped3A = tpu.sem_alloc : memref<!tpu.dma_semaphore, #tpu.memory_space<semaphore_mem>>
      %dma_start3A_173 = arith.constant 0 : i32
      %dma_start3A_174 = tpu.memref_slice %arg3[%add3A, %dma_start3A_173] : memref<32x64xi32, #tpu.memory_space<hbm>> -> memref<1x64xi32, #tpu.memory_space<hbm>>
      %dma_start3A_175 = tpu.memref_squeeze %dma_start3A_174 : memref<1x64xi32, #tpu.memory_space<hbm>> -> memref<64xi32, #tpu.memory_space<hbm>>
      %dma_start3A_176 = arith.constant 0 : i32
      %dma_start3A_177 = tpu.memref_slice %arg3[%add3A, %dma_start3A_176] : memref<32x64xi32, #tpu.memory_space<hbm>> -> memref<1x64xi32, #tpu.memory_space<hbm>>
      %dma_start3A_178 = tpu.memref_squeeze %dma_start3A_177 : memref<1x64xi32, #tpu.memory_space<hbm>> -> memref<64xi32, #tpu.memory_space<hbm>>
      tpu.enqueue_dma source(%dma_start3A_178 : memref<64xi32, #tpu.memory_space<hbm>>) target(%arg9 : memref<64xi32, #tpu.memory_space<vmem>>) target_semaphore(%run_scoped3A : memref<!tpu.dma_semaphore, #tpu.memory_space<semaphore_mem>>)
      %dma_wait3A_179 = arith.constant 0 : i32
      %dma_wait3A_180 = tpu.memref_slice %arg3[%add3A, %dma_wait3A_179] : memref<32x64xi32, #tpu.memory_space<hbm>> -> memref<1x64xi32, #tpu.memory_space<hbm>>
      %dma_wait3A_181 = tpu.memref_squeeze %dma_wait3A_180 : memref<1x64xi32, #tpu.memory_space<hbm>> -> memref<64xi32, #tpu.memory_space<hbm>>
      %dma_wait3A_182 = arith.constant 0 : i32
      %dma_wait3A_183 = tpu.memref_slice %arg3[%add3A, %dma_wait3A_182] : memref<32x64xi32, #tpu.memory_space<hbm>> -> memref<1x64xi32, #tpu.memory_space<hbm>>
      %dma_wait3A_184 = tpu.memref_squeeze %dma_wait3A_183 : memref<1x64xi32, #tpu.memory_space<hbm>> -> memref<64xi32, #tpu.memory_space<hbm>>
      tpu.wait_dma2 semaphore(%run_scoped3A : memref<!tpu.dma_semaphore, #tpu.memory_space<semaphore_mem>>) src(%dma_wait3A_184 : memref<64xi32, #tpu.memory_space<hbm>>) dst(%arg9 : memref<64xi32, #tpu.memory_space<vmem>>)
      tpu.yield
    }) : () -> ()
    "tpu.region"() ({
      %run_scoped3A = tpu.sem_alloc : memref<!tpu.dma_semaphore, #tpu.memory_space<semaphore_mem>>
      %dma_start3A_173 = arith.constant 0 : i32
      %dma_start3A_174 = tpu.memref_slice %arg4[%add3A, %dma_start3A_173] : memref<32x64xf32, #tpu.memory_space<hbm>> -> memref<1x64xf32, #tpu.memory_space<hbm>>
      %dma_start3A_175 = tpu.memref_squeeze %dma_start3A_174 : memref<1x64xf32, #tpu.memory_space<hbm>> -> memref<64xf32, #tpu.memory_space<hbm>>
      %dma_start3A_176 = arith.constant 0 : i32
      %dma_start3A_177 = tpu.memref_slice %arg4[%add3A, %dma_start3A_176] : memref<32x64xf32, #tpu.memory_space<hbm>> -> memref<1x64xf32, #tpu.memory_space<hbm>>
      %dma_start3A_178 = tpu.memref_squeeze %dma_start3A_177 : memref<1x64xf32, #tpu.memory_space<hbm>> -> memref<64xf32, #tpu.memory_space<hbm>>
      tpu.enqueue_dma source(%dma_start3A_178 : memref<64xf32, #tpu.memory_space<hbm>>) target(%arg10 : memref<64xf32, #tpu.memory_space<vmem>>) target_semaphore(%run_scoped3A : memref<!tpu.dma_semaphore, #tpu.memory_space<semaphore_mem>>)
      %dma_wait3A_179 = arith.constant 0 : i32
      %dma_wait3A_180 = tpu.memref_slice %arg4[%add3A, %dma_wait3A_179] : memref<32x64xf32, #tpu.memory_space<hbm>> -> memref<1x64xf32, #tpu.memory_space<hbm>>
      %dma_wait3A_181 = tpu.memref_squeeze %dma_wait3A_180 : memref<1x64xf32, #tpu.memory_space<hbm>> -> memref<64xf32, #tpu.memory_space<hbm>>
      %dma_wait3A_182 = arith.constant 0 : i32
      %dma_wait3A_183 = tpu.memref_slice %arg4[%add3A, %dma_wait3A_182] : memref<32x64xf32, #tpu.memory_space<hbm>> -> memref<1x64xf32, #tpu.memory_space<hbm>>
      %dma_wait3A_184 = tpu.memref_squeeze %dma_wait3A_183 : memref<1x64xf32, #tpu.memory_space<hbm>> -> memref<64xf32, #tpu.memory_space<hbm>>
      tpu.wait_dma2 semaphore(%run_scoped3A : memref<!tpu.dma_semaphore, #tpu.memory_space<semaphore_mem>>) src(%dma_wait3A_184 : memref<64xf32, #tpu.memory_space<hbm>>) dst(%arg10 : memref<64xf32, #tpu.memory_space<vmem>>)
      tpu.yield
    }) : () -> ()
    "tpu.region"() ({
      %run_scoped3A = tpu.sem_alloc : memref<!tpu.dma_semaphore, #tpu.memory_space<semaphore_mem>>
      %dma_start3A_173 = arith.constant 0 : i32
      %dma_start3A_174 = tpu.memref_slice %arg5[%add3A, %dma_start3A_173] : memref<32x64xf32, #tpu.memory_space<hbm>> -> memref<1x64xf32, #tpu.memory_space<hbm>>
      %dma_start3A_175 = tpu.memref_squeeze %dma_start3A_174 : memref<1x64xf32, #tpu.memory_space<hbm>> -> memref<64xf32, #tpu.memory_space<hbm>>
      %dma_start3A_176 = arith.constant 0 : i32
      %dma_start3A_177 = tpu.memref_slice %arg5[%add3A, %dma_start3A_176] : memref<32x64xf32, #tpu.memory_space<hbm>> -> memref<1x64xf32, #tpu.memory_space<hbm>>
      %dma_start3A_178 = tpu.memref_squeeze %dma_start3A_177 : memref<1x64xf32, #tpu.memory_space<hbm>> -> memref<64xf32, #tpu.memory_space<hbm>>
      tpu.enqueue_dma source(%dma_start3A_178 : memref<64xf32, #tpu.memory_space<hbm>>) target(%arg11 : memref<64xf32, #tpu.memory_space<vmem>>) target_semaphore(%run_scoped3A : memref<!tpu.dma_semaphore, #tpu.memory_space<semaphore_mem>>)
      %dma_wait3A_179 = arith.constant 0 : i32
      %dma_wait3A_180 = tpu.memref_slice %arg5[%add3A, %dma_wait3A_179] : memref<32x64xf32, #tpu.memory_space<hbm>> -> memref<1x64xf32, #tpu.memory_space<hbm>>
      %dma_wait3A_181 = tpu.memref_squeeze %dma_wait3A_180 : memref<1x64xf32, #tpu.memory_space<hbm>> -> memref<64xf32, #tpu.memory_space<hbm>>
      %dma_wait3A_182 = arith.constant 0 : i32
      %dma_wait3A_183 = tpu.memref_slice %arg5[%add3A, %dma_wait3A_182] : memref<32x64xf32, #tpu.memory_space<hbm>> -> memref<1x64xf32, #tpu.memory_space<hbm>>
      %dma_wait3A_184 = tpu.memref_squeeze %dma_wait3A_183 : memref<1x64xf32, #tpu.memory_space<hbm>> -> memref<64xf32, #tpu.memory_space<hbm>>
      tpu.wait_dma2 semaphore(%run_scoped3A : memref<!tpu.dma_semaphore, #tpu.memory_space<semaphore_mem>>) src(%dma_wait3A_184 : memref<64xf32, #tpu.memory_space<hbm>>) dst(%arg11 : memref<64xf32, #tpu.memory_space<vmem>>)
      tpu.yield
    }) : () -> ()
    %dma_start3A = arith.constant 0 : i32
    %dma_start3A_1 = tpu.memref_slice %arg8[%dma_start3A] : memref<64xi32, #tpu.memory_space<vmem>> -> memref<16xi32, #tpu.memory_space<vmem>>
    %dma_start3A_2 = arith.constant 0 : i32
    %dma_start3A_3 = arith.constant 0 : i32
    %dma_start3A_4 = tpu.memref_slice %arg6[%dma_start3A_2, %dma_start3A_3] : memref<8192x1024xf32, #tpu.memory_space<hbm>> -> memref<8192x1024xf32, #tpu.memory_space<hbm>>
    tpu.enqueue_indirect_dma source(%dma_start3A_4 : memref<8192x1024xf32, #tpu.memory_space<hbm>>) target(%arg12 : memref<16x1024xf32, #tpu.memory_space<vmem>>) offsets(%dma_start3A_1 : memref<16xi32, #tpu.memory_space<vmem>>) semaphore(%arg18 : memref<!tpu.dma_semaphore, #tpu.memory_space<semaphore_mem>>)
    %dma_start3A_5 = arith.constant 0 : i32
    %dma_start3A_6 = tpu.memref_slice %arg9[%dma_start3A_5] : memref<64xi32, #tpu.memory_space<vmem>> -> memref<16xi32, #tpu.memory_space<vmem>>
    %dma_start3A_7 = arith.constant 0 : i32
    %dma_start3A_8 = arith.constant 0 : i32
    %dma_start3A_9 = tpu.memref_slice %arg6[%dma_start3A_7, %dma_start3A_8] : memref<8192x1024xf32, #tpu.memory_space<hbm>> -> memref<8192x1024xf32, #tpu.memory_space<hbm>>
    tpu.enqueue_indirect_dma source(%dma_start3A_9 : memref<8192x1024xf32, #tpu.memory_space<hbm>>) target(%arg13 : memref<16x1024xf32, #tpu.memory_space<vmem>>) offsets(%dma_start3A_6 : memref<16xi32, #tpu.memory_space<vmem>>) semaphore(%arg18 : memref<!tpu.dma_semaphore, #tpu.memory_space<semaphore_mem>>)
    %dma_start3A_10 = arith.constant 16 : i32
    %dma_start3A_11 = tpu.memref_slice %arg8[%dma_start3A_10] : memref<64xi32, #tpu.memory_space<vmem>> -> memref<16xi32, #tpu.memory_space<vmem>>
    %dma_start3A_12 = arith.constant 0 : i32
    %dma_start3A_13 = arith.constant 0 : i32
    %dma_start3A_14 = tpu.memref_slice %arg6[%dma_start3A_12, %dma_start3A_13] : memref<8192x1024xf32, #tpu.memory_space<hbm>> -> memref<8192x1024xf32, #tpu.memory_space<hbm>>
    tpu.enqueue_indirect_dma source(%dma_start3A_14 : memref<8192x1024xf32, #tpu.memory_space<hbm>>) target(%arg14 : memref<16x1024xf32, #tpu.memory_space<vmem>>) offsets(%dma_start3A_11 : memref<16xi32, #tpu.memory_space<vmem>>) semaphore(%arg19 : memref<!tpu.dma_semaphore, #tpu.memory_space<semaphore_mem>>)
    %dma_start3A_15 = arith.constant 16 : i32
    %dma_start3A_16 = tpu.memref_slice %arg9[%dma_start3A_15] : memref<64xi32, #tpu.memory_space<vmem>> -> memref<16xi32, #tpu.memory_space<vmem>>
    %dma_start3A_17 = arith.constant 0 : i32
    %dma_start3A_18 = arith.constant 0 : i32
    %dma_start3A_19 = tpu.memref_slice %arg6[%dma_start3A_17, %dma_start3A_18] : memref<8192x1024xf32, #tpu.memory_space<hbm>> -> memref<8192x1024xf32, #tpu.memory_space<hbm>>
    tpu.enqueue_indirect_dma source(%dma_start3A_19 : memref<8192x1024xf32, #tpu.memory_space<hbm>>) target(%arg15 : memref<16x1024xf32, #tpu.memory_space<vmem>>) offsets(%dma_start3A_16 : memref<16xi32, #tpu.memory_space<vmem>>) semaphore(%arg19 : memref<!tpu.dma_semaphore, #tpu.memory_space<semaphore_mem>>)
    %dma_wait3A = arith.constant 0 : i32
    %dma_wait3A_20 = tpu.memref_slice %arg8[%dma_wait3A] : memref<64xi32, #tpu.memory_space<vmem>> -> memref<16xi32, #tpu.memory_space<vmem>>
    %dma_wait3A_21 = arith.constant 0 : i32
    %dma_wait3A_22 = arith.constant 0 : i32
    %dma_wait3A_23 = tpu.memref_slice %arg6[%dma_wait3A_21, %dma_wait3A_22] : memref<8192x1024xf32, #tpu.memory_space<hbm>> -> memref<8192x1024xf32, #tpu.memory_space<hbm>>
    tpu.wait_indirect_dma semaphore(%arg18 : memref<!tpu.dma_semaphore, #tpu.memory_space<semaphore_mem>>) src(%dma_wait3A_23 : memref<8192x1024xf32, #tpu.memory_space<hbm>>) dst(%arg12 : memref<16x1024xf32, #tpu.memory_space<vmem>>)
    %dma_wait3A_24 = arith.constant 0 : i32
    %dma_wait3A_25 = tpu.memref_slice %arg9[%dma_wait3A_24] : memref<64xi32, #tpu.memory_space<vmem>> -> memref<16xi32, #tpu.memory_space<vmem>>
    %dma_wait3A_26 = arith.constant 0 : i32
    %dma_wait3A_27 = arith.constant 0 : i32
    %dma_wait3A_28 = tpu.memref_slice %arg6[%dma_wait3A_26, %dma_wait3A_27] : memref<8192x1024xf32, #tpu.memory_space<hbm>> -> memref<8192x1024xf32, #tpu.memory_space<hbm>>
    tpu.wait_indirect_dma semaphore(%arg18 : memref<!tpu.dma_semaphore, #tpu.memory_space<semaphore_mem>>) src(%dma_wait3A_28 : memref<8192x1024xf32, #tpu.memory_space<hbm>>) dst(%arg13 : memref<16x1024xf32, #tpu.memory_space<vmem>>)
    %get3A = arith.constant 0 : index
    %get3A_29 = tpu.vector_load %arg10[%get3A] {strides = array<i32>} : memref<64xf32, #tpu.memory_space<vmem>>, vector<16xf32>,
    %get3A_30 = vector.shape_cast %get3A_29 : vector<16xf32> to vector<16xf32>
    %get3A_31 = arith.constant 0 : index
    %get3A_32 = tpu.vector_load %arg11[%get3A_31] {strides = array<i32>} : memref<64xf32, #tpu.memory_space<vmem>>, vector<16xf32>,
    %get3A_33 = vector.shape_cast %get3A_32 : vector<16xf32> to vector<16xf32>
    %scan3A = arith.constant 0 : i32
    %scan3A_34 = arith.constant 0 : i32
    %scan3A_35 = arith.constant 64 : i32
    %scan3A_36 = arith.addi %scan3A_34, %scan3A_35 : i32
    %scan3A_37 = arith.constant 1 : i32
    scf.for %scan3A_173 = %scan3A_34 to %scan3A_36 step %scan3A_37  : i32 {
      %mul3A_174 = arith.constant 16 : i32
      %mul3A_175 = arith.muli %mul3A_174, %scan3A_173 : i32
      %slice3A = vector.extract_strided_slice %get3A_30 {offsets = [0], sizes = [1], strides = [1]} : vector<16xf32> to vector<1xf32>
      %squeeze3A = vector.extract %slice3A[0] : f32 from vector<1xf32>
      %get3A_176 = arith.constant 0 : i32
      %get3A_177 = arith.index_cast %get3A_176 : i32 to index
      %get3A_178 = arith.index_cast %mul3A_175 : i32 to index
      %get3A_179 = tpu.vector_load %arg12[%get3A_177, %get3A_178] {strides = array<i32>} : memref<16x1024xf32, #tpu.memory_space<vmem>>, vector<1x16xf32>,
      %get3A_180 = vector.shape_cast %get3A_179 : vector<1x16xf32> to vector<16xf32>
      %mul3A_181 = vector.broadcast %squeeze3A : f32 to vector<16xf32>
      %mul3A_182 = arith.mulf %mul3A_181, %get3A_180 : vector<16xf32>
      %slice3A_183 = vector.extract_strided_slice %get3A_33 {offsets = [0], sizes = [1], strides = [1]} : vector<16xf32> to vector<1xf32>
      %squeeze3A_184 = vector.extract %slice3A_183[0] : f32 from vector<1xf32>
      %get3A_185 = arith.constant 0 : i32
      %get3A_186 = arith.index_cast %get3A_185 : i32 to index
      %get3A_187 = arith.index_cast %mul3A_175 : i32 to index
      %get3A_188 = tpu.vector_load %arg13[%get3A_186, %get3A_187] {strides = array<i32>} : memref<16x1024xf32, #tpu.memory_space<vmem>>, vector<1x16xf32>,
      %get3A_189 = vector.shape_cast %get3A_188 : vector<1x16xf32> to vector<16xf32>
      %mul3A_190 = vector.broadcast %squeeze3A_184 : f32 to vector<16xf32>
      %mul3A_191 = arith.mulf %mul3A_190, %get3A_189 : vector<16xf32>
      %add3A_192 = arith.addf %mul3A_182, %mul3A_191 : vector<16xf32>
      %swap3A = arith.constant 0 : i32
      %swap3A_193 = arith.index_cast %swap3A : i32 to index
      %swap3A_194 = arith.index_cast %mul3A_175 : i32 to index
      %swap3A_195 = tpu.vector_load %arg16[%swap3A_193, %swap3A_194] {strides = array<i32>} : memref<16x1024xf32, #tpu.memory_space<vmem>>, vector<1x16xf32>,
      %swap3A_196 = vector.shape_cast %swap3A_195 : vector<1x16xf32> to vector<16xf32>
      %swap3A_197 = vector.shape_cast %add3A_192 : vector<16xf32> to vector<1x16xf32>
      tpu.vector_store %arg16[%swap3A_193, %swap3A_194], %swap3A_197 {strides = array<i32>} : memref<16x1024xf32, #tpu.memory_space<vmem>>, vector<1x16xf32>,
      %slice3A_198 = vector.extract_strided_slice %get3A_30 {offsets = [1], sizes = [1], strides = [1]} : vector<16xf32> to vector<1xf32>
      %squeeze3A_199 = vector.extract %slice3A_198[0] : f32 from vector<1xf32>
      %get3A_200 = arith.constant 1 : i32
      %get3A_201 = arith.index_cast %get3A_200 : i32 to index
      %get3A_202 = arith.index_cast %mul3A_175 : i32 to index
      %get3A_203 = tpu.vector_load %arg12[%get3A_201, %get3A_202] {strides = array<i32>} : memref<16x1024xf32, #tpu.memory_space<vmem>>, vector<1x16xf32>,
      %get3A_204 = vector.shape_cast %get3A_203 : vector<1x16xf32> to vector<16xf32>
      %mul3A_205 = vector.broadcast %squeeze3A_199 : f32 to vector<16xf32>
      %mul3A_206 = arith.mulf %mul3A_205, %get3A_204 : vector<16xf32>
      %slice3A_207 = vector.extract_strided_slice %get3A_33 {offsets = [1], sizes = [1], strides = [1]} : vector<16xf32> to vector<1xf32>
      %squeeze3A_208 = vector.extract %slice3A_207[0] : f32 from vector<1xf32>
      %get3A_209 = arith.constant 1 : i32
      %get3A_210 = arith.index_cast %get3A_209 : i32 to index
      %get3A_211 = arith.index_cast %mul3A_175 : i32 to index
      %get3A_212 = tpu.vector_load %arg13[%get3A_210, %get3A_211] {strides = array<i32>} : memref<16x1024xf32, #tpu.memory_space<vmem>>, vector<1x16xf32>,
      %get3A_213 = vector.shape_cast %get3A_212 : vector<1x16xf32> to vector<16xf32>
      %mul3A_214 = vector.broadcast %squeeze3A_208 : f32 to vector<16xf32>
      %mul3A_215 = arith.mulf %mul3A_214, %get3A_213 : vector<16xf32>
      %add3A_216 = arith.addf %mul3A_206, %mul3A_215 : vector<16xf32>
      %swap3A_217 = arith.constant 1 : i32
      %swap3A_218 = arith.index_cast %swap3A_217 : i32 to index
      %swap3A_219 = arith.index_cast %mul3A_175 : i32 to index
      %swap3A_220 = tpu.vector_load %arg16[%swap3A_218, %swap3A_219] {strides = array<i32>} : memref<16x1024xf32, #tpu.memory_space<vmem>>, vector<1x16xf32>,
      %swap3A_221 = vector.shape_cast %swap3A_220 : vector<1x16xf32> to vector<16xf32>
      %swap3A_222 = vector.shape_cast %add3A_216 : vector<16xf32> to vector<1x16xf32>
      tpu.vector_store %arg16[%swap3A_218, %swap3A_219], %swap3A_222 {strides = array<i32>} : memref<16x1024xf32, #tpu.memory_space<vmem>>, vector<1x16xf32>,
      %slice3A_223 = vector.extract_strided_slice %get3A_30 {offsets = [2], sizes = [1], strides = [1]} : vector<16xf32> to vector<1xf32>
      %squeeze3A_224 = vector.extract %slice3A_223[0] : f32 from vector<1xf32>
      %get3A_225 = arith.constant 2 : i32
      %get3A_226 = arith.index_cast %get3A_225 : i32 to index
      %get3A_227 = arith.index_cast %mul3A_175 : i32 to index
      %get3A_228 = tpu.vector_load %arg12[%get3A_226, %get3A_227] {strides = array<i32>} : memref<16x1024xf32, #tpu.memory_space<vmem>>, vector<1x16xf32>,
      %get3A_229 = vector.shape_cast %get3A_228 : vector<1x16xf32> to vector<16xf32>
      %mul3A_230 = vector.broadcast %squeeze3A_224 : f32 to vector<16xf32>
      %mul3A_231 = arith.mulf %mul3A_230, %get3A_229 : vector<16xf32>
      %slice3A_232 = vector.extract_strided_slice %get3A_33 {offsets = [2], sizes = [1], strides = [1]} : vector<16xf32> to vector<1xf32>
      %squeeze3A_233 = vector.extract %slice3A_232[0] : f32 from vector<1xf32>
      %get3A_234 = arith.constant 2 : i32
      %get3A_235 = arith.index_cast %get3A_234 : i32 to index
      %get3A_236 = arith.index_cast %mul3A_175 : i32 to index
      %get3A_237 = tpu.vector_load %arg13[%get3A_235, %get3A_236] {strides = array<i32>} : memref<16x1024xf32, #tpu.memory_space<vmem>>, vector<1x16xf32>,
      %get3A_238 = vector.shape_cast %get3A_237 : vector<1x16xf32> to vector<16xf32>
      %mul3A_239 = vector.broadcast %squeeze3A_233 : f32 to vector<16xf32>
      %mul3A_240 = arith.mulf %mul3A_239, %get3A_238 : vector<16xf32>
      %add3A_241 = arith.addf %mul3A_231, %mul3A_240 : vector<16xf32>
      %swap3A_242 = arith.constant 2 : i32
      %swap3A_243 = arith.index_cast %swap3A_242 : i32 to index
      %swap3A_244 = arith.index_cast %mul3A_175 : i32 to index
      %swap3A_245 = tpu.vector_load %arg16[%swap3A_243, %swap3A_244] {strides = array<i32>} : memref<16x1024xf32, #tpu.memory_space<vmem>>, vector<1x16xf32>,
      %swap3A_246 = vector.shape_cast %swap3A_245 : vector<1x16xf32> to vector<16xf32>
      %swap3A_247 = vector.shape_cast %add3A_241 : vector<16xf32> to vector<1x16xf32>
      tpu.vector_store %arg16[%swap3A_243, %swap3A_244], %swap3A_247 {strides = array<i32>} : memref<16x1024xf32, #tpu.memory_space<vmem>>, vector<1x16xf32>,
      %slice3A_248 = vector.extract_strided_slice %get3A_30 {offsets = [3], sizes = [1], strides = [1]} : vector<16xf32> to vector<1xf32>
      %squeeze3A_249 = vector.extract %slice3A_248[0] : f32 from vector<1xf32>
      %get3A_250 = arith.constant 3 : i32
      %get3A_251 = arith.index_cast %get3A_250 : i32 to index
      %get3A_252 = arith.index_cast %mul3A_175 : i32 to index
      %get3A_253 = tpu.vector_load %arg12[%get3A_251, %get3A_252] {strides = array<i32>} : memref<16x1024xf32, #tpu.memory_space<vmem>>, vector<1x16xf32>,
      %get3A_254 = vector.shape_cast %get3A_253 : vector<1x16xf32> to vector<16xf32>
      %mul3A_255 = vector.broadcast %squeeze3A_249 : f32 to vector<16xf32>
      %mul3A_256 = arith.mulf %mul3A_255, %get3A_254 : vector<16xf32>
      %slice3A_257 = vector.extract_strided_slice %get3A_33 {offsets = [3], sizes = [1], strides = [1]} : vector<16xf32> to vector<1xf32>
      %squeeze3A_258 = vector.extract %slice3A_257[0] : f32 from vector<1xf32>
      %get3A_259 = arith.constant 3 : i32
      %get3A_260 = arith.index_cast %get3A_259 : i32 to index
      %get3A_261 = arith.index_cast %mul3A_175 : i32 to index
      %get3A_262 = tpu.vector_load %arg13[%get3A_260, %get3A_261] {strides = array<i32>} : memref<16x1024xf32, #tpu.memory_space<vmem>>, vector<1x16xf32>,
      %get3A_263 = vector.shape_cast %get3A_262 : vector<1x16xf32> to vector<16xf32>
      %mul3A_264 = vector.broadcast %squeeze3A_258 : f32 to vector<16xf32>
      %mul3A_265 = arith.mulf %mul3A_264, %get3A_263 : vector<16xf32>
      %add3A_266 = arith.addf %mul3A_256, %mul3A_265 : vector<16xf32>
      %swap3A_267 = arith.constant 3 : i32
      %swap3A_268 = arith.index_cast %swap3A_267 : i32 to index
      %swap3A_269 = arith.index_cast %mul3A_175 : i32 to index
      %swap3A_270 = tpu.vector_load %arg16[%swap3A_268, %swap3A_269] {strides = array<i32>} : memref<16x1024xf32, #tpu.memory_space<vmem>>, vector<1x16xf32>,
      %swap3A_271 = vector.shape_cast %swap3A_270 : vector<1x16xf32> to vector<16xf32>
      %swap3A_272 = vector.shape_cast %add3A_266 : vector<16xf32> to vector<1x16xf32>
      tpu.vector_store %arg16[%swap3A_268, %swap3A_269], %swap3A_272 {strides = array<i32>} : memref<16x1024xf32, #tpu.memory_space<vmem>>, vector<1x16xf32>,
      %slice3A_273 = vector.extract_strided_slice %get3A_30 {offsets = [4], sizes = [1], strides = [1]} : vector<16xf32> to vector<1xf32>
      %squeeze3A_274 = vector.extract %slice3A_273[0] : f32 from vector<1xf32>
      %get3A_275 = arith.constant 4 : i32
      %get3A_276 = arith.index_cast %get3A_275 : i32 to index
      %get3A_277 = arith.index_cast %mul3A_175 : i32 to index
      %get3A_278 = tpu.vector_load %arg12[%get3A_276, %get3A_277] {strides = array<i32>} : memref<16x1024xf32, #tpu.memory_space<vmem>>, vector<1x16xf32>,
      %get3A_279 = vector.shape_cast %get3A_278 : vector<1x16xf32> to vector<16xf32>
      %mul3A_280 = vector.broadcast %squeeze3A_274 : f32 to vector<16xf32>
      %mul3A_281 = arith.mulf %mul3A_280, %get3A_279 : vector<16xf32>
      %slice3A_282 = vector.extract_strided_slice %get3A_33 {offsets = [4], sizes = [1], strides = [1]} : vector<16xf32> to vector<1xf32>
      %squeeze3A_283 = vector.extract %slice3A_282[0] : f32 from vector<1xf32>
      %get3A_284 = arith.constant 4 : i32
      %get3A_285 = arith.index_cast %get3A_284 : i32 to index
      %get3A_286 = arith.index_cast %mul3A_175 : i32 to index
      %get3A_287 = tpu.vector_load %arg13[%get3A_285, %get3A_286] {strides = array<i32>} : memref<16x1024xf32, #tpu.memory_space<vmem>>, vector<1x16xf32>,
      %get3A_288 = vector.shape_cast %get3A_287 : vector<1x16xf32> to vector<16xf32>
      %mul3A_289 = vector.broadcast %squeeze3A_283 : f32 to vector<16xf32>
      %mul3A_290 = arith.mulf %mul3A_289, %get3A_288 : vector<16xf32>
      %add3A_291 = arith.addf %mul3A_281, %mul3A_290 : vector<16xf32>
      %swap3A_292 = arith.constant 4 : i32
      %swap3A_293 = arith.index_cast %swap3A_292 : i32 to index
      %swap3A_294 = arith.index_cast %mul3A_175 : i32 to index
      %swap3A_295 = tpu.vector_load %arg16[%swap3A_293, %swap3A_294] {strides = array<i32>} : memref<16x1024xf32, #tpu.memory_space<vmem>>, vector<1x16xf32>,
      %swap3A_296 = vector.shape_cast %swap3A_295 : vector<1x16xf32> to vector<16xf32>
      %swap3A_297 = vector.shape_cast %add3A_291 : vector<16xf32> to vector<1x16xf32>
      tpu.vector_store %arg16[%swap3A_293, %swap3A_294], %swap3A_297 {strides = array<i32>} : memref<16x1024xf32, #tpu.memory_space<vmem>>, vector<1x16xf32>,
      %slice3A_298 = vector.extract_strided_slice %get3A_30 {offsets = [5], sizes = [1], strides = [1]} : vector<16xf32> to vector<1xf32>
      %squeeze3A_299 = vector.extract %slice3A_298[0] : f32 from vector<1xf32>
      %get3A_300 = arith.constant 5 : i32
      %get3A_301 = arith.index_cast %get3A_300 : i32 to index
      %get3A_302 = arith.index_cast %mul3A_175 : i32 to index
      %get3A_303 = tpu.vector_load %arg12[%get3A_301, %get3A_302] {strides = array<i32>} : memref<16x1024xf32, #tpu.memory_space<vmem>>, vector<1x16xf32>,
      %get3A_304 = vector.shape_cast %get3A_303 : vector<1x16xf32> to vector<16xf32>
      %mul3A_305 = vector.broadcast %squeeze3A_299 : f32 to vector<16xf32>
      %mul3A_306 = arith.mulf %mul3A_305, %get3A_304 : vector<16xf32>
      %slice3A_307 = vector.extract_strided_slice %get3A_33 {offsets = [5], sizes = [1], strides = [1]} : vector<16xf32> to vector<1xf32>
      %squeeze3A_308 = vector.extract %slice3A_307[0] : f32 from vector<1xf32>
      %get3A_309 = arith.constant 5 : i32
      %get3A_310 = arith.index_cast %get3A_309 : i32 to index
      %get3A_311 = arith.index_cast %mul3A_175 : i32 to index
      %get3A_312 = tpu.vector_load %arg13[%get3A_310, %get3A_311] {strides = array<i32>} : memref<16x1024xf32, #tpu.memory_space<vmem>>, vector<1x16xf32>,
      %get3A_313 = vector.shape_cast %get3A_312 : vector<1x16xf32> to vector<16xf32>
      %mul3A_314 = vector.broadcast %squeeze3A_308 : f32 to vector<16xf32>
      %mul3A_315 = arith.mulf %mul3A_314, %get3A_313 : vector<16xf32>
      %add3A_316 = arith.addf %mul3A_306, %mul3A_315 : vector<16xf32>
      %swap3A_317 = arith.constant 5 : i32
      %swap3A_318 = arith.index_cast %swap3A_317 : i32 to index
      %swap3A_319 = arith.index_cast %mul3A_175 : i32 to index
      %swap3A_320 = tpu.vector_load %arg16[%swap3A_318, %swap3A_319] {strides = array<i32>} : memref<16x1024xf32, #tpu.memory_space<vmem>>, vector<1x16xf32>,
      %swap3A_321 = vector.shape_cast %swap3A_320 : vector<1x16xf32> to vector<16xf32>
      %swap3A_322 = vector.shape_cast %add3A_316 : vector<16xf32> to vector<1x16xf32>
      tpu.vector_store %arg16[%swap3A_318, %swap3A_319], %swap3A_322 {strides = array<i32>} : memref<16x1024xf32, #tpu.memory_space<vmem>>, vector<1x16xf32>,
      %slice3A_323 = vector.extract_strided_slice %get3A_30 {offsets = [6], sizes = [1], strides = [1]} : vector<16xf32> to vector<1xf32>
      %squeeze3A_324 = vector.extract %slice3A_323[0] : f32 from vector<1xf32>
      %get3A_325 = arith.constant 6 : i32
      %get3A_326 = arith.index_cast %get3A_325 : i32 to index
      %get3A_327 = arith.index_cast %mul3A_175 : i32 to index
      %get3A_328 = tpu.vector_load %arg12[%get3A_326, %get3A_327] {strides = array<i32>} : memref<16x1024xf32, #tpu.memory_space<vmem>>, vector<1x16xf32>,
      %get3A_329 = vector.shape_cast %get3A_328 : vector<1x16xf32> to vector<16xf32>
      %mul3A_330 = vector.broadcast %squeeze3A_324 : f32 to vector<16xf32>
      %mul3A_331 = arith.mulf %mul3A_330, %get3A_329 : vector<16xf32>
      %slice3A_332 = vector.extract_strided_slice %get3A_33 {offsets = [6], sizes = [1], strides = [1]} : vector<16xf32> to vector<1xf32>
      %squeeze3A_333 = vector.extract %slice3A_332[0] : f32 from vector<1xf32>
      %get3A_334 = arith.constant 6 : i32
      %get3A_335 = arith.index_cast %get3A_334 : i32 to index
      %get3A_336 = arith.index_cast %mul3A_175 : i32 to index
      %get3A_337 = tpu.vector_load %arg13[%get3A_335, %get3A_336] {strides = array<i32>} : memref<16x1024xf32, #tpu.memory_space<vmem>>, vector<1x16xf32>,
      %get3A_338 = vector.shape_cast %get3A_337 : vector<1x16xf32> to vector<16xf32>
      %mul3A_339 = vector.broadcast %squeeze3A_333 : f32 to vector<16xf32>
      %mul3A_340 = arith.mulf %mul3A_339, %get3A_338 : vector<16xf32>
      %add3A_341 = arith.addf %mul3A_331, %mul3A_340 : vector<16xf32>
      %swap3A_342 = arith.constant 6 : i32
      %swap3A_343 = arith.index_cast %swap3A_342 : i32 to index
      %swap3A_344 = arith.index_cast %mul3A_175 : i32 to index
      %swap3A_345 = tpu.vector_load %arg16[%swap3A_343, %swap3A_344] {strides = array<i32>} : memref<16x1024xf32, #tpu.memory_space<vmem>>, vector<1x16xf32>,
      %swap3A_346 = vector.shape_cast %swap3A_345 : vector<1x16xf32> to vector<16xf32>
      %swap3A_347 = vector.shape_cast %add3A_341 : vector<16xf32> to vector<1x16xf32>
      tpu.vector_store %arg16[%swap3A_343, %swap3A_344], %swap3A_347 {strides = array<i32>} : memref<16x1024xf32, #tpu.memory_space<vmem>>, vector<1x16xf32>,
      %slice3A_348 = vector.extract_strided_slice %get3A_30 {offsets = [7], sizes = [1], strides = [1]} : vector<16xf32> to vector<1xf32>
      %squeeze3A_349 = vector.extract %slice3A_348[0] : f32 from vector<1xf32>
      %get3A_350 = arith.constant 7 : i32
      %get3A_351 = arith.index_cast %get3A_350 : i32 to index
      %get3A_352 = arith.index_cast %mul3A_175 : i32 to index
      %get3A_353 = tpu.vector_load %arg12[%get3A_351, %get3A_352] {strides = array<i32>} : memref<16x1024xf32, #tpu.memory_space<vmem>>, vector<1x16xf32>,
      %get3A_354 = vector.shape_cast %get3A_353 : vector<1x16xf32> to vector<16xf32>
      %mul3A_355 = vector.broadcast %squeeze3A_349 : f32 to vector<16xf32>
      %mul3A_356 = arith.mulf %mul3A_355, %get3A_354 : vector<16xf32>
      %slice3A_357 = vector.extract_strided_slice %get3A_33 {offsets = [7], sizes = [1], strides = [1]} : vector<16xf32> to vector<1xf32>
      %squeeze3A_358 = vector.extract %slice3A_357[0] : f32 from vector<1xf32>
      %get3A_359 = arith.constant 7 : i32
      %get3A_360 = arith.index_cast %get3A_359 : i32 to index
      %get3A_361 = arith.index_cast %mul3A_175 : i32 to index
      %get3A_362 = tpu.vector_load %arg13[%get3A_360, %get3A_361] {strides = array<i32>} : memref<16x1024xf32, #tpu.memory_space<vmem>>, vector<1x16xf32>,
      %get3A_363 = vector.shape_cast %get3A_362 : vector<1x16xf32> to vector<16xf32>
      %mul3A_364 = vector.broadcast %squeeze3A_358 : f32 to vector<16xf32>
      %mul3A_365 = arith.mulf %mul3A_364, %get3A_363 : vector<16xf32>
      %add3A_366 = arith.addf %mul3A_356, %mul3A_365 : vector<16xf32>
      %swap3A_367 = arith.constant 7 : i32
      %swap3A_368 = arith.index_cast %swap3A_367 : i32 to index
      %swap3A_369 = arith.index_cast %mul3A_175 : i32 to index
      %swap3A_370 = tpu.vector_load %arg16[%swap3A_368, %swap3A_369] {strides = array<i32>} : memref<16x1024xf32, #tpu.memory_space<vmem>>, vector<1x16xf32>,
      %swap3A_371 = vector.shape_cast %swap3A_370 : vector<1x16xf32> to vector<16xf32>
      %swap3A_372 = vector.shape_cast %add3A_366 : vector<16xf32> to vector<1x16xf32>
      tpu.vector_store %arg16[%swap3A_368, %swap3A_369], %swap3A_372 {strides = array<i32>} : memref<16x1024xf32, #tpu.memory_space<vmem>>, vector<1x16xf32>,
      %slice3A_373 = vector.extract_strided_slice %get3A_30 {offsets = [8], sizes = [1], strides = [1]} : vector<16xf32> to vector<1xf32>
      %squeeze3A_374 = vector.extract %slice3A_373[0] : f32 from vector<1xf32>
      %get3A_375 = arith.constant 8 : i32
      %get3A_376 = arith.index_cast %get3A_375 : i32 to index
      %get3A_377 = arith.index_cast %mul3A_175 : i32 to index
      %get3A_378 = tpu.vector_load %arg12[%get3A_376, %get3A_377] {strides = array<i32>} : memref<16x1024xf32, #tpu.memory_space<vmem>>, vector<1x16xf32>,
      %get3A_379 = vector.shape_cast %get3A_378 : vector<1x16xf32> to vector<16xf32>
      %mul3A_380 = vector.broadcast %squeeze3A_374 : f32 to vector<16xf32>
      %mul3A_381 = arith.mulf %mul3A_380, %get3A_379 : vector<16xf32>
      %slice3A_382 = vector.extract_strided_slice %get3A_33 {offsets = [8], sizes = [1], strides = [1]} : vector<16xf32> to vector<1xf32>
      %squeeze3A_383 = vector.extract %slice3A_382[0] : f32 from vector<1xf32>
      %get3A_384 = arith.constant 8 : i32
      %get3A_385 = arith.index_cast %get3A_384 : i32 to index
      %get3A_386 = arith.index_cast %mul3A_175 : i32 to index
      %get3A_387 = tpu.vector_load %arg13[%get3A_385, %get3A_386] {strides = array<i32>} : memref<16x1024xf32, #tpu.memory_space<vmem>>, vector<1x16xf32>,
      %get3A_388 = vector.shape_cast %get3A_387 : vector<1x16xf32> to vector<16xf32>
      %mul3A_389 = vector.broadcast %squeeze3A_383 : f32 to vector<16xf32>
      %mul3A_390 = arith.mulf %mul3A_389, %get3A_388 : vector<16xf32>
      %add3A_391 = arith.addf %mul3A_381, %mul3A_390 : vector<16xf32>
      %swap3A_392 = arith.constant 8 : i32
      %swap3A_393 = arith.index_cast %swap3A_392 : i32 to index
      %swap3A_394 = arith.index_cast %mul3A_175 : i32 to index
      %swap3A_395 = tpu.vector_load %arg16[%swap3A_393, %swap3A_394] {strides = array<i32>} : memref<16x1024xf32, #tpu.memory_space<vmem>>, vector<1x16xf32>,
      %swap3A_396 = vector.shape_cast %swap3A_395 : vector<1x16xf32> to vector<16xf32>
      %swap3A_397 = vector.shape_cast %add3A_391 : vector<16xf32> to vector<1x16xf32>
      tpu.vector_store %arg16[%swap3A_393, %swap3A_394], %swap3A_397 {strides = array<i32>} : memref<16x1024xf32, #tpu.memory_space<vmem>>, vector<1x16xf32>,
      %slice3A_398 = vector.extract_strided_slice %get3A_30 {offsets = [9], sizes = [1], strides = [1]} : vector<16xf32> to vector<1xf32>
      %squeeze3A_399 = vector.extract %slice3A_398[0] : f32 from vector<1xf32>
      %get3A_400 = arith.constant 9 : i32
      %get3A_401 = arith.index_cast %get3A_400 : i32 to index
      %get3A_402 = arith.index_cast %mul3A_175 : i32 to index
      %get3A_403 = tpu.vector_load %arg12[%get3A_401, %get3A_402] {strides = array<i32>} : memref<16x1024xf32, #tpu.memory_space<vmem>>, vector<1x16xf32>,
      %get3A_404 = vector.shape_cast %get3A_403 : vector<1x16xf32> to vector<16xf32>
      %mul3A_405 = vector.broadcast %squeeze3A_399 : f32 to vector<16xf32>
      %mul3A_406 = arith.mulf %mul3A_405, %get3A_404 : vector<16xf32>
      %slice3A_407 = vector.extract_strided_slice %get3A_33 {offsets = [9], sizes = [1], strides = [1]} : vector<16xf32> to vector<1xf32>
      %squeeze3A_408 = vector.extract %slice3A_407[0] : f32 from vector<1xf32>
      %get3A_409 = arith.constant 9 : i32
      %get3A_410 = arith.index_cast %get3A_409 : i32 to index
      %get3A_411 = arith.index_cast %mul3A_175 : i32 to index
      %get3A_412 = tpu.vector_load %arg13[%get3A_410, %get3A_411] {strides = array<i32>} : memref<16x1024xf32, #tpu.memory_space<vmem>>, vector<1x16xf32>,
      %get3A_413 = vector.shape_cast %get3A_412 : vector<1x16xf32> to vector<16xf32>
      %mul3A_414 = vector.broadcast %squeeze3A_408 : f32 to vector<16xf32>
      %mul3A_415 = arith.mulf %mul3A_414, %get3A_413 : vector<16xf32>
      %add3A_416 = arith.addf %mul3A_406, %mul3A_415 : vector<16xf32>
      %swap3A_417 = arith.constant 9 : i32
      %swap3A_418 = arith.index_cast %swap3A_417 : i32 to index
      %swap3A_419 = arith.index_cast %mul3A_175 : i32 to index
      %swap3A_420 = tpu.vector_load %arg16[%swap3A_418, %swap3A_419] {strides = array<i32>} : memref<16x1024xf32, #tpu.memory_space<vmem>>, vector<1x16xf32>,
      %swap3A_421 = vector.shape_cast %swap3A_420 : vector<1x16xf32> to vector<16xf32>
      %swap3A_422 = vector.shape_cast %add3A_416 : vector<16xf32> to vector<1x16xf32>
      tpu.vector_store %arg16[%swap3A_418, %swap3A_419], %swap3A_422 {strides = array<i32>} : memref<16x1024xf32, #tpu.memory_space<vmem>>, vector<1x16xf32>,
      %slice3A_423 = vector.extract_strided_slice %get3A_30 {offsets = [10], sizes = [1], strides = [1]} : vector<16xf32> to vector<1xf32>
      %squeeze3A_424 = vector.extract %slice3A_423[0] : f32 from vector<1xf32>
      %get3A_425 = arith.constant 10 : i32
      %get3A_426 = arith.index_cast %get3A_425 : i32 to index
      %get3A_427 = arith.index_cast %mul3A_175 : i32 to index
      %get3A_428 = tpu.vector_load %arg12[%get3A_426, %get3A_427] {strides = array<i32>} : memref<16x1024xf32, #tpu.memory_space<vmem>>, vector<1x16xf32>,
      %get3A_429 = vector.shape_cast %get3A_428 : vector<1x16xf32> to vector<16xf32>
      %mul3A_430 = vector.broadcast %squeeze3A_424 : f32 to vector<16xf32>
      %mul3A_431 = arith.mulf %mul3A_430, %get3A_429 : vector<16xf32>
      %slice3A_432 = vector.extract_strided_slice %get3A_33 {offsets = [10], sizes = [1], strides = [1]} : vector<16xf32> to vector<1xf32>
      %squeeze3A_433 = vector.extract %slice3A_432[0] : f32 from vector<1xf32>
      %get3A_434 = arith.constant 10 : i32
      %get3A_435 = arith.index_cast %get3A_434 : i32 to index
      %get3A_436 = arith.index_cast %mul3A_175 : i32 to index
      %get3A_437 = tpu.vector_load %arg13[%get3A_435, %get3A_436] {strides = array<i32>} : memref<16x1024xf32, #tpu.memory_space<vmem>>, vector<1x16xf32>,
      %get3A_438 = vector.shape_cast %get3A_437 : vector<1x16xf32> to vector<16xf32>
      %mul3A_439 = vector.broadcast %squeeze3A_433 : f32 to vector<16xf32>
      %mul3A_440 = arith.mulf %mul3A_439, %get3A_438 : vector<16xf32>
      %add3A_441 = arith.addf %mul3A_431, %mul3A_440 : vector<16xf32>
      %swap3A_442 = arith.constant 10 : i32
      %swap3A_443 = arith.index_cast %swap3A_442 : i32 to index
      %swap3A_444 = arith.index_cast %mul3A_175 : i32 to index
      %swap3A_445 = tpu.vector_load %arg16[%swap3A_443, %swap3A_444] {strides = array<i32>} : memref<16x1024xf32, #tpu.memory_space<vmem>>, vector<1x16xf32>,
      %swap3A_446 = vector.shape_cast %swap3A_445 : vector<1x16xf32> to vector<16xf32>
      %swap3A_447 = vector.shape_cast %add3A_441 : vector<16xf32> to vector<1x16xf32>
      tpu.vector_store %arg16[%swap3A_443, %swap3A_444], %swap3A_447 {strides = array<i32>} : memref<16x1024xf32, #tpu.memory_space<vmem>>, vector<1x16xf32>,
      %slice3A_448 = vector.extract_strided_slice %get3A_30 {offsets = [11], sizes = [1], strides = [1]} : vector<16xf32> to vector<1xf32>
      %squeeze3A_449 = vector.extract %slice3A_448[0] : f32 from vector<1xf32>
      %get3A_450 = arith.constant 11 : i32
      %get3A_451 = arith.index_cast %get3A_450 : i32 to index
      %get3A_452 = arith.index_cast %mul3A_175 : i32 to index
      %get3A_453 = tpu.vector_load %arg12[%get3A_451, %get3A_452] {strides = array<i32>} : memref<16x1024xf32, #tpu.memory_space<vmem>>, vector<1x16xf32>,
      %get3A_454 = vector.shape_cast %get3A_453 : vector<1x16xf32> to vector<16xf32>
      %mul3A_455 = vector.broadcast %squeeze3A_449 : f32 to vector<16xf32>
      %mul3A_456 = arith.mulf %mul3A_455, %get3A_454 : vector<16xf32>
      %slice3A_457 = vector.extract_strided_slice %get3A_33 {offsets = [11], sizes = [1], strides = [1]} : vector<16xf32> to vector<1xf32>
      %squeeze3A_458 = vector.extract %slice3A_457[0] : f32 from vector<1xf32>
      %get3A_459 = arith.constant 11 : i32
      %get3A_460 = arith.index_cast %get3A_459 : i32 to index
      %get3A_461 = arith.index_cast %mul3A_175 : i32 to index
      %get3A_462 = tpu.vector_load %arg13[%get3A_460, %get3A_461] {strides = array<i32>} : memref<16x1024xf32, #tpu.memory_space<vmem>>, vector<1x16xf32>,
      %get3A_463 = vector.shape_cast %get3A_462 : vector<1x16xf32> to vector<16xf32>
      %mul3A_464 = vector.broadcast %squeeze3A_458 : f32 to vector<16xf32>
      %mul3A_465 = arith.mulf %mul3A_464, %get3A_463 : vector<16xf32>
      %add3A_466 = arith.addf %mul3A_456, %mul3A_465 : vector<16xf32>
      %swap3A_467 = arith.constant 11 : i32
      %swap3A_468 = arith.index_cast %swap3A_467 : i32 to index
      %swap3A_469 = arith.index_cast %mul3A_175 : i32 to index
      %swap3A_470 = tpu.vector_load %arg16[%swap3A_468, %swap3A_469] {strides = array<i32>} : memref<16x1024xf32, #tpu.memory_space<vmem>>, vector<1x16xf32>,
      %swap3A_471 = vector.shape_cast %swap3A_470 : vector<1x16xf32> to vector<16xf32>
      %swap3A_472 = vector.shape_cast %add3A_466 : vector<16xf32> to vector<1x16xf32>
      tpu.vector_store %arg16[%swap3A_468, %swap3A_469], %swap3A_472 {strides = array<i32>} : memref<16x1024xf32, #tpu.memory_space<vmem>>, vector<1x16xf32>,
      %slice3A_473 = vector.extract_strided_slice %get3A_30 {offsets = [12], sizes = [1], strides = [1]} : vector<16xf32> to vector<1xf32>
      %squeeze3A_474 = vector.extract %slice3A_473[0] : f32 from vector<1xf32>
      %get3A_475 = arith.constant 12 : i32
      %get3A_476 = arith.index_cast %get3A_475 : i32 to index
      %get3A_477 = arith.index_cast %mul3A_175 : i32 to index
      %get3A_478 = tpu.vector_load %arg12[%get3A_476, %get3A_477] {strides = array<i32>} : memref<16x1024xf32, #tpu.memory_space<vmem>>, vector<1x16xf32>,
      %get3A_479 = vector.shape_cast %get3A_478 : vector<1x16xf32> to vector<16xf32>
      %mul3A_480 = vector.broadcast %squeeze3A_474 : f32 to vector<16xf32>
      %mul3A_481 = arith.mulf %mul3A_480, %get3A_479 : vector<16xf32>
      %slice3A_482 = vector.extract_strided_slice %get3A_33 {offsets = [12], sizes = [1], strides = [1]} : vector<16xf32> to vector<1xf32>
      %squeeze3A_483 = vector.extract %slice3A_482[0] : f32 from vector<1xf32>
      %get3A_484 = arith.constant 12 : i32
      %get3A_485 = arith.index_cast %get3A_484 : i32 to index
      %get3A_486 = arith.index_cast %mul3A_175 : i32 to index
      %get3A_487 = tpu.vector_load %arg13[%get3A_485, %get3A_486] {strides = array<i32>} : memref<16x1024xf32, #tpu.memory_space<vmem>>, vector<1x16xf32>,
      %get3A_488 = vector.shape_cast %get3A_487 : vector<1x16xf32> to vector<16xf32>
      %mul3A_489 = vector.broadcast %squeeze3A_483 : f32 to vector<16xf32>
      %mul3A_490 = arith.mulf %mul3A_489, %get3A_488 : vector<16xf32>
      %add3A_491 = arith.addf %mul3A_481, %mul3A_490 : vector<16xf32>
      %swap3A_492 = arith.constant 12 : i32
      %swap3A_493 = arith.index_cast %swap3A_492 : i32 to index
      %swap3A_494 = arith.index_cast %mul3A_175 : i32 to index
      %swap3A_495 = tpu.vector_load %arg16[%swap3A_493, %swap3A_494] {strides = array<i32>} : memref<16x1024xf32, #tpu.memory_space<vmem>>, vector<1x16xf32>,
      %swap3A_496 = vector.shape_cast %swap3A_495 : vector<1x16xf32> to vector<16xf32>
      %swap3A_497 = vector.shape_cast %add3A_491 : vector<16xf32> to vector<1x16xf32>
      tpu.vector_store %arg16[%swap3A_493, %swap3A_494], %swap3A_497 {strides = array<i32>} : memref<16x1024xf32, #tpu.memory_space<vmem>>, vector<1x16xf32>,
      %slice3A_498 = vector.extract_strided_slice %get3A_30 {offsets = [13], sizes = [1], strides = [1]} : vector<16xf32> to vector<1xf32>
      %squeeze3A_499 = vector.extract %slice3A_498[0] : f32 from vector<1xf32>
      %get3A_500 = arith.constant 13 : i32
      %get3A_501 = arith.index_cast %get3A_500 : i32 to index
      %get3A_502 = arith.index_cast %mul3A_175 : i32 to index
      %get3A_503 = tpu.vector_load %arg12[%get3A_501, %get3A_502] {strides = array<i32>} : memref<16x1024xf32, #tpu.memory_space<vmem>>, vector<1x16xf32>,
      %get3A_504 = vector.shape_cast %get3A_503 : vector<1x16xf32> to vector<16xf32>
      %mul3A_505 = vector.broadcast %squeeze3A_499 : f32 to vector<16xf32>
      %mul3A_506 = arith.mulf %mul3A_505, %get3A_504 : vector<16xf32>
      %slice3A_507 = vector.extract_strided_slice %get3A_33 {offsets = [13], sizes = [1], strides = [1]} : vector<16xf32> to vector<1xf32>
      %squeeze3A_508 = vector.extract %slice3A_507[0] : f32 from vector<1xf32>
      %get3A_509 = arith.constant 13 : i32
      %get3A_510 = arith.index_cast %get3A_509 : i32 to index
      %get3A_511 = arith.index_cast %mul3A_175 : i32 to index
      %get3A_512 = tpu.vector_load %arg13[%get3A_510, %get3A_511] {strides = array<i32>} : memref<16x1024xf32, #tpu.memory_space<vmem>>, vector<1x16xf32>,
      %get3A_513 = vector.shape_cast %get3A_512 : vector<1x16xf32> to vector<16xf32>
      %mul3A_514 = vector.broadcast %squeeze3A_508 : f32 to vector<16xf32>
      %mul3A_515 = arith.mulf %mul3A_514, %get3A_513 : vector<16xf32>
      %add3A_516 = arith.addf %mul3A_506, %mul3A_515 : vector<16xf32>
      %swap3A_517 = arith.constant 13 : i32
      %swap3A_518 = arith.index_cast %swap3A_517 : i32 to index
      %swap3A_519 = arith.index_cast %mul3A_175 : i32 to index
      %swap3A_520 = tpu.vector_load %arg16[%swap3A_518, %swap3A_519] {strides = array<i32>} : memref<16x1024xf32, #tpu.memory_space<vmem>>, vector<1x16xf32>,
      %swap3A_521 = vector.shape_cast %swap3A_520 : vector<1x16xf32> to vector<16xf32>
      %swap3A_522 = vector.shape_cast %add3A_516 : vector<16xf32> to vector<1x16xf32>
      tpu.vector_store %arg16[%swap3A_518, %swap3A_519], %swap3A_522 {strides = array<i32>} : memref<16x1024xf32, #tpu.memory_space<vmem>>, vector<1x16xf32>,
      %slice3A_523 = vector.extract_strided_slice %get3A_30 {offsets = [14], sizes = [1], strides = [1]} : vector<16xf32> to vector<1xf32>
      %squeeze3A_524 = vector.extract %slice3A_523[0] : f32 from vector<1xf32>
      %get3A_525 = arith.constant 14 : i32
      %get3A_526 = arith.index_cast %get3A_525 : i32 to index
      %get3A_527 = arith.index_cast %mul3A_175 : i32 to index
      %get3A_528 = tpu.vector_load %arg12[%get3A_526, %get3A_527] {strides = array<i32>} : memref<16x1024xf32, #tpu.memory_space<vmem>>, vector<1x16xf32>,
      %get3A_529 = vector.shape_cast %get3A_528 : vector<1x16xf32> to vector<16xf32>
      %mul3A_530 = vector.broadcast %squeeze3A_524 : f32 to vector<16xf32>
      %mul3A_531 = arith.mulf %mul3A_530, %get3A_529 : vector<16xf32>
      %slice3A_532 = vector.extract_strided_slice %get3A_33 {offsets = [14], sizes = [1], strides = [1]} : vector<16xf32> to vector<1xf32>
      %squeeze3A_533 = vector.extract %slice3A_532[0] : f32 from vector<1xf32>
      %get3A_534 = arith.constant 14 : i32
      %get3A_535 = arith.index_cast %get3A_534 : i32 to index
      %get3A_536 = arith.index_cast %mul3A_175 : i32 to index
      %get3A_537 = tpu.vector_load %arg13[%get3A_535, %get3A_536] {strides = array<i32>} : memref<16x1024xf32, #tpu.memory_space<vmem>>, vector<1x16xf32>,
      %get3A_538 = vector.shape_cast %get3A_537 : vector<1x16xf32> to vector<16xf32>
      %mul3A_539 = vector.broadcast %squeeze3A_533 : f32 to vector<16xf32>
      %mul3A_540 = arith.mulf %mul3A_539, %get3A_538 : vector<16xf32>
      %add3A_541 = arith.addf %mul3A_531, %mul3A_540 : vector<16xf32>
      %swap3A_542 = arith.constant 14 : i32
      %swap3A_543 = arith.index_cast %swap3A_542 : i32 to index
      %swap3A_544 = arith.index_cast %mul3A_175 : i32 to index
      %swap3A_545 = tpu.vector_load %arg16[%swap3A_543, %swap3A_544] {strides = array<i32>} : memref<16x1024xf32, #tpu.memory_space<vmem>>, vector<1x16xf32>,
      %swap3A_546 = vector.shape_cast %swap3A_545 : vector<1x16xf32> to vector<16xf32>
      %swap3A_547 = vector.shape_cast %add3A_541 : vector<16xf32> to vector<1x16xf32>
      tpu.vector_store %arg16[%swap3A_543, %swap3A_544], %swap3A_547 {strides = array<i32>} : memref<16x1024xf32, #tpu.memory_space<vmem>>, vector<1x16xf32>,
      %slice3A_548 = vector.extract_strided_slice %get3A_30 {offsets = [15], sizes = [1], strides = [1]} : vector<16xf32> to vector<1xf32>
      %squeeze3A_549 = vector.extract %slice3A_548[0] : f32 from vector<1xf32>
      %get3A_550 = arith.constant 15 : i32
      %get3A_551 = arith.index_cast %get3A_550 : i32 to index
      %get3A_552 = arith.index_cast %mul3A_175 : i32 to index
      %get3A_553 = tpu.vector_load %arg12[%get3A_551, %get3A_552] {strides = array<i32>} : memref<16x1024xf32, #tpu.memory_space<vmem>>, vector<1x16xf32>,
      %get3A_554 = vector.shape_cast %get3A_553 : vector<1x16xf32> to vector<16xf32>
      %mul3A_555 = vector.broadcast %squeeze3A_549 : f32 to vector<16xf32>
      %mul3A_556 = arith.mulf %mul3A_555, %get3A_554 : vector<16xf32>
      %slice3A_557 = vector.extract_strided_slice %get3A_33 {offsets = [15], sizes = [1], strides = [1]} : vector<16xf32> to vector<1xf32>
      %squeeze3A_558 = vector.extract %slice3A_557[0] : f32 from vector<1xf32>
      %get3A_559 = arith.constant 15 : i32
      %get3A_560 = arith.index_cast %get3A_559 : i32 to index
      %get3A_561 = arith.index_cast %mul3A_175 : i32 to index
      %get3A_562 = tpu.vector_load %arg13[%get3A_560, %get3A_561] {strides = array<i32>} : memref<16x1024xf32, #tpu.memory_space<vmem>>, vector<1x16xf32>,
      %get3A_563 = vector.shape_cast %get3A_562 : vector<1x16xf32> to vector<16xf32>
      %mul3A_564 = vector.broadcast %squeeze3A_558 : f32 to vector<16xf32>
      %mul3A_565 = arith.mulf %mul3A_564, %get3A_563 : vector<16xf32>
      %add3A_566 = arith.addf %mul3A_556, %mul3A_565 : vector<16xf32>
      %swap3A_567 = arith.constant 15 : i32
      %swap3A_568 = arith.index_cast %swap3A_567 : i32 to index
      %swap3A_569 = arith.index_cast %mul3A_175 : i32 to index
      %swap3A_570 = tpu.vector_load %arg16[%swap3A_568, %swap3A_569] {strides = array<i32>} : memref<16x1024xf32, #tpu.memory_space<vmem>>, vector<1x16xf32>,
      %swap3A_571 = vector.shape_cast %swap3A_570 : vector<1x16xf32> to vector<16xf32>
      %swap3A_572 = vector.shape_cast %add3A_566 : vector<16xf32> to vector<1x16xf32>
      tpu.vector_store %arg16[%swap3A_568, %swap3A_569], %swap3A_572 {strides = array<i32>} : memref<16x1024xf32, #tpu.memory_space<vmem>>, vector<1x16xf32>,
    }
    %scan3A_38 = arith.constant 64 : i32
    %mul3A_39 = arith.constant 64 : i32
    %mul3A_40 = arith.muli %add3A, %mul3A_39 : i32
    %add3A_41 = arith.constant 0 : i32
    %add3A_42 = arith.addi %mul3A_40, %add3A_41 : i32
    %dma_start3A_43 = arith.constant 0 : i32
    %dma_start3A_44 = tpu.memref_slice %arg7[%add3A_42, %dma_start3A_43] : memref<2048x1024xf32, #tpu.memory_space<hbm>> -> memref<16x1024xf32, #tpu.memory_space<hbm>>
    %dma_start3A_45 = arith.constant 0 : i32
    %dma_start3A_46 = tpu.memref_slice %arg7[%add3A_42, %dma_start3A_45] : memref<2048x1024xf32, #tpu.memory_space<hbm>> -> memref<16x1024xf32, #tpu.memory_space<hbm>>
    tpu.enqueue_dma source(%arg16 : memref<16x1024xf32, #tpu.memory_space<vmem>>) target(%dma_start3A_46 : memref<16x1024xf32, #tpu.memory_space<hbm>>) target_semaphore(%arg20 : memref<!tpu.dma_semaphore, #tpu.memory_space<semaphore_mem>>)
    %dma_start3A_47 = arith.constant 32 : i32
    %dma_start3A_48 = tpu.memref_slice %arg8[%dma_start3A_47] : memref<64xi32, #tpu.memory_space<vmem>> -> memref<16xi32, #tpu.memory_space<vmem>>
    %dma_start3A_49 = arith.constant 0 : i32
    %dma_start3A_50 = arith.constant 0 : i32
    %dma_start3A_51 = tpu.memref_slice %arg6[%dma_start3A_49, %dma_start3A_50] : memref<8192x1024xf32, #tpu.memory_space<hbm>> -> memref<8192x1024xf32, #tpu.memory_space<hbm>>
    tpu.enqueue_indirect_dma source(%dma_start3A_51 : memref<8192x1024xf32, #tpu.memory_space<hbm>>) target(%arg12 : memref<16x1024xf32, #tpu.memory_space<vmem>>) offsets(%dma_start3A_48 : memref<16xi32, #tpu.memory_space<vmem>>) semaphore(%arg18 : memref<!tpu.dma_semaphore, #tpu.memory_space<semaphore_mem>>)
    %dma_start3A_52 = arith.constant 32 : i32
    %dma_start3A_53 = tpu.memref_slice %arg9[%dma_start3A_52] : memref<64xi32, #tpu.memory_space<vmem>> -> memref<16xi32, #tpu.memory_space<vmem>>
    %dma_start3A_54 = arith.constant 0 : i32
    %dma_start3A_55 = arith.constant 0 : i32
    %dma_start3A_56 = tpu.memref_slice %arg6[%dma_start3A_54, %dma_start3A_55] : memref<8192x1024xf32, #tpu.memory_space<hbm>> -> memref<8192x1024xf32, #tpu.memory_space<hbm>>
    tpu.enqueue_indirect_dma source(%dma_start3A_56 : memref<8192x1024xf32, #tpu.memory_space<hbm>>) target(%arg13 : memref<16x1024xf32, #tpu.memory_space<vmem>>) offsets(%dma_start3A_53 : memref<16xi32, #tpu.memory_space<vmem>>) semaphore(%arg18 : memref<!tpu.dma_semaphore, #tpu.memory_space<semaphore_mem>>)
    %dma_wait3A_57 = arith.constant 16 : i32
    %dma_wait3A_58 = tpu.memref_slice %arg8[%dma_wait3A_57] : memref<64xi32, #tpu.memory_space<vmem>> -> memref<16xi32, #tpu.memory_space<vmem>>
    %dma_wait3A_59 = arith.constant 0 : i32
    %dma_wait3A_60 = arith.constant 0 : i32
    %dma_wait3A_61 = tpu.memref_slice %arg6[%dma_wait3A_59, %dma_wait3A_60] : memref<8192x1024xf32, #tpu.memory_space<hbm>> -> memref<8192x1024xf32, #tpu.memory_space<hbm>>
    tpu.wait_indirect_dma semaphore(%arg19 : memref<!tpu.dma_semaphore, #tpu.memory_space<semaphore_mem>>) src(%dma_wait3A_61 : memref<8192x1024xf32, #tpu.memory_space<hbm>>) dst(%arg14 : memref<16x1024xf32, #tpu.memory_space<vmem>>)
    %dma_wait3A_62 = arith.constant 16 : i32
    %dma_wait3A_63 = tpu.memref_slice %arg9[%dma_wait3A_62] : memref<64xi32, #tpu.memory_space<vmem>> -> memref<16xi32, #tpu.memory_space<vmem>>
    %dma_wait3A_64 = arith.constant 0 : i32
    %dma_wait3A_65 = arith.constant 0 : i32
    %dma_wait3A_66 = tpu.memref_slice %arg6[%dma_wait3A_64, %dma_wait3A_65] : memref<8192x1024xf32, #tpu.memory_space<hbm>> -> memref<8192x1024xf32, #tpu.memory_space<hbm>>
    tpu.wait_indirect_dma semaphore(%arg19 : memref<!tpu.dma_semaphore, #tpu.memory_space<semaphore_mem>>) src(%dma_wait3A_66 : memref<8192x1024xf32, #tpu.memory_space<hbm>>) dst(%arg15 : memref<16x1024xf32, #tpu.memory_space<vmem>>)
    %get3A_67 = arith.constant 16 : index
    %get3A_68 = tpu.vector_load %arg10[%get3A_67] {strides = array<i32>} : memref<64xf32, #tpu.memory_space<vmem>>, vector<16xf32>,
    %get3A_69 = vector.shape_cast %get3A_68 : vector<16xf32> to vector<16xf32>
    %get3A_70 = arith.constant 16 : index
    %get3A_71 = tpu.vector_load %arg11[%get3A_70] {strides = array<i32>} : memref<64xf32, #tpu.memory_space<vmem>>, vector<16xf32>,
    %get3A_72 = vector.shape_cast %get3A_71 : vector<16xf32> to vector<16xf32>
    %scan3A_73 = arith.constant 0 : i32
    %scan3A_74 = arith.constant 0 : i32
    %scan3A_75 = arith.constant 64 : i32
    %scan3A_76 = arith.addi %scan3A_74, %scan3A_75 : i32
    %scan3A_77 = arith.constant 1 : i32
    scf.for %scan3A_173 = %scan3A_74 to %scan3A_76 step %scan3A_77  : i32 {
      %mul3A_174 = arith.constant 16 : i32
      %mul3A_175 = arith.muli %mul3A_174, %scan3A_173 : i32
      %slice3A = vector.extract_strided_slice %get3A_69 {offsets = [0], sizes = [1], strides = [1]} : vector<16xf32> to vector<1xf32>
      %squeeze3A = vector.extract %slice3A[0] : f32 from vector<1xf32>
      %get3A_176 = arith.constant 0 : i32
      %get3A_177 = arith.index_cast %get3A_176 : i32 to index
      %get3A_178 = arith.index_cast %mul3A_175 : i32 to index
      %get3A_179 = tpu.vector_load %arg14[%get3A_177, %get3A_178] {strides = array<i32>} : memref<16x1024xf32, #tpu.memory_space<vmem>>, vector<1x16xf32>,
      %get3A_180 = vector.shape_cast %get3A_179 : vector<1x16xf32> to vector<16xf32>
      %mul3A_181 = vector.broadcast %squeeze3A : f32 to vector<16xf32>
      %mul3A_182 = arith.mulf %mul3A_181, %get3A_180 : vector<16xf32>
      %slice3A_183 = vector.extract_strided_slice %get3A_72 {offsets = [0], sizes = [1], strides = [1]} : vector<16xf32> to vector<1xf32>
      %squeeze3A_184 = vector.extract %slice3A_183[0] : f32 from vector<1xf32>
      %get3A_185 = arith.constant 0 : i32
      %get3A_186 = arith.index_cast %get3A_185 : i32 to index
      %get3A_187 = arith.index_cast %mul3A_175 : i32 to index
      %get3A_188 = tpu.vector_load %arg15[%get3A_186, %get3A_187] {strides = array<i32>} : memref<16x1024xf32, #tpu.memory_space<vmem>>, vector<1x16xf32>,
      %get3A_189 = vector.shape_cast %get3A_188 : vector<1x16xf32> to vector<16xf32>
      %mul3A_190 = vector.broadcast %squeeze3A_184 : f32 to vector<16xf32>
      %mul3A_191 = arith.mulf %mul3A_190, %get3A_189 : vector<16xf32>
      %add3A_192 = arith.addf %mul3A_182, %mul3A_191 : vector<16xf32>
      %swap3A = arith.constant 0 : i32
      %swap3A_193 = arith.index_cast %swap3A : i32 to index
      %swap3A_194 = arith.index_cast %mul3A_175 : i32 to index
      %swap3A_195 = tpu.vector_load %arg17[%swap3A_193, %swap3A_194] {strides = array<i32>} : memref<16x1024xf32, #tpu.memory_space<vmem>>, vector<1x16xf32>,
      %swap3A_196 = vector.shape_cast %swap3A_195 : vector<1x16xf32> to vector<16xf32>
      %swap3A_197 = vector.shape_cast %add3A_192 : vector<16xf32> to vector<1x16xf32>
      tpu.vector_store %arg17[%swap3A_193, %swap3A_194], %swap3A_197 {strides = array<i32>} : memref<16x1024xf32, #tpu.memory_space<vmem>>, vector<1x16xf32>,
      %slice3A_198 = vector.extract_strided_slice %get3A_69 {offsets = [1], sizes = [1], strides = [1]} : vector<16xf32> to vector<1xf32>
      %squeeze3A_199 = vector.extract %slice3A_198[0] : f32 from vector<1xf32>
      %get3A_200 = arith.constant 1 : i32
      %get3A_201 = arith.index_cast %get3A_200 : i32 to index
      %get3A_202 = arith.index_cast %mul3A_175 : i32 to index
      %get3A_203 = tpu.vector_load %arg14[%get3A_201, %get3A_202] {strides = array<i32>} : memref<16x1024xf32, #tpu.memory_space<vmem>>, vector<1x16xf32>,
      %get3A_204 = vector.shape_cast %get3A_203 : vector<1x16xf32> to vector<16xf32>
      %mul3A_205 = vector.broadcast %squeeze3A_199 : f32 to vector<16xf32>
      %mul3A_206 = arith.mulf %mul3A_205, %get3A_204 : vector<16xf32>
      %slice3A_207 = vector.extract_strided_slice %get3A_72 {offsets = [1], sizes = [1], strides = [1]} : vector<16xf32> to vector<1xf32>
      %squeeze3A_208 = vector.extract %slice3A_207[0] : f32 from vector<1xf32>
      %get3A_209 = arith.constant 1 : i32
      %get3A_210 = arith.index_cast %get3A_209 : i32 to index
      %get3A_211 = arith.index_cast %mul3A_175 : i32 to index
      %get3A_212 = tpu.vector_load %arg15[%get3A_210, %get3A_211] {strides = array<i32>} : memref<16x1024xf32, #tpu.memory_space<vmem>>, vector<1x16xf32>,
      %get3A_213 = vector.shape_cast %get3A_212 : vector<1x16xf32> to vector<16xf32>
      %mul3A_214 = vector.broadcast %squeeze3A_208 : f32 to vector<16xf32>
      %mul3A_215 = arith.mulf %mul3A_214, %get3A_213 : vector<16xf32>
      %add3A_216 = arith.addf %mul3A_206, %mul3A_215 : vector<16xf32>
      %swap3A_217 = arith.constant 1 : i32
      %swap3A_218 = arith.index_cast %swap3A_217 : i32 to index
      %swap3A_219 = arith.index_cast %mul3A_175 : i32 to index
      %swap3A_220 = tpu.vector_load %arg17[%swap3A_218, %swap3A_219] {strides = array<i32>} : memref<16x1024xf32, #tpu.memory_space<vmem>>, vector<1x16xf32>,
      %swap3A_221 = vector.shape_cast %swap3A_220 : vector<1x16xf32> to vector<16xf32>
      %swap3A_222 = vector.shape_cast %add3A_216 : vector<16xf32> to vector<1x16xf32>
      tpu.vector_store %arg17[%swap3A_218, %swap3A_219], %swap3A_222 {strides = array<i32>} : memref<16x1024xf32, #tpu.memory_space<vmem>>, vector<1x16xf32>,
      %slice3A_223 = vector.extract_strided_slice %get3A_69 {offsets = [2], sizes = [1], strides = [1]} : vector<16xf32> to vector<1xf32>
      %squeeze3A_224 = vector.extract %slice3A_223[0] : f32 from vector<1xf32>
      %get3A_225 = arith.constant 2 : i32
      %get3A_226 = arith.index_cast %get3A_225 : i32 to index
      %get3A_227 = arith.index_cast %mul3A_175 : i32 to index
      %get3A_228 = tpu.vector_load %arg14[%get3A_226, %get3A_227] {strides = array<i32>} : memref<16x1024xf32, #tpu.memory_space<vmem>>, vector<1x16xf32>,
      %get3A_229 = vector.shape_cast %get3A_228 : vector<1x16xf32> to vector<16xf32>
      %mul3A_230 = vector.broadcast %squeeze3A_224 : f32 to vector<16xf32>
      %mul3A_231 = arith.mulf %mul3A_230, %get3A_229 : vector<16xf32>
      %slice3A_232 = vector.extract_strided_slice %get3A_72 {offsets = [2], sizes = [1], strides = [1]} : vector<16xf32> to vector<1xf32>
      %squeeze3A_233 = vector.extract %slice3A_232[0] : f32 from vector<1xf32>
      %get3A_234 = arith.constant 2 : i32
      %get3A_235 = arith.index_cast %get3A_234 : i32 to index
      %get3A_236 = arith.index_cast %mul3A_175 : i32 to index
      %get3A_237 = tpu.vector_load %arg15[%get3A_235, %get3A_236] {strides = array<i32>} : memref<16x1024xf32, #tpu.memory_space<vmem>>, vector<1x16xf32>,
      %get3A_238 = vector.shape_cast %get3A_237 : vector<1x16xf32> to vector<16xf32>
      %mul3A_239 = vector.broadcast %squeeze3A_233 : f32 to vector<16xf32>
      %mul3A_240 = arith.mulf %mul3A_239, %get3A_238 : vector<16xf32>
      %add3A_241 = arith.addf %mul3A_231, %mul3A_240 : vector<16xf32>
      %swap3A_242 = arith.constant 2 : i32
      %swap3A_243 = arith.index_cast %swap3A_242 : i32 to index
      %swap3A_244 = arith.index_cast %mul3A_175 : i32 to index
      %swap3A_245 = tpu.vector_load %arg17[%swap3A_243, %swap3A_244] {strides = array<i32>} : memref<16x1024xf32, #tpu.memory_space<vmem>>, vector<1x16xf32>,
      %swap3A_246 = vector.shape_cast %swap3A_245 : vector<1x16xf32> to vector<16xf32>
      %swap3A_247 = vector.shape_cast %add3A_241 : vector<16xf32> to vector<1x16xf32>
      tpu.vector_store %arg17[%swap3A_243, %swap3A_244], %swap3A_247 {strides = array<i32>} : memref<16x1024xf32, #tpu.memory_space<vmem>>, vector<1x16xf32>,
      %slice3A_248 = vector.extract_strided_slice %get3A_69 {offsets = [3], sizes = [1], strides = [1]} : vector<16xf32> to vector<1xf32>
      %squeeze3A_249 = vector.extract %slice3A_248[0] : f32 from vector<1xf32>
      %get3A_250 = arith.constant 3 : i32
      %get3A_251 = arith.index_cast %get3A_250 : i32 to index
      %get3A_252 = arith.index_cast %mul3A_175 : i32 to index
      %get3A_253 = tpu.vector_load %arg14[%get3A_251, %get3A_252] {strides = array<i32>} : memref<16x1024xf32, #tpu.memory_space<vmem>>, vector<1x16xf32>,
      %get3A_254 = vector.shape_cast %get3A_253 : vector<1x16xf32> to vector<16xf32>
      %mul3A_255 = vector.broadcast %squeeze3A_249 : f32 to vector<16xf32>
      %mul3A_256 = arith.mulf %mul3A_255, %get3A_254 : vector<16xf32>
      %slice3A_257 = vector.extract_strided_slice %get3A_72 {offsets = [3], sizes = [1], strides = [1]} : vector<16xf32> to vector<1xf32>
      %squeeze3A_258 = vector.extract %slice3A_257[0] : f32 from vector<1xf32>
      %get3A_259 = arith.constant 3 : i32
      %get3A_260 = arith.index_cast %get3A_259 : i32 to index
      %get3A_261 = arith.index_cast %mul3A_175 : i32 to index
      %get3A_262 = tpu.vector_load %arg15[%get3A_260, %get3A_261] {strides = array<i32>} : memref<16x1024xf32, #tpu.memory_space<vmem>>, vector<1x16xf32>,
      %get3A_263 = vector.shape_cast %get3A_262 : vector<1x16xf32> to vector<16xf32>
      %mul3A_264 = vector.broadcast %squeeze3A_258 : f32 to vector<16xf32>
      %mul3A_265 = arith.mulf %mul3A_264, %get3A_263 : vector<16xf32>
      %add3A_266 = arith.addf %mul3A_256, %mul3A_265 : vector<16xf32>
      %swap3A_267 = arith.constant 3 : i32
      %swap3A_268 = arith.index_cast %swap3A_267 : i32 to index
      %swap3A_269 = arith.index_cast %mul3A_175 : i32 to index
      %swap3A_270 = tpu.vector_load %arg17[%swap3A_268, %swap3A_269] {strides = array<i32>} : memref<16x1024xf32, #tpu.memory_space<vmem>>, vector<1x16xf32>,
      %swap3A_271 = vector.shape_cast %swap3A_270 : vector<1x16xf32> to vector<16xf32>
      %swap3A_272 = vector.shape_cast %add3A_266 : vector<16xf32> to vector<1x16xf32>
      tpu.vector_store %arg17[%swap3A_268, %swap3A_269], %swap3A_272 {strides = array<i32>} : memref<16x1024xf32, #tpu.memory_space<vmem>>, vector<1x16xf32>,
      %slice3A_273 = vector.extract_strided_slice %get3A_69 {offsets = [4], sizes = [1], strides = [1]} : vector<16xf32> to vector<1xf32>
      %squeeze3A_274 = vector.extract %slice3A_273[0] : f32 from vector<1xf32>
      %get3A_275 = arith.constant 4 : i32
      %get3A_276 = arith.index_cast %get3A_275 : i32 to index
      %get3A_277 = arith.index_cast %mul3A_175 : i32 to index
      %get3A_278 = tpu.vector_load %arg14[%get3A_276, %get3A_277] {strides = array<i32>} : memref<16x1024xf32, #tpu.memory_space<vmem>>, vector<1x16xf32>,
      %get3A_279 = vector.shape_cast %get3A_278 : vector<1x16xf32> to vector<16xf32>
      %mul3A_280 = vector.broadcast %squeeze3A_274 : f32 to vector<16xf32>
      %mul3A_281 = arith.mulf %mul3A_280, %get3A_279 : vector<16xf32>
      %slice3A_282 = vector.extract_strided_slice %get3A_72 {offsets = [4], sizes = [1], strides = [1]} : vector<16xf32> to vector<1xf32>
      %squeeze3A_283 = vector.extract %slice3A_282[0] : f32 from vector<1xf32>
      %get3A_284 = arith.constant 4 : i32
      %get3A_285 = arith.index_cast %get3A_284 : i32 to index
      %get3A_286 = arith.index_cast %mul3A_175 : i32 to index
      %get3A_287 = tpu.vector_load %arg15[%get3A_285, %get3A_286] {strides = array<i32>} : memref<16x1024xf32, #tpu.memory_space<vmem>>, vector<1x16xf32>,
      %get3A_288 = vector.shape_cast %get3A_287 : vector<1x16xf32> to vector<16xf32>
      %mul3A_289 = vector.broadcast %squeeze3A_283 : f32 to vector<16xf32>
      %mul3A_290 = arith.mulf %mul3A_289, %get3A_288 : vector<16xf32>
      %add3A_291 = arith.addf %mul3A_281, %mul3A_290 : vector<16xf32>
      %swap3A_292 = arith.constant 4 : i32
      %swap3A_293 = arith.index_cast %swap3A_292 : i32 to index
      %swap3A_294 = arith.index_cast %mul3A_175 : i32 to index
      %swap3A_295 = tpu.vector_load %arg17[%swap3A_293, %swap3A_294] {strides = array<i32>} : memref<16x1024xf32, #tpu.memory_space<vmem>>, vector<1x16xf32>,
      %swap3A_296 = vector.shape_cast %swap3A_295 : vector<1x16xf32> to vector<16xf32>
      %swap3A_297 = vector.shape_cast %add3A_291 : vector<16xf32> to vector<1x16xf32>
      tpu.vector_store %arg17[%swap3A_293, %swap3A_294], %swap3A_297 {strides = array<i32>} : memref<16x1024xf32, #tpu.memory_space<vmem>>, vector<1x16xf32>,
      %slice3A_298 = vector.extract_strided_slice %get3A_69 {offsets = [5], sizes = [1], strides = [1]} : vector<16xf32> to vector<1xf32>
      %squeeze3A_299 = vector.extract %slice3A_298[0] : f32 from vector<1xf32>
      %get3A_300 = arith.constant 5 : i32
      %get3A_301 = arith.index_cast %get3A_300 : i32 to index
      %get3A_302 = arith.index_cast %mul3A_175 : i32 to index
      %get3A_303 = tpu.vector_load %arg14[%get3A_301, %get3A_302] {strides = array<i32>} : memref<16x1024xf32, #tpu.memory_space<vmem>>, vector<1x16xf32>,
      %get3A_304 = vector.shape_cast %get3A_303 : vector<1x16xf32> to vector<16xf32>
      %mul3A_305 = vector.broadcast %squeeze3A_299 : f32 to vector<16xf32>
      %mul3A_306 = arith.mulf %mul3A_305, %get3A_304 : vector<16xf32>
      %slice3A_307 = vector.extract_strided_slice %get3A_72 {offsets = [5], sizes = [1], strides = [1]} : vector<16xf32> to vector<1xf32>
      %squeeze3A_308 = vector.extract %slice3A_307[0] : f32 from vector<1xf32>
      %get3A_309 = arith.constant 5 : i32
      %get3A_310 = arith.index_cast %get3A_309 : i32 to index
      %get3A_311 = arith.index_cast %mul3A_175 : i32 to index
      %get3A_312 = tpu.vector_load %arg15[%get3A_310, %get3A_311] {strides = array<i32>} : memref<16x1024xf32, #tpu.memory_space<vmem>>, vector<1x16xf32>,
      %get3A_313 = vector.shape_cast %get3A_312 : vector<1x16xf32> to vector<16xf32>
      %mul3A_314 = vector.broadcast %squeeze3A_308 : f32 to vector<16xf32>
      %mul3A_315 = arith.mulf %mul3A_314, %get3A_313 : vector<16xf32>
      %add3A_316 = arith.addf %mul3A_306, %mul3A_315 : vector<16xf32>
      %swap3A_317 = arith.constant 5 : i32
      %swap3A_318 = arith.index_cast %swap3A_317 : i32 to index
      %swap3A_319 = arith.index_cast %mul3A_175 : i32 to index
      %swap3A_320 = tpu.vector_load %arg17[%swap3A_318, %swap3A_319] {strides = array<i32>} : memref<16x1024xf32, #tpu.memory_space<vmem>>, vector<1x16xf32>,
      %swap3A_321 = vector.shape_cast %swap3A_320 : vector<1x16xf32> to vector<16xf32>
      %swap3A_322 = vector.shape_cast %add3A_316 : vector<16xf32> to vector<1x16xf32>
      tpu.vector_store %arg17[%swap3A_318, %swap3A_319], %swap3A_322 {strides = array<i32>} : memref<16x1024xf32, #tpu.memory_space<vmem>>, vector<1x16xf32>,
      %slice3A_323 = vector.extract_strided_slice %get3A_69 {offsets = [6], sizes = [1], strides = [1]} : vector<16xf32> to vector<1xf32>
      %squeeze3A_324 = vector.extract %slice3A_323[0] : f32 from vector<1xf32>
      %get3A_325 = arith.constant 6 : i32
      %get3A_326 = arith.index_cast %get3A_325 : i32 to index
      %get3A_327 = arith.index_cast %mul3A_175 : i32 to index
      %get3A_328 = tpu.vector_load %arg14[%get3A_326, %get3A_327] {strides = array<i32>} : memref<16x1024xf32, #tpu.memory_space<vmem>>, vector<1x16xf32>,
      %get3A_329 = vector.shape_cast %get3A_328 : vector<1x16xf32> to vector<16xf32>
      %mul3A_330 = vector.broadcast %squeeze3A_324 : f32 to vector<16xf32>
      %mul3A_331 = arith.mulf %mul3A_330, %get3A_329 : vector<16xf32>
      %slice3A_332 = vector.extract_strided_slice %get3A_72 {offsets = [6], sizes = [1], strides = [1]} : vector<16xf32> to vector<1xf32>
      %squeeze3A_333 = vector.extract %slice3A_332[0] : f32 from vector<1xf32>
      %get3A_334 = arith.constant 6 : i32
      %get3A_335 = arith.index_cast %get3A_334 : i32 to index
      %get3A_336 = arith.index_cast %mul3A_175 : i32 to index
      %get3A_337 = tpu.vector_load %arg15[%get3A_335, %get3A_336] {strides = array<i32>} : memref<16x1024xf32, #tpu.memory_space<vmem>>, vector<1x16xf32>,
      %get3A_338 = vector.shape_cast %get3A_337 : vector<1x16xf32> to vector<16xf32>
      %mul3A_339 = vector.broadcast %squeeze3A_333 : f32 to vector<16xf32>
      %mul3A_340 = arith.mulf %mul3A_339, %get3A_338 : vector<16xf32>
      %add3A_341 = arith.addf %mul3A_331, %mul3A_340 : vector<16xf32>
      %swap3A_342 = arith.constant 6 : i32
      %swap3A_343 = arith.index_cast %swap3A_342 : i32 to index
      %swap3A_344 = arith.index_cast %mul3A_175 : i32 to index
      %swap3A_345 = tpu.vector_load %arg17[%swap3A_343, %swap3A_344] {strides = array<i32>} : memref<16x1024xf32, #tpu.memory_space<vmem>>, vector<1x16xf32>,
      %swap3A_346 = vector.shape_cast %swap3A_345 : vector<1x16xf32> to vector<16xf32>
      %swap3A_347 = vector.shape_cast %add3A_341 : vector<16xf32> to vector<1x16xf32>
      tpu.vector_store %arg17[%swap3A_343, %swap3A_344], %swap3A_347 {strides = array<i32>} : memref<16x1024xf32, #tpu.memory_space<vmem>>, vector<1x16xf32>,
      %slice3A_348 = vector.extract_strided_slice %get3A_69 {offsets = [7], sizes = [1], strides = [1]} : vector<16xf32> to vector<1xf32>
      %squeeze3A_349 = vector.extract %slice3A_348[0] : f32 from vector<1xf32>
      %get3A_350 = arith.constant 7 : i32
      %get3A_351 = arith.index_cast %get3A_350 : i32 to index
      %get3A_352 = arith.index_cast %mul3A_175 : i32 to index
      %get3A_353 = tpu.vector_load %arg14[%get3A_351, %get3A_352] {strides = array<i32>} : memref<16x1024xf32, #tpu.memory_space<vmem>>, vector<1x16xf32>,
      %get3A_354 = vector.shape_cast %get3A_353 : vector<1x16xf32> to vector<16xf32>
      %mul3A_355 = vector.broadcast %squeeze3A_349 : f32 to vector<16xf32>
      %mul3A_356 = arith.mulf %mul3A_355, %get3A_354 : vector<16xf32>
      %slice3A_357 = vector.extract_strided_slice %get3A_72 {offsets = [7], sizes = [1], strides = [1]} : vector<16xf32> to vector<1xf32>
      %squeeze3A_358 = vector.extract %slice3A_357[0] : f32 from vector<1xf32>
      %get3A_359 = arith.constant 7 : i32
      %get3A_360 = arith.index_cast %get3A_359 : i32 to index
      %get3A_361 = arith.index_cast %mul3A_175 : i32 to index
      %get3A_362 = tpu.vector_load %arg15[%get3A_360, %get3A_361] {strides = array<i32>} : memref<16x1024xf32, #tpu.memory_space<vmem>>, vector<1x16xf32>,
      %get3A_363 = vector.shape_cast %get3A_362 : vector<1x16xf32> to vector<16xf32>
      %mul3A_364 = vector.broadcast %squeeze3A_358 : f32 to vector<16xf32>
      %mul3A_365 = arith.mulf %mul3A_364, %get3A_363 : vector<16xf32>
      %add3A_366 = arith.addf %mul3A_356, %mul3A_365 : vector<16xf32>
      %swap3A_367 = arith.constant 7 : i32
      %swap3A_368 = arith.index_cast %swap3A_367 : i32 to index
      %swap3A_369 = arith.index_cast %mul3A_175 : i32 to index
      %swap3A_370 = tpu.vector_load %arg17[%swap3A_368, %swap3A_369] {strides = array<i32>} : memref<16x1024xf32, #tpu.memory_space<vmem>>, vector<1x16xf32>,
      %swap3A_371 = vector.shape_cast %swap3A_370 : vector<1x16xf32> to vector<16xf32>
      %swap3A_372 = vector.shape_cast %add3A_366 : vector<16xf32> to vector<1x16xf32>
      tpu.vector_store %arg17[%swap3A_368, %swap3A_369], %swap3A_372 {strides = array<i32>} : memref<16x1024xf32, #tpu.memory_space<vmem>>, vector<1x16xf32>,
      %slice3A_373 = vector.extract_strided_slice %get3A_69 {offsets = [8], sizes = [1], strides = [1]} : vector<16xf32> to vector<1xf32>
      %squeeze3A_374 = vector.extract %slice3A_373[0] : f32 from vector<1xf32>
      %get3A_375 = arith.constant 8 : i32
      %get3A_376 = arith.index_cast %get3A_375 : i32 to index
      %get3A_377 = arith.index_cast %mul3A_175 : i32 to index
      %get3A_378 = tpu.vector_load %arg14[%get3A_376, %get3A_377] {strides = array<i32>} : memref<16x1024xf32, #tpu.memory_space<vmem>>, vector<1x16xf32>,
      %get3A_379 = vector.shape_cast %get3A_378 : vector<1x16xf32> to vector<16xf32>
      %mul3A_380 = vector.broadcast %squeeze3A_374 : f32 to vector<16xf32>
      %mul3A_381 = arith.mulf %mul3A_380, %get3A_379 : vector<16xf32>
      %slice3A_382 = vector.extract_strided_slice %get3A_72 {offsets = [8], sizes = [1], strides = [1]} : vector<16xf32> to vector<1xf32>
      %squeeze3A_383 = vector.extract %slice3A_382[0] : f32 from vector<1xf32>
      %get3A_384 = arith.constant 8 : i32
      %get3A_385 = arith.index_cast %get3A_384 : i32 to index
      %get3A_386 = arith.index_cast %mul3A_175 : i32 to index
      %get3A_387 = tpu.vector_load %arg15[%get3A_385, %get3A_386] {strides = array<i32>} : memref<16x1024xf32, #tpu.memory_space<vmem>>, vector<1x16xf32>,
      %get3A_388 = vector.shape_cast %get3A_387 : vector<1x16xf32> to vector<16xf32>
      %mul3A_389 = vector.broadcast %squeeze3A_383 : f32 to vector<16xf32>
      %mul3A_390 = arith.mulf %mul3A_389, %get3A_388 : vector<16xf32>
      %add3A_391 = arith.addf %mul3A_381, %mul3A_390 : vector<16xf32>
      %swap3A_392 = arith.constant 8 : i32
      %swap3A_393 = arith.index_cast %swap3A_392 : i32 to index
      %swap3A_394 = arith.index_cast %mul3A_175 : i32 to index
      %swap3A_395 = tpu.vector_load %arg17[%swap3A_393, %swap3A_394] {strides = array<i32>} : memref<16x1024xf32, #tpu.memory_space<vmem>>, vector<1x16xf32>,
      %swap3A_396 = vector.shape_cast %swap3A_395 : vector<1x16xf32> to vector<16xf32>
      %swap3A_397 = vector.shape_cast %add3A_391 : vector<16xf32> to vector<1x16xf32>
      tpu.vector_store %arg17[%swap3A_393, %swap3A_394], %swap3A_397 {strides = array<i32>} : memref<16x1024xf32, #tpu.memory_space<vmem>>, vector<1x16xf32>,
      %slice3A_398 = vector.extract_strided_slice %get3A_69 {offsets = [9], sizes = [1], strides = [1]} : vector<16xf32> to vector<1xf32>
      %squeeze3A_399 = vector.extract %slice3A_398[0] : f32 from vector<1xf32>
      %get3A_400 = arith.constant 9 : i32
      %get3A_401 = arith.index_cast %get3A_400 : i32 to index
      %get3A_402 = arith.index_cast %mul3A_175 : i32 to index
      %get3A_403 = tpu.vector_load %arg14[%get3A_401, %get3A_402] {strides = array<i32>} : memref<16x1024xf32, #tpu.memory_space<vmem>>, vector<1x16xf32>,
      %get3A_404 = vector.shape_cast %get3A_403 : vector<1x16xf32> to vector<16xf32>
      %mul3A_405 = vector.broadcast %squeeze3A_399 : f32 to vector<16xf32>
      %mul3A_406 = arith.mulf %mul3A_405, %get3A_404 : vector<16xf32>
      %slice3A_407 = vector.extract_strided_slice %get3A_72 {offsets = [9], sizes = [1], strides = [1]} : vector<16xf32> to vector<1xf32>
      %squeeze3A_408 = vector.extract %slice3A_407[0] : f32 from vector<1xf32>
      %get3A_409 = arith.constant 9 : i32
      %get3A_410 = arith.index_cast %get3A_409 : i32 to index
      %get3A_411 = arith.index_cast %mul3A_175 : i32 to index
      %get3A_412 = tpu.vector_load %arg15[%get3A_410, %get3A_411] {strides = array<i32>} : memref<16x1024xf32, #tpu.memory_space<vmem>>, vector<1x16xf32>,
      %get3A_413 = vector.shape_cast %get3A_412 : vector<1x16xf32> to vector<16xf32>
      %mul3A_414 = vector.broadcast %squeeze3A_408 : f32 to vector<16xf32>
      %mul3A_415 = arith.mulf %mul3A_414, %get3A_413 : vector<16xf32>
      %add3A_416 = arith.addf %mul3A_406, %mul3A_415 : vector<16xf32>
      %swap3A_417 = arith.constant 9 : i32
      %swap3A_418 = arith.index_cast %swap3A_417 : i32 to index
      %swap3A_419 = arith.index_cast %mul3A_175 : i32 to index
      %swap3A_420 = tpu.vector_load %arg17[%swap3A_418, %swap3A_419] {strides = array<i32>} : memref<16x1024xf32, #tpu.memory_space<vmem>>, vector<1x16xf32>,
      %swap3A_421 = vector.shape_cast %swap3A_420 : vector<1x16xf32> to vector<16xf32>
      %swap3A_422 = vector.shape_cast %add3A_416 : vector<16xf32> to vector<1x16xf32>
      tpu.vector_store %arg17[%swap3A_418, %swap3A_419], %swap3A_422 {strides = array<i32>} : memref<16x1024xf32, #tpu.memory_space<vmem>>, vector<1x16xf32>,
      %slice3A_423 = vector.extract_strided_slice %get3A_69 {offsets = [10], sizes = [1], strides = [1]} : vector<16xf32> to vector<1xf32>
      %squeeze3A_424 = vector.extract %slice3A_423[0] : f32 from vector<1xf32>
      %get3A_425 = arith.constant 10 : i32
      %get3A_426 = arith.index_cast %get3A_425 : i32 to index
      %get3A_427 = arith.index_cast %mul3A_175 : i32 to index
      %get3A_428 = tpu.vector_load %arg14[%get3A_426, %get3A_427] {strides = array<i32>} : memref<16x1024xf32, #tpu.memory_space<vmem>>, vector<1x16xf32>,
      %get3A_429 = vector.shape_cast %get3A_428 : vector<1x16xf32> to vector<16xf32>
      %mul3A_430 = vector.broadcast %squeeze3A_424 : f32 to vector<16xf32>
      %mul3A_431 = arith.mulf %mul3A_430, %get3A_429 : vector<16xf32>
      %slice3A_432 = vector.extract_strided_slice %get3A_72 {offsets = [10], sizes = [1], strides = [1]} : vector<16xf32> to vector<1xf32>
      %squeeze3A_433 = vector.extract %slice3A_432[0] : f32 from vector<1xf32>
      %get3A_434 = arith.constant 10 : i32
      %get3A_435 = arith.index_cast %get3A_434 : i32 to index
      %get3A_436 = arith.index_cast %mul3A_175 : i32 to index
      %get3A_437 = tpu.vector_load %arg15[%get3A_435, %get3A_436] {strides = array<i32>} : memref<16x1024xf32, #tpu.memory_space<vmem>>, vector<1x16xf32>,
      %get3A_438 = vector.shape_cast %get3A_437 : vector<1x16xf32> to vector<16xf32>
      %mul3A_439 = vector.broadcast %squeeze3A_433 : f32 to vector<16xf32>
      %mul3A_440 = arith.mulf %mul3A_439, %get3A_438 : vector<16xf32>
      %add3A_441 = arith.addf %mul3A_431, %mul3A_440 : vector<16xf32>
      %swap3A_442 = arith.constant 10 : i32
      %swap3A_443 = arith.index_cast %swap3A_442 : i32 to index
      %swap3A_444 = arith.index_cast %mul3A_175 : i32 to index
      %swap3A_445 = tpu.vector_load %arg17[%swap3A_443, %swap3A_444] {strides = array<i32>} : memref<16x1024xf32, #tpu.memory_space<vmem>>, vector<1x16xf32>,
      %swap3A_446 = vector.shape_cast %swap3A_445 : vector<1x16xf32> to vector<16xf32>
      %swap3A_447 = vector.shape_cast %add3A_441 : vector<16xf32> to vector<1x16xf32>
      tpu.vector_store %arg17[%swap3A_443, %swap3A_444], %swap3A_447 {strides = array<i32>} : memref<16x1024xf32, #tpu.memory_space<vmem>>, vector<1x16xf32>,
      %slice3A_448 = vector.extract_strided_slice %get3A_69 {offsets = [11], sizes = [1], strides = [1]} : vector<16xf32> to vector<1xf32>
      %squeeze3A_449 = vector.extract %slice3A_448[0] : f32 from vector<1xf32>
      %get3A_450 = arith.constant 11 : i32
      %get3A_451 = arith.index_cast %get3A_450 : i32 to index
      %get3A_452 = arith.index_cast %mul3A_175 : i32 to index
      %get3A_453 = tpu.vector_load %arg14[%get3A_451, %get3A_452] {strides = array<i32>} : memref<16x1024xf32, #tpu.memory_space<vmem>>, vector<1x16xf32>,
      %get3A_454 = vector.shape_cast %get3A_453 : vector<1x16xf32> to vector<16xf32>
      %mul3A_455 = vector.broadcast %squeeze3A_449 : f32 to vector<16xf32>
      %mul3A_456 = arith.mulf %mul3A_455, %get3A_454 : vector<16xf32>
      %slice3A_457 = vector.extract_strided_slice %get3A_72 {offsets = [11], sizes = [1], strides = [1]} : vector<16xf32> to vector<1xf32>
      %squeeze3A_458 = vector.extract %slice3A_457[0] : f32 from vector<1xf32>
      %get3A_459 = arith.constant 11 : i32
      %get3A_460 = arith.index_cast %get3A_459 : i32 to index
      %get3A_461 = arith.index_cast %mul3A_175 : i32 to index
      %get3A_462 = tpu.vector_load %arg15[%get3A_460, %get3A_461] {strides = array<i32>} : memref<16x1024xf32, #tpu.memory_space<vmem>>, vector<1x16xf32>,
      %get3A_463 = vector.shape_cast %get3A_462 : vector<1x16xf32> to vector<16xf32>
      %mul3A_464 = vector.broadcast %squeeze3A_458 : f32 to vector<16xf32>
      %mul3A_465 = arith.mulf %mul3A_464, %get3A_463 : vector<16xf32>
      %add3A_466 = arith.addf %mul3A_456, %mul3A_465 : vector<16xf32>
      %swap3A_467 = arith.constant 11 : i32
      %swap3A_468 = arith.index_cast %swap3A_467 : i32 to index
      %swap3A_469 = arith.index_cast %mul3A_175 : i32 to index
      %swap3A_470 = tpu.vector_load %arg17[%swap3A_468, %swap3A_469] {strides = array<i32>} : memref<16x1024xf32, #tpu.memory_space<vmem>>, vector<1x16xf32>,
      %swap3A_471 = vector.shape_cast %swap3A_470 : vector<1x16xf32> to vector<16xf32>
      %swap3A_472 = vector.shape_cast %add3A_466 : vector<16xf32> to vector<1x16xf32>
      tpu.vector_store %arg17[%swap3A_468, %swap3A_469], %swap3A_472 {strides = array<i32>} : memref<16x1024xf32, #tpu.memory_space<vmem>>, vector<1x16xf32>,
      %slice3A_473 = vector.extract_strided_slice %get3A_69 {offsets = [12], sizes = [1], strides = [1]} : vector<16xf32> to vector<1xf32>
      %squeeze3A_474 = vector.extract %slice3A_473[0] : f32 from vector<1xf32>
      %get3A_475 = arith.constant 12 : i32
      %get3A_476 = arith.index_cast %get3A_475 : i32 to index
      %get3A_477 = arith.index_cast %mul3A_175 : i32 to index
      %get3A_478 = tpu.vector_load %arg14[%get3A_476, %get3A_477] {strides = array<i32>} : memref<16x1024xf32, #tpu.memory_space<vmem>>, vector<1x16xf32>,
      %get3A_479 = vector.shape_cast %get3A_478 : vector<1x16xf32> to vector<16xf32>
      %mul3A_480 = vector.broadcast %squeeze3A_474 : f32 to vector<16xf32>
      %mul3A_481 = arith.mulf %mul3A_480, %get3A_479 : vector<16xf32>
      %slice3A_482 = vector.extract_strided_slice %get3A_72 {offsets = [12], sizes = [1], strides = [1]} : vector<16xf32> to vector<1xf32>
      %squeeze3A_483 = vector.extract %slice3A_482[0] : f32 from vector<1xf32>
      %get3A_484 = arith.constant 12 : i32
      %get3A_485 = arith.index_cast %get3A_484 : i32 to index
      %get3A_486 = arith.index_cast %mul3A_175 : i32 to index
      %get3A_487 = tpu.vector_load %arg15[%get3A_485, %get3A_486] {strides = array<i32>} : memref<16x1024xf32, #tpu.memory_space<vmem>>, vector<1x16xf32>,
      %get3A_488 = vector.shape_cast %get3A_487 : vector<1x16xf32> to vector<16xf32>
      %mul3A_489 = vector.broadcast %squeeze3A_483 : f32 to vector<16xf32>
      %mul3A_490 = arith.mulf %mul3A_489, %get3A_488 : vector<16xf32>
      %add3A_491 = arith.addf %mul3A_481, %mul3A_490 : vector<16xf32>
      %swap3A_492 = arith.constant 12 : i32
      %swap3A_493 = arith.index_cast %swap3A_492 : i32 to index
      %swap3A_494 = arith.index_cast %mul3A_175 : i32 to index
      %swap3A_495 = tpu.vector_load %arg17[%swap3A_493, %swap3A_494] {strides = array<i32>} : memref<16x1024xf32, #tpu.memory_space<vmem>>, vector<1x16xf32>,
      %swap3A_496 = vector.shape_cast %swap3A_495 : vector<1x16xf32> to vector<16xf32>
      %swap3A_497 = vector.shape_cast %add3A_491 : vector<16xf32> to vector<1x16xf32>
      tpu.vector_store %arg17[%swap3A_493, %swap3A_494], %swap3A_497 {strides = array<i32>} : memref<16x1024xf32, #tpu.memory_space<vmem>>, vector<1x16xf32>,
      %slice3A_498 = vector.extract_strided_slice %get3A_69 {offsets = [13], sizes = [1], strides = [1]} : vector<16xf32> to vector<1xf32>
      %squeeze3A_499 = vector.extract %slice3A_498[0] : f32 from vector<1xf32>
      %get3A_500 = arith.constant 13 : i32
      %get3A_501 = arith.index_cast %get3A_500 : i32 to index
      %get3A_502 = arith.index_cast %mul3A_175 : i32 to index
      %get3A_503 = tpu.vector_load %arg14[%get3A_501, %get3A_502] {strides = array<i32>} : memref<16x1024xf32, #tpu.memory_space<vmem>>, vector<1x16xf32>,
      %get3A_504 = vector.shape_cast %get3A_503 : vector<1x16xf32> to vector<16xf32>
      %mul3A_505 = vector.broadcast %squeeze3A_499 : f32 to vector<16xf32>
      %mul3A_506 = arith.mulf %mul3A_505, %get3A_504 : vector<16xf32>
      %slice3A_507 = vector.extract_strided_slice %get3A_72 {offsets = [13], sizes = [1], strides = [1]} : vector<16xf32> to vector<1xf32>
      %squeeze3A_508 = vector.extract %slice3A_507[0] : f32 from vector<1xf32>
      %get3A_509 = arith.constant 13 : i32
      %get3A_510 = arith.index_cast %get3A_509 : i32 to index
      %get3A_511 = arith.index_cast %mul3A_175 : i32 to index
      %get3A_512 = tpu.vector_load %arg15[%get3A_510, %get3A_511] {strides = array<i32>} : memref<16x1024xf32, #tpu.memory_space<vmem>>, vector<1x16xf32>,
      %get3A_513 = vector.shape_cast %get3A_512 : vector<1x16xf32> to vector<16xf32>
      %mul3A_514 = vector.broadcast %squeeze3A_508 : f32 to vector<16xf32>
      %mul3A_515 = arith.mulf %mul3A_514, %get3A_513 : vector<16xf32>
      %add3A_516 = arith.addf %mul3A_506, %mul3A_515 : vector<16xf32>
      %swap3A_517 = arith.constant 13 : i32
      %swap3A_518 = arith.index_cast %swap3A_517 : i32 to index
      %swap3A_519 = arith.index_cast %mul3A_175 : i32 to index
      %swap3A_520 = tpu.vector_load %arg17[%swap3A_518, %swap3A_519] {strides = array<i32>} : memref<16x1024xf32, #tpu.memory_space<vmem>>, vector<1x16xf32>,
      %swap3A_521 = vector.shape_cast %swap3A_520 : vector<1x16xf32> to vector<16xf32>
      %swap3A_522 = vector.shape_cast %add3A_516 : vector<16xf32> to vector<1x16xf32>
      tpu.vector_store %arg17[%swap3A_518, %swap3A_519], %swap3A_522 {strides = array<i32>} : memref<16x1024xf32, #tpu.memory_space<vmem>>, vector<1x16xf32>,
      %slice3A_523 = vector.extract_strided_slice %get3A_69 {offsets = [14], sizes = [1], strides = [1]} : vector<16xf32> to vector<1xf32>
      %squeeze3A_524 = vector.extract %slice3A_523[0] : f32 from vector<1xf32>
      %get3A_525 = arith.constant 14 : i32
      %get3A_526 = arith.index_cast %get3A_525 : i32 to index
      %get3A_527 = arith.index_cast %mul3A_175 : i32 to index
      %get3A_528 = tpu.vector_load %arg14[%get3A_526, %get3A_527] {strides = array<i32>} : memref<16x1024xf32, #tpu.memory_space<vmem>>, vector<1x16xf32>,
      %get3A_529 = vector.shape_cast %get3A_528 : vector<1x16xf32> to vector<16xf32>
      %mul3A_530 = vector.broadcast %squeeze3A_524 : f32 to vector<16xf32>
      %mul3A_531 = arith.mulf %mul3A_530, %get3A_529 : vector<16xf32>
      %slice3A_532 = vector.extract_strided_slice %get3A_72 {offsets = [14], sizes = [1], strides = [1]} : vector<16xf32> to vector<1xf32>
      %squeeze3A_533 = vector.extract %slice3A_532[0] : f32 from vector<1xf32>
      %get3A_534 = arith.constant 14 : i32
      %get3A_535 = arith.index_cast %get3A_534 : i32 to index
      %get3A_536 = arith.index_cast %mul3A_175 : i32 to index
      %get3A_537 = tpu.vector_load %arg15[%get3A_535, %get3A_536] {strides = array<i32>} : memref<16x1024xf32, #tpu.memory_space<vmem>>, vector<1x16xf32>,
      %get3A_538 = vector.shape_cast %get3A_537 : vector<1x16xf32> to vector<16xf32>
      %mul3A_539 = vector.broadcast %squeeze3A_533 : f32 to vector<16xf32>
      %mul3A_540 = arith.mulf %mul3A_539, %get3A_538 : vector<16xf32>
      %add3A_541 = arith.addf %mul3A_531, %mul3A_540 : vector<16xf32>
      %swap3A_542 = arith.constant 14 : i32
      %swap3A_543 = arith.index_cast %swap3A_542 : i32 to index
      %swap3A_544 = arith.index_cast %mul3A_175 : i32 to index
      %swap3A_545 = tpu.vector_load %arg17[%swap3A_543, %swap3A_544] {strides = array<i32>} : memref<16x1024xf32, #tpu.memory_space<vmem>>, vector<1x16xf32>,
      %swap3A_546 = vector.shape_cast %swap3A_545 : vector<1x16xf32> to vector<16xf32>
      %swap3A_547 = vector.shape_cast %add3A_541 : vector<16xf32> to vector<1x16xf32>
      tpu.vector_store %arg17[%swap3A_543, %swap3A_544], %swap3A_547 {strides = array<i32>} : memref<16x1024xf32, #tpu.memory_space<vmem>>, vector<1x16xf32>,
      %slice3A_548 = vector.extract_strided_slice %get3A_69 {offsets = [15], sizes = [1], strides = [1]} : vector<16xf32> to vector<1xf32>
      %squeeze3A_549 = vector.extract %slice3A_548[0] : f32 from vector<1xf32>
      %get3A_550 = arith.constant 15 : i32
      %get3A_551 = arith.index_cast %get3A_550 : i32 to index
      %get3A_552 = arith.index_cast %mul3A_175 : i32 to index
      %get3A_553 = tpu.vector_load %arg14[%get3A_551, %get3A_552] {strides = array<i32>} : memref<16x1024xf32, #tpu.memory_space<vmem>>, vector<1x16xf32>,
      %get3A_554 = vector.shape_cast %get3A_553 : vector<1x16xf32> to vector<16xf32>
      %mul3A_555 = vector.broadcast %squeeze3A_549 : f32 to vector<16xf32>
      %mul3A_556 = arith.mulf %mul3A_555, %get3A_554 : vector<16xf32>
      %slice3A_557 = vector.extract_strided_slice %get3A_72 {offsets = [15], sizes = [1], strides = [1]} : vector<16xf32> to vector<1xf32>
      %squeeze3A_558 = vector.extract %slice3A_557[0] : f32 from vector<1xf32>
      %get3A_559 = arith.constant 15 : i32
      %get3A_560 = arith.index_cast %get3A_559 : i32 to index
      %get3A_561 = arith.index_cast %mul3A_175 : i32 to index
      %get3A_562 = tpu.vector_load %arg15[%get3A_560, %get3A_561] {strides = array<i32>} : memref<16x1024xf32, #tpu.memory_space<vmem>>, vector<1x16xf32>,
      %get3A_563 = vector.shape_cast %get3A_562 : vector<1x16xf32> to vector<16xf32>
      %mul3A_564 = vector.broadcast %squeeze3A_558 : f32 to vector<16xf32>
      %mul3A_565 = arith.mulf %mul3A_564, %get3A_563 : vector<16xf32>
      %add3A_566 = arith.addf %mul3A_556, %mul3A_565 : vector<16xf32>
      %swap3A_567 = arith.constant 15 : i32
      %swap3A_568 = arith.index_cast %swap3A_567 : i32 to index
      %swap3A_569 = arith.index_cast %mul3A_175 : i32 to index
      %swap3A_570 = tpu.vector_load %arg17[%swap3A_568, %swap3A_569] {strides = array<i32>} : memref<16x1024xf32, #tpu.memory_space<vmem>>, vector<1x16xf32>,
      %swap3A_571 = vector.shape_cast %swap3A_570 : vector<1x16xf32> to vector<16xf32>
      %swap3A_572 = vector.shape_cast %add3A_566 : vector<16xf32> to vector<1x16xf32>
      tpu.vector_store %arg17[%swap3A_568, %swap3A_569], %swap3A_572 {strides = array<i32>} : memref<16x1024xf32, #tpu.memory_space<vmem>>, vector<1x16xf32>,
    }
    %scan3A_78 = arith.constant 64 : i32
    %mul3A_79 = arith.constant 64 : i32
    %mul3A_80 = arith.muli %add3A, %mul3A_79 : i32
    %add3A_81 = arith.constant 16 : i32
    %add3A_82 = arith.addi %mul3A_80, %add3A_81 : i32
    %dma_start3A_83 = arith.constant 0 : i32
    %dma_start3A_84 = tpu.memref_slice %arg7[%add3A_82, %dma_start3A_83] : memref<2048x1024xf32, #tpu.memory_space<hbm>> -> memref<16x1024xf32, #tpu.memory_space<hbm>>
    %dma_start3A_85 = arith.constant 0 : i32
    %dma_start3A_86 = tpu.memref_slice %arg7[%add3A_82, %dma_start3A_85] : memref<2048x1024xf32, #tpu.memory_space<hbm>> -> memref<16x1024xf32, #tpu.memory_space<hbm>>
    tpu.enqueue_dma source(%arg17 : memref<16x1024xf32, #tpu.memory_space<vmem>>) target(%dma_start3A_86 : memref<16x1024xf32, #tpu.memory_space<hbm>>) target_semaphore(%arg21 : memref<!tpu.dma_semaphore, #tpu.memory_space<semaphore_mem>>)
    %dma_start3A_87 = arith.constant 48 : i32
    %dma_start3A_88 = tpu.memref_slice %arg8[%dma_start3A_87] : memref<64xi32, #tpu.memory_space<vmem>> -> memref<16xi32, #tpu.memory_space<vmem>>
    %dma_start3A_89 = arith.constant 0 : i32
    %dma_start3A_90 = arith.constant 0 : i32
    %dma_start3A_91 = tpu.memref_slice %arg6[%dma_start3A_89, %dma_start3A_90] : memref<8192x1024xf32, #tpu.memory_space<hbm>> -> memref<8192x1024xf32, #tpu.memory_space<hbm>>
    tpu.enqueue_indirect_dma source(%dma_start3A_91 : memref<8192x1024xf32, #tpu.memory_space<hbm>>) target(%arg14 : memref<16x1024xf32, #tpu.memory_space<vmem>>) offsets(%dma_start3A_88 : memref<16xi32, #tpu.memory_space<vmem>>) semaphore(%arg19 : memref<!tpu.dma_semaphore, #tpu.memory_space<semaphore_mem>>)
    %dma_start3A_92 = arith.constant 48 : i32
    %dma_start3A_93 = tpu.memref_slice %arg9[%dma_start3A_92] : memref<64xi32, #tpu.memory_space<vmem>> -> memref<16xi32, #tpu.memory_space<vmem>>
    %dma_start3A_94 = arith.constant 0 : i32
    %dma_start3A_95 = arith.constant 0 : i32
    %dma_start3A_96 = tpu.memref_slice %arg6[%dma_start3A_94, %dma_start3A_95] : memref<8192x1024xf32, #tpu.memory_space<hbm>> -> memref<8192x1024xf32, #tpu.memory_space<hbm>>
    tpu.enqueue_indirect_dma source(%dma_start3A_96 : memref<8192x1024xf32, #tpu.memory_space<hbm>>) target(%arg15 : memref<16x1024xf32, #tpu.memory_space<vmem>>) offsets(%dma_start3A_93 : memref<16xi32, #tpu.memory_space<vmem>>) semaphore(%arg19 : memref<!tpu.dma_semaphore, #tpu.memory_space<semaphore_mem>>)
    %dma_wait3A_97 = arith.constant 32 : i32
    %dma_wait3A_98 = tpu.memref_slice %arg8[%dma_wait3A_97] : memref<64xi32, #tpu.memory_space<vmem>> -> memref<16xi32, #tpu.memory_space<vmem>>
    %dma_wait3A_99 = arith.constant 0 : i32
    %dma_wait3A_100 = arith.constant 0 : i32
    %dma_wait3A_101 = tpu.memref_slice %arg6[%dma_wait3A_99, %dma_wait3A_100] : memref<8192x1024xf32, #tpu.memory_space<hbm>> -> memref<8192x1024xf32, #tpu.memory_space<hbm>>
    tpu.wait_indirect_dma semaphore(%arg18 : memref<!tpu.dma_semaphore, #tpu.memory_space<semaphore_mem>>) src(%dma_wait3A_101 : memref<8192x1024xf32, #tpu.memory_space<hbm>>) dst(%arg12 : memref<16x1024xf32, #tpu.memory_space<vmem>>)
    %dma_wait3A_102 = arith.constant 32 : i32
    %dma_wait3A_103 = tpu.memref_slice %arg9[%dma_wait3A_102] : memref<64xi32, #tpu.memory_space<vmem>> -> memref<16xi32, #tpu.memory_space<vmem>>
    %dma_wait3A_104 = arith.constant 0 : i32
    %dma_wait3A_105 = arith.constant 0 : i32
    %dma_wait3A_106 = tpu.memref_slice %arg6[%dma_wait3A_104, %dma_wait3A_105] : memref<8192x1024xf32, #tpu.memory_space<hbm>> -> memref<8192x1024xf32, #tpu.memory_space<hbm>>
    tpu.wait_indirect_dma semaphore(%arg18 : memref<!tpu.dma_semaphore, #tpu.memory_space<semaphore_mem>>) src(%dma_wait3A_106 : memref<8192x1024xf32, #tpu.memory_space<hbm>>) dst(%arg13 : memref<16x1024xf32, #tpu.memory_space<vmem>>)
    %dma_wait3A_107 = arith.constant 0 : i32
    %dma_wait3A_108 = tpu.memref_slice %arg7[%add3A_42, %dma_wait3A_107] : memref<2048x1024xf32, #tpu.memory_space<hbm>> -> memref<16x1024xf32, #tpu.memory_space<hbm>>
    %dma_wait3A_109 = arith.constant 0 : i32
    %dma_wait3A_110 = tpu.memref_slice %arg7[%add3A_42, %dma_wait3A_109] : memref<2048x1024xf32, #tpu.memory_space<hbm>> -> memref<16x1024xf32, #tpu.memory_space<hbm>>
    tpu.wait_dma2 semaphore(%arg20 : memref<!tpu.dma_semaphore, #tpu.memory_space<semaphore_mem>>) src(%arg16 : memref<16x1024xf32, #tpu.memory_space<vmem>>) dst(%dma_wait3A_110 : memref<16x1024xf32, #tpu.memory_space<hbm>>)
    %get3A_111 = arith.constant 32 : index
    %get3A_112 = tpu.vector_load %arg10[%get3A_111] {strides = array<i32>} : memref<64xf32, #tpu.memory_space<vmem>>, vector<16xf32>,
    %get3A_113 = vector.shape_cast %get3A_112 : vector<16xf32> to vector<16xf32>
    %get3A_114 = arith.constant 32 : index
    %get3A_115 = tpu.vector_load %arg11[%get3A_114] {strides = array<i32>} : memref<64xf32, #tpu.memory_space<vmem>>, vector<16xf32>,
    %get3A_116 = vector.shape_cast %get3A_115 : vector<16xf32> to vector<16xf32>
    %scan3A_117 = arith.constant 0 : i32
    %scan3A_118 = arith.constant 0 : i32
    %scan3A_119 = arith.constant 64 : i32
    %scan3A_120 = arith.addi %scan3A_118, %scan3A_119 : i32
    %scan3A_121 = arith.constant 1 : i32
    scf.for %scan3A_173 = %scan3A_118 to %scan3A_120 step %scan3A_121  : i32 {
      %mul3A_174 = arith.constant 16 : i32
      %mul3A_175 = arith.muli %mul3A_174, %scan3A_173 : i32
      %slice3A = vector.extract_strided_slice %get3A_113 {offsets = [0], sizes = [1], strides = [1]} : vector<16xf32> to vector<1xf32>
      %squeeze3A = vector.extract %slice3A[0] : f32 from vector<1xf32>
      %get3A_176 = arith.constant 0 : i32
      %get3A_177 = arith.index_cast %get3A_176 : i32 to index
      %get3A_178 = arith.index_cast %mul3A_175 : i32 to index
      %get3A_179 = tpu.vector_load %arg12[%get3A_177, %get3A_178] {strides = array<i32>} : memref<16x1024xf32, #tpu.memory_space<vmem>>, vector<1x16xf32>,
      %get3A_180 = vector.shape_cast %get3A_179 : vector<1x16xf32> to vector<16xf32>
      %mul3A_181 = vector.broadcast %squeeze3A : f32 to vector<16xf32>
      %mul3A_182 = arith.mulf %mul3A_181, %get3A_180 : vector<16xf32>
      %slice3A_183 = vector.extract_strided_slice %get3A_116 {offsets = [0], sizes = [1], strides = [1]} : vector<16xf32> to vector<1xf32>
      %squeeze3A_184 = vector.extract %slice3A_183[0] : f32 from vector<1xf32>
      %get3A_185 = arith.constant 0 : i32
      %get3A_186 = arith.index_cast %get3A_185 : i32 to index
      %get3A_187 = arith.index_cast %mul3A_175 : i32 to index
      %get3A_188 = tpu.vector_load %arg13[%get3A_186, %get3A_187] {strides = array<i32>} : memref<16x1024xf32, #tpu.memory_space<vmem>>, vector<1x16xf32>,
      %get3A_189 = vector.shape_cast %get3A_188 : vector<1x16xf32> to vector<16xf32>
      %mul3A_190 = vector.broadcast %squeeze3A_184 : f32 to vector<16xf32>
      %mul3A_191 = arith.mulf %mul3A_190, %get3A_189 : vector<16xf32>
      %add3A_192 = arith.addf %mul3A_182, %mul3A_191 : vector<16xf32>
      %swap3A = arith.constant 0 : i32
      %swap3A_193 = arith.index_cast %swap3A : i32 to index
      %swap3A_194 = arith.index_cast %mul3A_175 : i32 to index
      %swap3A_195 = tpu.vector_load %arg16[%swap3A_193, %swap3A_194] {strides = array<i32>} : memref<16x1024xf32, #tpu.memory_space<vmem>>, vector<1x16xf32>,
      %swap3A_196 = vector.shape_cast %swap3A_195 : vector<1x16xf32> to vector<16xf32>
      %swap3A_197 = vector.shape_cast %add3A_192 : vector<16xf32> to vector<1x16xf32>
      tpu.vector_store %arg16[%swap3A_193, %swap3A_194], %swap3A_197 {strides = array<i32>} : memref<16x1024xf32, #tpu.memory_space<vmem>>, vector<1x16xf32>,
      %slice3A_198 = vector.extract_strided_slice %get3A_113 {offsets = [1], sizes = [1], strides = [1]} : vector<16xf32> to vector<1xf32>
      %squeeze3A_199 = vector.extract %slice3A_198[0] : f32 from vector<1xf32>
      %get3A_200 = arith.constant 1 : i32
      %get3A_201 = arith.index_cast %get3A_200 : i32 to index
      %get3A_202 = arith.index_cast %mul3A_175 : i32 to index
      %get3A_203 = tpu.vector_load %arg12[%get3A_201, %get3A_202] {strides = array<i32>} : memref<16x1024xf32, #tpu.memory_space<vmem>>, vector<1x16xf32>,
      %get3A_204 = vector.shape_cast %get3A_203 : vector<1x16xf32> to vector<16xf32>
      %mul3A_205 = vector.broadcast %squeeze3A_199 : f32 to vector<16xf32>
      %mul3A_206 = arith.mulf %mul3A_205, %get3A_204 : vector<16xf32>
      %slice3A_207 = vector.extract_strided_slice %get3A_116 {offsets = [1], sizes = [1], strides = [1]} : vector<16xf32> to vector<1xf32>
      %squeeze3A_208 = vector.extract %slice3A_207[0] : f32 from vector<1xf32>
      %get3A_209 = arith.constant 1 : i32
      %get3A_210 = arith.index_cast %get3A_209 : i32 to index
      %get3A_211 = arith.index_cast %mul3A_175 : i32 to index
      %get3A_212 = tpu.vector_load %arg13[%get3A_210, %get3A_211] {strides = array<i32>} : memref<16x1024xf32, #tpu.memory_space<vmem>>, vector<1x16xf32>,
      %get3A_213 = vector.shape_cast %get3A_212 : vector<1x16xf32> to vector<16xf32>
      %mul3A_214 = vector.broadcast %squeeze3A_208 : f32 to vector<16xf32>
      %mul3A_215 = arith.mulf %mul3A_214, %get3A_213 : vector<16xf32>
      %add3A_216 = arith.addf %mul3A_206, %mul3A_215 : vector<16xf32>
      %swap3A_217 = arith.constant 1 : i32
      %swap3A_218 = arith.index_cast %swap3A_217 : i32 to index
      %swap3A_219 = arith.index_cast %mul3A_175 : i32 to index
      %swap3A_220 = tpu.vector_load %arg16[%swap3A_218, %swap3A_219] {strides = array<i32>} : memref<16x1024xf32, #tpu.memory_space<vmem>>, vector<1x16xf32>,
      %swap3A_221 = vector.shape_cast %swap3A_220 : vector<1x16xf32> to vector<16xf32>
      %swap3A_222 = vector.shape_cast %add3A_216 : vector<16xf32> to vector<1x16xf32>
      tpu.vector_store %arg16[%swap3A_218, %swap3A_219], %swap3A_222 {strides = array<i32>} : memref<16x1024xf32, #tpu.memory_space<vmem>>, vector<1x16xf32>,
      %slice3A_223 = vector.extract_strided_slice %get3A_113 {offsets = [2], sizes = [1], strides = [1]} : vector<16xf32> to vector<1xf32>
      %squeeze3A_224 = vector.extract %slice3A_223[0] : f32 from vector<1xf32>
      %get3A_225 = arith.constant 2 : i32
      %get3A_226 = arith.index_cast %get3A_225 : i32 to index
      %get3A_227 = arith.index_cast %mul3A_175 : i32 to index
      %get3A_228 = tpu.vector_load %arg12[%get3A_226, %get3A_227] {strides = array<i32>} : memref<16x1024xf32, #tpu.memory_space<vmem>>, vector<1x16xf32>,
      %get3A_229 = vector.shape_cast %get3A_228 : vector<1x16xf32> to vector<16xf32>
      %mul3A_230 = vector.broadcast %squeeze3A_224 : f32 to vector<16xf32>
      %mul3A_231 = arith.mulf %mul3A_230, %get3A_229 : vector<16xf32>
      %slice3A_232 = vector.extract_strided_slice %get3A_116 {offsets = [2], sizes = [1], strides = [1]} : vector<16xf32> to vector<1xf32>
      %squeeze3A_233 = vector.extract %slice3A_232[0] : f32 from vector<1xf32>
      %get3A_234 = arith.constant 2 : i32
      %get3A_235 = arith.index_cast %get3A_234 : i32 to index
      %get3A_236 = arith.index_cast %mul3A_175 : i32 to index
      %get3A_237 = tpu.vector_load %arg13[%get3A_235, %get3A_236] {strides = array<i32>} : memref<16x1024xf32, #tpu.memory_space<vmem>>, vector<1x16xf32>,
      %get3A_238 = vector.shape_cast %get3A_237 : vector<1x16xf32> to vector<16xf32>
      %mul3A_239 = vector.broadcast %squeeze3A_233 : f32 to vector<16xf32>
      %mul3A_240 = arith.mulf %mul3A_239, %get3A_238 : vector<16xf32>
      %add3A_241 = arith.addf %mul3A_231, %mul3A_240 : vector<16xf32>
      %swap3A_242 = arith.constant 2 : i32
      %swap3A_243 = arith.index_cast %swap3A_242 : i32 to index
      %swap3A_244 = arith.index_cast %mul3A_175 : i32 to index
      %swap3A_245 = tpu.vector_load %arg16[%swap3A_243, %swap3A_244] {strides = array<i32>} : memref<16x1024xf32, #tpu.memory_space<vmem>>, vector<1x16xf32>,
      %swap3A_246 = vector.shape_cast %swap3A_245 : vector<1x16xf32> to vector<16xf32>
      %swap3A_247 = vector.shape_cast %add3A_241 : vector<16xf32> to vector<1x16xf32>
      tpu.vector_store %arg16[%swap3A_243, %swap3A_244], %swap3A_247 {strides = array<i32>} : memref<16x1024xf32, #tpu.memory_space<vmem>>, vector<1x16xf32>,
      %slice3A_248 = vector.extract_strided_slice %get3A_113 {offsets = [3], sizes = [1], strides = [1]} : vector<16xf32> to vector<1xf32>
      %squeeze3A_249 = vector.extract %slice3A_248[0] : f32 from vector<1xf32>
      %get3A_250 = arith.constant 3 : i32
      %get3A_251 = arith.index_cast %get3A_250 : i32 to index
      %get3A_252 = arith.index_cast %mul3A_175 : i32 to index
      %get3A_253 = tpu.vector_load %arg12[%get3A_251, %get3A_252] {strides = array<i32>} : memref<16x1024xf32, #tpu.memory_space<vmem>>, vector<1x16xf32>,
      %get3A_254 = vector.shape_cast %get3A_253 : vector<1x16xf32> to vector<16xf32>
      %mul3A_255 = vector.broadcast %squeeze3A_249 : f32 to vector<16xf32>
      %mul3A_256 = arith.mulf %mul3A_255, %get3A_254 : vector<16xf32>
      %slice3A_257 = vector.extract_strided_slice %get3A_116 {offsets = [3], sizes = [1], strides = [1]} : vector<16xf32> to vector<1xf32>
      %squeeze3A_258 = vector.extract %slice3A_257[0] : f32 from vector<1xf32>
      %get3A_259 = arith.constant 3 : i32
      %get3A_260 = arith.index_cast %get3A_259 : i32 to index
      %get3A_261 = arith.index_cast %mul3A_175 : i32 to index
      %get3A_262 = tpu.vector_load %arg13[%get3A_260, %get3A_261] {strides = array<i32>} : memref<16x1024xf32, #tpu.memory_space<vmem>>, vector<1x16xf32>,
      %get3A_263 = vector.shape_cast %get3A_262 : vector<1x16xf32> to vector<16xf32>
      %mul3A_264 = vector.broadcast %squeeze3A_258 : f32 to vector<16xf32>
      %mul3A_265 = arith.mulf %mul3A_264, %get3A_263 : vector<16xf32>
      %add3A_266 = arith.addf %mul3A_256, %mul3A_265 : vector<16xf32>
      %swap3A_267 = arith.constant 3 : i32
      %swap3A_268 = arith.index_cast %swap3A_267 : i32 to index
      %swap3A_269 = arith.index_cast %mul3A_175 : i32 to index
      %swap3A_270 = tpu.vector_load %arg16[%swap3A_268, %swap3A_269] {strides = array<i32>} : memref<16x1024xf32, #tpu.memory_space<vmem>>, vector<1x16xf32>,
      %swap3A_271 = vector.shape_cast %swap3A_270 : vector<1x16xf32> to vector<16xf32>
      %swap3A_272 = vector.shape_cast %add3A_266 : vector<16xf32> to vector<1x16xf32>
      tpu.vector_store %arg16[%swap3A_268, %swap3A_269], %swap3A_272 {strides = array<i32>} : memref<16x1024xf32, #tpu.memory_space<vmem>>, vector<1x16xf32>,
      %slice3A_273 = vector.extract_strided_slice %get3A_113 {offsets = [4], sizes = [1], strides = [1]} : vector<16xf32> to vector<1xf32>
      %squeeze3A_274 = vector.extract %slice3A_273[0] : f32 from vector<1xf32>
      %get3A_275 = arith.constant 4 : i32
      %get3A_276 = arith.index_cast %get3A_275 : i32 to index
      %get3A_277 = arith.index_cast %mul3A_175 : i32 to index
      %get3A_278 = tpu.vector_load %arg12[%get3A_276, %get3A_277] {strides = array<i32>} : memref<16x1024xf32, #tpu.memory_space<vmem>>, vector<1x16xf32>,
      %get3A_279 = vector.shape_cast %get3A_278 : vector<1x16xf32> to vector<16xf32>
      %mul3A_280 = vector.broadcast %squeeze3A_274 : f32 to vector<16xf32>
      %mul3A_281 = arith.mulf %mul3A_280, %get3A_279 : vector<16xf32>
      %slice3A_282 = vector.extract_strided_slice %get3A_116 {offsets = [4], sizes = [1], strides = [1]} : vector<16xf32> to vector<1xf32>
      %squeeze3A_283 = vector.extract %slice3A_282[0] : f32 from vector<1xf32>
      %get3A_284 = arith.constant 4 : i32
      %get3A_285 = arith.index_cast %get3A_284 : i32 to index
      %get3A_286 = arith.index_cast %mul3A_175 : i32 to index
      %get3A_287 = tpu.vector_load %arg13[%get3A_285, %get3A_286] {strides = array<i32>} : memref<16x1024xf32, #tpu.memory_space<vmem>>, vector<1x16xf32>,
      %get3A_288 = vector.shape_cast %get3A_287 : vector<1x16xf32> to vector<16xf32>
      %mul3A_289 = vector.broadcast %squeeze3A_283 : f32 to vector<16xf32>
      %mul3A_290 = arith.mulf %mul3A_289, %get3A_288 : vector<16xf32>
      %add3A_291 = arith.addf %mul3A_281, %mul3A_290 : vector<16xf32>
      %swap3A_292 = arith.constant 4 : i32
      %swap3A_293 = arith.index_cast %swap3A_292 : i32 to index
      %swap3A_294 = arith.index_cast %mul3A_175 : i32 to index
      %swap3A_295 = tpu.vector_load %arg16[%swap3A_293, %swap3A_294] {strides = array<i32>} : memref<16x1024xf32, #tpu.memory_space<vmem>>, vector<1x16xf32>,
      %swap3A_296 = vector.shape_cast %swap3A_295 : vector<1x16xf32> to vector<16xf32>
      %swap3A_297 = vector.shape_cast %add3A_291 : vector<16xf32> to vector<1x16xf32>
      tpu.vector_store %arg16[%swap3A_293, %swap3A_294], %swap3A_297 {strides = array<i32>} : memref<16x1024xf32, #tpu.memory_space<vmem>>, vector<1x16xf32>,
      %slice3A_298 = vector.extract_strided_slice %get3A_113 {offsets = [5], sizes = [1], strides = [1]} : vector<16xf32> to vector<1xf32>
      %squeeze3A_299 = vector.extract %slice3A_298[0] : f32 from vector<1xf32>
      %get3A_300 = arith.constant 5 : i32
      %get3A_301 = arith.index_cast %get3A_300 : i32 to index
      %get3A_302 = arith.index_cast %mul3A_175 : i32 to index
      %get3A_303 = tpu.vector_load %arg12[%get3A_301, %get3A_302] {strides = array<i32>} : memref<16x1024xf32, #tpu.memory_space<vmem>>, vector<1x16xf32>,
      %get3A_304 = vector.shape_cast %get3A_303 : vector<1x16xf32> to vector<16xf32>
      %mul3A_305 = vector.broadcast %squeeze3A_299 : f32 to vector<16xf32>
      %mul3A_306 = arith.mulf %mul3A_305, %get3A_304 : vector<16xf32>
      %slice3A_307 = vector.extract_strided_slice %get3A_116 {offsets = [5], sizes = [1], strides = [1]} : vector<16xf32> to vector<1xf32>
      %squeeze3A_308 = vector.extract %slice3A_307[0] : f32 from vector<1xf32>
      %get3A_309 = arith.constant 5 : i32
      %get3A_310 = arith.index_cast %get3A_309 : i32 to index
      %get3A_311 = arith.index_cast %mul3A_175 : i32 to index
      %get3A_312 = tpu.vector_load %arg13[%get3A_310, %get3A_311] {strides = array<i32>} : memref<16x1024xf32, #tpu.memory_space<vmem>>, vector<1x16xf32>,
      %get3A_313 = vector.shape_cast %get3A_312 : vector<1x16xf32> to vector<16xf32>
      %mul3A_314 = vector.broadcast %squeeze3A_308 : f32 to vector<16xf32>
      %mul3A_315 = arith.mulf %mul3A_314, %get3A_313 : vector<16xf32>
      %add3A_316 = arith.addf %mul3A_306, %mul3A_315 : vector<16xf32>
      %swap3A_317 = arith.constant 5 : i32
      %swap3A_318 = arith.index_cast %swap3A_317 : i32 to index
      %swap3A_319 = arith.index_cast %mul3A_175 : i32 to index
      %swap3A_320 = tpu.vector_load %arg16[%swap3A_318, %swap3A_319] {strides = array<i32>} : memref<16x1024xf32, #tpu.memory_space<vmem>>, vector<1x16xf32>,
      %swap3A_321 = vector.shape_cast %swap3A_320 : vector<1x16xf32> to vector<16xf32>
      %swap3A_322 = vector.shape_cast %add3A_316 : vector<16xf32> to vector<1x16xf32>
      tpu.vector_store %arg16[%swap3A_318, %swap3A_319], %swap3A_322 {strides = array<i32>} : memref<16x1024xf32, #tpu.memory_space<vmem>>, vector<1x16xf32>,
      %slice3A_323 = vector.extract_strided_slice %get3A_113 {offsets = [6], sizes = [1], strides = [1]} : vector<16xf32> to vector<1xf32>
      %squeeze3A_324 = vector.extract %slice3A_323[0] : f32 from vector<1xf32>
      %get3A_325 = arith.constant 6 : i32
      %get3A_326 = arith.index_cast %get3A_325 : i32 to index
      %get3A_327 = arith.index_cast %mul3A_175 : i32 to index
      %get3A_328 = tpu.vector_load %arg12[%get3A_326, %get3A_327] {strides = array<i32>} : memref<16x1024xf32, #tpu.memory_space<vmem>>, vector<1x16xf32>,
      %get3A_329 = vector.shape_cast %get3A_328 : vector<1x16xf32> to vector<16xf32>
      %mul3A_330 = vector.broadcast %squeeze3A_324 : f32 to vector<16xf32>
      %mul3A_331 = arith.mulf %mul3A_330, %get3A_329 : vector<16xf32>
      %slice3A_332 = vector.extract_strided_slice %get3A_116 {offsets = [6], sizes = [1], strides = [1]} : vector<16xf32> to vector<1xf32>
      %squeeze3A_333 = vector.extract %slice3A_332[0] : f32 from vector<1xf32>
      %get3A_334 = arith.constant 6 : i32
      %get3A_335 = arith.index_cast %get3A_334 : i32 to index
      %get3A_336 = arith.index_cast %mul3A_175 : i32 to index
      %get3A_337 = tpu.vector_load %arg13[%get3A_335, %get3A_336] {strides = array<i32>} : memref<16x1024xf32, #tpu.memory_space<vmem>>, vector<1x16xf32>,
      %get3A_338 = vector.shape_cast %get3A_337 : vector<1x16xf32> to vector<16xf32>
      %mul3A_339 = vector.broadcast %squeeze3A_333 : f32 to vector<16xf32>
      %mul3A_340 = arith.mulf %mul3A_339, %get3A_338 : vector<16xf32>
      %add3A_341 = arith.addf %mul3A_331, %mul3A_340 : vector<16xf32>
      %swap3A_342 = arith.constant 6 : i32
      %swap3A_343 = arith.index_cast %swap3A_342 : i32 to index
      %swap3A_344 = arith.index_cast %mul3A_175 : i32 to index
      %swap3A_345 = tpu.vector_load %arg16[%swap3A_343, %swap3A_344] {strides = array<i32>} : memref<16x1024xf32, #tpu.memory_space<vmem>>, vector<1x16xf32>,
      %swap3A_346 = vector.shape_cast %swap3A_345 : vector<1x16xf32> to vector<16xf32>
      %swap3A_347 = vector.shape_cast %add3A_341 : vector<16xf32> to vector<1x16xf32>
      tpu.vector_store %arg16[%swap3A_343, %swap3A_344], %swap3A_347 {strides = array<i32>} : memref<16x1024xf32, #tpu.memory_space<vmem>>, vector<1x16xf32>,
      %slice3A_348 = vector.extract_strided_slice %get3A_113 {offsets = [7], sizes = [1], strides = [1]} : vector<16xf32> to vector<1xf32>
      %squeeze3A_349 = vector.extract %slice3A_348[0] : f32 from vector<1xf32>
      %get3A_350 = arith.constant 7 : i32
      %get3A_351 = arith.index_cast %get3A_350 : i32 to index
      %get3A_352 = arith.index_cast %mul3A_175 : i32 to index
      %get3A_353 = tpu.vector_load %arg12[%get3A_351, %get3A_352] {strides = array<i32>} : memref<16x1024xf32, #tpu.memory_space<vmem>>, vector<1x16xf32>,
      %get3A_354 = vector.shape_cast %get3A_353 : vector<1x16xf32> to vector<16xf32>
      %mul3A_355 = vector.broadcast %squeeze3A_349 : f32 to vector<16xf32>
      %mul3A_356 = arith.mulf %mul3A_355, %get3A_354 : vector<16xf32>
      %slice3A_357 = vector.extract_strided_slice %get3A_116 {offsets = [7], sizes = [1], strides = [1]} : vector<16xf32> to vector<1xf32>
      %squeeze3A_358 = vector.extract %slice3A_357[0] : f32 from vector<1xf32>
      %get3A_359 = arith.constant 7 : i32
      %get3A_360 = arith.index_cast %get3A_359 : i32 to index
      %get3A_361 = arith.index_cast %mul3A_175 : i32 to index
      %get3A_362 = tpu.vector_load %arg13[%get3A_360, %get3A_361] {strides = array<i32>} : memref<16x1024xf32, #tpu.memory_space<vmem>>, vector<1x16xf32>,
      %get3A_363 = vector.shape_cast %get3A_362 : vector<1x16xf32> to vector<16xf32>
      %mul3A_364 = vector.broadcast %squeeze3A_358 : f32 to vector<16xf32>
      %mul3A_365 = arith.mulf %mul3A_364, %get3A_363 : vector<16xf32>
      %add3A_366 = arith.addf %mul3A_356, %mul3A_365 : vector<16xf32>
      %swap3A_367 = arith.constant 7 : i32
      %swap3A_368 = arith.index_cast %swap3A_367 : i32 to index
      %swap3A_369 = arith.index_cast %mul3A_175 : i32 to index
      %swap3A_370 = tpu.vector_load %arg16[%swap3A_368, %swap3A_369] {strides = array<i32>} : memref<16x1024xf32, #tpu.memory_space<vmem>>, vector<1x16xf32>,
      %swap3A_371 = vector.shape_cast %swap3A_370 : vector<1x16xf32> to vector<16xf32>
      %swap3A_372 = vector.shape_cast %add3A_366 : vector<16xf32> to vector<1x16xf32>
      tpu.vector_store %arg16[%swap3A_368, %swap3A_369], %swap3A_372 {strides = array<i32>} : memref<16x1024xf32, #tpu.memory_space<vmem>>, vector<1x16xf32>,
      %slice3A_373 = vector.extract_strided_slice %get3A_113 {offsets = [8], sizes = [1], strides = [1]} : vector<16xf32> to vector<1xf32>
      %squeeze3A_374 = vector.extract %slice3A_373[0] : f32 from vector<1xf32>
      %get3A_375 = arith.constant 8 : i32
      %get3A_376 = arith.index_cast %get3A_375 : i32 to index
      %get3A_377 = arith.index_cast %mul3A_175 : i32 to index
      %get3A_378 = tpu.vector_load %arg12[%get3A_376, %get3A_377] {strides = array<i32>} : memref<16x1024xf32, #tpu.memory_space<vmem>>, vector<1x16xf32>,
      %get3A_379 = vector.shape_cast %get3A_378 : vector<1x16xf32> to vector<16xf32>
      %mul3A_380 = vector.broadcast %squeeze3A_374 : f32 to vector<16xf32>
      %mul3A_381 = arith.mulf %mul3A_380, %get3A_379 : vector<16xf32>
      %slice3A_382 = vector.extract_strided_slice %get3A_116 {offsets = [8], sizes = [1], strides = [1]} : vector<16xf32> to vector<1xf32>
      %squeeze3A_383 = vector.extract %slice3A_382[0] : f32 from vector<1xf32>
      %get3A_384 = arith.constant 8 : i32
      %get3A_385 = arith.index_cast %get3A_384 : i32 to index
      %get3A_386 = arith.index_cast %mul3A_175 : i32 to index
      %get3A_387 = tpu.vector_load %arg13[%get3A_385, %get3A_386] {strides = array<i32>} : memref<16x1024xf32, #tpu.memory_space<vmem>>, vector<1x16xf32>,
      %get3A_388 = vector.shape_cast %get3A_387 : vector<1x16xf32> to vector<16xf32>
      %mul3A_389 = vector.broadcast %squeeze3A_383 : f32 to vector<16xf32>
      %mul3A_390 = arith.mulf %mul3A_389, %get3A_388 : vector<16xf32>
      %add3A_391 = arith.addf %mul3A_381, %mul3A_390 : vector<16xf32>
      %swap3A_392 = arith.constant 8 : i32
      %swap3A_393 = arith.index_cast %swap3A_392 : i32 to index
      %swap3A_394 = arith.index_cast %mul3A_175 : i32 to index
      %swap3A_395 = tpu.vector_load %arg16[%swap3A_393, %swap3A_394] {strides = array<i32>} : memref<16x1024xf32, #tpu.memory_space<vmem>>, vector<1x16xf32>,
      %swap3A_396 = vector.shape_cast %swap3A_395 : vector<1x16xf32> to vector<16xf32>
      %swap3A_397 = vector.shape_cast %add3A_391 : vector<16xf32> to vector<1x16xf32>
      tpu.vector_store %arg16[%swap3A_393, %swap3A_394], %swap3A_397 {strides = array<i32>} : memref<16x1024xf32, #tpu.memory_space<vmem>>, vector<1x16xf32>,
      %slice3A_398 = vector.extract_strided_slice %get3A_113 {offsets = [9], sizes = [1], strides = [1]} : vector<16xf32> to vector<1xf32>
      %squeeze3A_399 = vector.extract %slice3A_398[0] : f32 from vector<1xf32>
      %get3A_400 = arith.constant 9 : i32
      %get3A_401 = arith.index_cast %get3A_400 : i32 to index
      %get3A_402 = arith.index_cast %mul3A_175 : i32 to index
      %get3A_403 = tpu.vector_load %arg12[%get3A_401, %get3A_402] {strides = array<i32>} : memref<16x1024xf32, #tpu.memory_space<vmem>>, vector<1x16xf32>,
      %get3A_404 = vector.shape_cast %get3A_403 : vector<1x16xf32> to vector<16xf32>
      %mul3A_405 = vector.broadcast %squeeze3A_399 : f32 to vector<16xf32>
      %mul3A_406 = arith.mulf %mul3A_405, %get3A_404 : vector<16xf32>
      %slice3A_407 = vector.extract_strided_slice %get3A_116 {offsets = [9], sizes = [1], strides = [1]} : vector<16xf32> to vector<1xf32>
      %squeeze3A_408 = vector.extract %slice3A_407[0] : f32 from vector<1xf32>
      %get3A_409 = arith.constant 9 : i32
      %get3A_410 = arith.index_cast %get3A_409 : i32 to index
      %get3A_411 = arith.index_cast %mul3A_175 : i32 to index
      %get3A_412 = tpu.vector_load %arg13[%get3A_410, %get3A_411] {strides = array<i32>} : memref<16x1024xf32, #tpu.memory_space<vmem>>, vector<1x16xf32>,
      %get3A_413 = vector.shape_cast %get3A_412 : vector<1x16xf32> to vector<16xf32>
      %mul3A_414 = vector.broadcast %squeeze3A_408 : f32 to vector<16xf32>
      %mul3A_415 = arith.mulf %mul3A_414, %get3A_413 : vector<16xf32>
      %add3A_416 = arith.addf %mul3A_406, %mul3A_415 : vector<16xf32>
      %swap3A_417 = arith.constant 9 : i32
      %swap3A_418 = arith.index_cast %swap3A_417 : i32 to index
      %swap3A_419 = arith.index_cast %mul3A_175 : i32 to index
      %swap3A_420 = tpu.vector_load %arg16[%swap3A_418, %swap3A_419] {strides = array<i32>} : memref<16x1024xf32, #tpu.memory_space<vmem>>, vector<1x16xf32>,
      %swap3A_421 = vector.shape_cast %swap3A_420 : vector<1x16xf32> to vector<16xf32>
      %swap3A_422 = vector.shape_cast %add3A_416 : vector<16xf32> to vector<1x16xf32>
      tpu.vector_store %arg16[%swap3A_418, %swap3A_419], %swap3A_422 {strides = array<i32>} : memref<16x1024xf32, #tpu.memory_space<vmem>>, vector<1x16xf32>,
      %slice3A_423 = vector.extract_strided_slice %get3A_113 {offsets = [10], sizes = [1], strides = [1]} : vector<16xf32> to vector<1xf32>
      %squeeze3A_424 = vector.extract %slice3A_423[0] : f32 from vector<1xf32>
      %get3A_425 = arith.constant 10 : i32
      %get3A_426 = arith.index_cast %get3A_425 : i32 to index
      %get3A_427 = arith.index_cast %mul3A_175 : i32 to index
      %get3A_428 = tpu.vector_load %arg12[%get3A_426, %get3A_427] {strides = array<i32>} : memref<16x1024xf32, #tpu.memory_space<vmem>>, vector<1x16xf32>,
      %get3A_429 = vector.shape_cast %get3A_428 : vector<1x16xf32> to vector<16xf32>
      %mul3A_430 = vector.broadcast %squeeze3A_424 : f32 to vector<16xf32>
      %mul3A_431 = arith.mulf %mul3A_430, %get3A_429 : vector<16xf32>
      %slice3A_432 = vector.extract_strided_slice %get3A_116 {offsets = [10], sizes = [1], strides = [1]} : vector<16xf32> to vector<1xf32>
      %squeeze3A_433 = vector.extract %slice3A_432[0] : f32 from vector<1xf32>
      %get3A_434 = arith.constant 10 : i32
      %get3A_435 = arith.index_cast %get3A_434 : i32 to index
      %get3A_436 = arith.index_cast %mul3A_175 : i32 to index
      %get3A_437 = tpu.vector_load %arg13[%get3A_435, %get3A_436] {strides = array<i32>} : memref<16x1024xf32, #tpu.memory_space<vmem>>, vector<1x16xf32>,
      %get3A_438 = vector.shape_cast %get3A_437 : vector<1x16xf32> to vector<16xf32>
      %mul3A_439 = vector.broadcast %squeeze3A_433 : f32 to vector<16xf32>
      %mul3A_440 = arith.mulf %mul3A_439, %get3A_438 : vector<16xf32>
      %add3A_441 = arith.addf %mul3A_431, %mul3A_440 : vector<16xf32>
      %swap3A_442 = arith.constant 10 : i32
      %swap3A_443 = arith.index_cast %swap3A_442 : i32 to index
      %swap3A_444 = arith.index_cast %mul3A_175 : i32 to index
      %swap3A_445 = tpu.vector_load %arg16[%swap3A_443, %swap3A_444] {strides = array<i32>} : memref<16x1024xf32, #tpu.memory_space<vmem>>, vector<1x16xf32>,
      %swap3A_446 = vector.shape_cast %swap3A_445 : vector<1x16xf32> to vector<16xf32>
      %swap3A_447 = vector.shape_cast %add3A_441 : vector<16xf32> to vector<1x16xf32>
      tpu.vector_store %arg16[%swap3A_443, %swap3A_444], %swap3A_447 {strides = array<i32>} : memref<16x1024xf32, #tpu.memory_space<vmem>>, vector<1x16xf32>,
      %slice3A_448 = vector.extract_strided_slice %get3A_113 {offsets = [11], sizes = [1], strides = [1]} : vector<16xf32> to vector<1xf32>
      %squeeze3A_449 = vector.extract %slice3A_448[0] : f32 from vector<1xf32>
      %get3A_450 = arith.constant 11 : i32
      %get3A_451 = arith.index_cast %get3A_450 : i32 to index
      %get3A_452 = arith.index_cast %mul3A_175 : i32 to index
      %get3A_453 = tpu.vector_load %arg12[%get3A_451, %get3A_452] {strides = array<i32>} : memref<16x1024xf32, #tpu.memory_space<vmem>>, vector<1x16xf32>,
      %get3A_454 = vector.shape_cast %get3A_453 : vector<1x16xf32> to vector<16xf32>
      %mul3A_455 = vector.broadcast %squeeze3A_449 : f32 to vector<16xf32>
      %mul3A_456 = arith.mulf %mul3A_455, %get3A_454 : vector<16xf32>
      %slice3A_457 = vector.extract_strided_slice %get3A_116 {offsets = [11], sizes = [1], strides = [1]} : vector<16xf32> to vector<1xf32>
      %squeeze3A_458 = vector.extract %slice3A_457[0] : f32 from vector<1xf32>
      %get3A_459 = arith.constant 11 : i32
      %get3A_460 = arith.index_cast %get3A_459 : i32 to index
      %get3A_461 = arith.index_cast %mul3A_175 : i32 to index
      %get3A_462 = tpu.vector_load %arg13[%get3A_460, %get3A_461] {strides = array<i32>} : memref<16x1024xf32, #tpu.memory_space<vmem>>, vector<1x16xf32>,
      %get3A_463 = vector.shape_cast %get3A_462 : vector<1x16xf32> to vector<16xf32>
      %mul3A_464 = vector.broadcast %squeeze3A_458 : f32 to vector<16xf32>
      %mul3A_465 = arith.mulf %mul3A_464, %get3A_463 : vector<16xf32>
      %add3A_466 = arith.addf %mul3A_456, %mul3A_465 : vector<16xf32>
      %swap3A_467 = arith.constant 11 : i32
      %swap3A_468 = arith.index_cast %swap3A_467 : i32 to index
      %swap3A_469 = arith.index_cast %mul3A_175 : i32 to index
      %swap3A_470 = tpu.vector_load %arg16[%swap3A_468, %swap3A_469] {strides = array<i32>} : memref<16x1024xf32, #tpu.memory_space<vmem>>, vector<1x16xf32>,
      %swap3A_471 = vector.shape_cast %swap3A_470 : vector<1x16xf32> to vector<16xf32>
      %swap3A_472 = vector.shape_cast %add3A_466 : vector<16xf32> to vector<1x16xf32>
      tpu.vector_store %arg16[%swap3A_468, %swap3A_469], %swap3A_472 {strides = array<i32>} : memref<16x1024xf32, #tpu.memory_space<vmem>>, vector<1x16xf32>,
      %slice3A_473 = vector.extract_strided_slice %get3A_113 {offsets = [12], sizes = [1], strides = [1]} : vector<16xf32> to vector<1xf32>
      %squeeze3A_474 = vector.extract %slice3A_473[0] : f32 from vector<1xf32>
      %get3A_475 = arith.constant 12 : i32
      %get3A_476 = arith.index_cast %get3A_475 : i32 to index
      %get3A_477 = arith.index_cast %mul3A_175 : i32 to index
      %get3A_478 = tpu.vector_load %arg12[%get3A_476, %get3A_477] {strides = array<i32>} : memref<16x1024xf32, #tpu.memory_space<vmem>>, vector<1x16xf32>,
      %get3A_479 = vector.shape_cast %get3A_478 : vector<1x16xf32> to vector<16xf32>
      %mul3A_480 = vector.broadcast %squeeze3A_474 : f32 to vector<16xf32>
      %mul3A_481 = arith.mulf %mul3A_480, %get3A_479 : vector<16xf32>
      %slice3A_482 = vector.extract_strided_slice %get3A_116 {offsets = [12], sizes = [1], strides = [1]} : vector<16xf32> to vector<1xf32>
      %squeeze3A_483 = vector.extract %slice3A_482[0] : f32 from vector<1xf32>
      %get3A_484 = arith.constant 12 : i32
      %get3A_485 = arith.index_cast %get3A_484 : i32 to index
      %get3A_486 = arith.index_cast %mul3A_175 : i32 to index
      %get3A_487 = tpu.vector_load %arg13[%get3A_485, %get3A_486] {strides = array<i32>} : memref<16x1024xf32, #tpu.memory_space<vmem>>, vector<1x16xf32>,
      %get3A_488 = vector.shape_cast %get3A_487 : vector<1x16xf32> to vector<16xf32>
      %mul3A_489 = vector.broadcast %squeeze3A_483 : f32 to vector<16xf32>
      %mul3A_490 = arith.mulf %mul3A_489, %get3A_488 : vector<16xf32>
      %add3A_491 = arith.addf %mul3A_481, %mul3A_490 : vector<16xf32>
      %swap3A_492 = arith.constant 12 : i32
      %swap3A_493 = arith.index_cast %swap3A_492 : i32 to index
      %swap3A_494 = arith.index_cast %mul3A_175 : i32 to index
      %swap3A_495 = tpu.vector_load %arg16[%swap3A_493, %swap3A_494] {strides = array<i32>} : memref<16x1024xf32, #tpu.memory_space<vmem>>, vector<1x16xf32>,
      %swap3A_496 = vector.shape_cast %swap3A_495 : vector<1x16xf32> to vector<16xf32>
      %swap3A_497 = vector.shape_cast %add3A_491 : vector<16xf32> to vector<1x16xf32>
      tpu.vector_store %arg16[%swap3A_493, %swap3A_494], %swap3A_497 {strides = array<i32>} : memref<16x1024xf32, #tpu.memory_space<vmem>>, vector<1x16xf32>,
      %slice3A_498 = vector.extract_strided_slice %get3A_113 {offsets = [13], sizes = [1], strides = [1]} : vector<16xf32> to vector<1xf32>
      %squeeze3A_499 = vector.extract %slice3A_498[0] : f32 from vector<1xf32>
      %get3A_500 = arith.constant 13 : i32
      %get3A_501 = arith.index_cast %get3A_500 : i32 to index
      %get3A_502 = arith.index_cast %mul3A_175 : i32 to index
      %get3A_503 = tpu.vector_load %arg12[%get3A_501, %get3A_502] {strides = array<i32>} : memref<16x1024xf32, #tpu.memory_space<vmem>>, vector<1x16xf32>,
      %get3A_504 = vector.shape_cast %get3A_503 : vector<1x16xf32> to vector<16xf32>
      %mul3A_505 = vector.broadcast %squeeze3A_499 : f32 to vector<16xf32>
      %mul3A_506 = arith.mulf %mul3A_505, %get3A_504 : vector<16xf32>
      %slice3A_507 = vector.extract_strided_slice %get3A_116 {offsets = [13], sizes = [1], strides = [1]} : vector<16xf32> to vector<1xf32>
      %squeeze3A_508 = vector.extract %slice3A_507[0] : f32 from vector<1xf32>
      %get3A_509 = arith.constant 13 : i32
      %get3A_510 = arith.index_cast %get3A_509 : i32 to index
      %get3A_511 = arith.index_cast %mul3A_175 : i32 to index
      %get3A_512 = tpu.vector_load %arg13[%get3A_510, %get3A_511] {strides = array<i32>} : memref<16x1024xf32, #tpu.memory_space<vmem>>, vector<1x16xf32>,
      %get3A_513 = vector.shape_cast %get3A_512 : vector<1x16xf32> to vector<16xf32>
      %mul3A_514 = vector.broadcast %squeeze3A_508 : f32 to vector<16xf32>
      %mul3A_515 = arith.mulf %mul3A_514, %get3A_513 : vector<16xf32>
      %add3A_516 = arith.addf %mul3A_506, %mul3A_515 : vector<16xf32>
      %swap3A_517 = arith.constant 13 : i32
      %swap3A_518 = arith.index_cast %swap3A_517 : i32 to index
      %swap3A_519 = arith.index_cast %mul3A_175 : i32 to index
      %swap3A_520 = tpu.vector_load %arg16[%swap3A_518, %swap3A_519] {strides = array<i32>} : memref<16x1024xf32, #tpu.memory_space<vmem>>, vector<1x16xf32>,
      %swap3A_521 = vector.shape_cast %swap3A_520 : vector<1x16xf32> to vector<16xf32>
      %swap3A_522 = vector.shape_cast %add3A_516 : vector<16xf32> to vector<1x16xf32>
      tpu.vector_store %arg16[%swap3A_518, %swap3A_519], %swap3A_522 {strides = array<i32>} : memref<16x1024xf32, #tpu.memory_space<vmem>>, vector<1x16xf32>,
      %slice3A_523 = vector.extract_strided_slice %get3A_113 {offsets = [14], sizes = [1], strides = [1]} : vector<16xf32> to vector<1xf32>
      %squeeze3A_524 = vector.extract %slice3A_523[0] : f32 from vector<1xf32>
      %get3A_525 = arith.constant 14 : i32
      %get3A_526 = arith.index_cast %get3A_525 : i32 to index
      %get3A_527 = arith.index_cast %mul3A_175 : i32 to index
      %get3A_528 = tpu.vector_load %arg12[%get3A_526, %get3A_527] {strides = array<i32>} : memref<16x1024xf32, #tpu.memory_space<vmem>>, vector<1x16xf32>,
      %get3A_529 = vector.shape_cast %get3A_528 : vector<1x16xf32> to vector<16xf32>
      %mul3A_530 = vector.broadcast %squeeze3A_524 : f32 to vector<16xf32>
      %mul3A_531 = arith.mulf %mul3A_530, %get3A_529 : vector<16xf32>
      %slice3A_532 = vector.extract_strided_slice %get3A_116 {offsets = [14], sizes = [1], strides = [1]} : vector<16xf32> to vector<1xf32>
      %squeeze3A_533 = vector.extract %slice3A_532[0] : f32 from vector<1xf32>
      %get3A_534 = arith.constant 14 : i32
      %get3A_535 = arith.index_cast %get3A_534 : i32 to index
      %get3A_536 = arith.index_cast %mul3A_175 : i32 to index
      %get3A_537 = tpu.vector_load %arg13[%get3A_535, %get3A_536] {strides = array<i32>} : memref<16x1024xf32, #tpu.memory_space<vmem>>, vector<1x16xf32>,
      %get3A_538 = vector.shape_cast %get3A_537 : vector<1x16xf32> to vector<16xf32>
      %mul3A_539 = vector.broadcast %squeeze3A_533 : f32 to vector<16xf32>
      %mul3A_540 = arith.mulf %mul3A_539, %get3A_538 : vector<16xf32>
      %add3A_541 = arith.addf %mul3A_531, %mul3A_540 : vector<16xf32>
      %swap3A_542 = arith.constant 14 : i32
      %swap3A_543 = arith.index_cast %swap3A_542 : i32 to index
      %swap3A_544 = arith.index_cast %mul3A_175 : i32 to index
      %swap3A_545 = tpu.vector_load %arg16[%swap3A_543, %swap3A_544] {strides = array<i32>} : memref<16x1024xf32, #tpu.memory_space<vmem>>, vector<1x16xf32>,
      %swap3A_546 = vector.shape_cast %swap3A_545 : vector<1x16xf32> to vector<16xf32>
      %swap3A_547 = vector.shape_cast %add3A_541 : vector<16xf32> to vector<1x16xf32>
      tpu.vector_store %arg16[%swap3A_543, %swap3A_544], %swap3A_547 {strides = array<i32>} : memref<16x1024xf32, #tpu.memory_space<vmem>>, vector<1x16xf32>,
      %slice3A_548 = vector.extract_strided_slice %get3A_113 {offsets = [15], sizes = [1], strides = [1]} : vector<16xf32> to vector<1xf32>
      %squeeze3A_549 = vector.extract %slice3A_548[0] : f32 from vector<1xf32>
      %get3A_550 = arith.constant 15 : i32
      %get3A_551 = arith.index_cast %get3A_550 : i32 to index
      %get3A_552 = arith.index_cast %mul3A_175 : i32 to index
      %get3A_553 = tpu.vector_load %arg12[%get3A_551, %get3A_552] {strides = array<i32>} : memref<16x1024xf32, #tpu.memory_space<vmem>>, vector<1x16xf32>,
      %get3A_554 = vector.shape_cast %get3A_553 : vector<1x16xf32> to vector<16xf32>
      %mul3A_555 = vector.broadcast %squeeze3A_549 : f32 to vector<16xf32>
      %mul3A_556 = arith.mulf %mul3A_555, %get3A_554 : vector<16xf32>
      %slice3A_557 = vector.extract_strided_slice %get3A_116 {offsets = [15], sizes = [1], strides = [1]} : vector<16xf32> to vector<1xf32>
      %squeeze3A_558 = vector.extract %slice3A_557[0] : f32 from vector<1xf32>
      %get3A_559 = arith.constant 15 : i32
      %get3A_560 = arith.index_cast %get3A_559 : i32 to index
      %get3A_561 = arith.index_cast %mul3A_175 : i32 to index
      %get3A_562 = tpu.vector_load %arg13[%get3A_560, %get3A_561] {strides = array<i32>} : memref<16x1024xf32, #tpu.memory_space<vmem>>, vector<1x16xf32>,
      %get3A_563 = vector.shape_cast %get3A_562 : vector<1x16xf32> to vector<16xf32>
      %mul3A_564 = vector.broadcast %squeeze3A_558 : f32 to vector<16xf32>
      %mul3A_565 = arith.mulf %mul3A_564, %get3A_563 : vector<16xf32>
      %add3A_566 = arith.addf %mul3A_556, %mul3A_565 : vector<16xf32>
      %swap3A_567 = arith.constant 15 : i32
      %swap3A_568 = arith.index_cast %swap3A_567 : i32 to index
      %swap3A_569 = arith.index_cast %mul3A_175 : i32 to index
      %swap3A_570 = tpu.vector_load %arg16[%swap3A_568, %swap3A_569] {strides = array<i32>} : memref<16x1024xf32, #tpu.memory_space<vmem>>, vector<1x16xf32>,
      %swap3A_571 = vector.shape_cast %swap3A_570 : vector<1x16xf32> to vector<16xf32>
      %swap3A_572 = vector.shape_cast %add3A_566 : vector<16xf32> to vector<1x16xf32>
      tpu.vector_store %arg16[%swap3A_568, %swap3A_569], %swap3A_572 {strides = array<i32>} : memref<16x1024xf32, #tpu.memory_space<vmem>>, vector<1x16xf32>,
    }
    %scan3A_122 = arith.constant 64 : i32
    %mul3A_123 = arith.constant 64 : i32
    %mul3A_124 = arith.muli %add3A, %mul3A_123 : i32
    %add3A_125 = arith.constant 32 : i32
    %add3A_126 = arith.addi %mul3A_124, %add3A_125 : i32
    %dma_start3A_127 = arith.constant 0 : i32
    %dma_start3A_128 = tpu.memref_slice %arg7[%add3A_126, %dma_start3A_127] : memref<2048x1024xf32, #tpu.memory_space<hbm>> -> memref<16x1024xf32, #tpu.memory_space<hbm>>
    %dma_start3A_129 = arith.constant 0 : i32
    %dma_start3A_130 = tpu.memref_slice %arg7[%add3A_126, %dma_start3A_129] : memref<2048x1024xf32, #tpu.memory_space<hbm>> -> memref<16x1024xf32, #tpu.memory_space<hbm>>
    tpu.enqueue_dma source(%arg16 : memref<16x1024xf32, #tpu.memory_space<vmem>>) target(%dma_start3A_130 : memref<16x1024xf32, #tpu.memory_space<hbm>>) target_semaphore(%arg20 : memref<!tpu.dma_semaphore, #tpu.memory_space<semaphore_mem>>)
    %dma_wait3A_131 = arith.constant 48 : i32
    %dma_wait3A_132 = tpu.memref_slice %arg8[%dma_wait3A_131] : memref<64xi32, #tpu.memory_space<vmem>> -> memref<16xi32, #tpu.memory_space<vmem>>
    %dma_wait3A_133 = arith.constant 0 : i32
    %dma_wait3A_134 = arith.constant 0 : i32
    %dma_wait3A_135 = tpu.memref_slice %arg6[%dma_wait3A_133, %dma_wait3A_134] : memref<8192x1024xf32, #tpu.memory_space<hbm>> -> memref<8192x1024xf32, #tpu.memory_space<hbm>>
    tpu.wait_indirect_dma semaphore(%arg19 : memref<!tpu.dma_semaphore, #tpu.memory_space<semaphore_mem>>) src(%dma_wait3A_135 : memref<8192x1024xf32, #tpu.memory_space<hbm>>) dst(%arg14 : memref<16x1024xf32, #tpu.memory_space<vmem>>)
    %dma_wait3A_136 = arith.constant 48 : i32
    %dma_wait3A_137 = tpu.memref_slice %arg9[%dma_wait3A_136] : memref<64xi32, #tpu.memory_space<vmem>> -> memref<16xi32, #tpu.memory_space<vmem>>
    %dma_wait3A_138 = arith.constant 0 : i32
    %dma_wait3A_139 = arith.constant 0 : i32
    %dma_wait3A_140 = tpu.memref_slice %arg6[%dma_wait3A_138, %dma_wait3A_139] : memref<8192x1024xf32, #tpu.memory_space<hbm>> -> memref<8192x1024xf32, #tpu.memory_space<hbm>>
    tpu.wait_indirect_dma semaphore(%arg19 : memref<!tpu.dma_semaphore, #tpu.memory_space<semaphore_mem>>) src(%dma_wait3A_140 : memref<8192x1024xf32, #tpu.memory_space<hbm>>) dst(%arg15 : memref<16x1024xf32, #tpu.memory_space<vmem>>)
    %dma_wait3A_141 = arith.constant 0 : i32
    %dma_wait3A_142 = tpu.memref_slice %arg7[%add3A_82, %dma_wait3A_141] : memref<2048x1024xf32, #tpu.memory_space<hbm>> -> memref<16x1024xf32, #tpu.memory_space<hbm>>
    %dma_wait3A_143 = arith.constant 0 : i32
    %dma_wait3A_144 = tpu.memref_slice %arg7[%add3A_82, %dma_wait3A_143] : memref<2048x1024xf32, #tpu.memory_space<hbm>> -> memref<16x1024xf32, #tpu.memory_space<hbm>>
    tpu.wait_dma2 semaphore(%arg21 : memref<!tpu.dma_semaphore, #tpu.memory_space<semaphore_mem>>) src(%arg17 : memref<16x1024xf32, #tpu.memory_space<vmem>>) dst(%dma_wait3A_144 : memref<16x1024xf32, #tpu.memory_space<hbm>>)
    %get3A_145 = arith.constant 48 : index
    %get3A_146 = tpu.vector_load %arg10[%get3A_145] {strides = array<i32>} : memref<64xf32, #tpu.memory_space<vmem>>, vector<16xf32>,
    %get3A_147 = vector.shape_cast %get3A_146 : vector<16xf32> to vector<16xf32>
    %get3A_148 = arith.constant 48 : index
    %get3A_149 = tpu.vector_load %arg11[%get3A_148] {strides = array<i32>} : memref<64xf32, #tpu.memory_space<vmem>>, vector<16xf32>,
    %get3A_150 = vector.shape_cast %get3A_149 : vector<16xf32> to vector<16xf32>
    %scan3A_151 = arith.constant 0 : i32
    %scan3A_152 = arith.constant 0 : i32
    %scan3A_153 = arith.constant 64 : i32
    %scan3A_154 = arith.addi %scan3A_152, %scan3A_153 : i32
    %scan3A_155 = arith.constant 1 : i32
    scf.for %scan3A_173 = %scan3A_152 to %scan3A_154 step %scan3A_155  : i32 {
      %mul3A_174 = arith.constant 16 : i32
      %mul3A_175 = arith.muli %mul3A_174, %scan3A_173 : i32
      %slice3A = vector.extract_strided_slice %get3A_147 {offsets = [0], sizes = [1], strides = [1]} : vector<16xf32> to vector<1xf32>
      %squeeze3A = vector.extract %slice3A[0] : f32 from vector<1xf32>
      %get3A_176 = arith.constant 0 : i32
      %get3A_177 = arith.index_cast %get3A_176 : i32 to index
      %get3A_178 = arith.index_cast %mul3A_175 : i32 to index
      %get3A_179 = tpu.vector_load %arg14[%get3A_177, %get3A_178] {strides = array<i32>} : memref<16x1024xf32, #tpu.memory_space<vmem>>, vector<1x16xf32>,
      %get3A_180 = vector.shape_cast %get3A_179 : vector<1x16xf32> to vector<16xf32>
      %mul3A_181 = vector.broadcast %squeeze3A : f32 to vector<16xf32>
      %mul3A_182 = arith.mulf %mul3A_181, %get3A_180 : vector<16xf32>
      %slice3A_183 = vector.extract_strided_slice %get3A_150 {offsets = [0], sizes = [1], strides = [1]} : vector<16xf32> to vector<1xf32>
      %squeeze3A_184 = vector.extract %slice3A_183[0] : f32 from vector<1xf32>
      %get3A_185 = arith.constant 0 : i32
      %get3A_186 = arith.index_cast %get3A_185 : i32 to index
      %get3A_187 = arith.index_cast %mul3A_175 : i32 to index
      %get3A_188 = tpu.vector_load %arg15[%get3A_186, %get3A_187] {strides = array<i32>} : memref<16x1024xf32, #tpu.memory_space<vmem>>, vector<1x16xf32>,
      %get3A_189 = vector.shape_cast %get3A_188 : vector<1x16xf32> to vector<16xf32>
      %mul3A_190 = vector.broadcast %squeeze3A_184 : f32 to vector<16xf32>
      %mul3A_191 = arith.mulf %mul3A_190, %get3A_189 : vector<16xf32>
      %add3A_192 = arith.addf %mul3A_182, %mul3A_191 : vector<16xf32>
      %swap3A = arith.constant 0 : i32
      %swap3A_193 = arith.index_cast %swap3A : i32 to index
      %swap3A_194 = arith.index_cast %mul3A_175 : i32 to index
      %swap3A_195 = tpu.vector_load %arg17[%swap3A_193, %swap3A_194] {strides = array<i32>} : memref<16x1024xf32, #tpu.memory_space<vmem>>, vector<1x16xf32>,
      %swap3A_196 = vector.shape_cast %swap3A_195 : vector<1x16xf32> to vector<16xf32>
      %swap3A_197 = vector.shape_cast %add3A_192 : vector<16xf32> to vector<1x16xf32>
      tpu.vector_store %arg17[%swap3A_193, %swap3A_194], %swap3A_197 {strides = array<i32>} : memref<16x1024xf32, #tpu.memory_space<vmem>>, vector<1x16xf32>,
      %slice3A_198 = vector.extract_strided_slice %get3A_147 {offsets = [1], sizes = [1], strides = [1]} : vector<16xf32> to vector<1xf32>
      %squeeze3A_199 = vector.extract %slice3A_198[0] : f32 from vector<1xf32>
      %get3A_200 = arith.constant 1 : i32
      %get3A_201 = arith.index_cast %get3A_200 : i32 to index
      %get3A_202 = arith.index_cast %mul3A_175 : i32 to index
      %get3A_203 = tpu.vector_load %arg14[%get3A_201, %get3A_202] {strides = array<i32>} : memref<16x1024xf32, #tpu.memory_space<vmem>>, vector<1x16xf32>,
      %get3A_204 = vector.shape_cast %get3A_203 : vector<1x16xf32> to vector<16xf32>
      %mul3A_205 = vector.broadcast %squeeze3A_199 : f32 to vector<16xf32>
      %mul3A_206 = arith.mulf %mul3A_205, %get3A_204 : vector<16xf32>
      %slice3A_207 = vector.extract_strided_slice %get3A_150 {offsets = [1], sizes = [1], strides = [1]} : vector<16xf32> to vector<1xf32>
      %squeeze3A_208 = vector.extract %slice3A_207[0] : f32 from vector<1xf32>
      %get3A_209 = arith.constant 1 : i32
      %get3A_210 = arith.index_cast %get3A_209 : i32 to index
      %get3A_211 = arith.index_cast %mul3A_175 : i32 to index
      %get3A_212 = tpu.vector_load %arg15[%get3A_210, %get3A_211] {strides = array<i32>} : memref<16x1024xf32, #tpu.memory_space<vmem>>, vector<1x16xf32>,
      %get3A_213 = vector.shape_cast %get3A_212 : vector<1x16xf32> to vector<16xf32>
      %mul3A_214 = vector.broadcast %squeeze3A_208 : f32 to vector<16xf32>
      %mul3A_215 = arith.mulf %mul3A_214, %get3A_213 : vector<16xf32>
      %add3A_216 = arith.addf %mul3A_206, %mul3A_215 : vector<16xf32>
      %swap3A_217 = arith.constant 1 : i32
      %swap3A_218 = arith.index_cast %swap3A_217 : i32 to index
      %swap3A_219 = arith.index_cast %mul3A_175 : i32 to index
      %swap3A_220 = tpu.vector_load %arg17[%swap3A_218, %swap3A_219] {strides = array<i32>} : memref<16x1024xf32, #tpu.memory_space<vmem>>, vector<1x16xf32>,
      %swap3A_221 = vector.shape_cast %swap3A_220 : vector<1x16xf32> to vector<16xf32>
      %swap3A_222 = vector.shape_cast %add3A_216 : vector<16xf32> to vector<1x16xf32>
      tpu.vector_store %arg17[%swap3A_218, %swap3A_219], %swap3A_222 {strides = array<i32>} : memref<16x1024xf32, #tpu.memory_space<vmem>>, vector<1x16xf32>,
      %slice3A_223 = vector.extract_strided_slice %get3A_147 {offsets = [2], sizes = [1], strides = [1]} : vector<16xf32> to vector<1xf32>
      %squeeze3A_224 = vector.extract %slice3A_223[0] : f32 from vector<1xf32>
      %get3A_225 = arith.constant 2 : i32
      %get3A_226 = arith.index_cast %get3A_225 : i32 to index
      %get3A_227 = arith.index_cast %mul3A_175 : i32 to index
      %get3A_228 = tpu.vector_load %arg14[%get3A_226, %get3A_227] {strides = array<i32>} : memref<16x1024xf32, #tpu.memory_space<vmem>>, vector<1x16xf32>,
      %get3A_229 = vector.shape_cast %get3A_228 : vector<1x16xf32> to vector<16xf32>
      %mul3A_230 = vector.broadcast %squeeze3A_224 : f32 to vector<16xf32>
      %mul3A_231 = arith.mulf %mul3A_230, %get3A_229 : vector<16xf32>
      %slice3A_232 = vector.extract_strided_slice %get3A_150 {offsets = [2], sizes = [1], strides = [1]} : vector<16xf32> to vector<1xf32>
      %squeeze3A_233 = vector.extract %slice3A_232[0] : f32 from vector<1xf32>
      %get3A_234 = arith.constant 2 : i32
      %get3A_235 = arith.index_cast %get3A_234 : i32 to index
      %get3A_236 = arith.index_cast %mul3A_175 : i32 to index
      %get3A_237 = tpu.vector_load %arg15[%get3A_235, %get3A_236] {strides = array<i32>} : memref<16x1024xf32, #tpu.memory_space<vmem>>, vector<1x16xf32>,
      %get3A_238 = vector.shape_cast %get3A_237 : vector<1x16xf32> to vector<16xf32>
      %mul3A_239 = vector.broadcast %squeeze3A_233 : f32 to vector<16xf32>
      %mul3A_240 = arith.mulf %mul3A_239, %get3A_238 : vector<16xf32>
      %add3A_241 = arith.addf %mul3A_231, %mul3A_240 : vector<16xf32>
      %swap3A_242 = arith.constant 2 : i32
      %swap3A_243 = arith.index_cast %swap3A_242 : i32 to index
      %swap3A_244 = arith.index_cast %mul3A_175 : i32 to index
      %swap3A_245 = tpu.vector_load %arg17[%swap3A_243, %swap3A_244] {strides = array<i32>} : memref<16x1024xf32, #tpu.memory_space<vmem>>, vector<1x16xf32>,
      %swap3A_246 = vector.shape_cast %swap3A_245 : vector<1x16xf32> to vector<16xf32>
      %swap3A_247 = vector.shape_cast %add3A_241 : vector<16xf32> to vector<1x16xf32>
      tpu.vector_store %arg17[%swap3A_243, %swap3A_244], %swap3A_247 {strides = array<i32>} : memref<16x1024xf32, #tpu.memory_space<vmem>>, vector<1x16xf32>,
      %slice3A_248 = vector.extract_strided_slice %get3A_147 {offsets = [3], sizes = [1], strides = [1]} : vector<16xf32> to vector<1xf32>
      %squeeze3A_249 = vector.extract %slice3A_248[0] : f32 from vector<1xf32>
      %get3A_250 = arith.constant 3 : i32
      %get3A_251 = arith.index_cast %get3A_250 : i32 to index
      %get3A_252 = arith.index_cast %mul3A_175 : i32 to index
      %get3A_253 = tpu.vector_load %arg14[%get3A_251, %get3A_252] {strides = array<i32>} : memref<16x1024xf32, #tpu.memory_space<vmem>>, vector<1x16xf32>,
      %get3A_254 = vector.shape_cast %get3A_253 : vector<1x16xf32> to vector<16xf32>
      %mul3A_255 = vector.broadcast %squeeze3A_249 : f32 to vector<16xf32>
      %mul3A_256 = arith.mulf %mul3A_255, %get3A_254 : vector<16xf32>
      %slice3A_257 = vector.extract_strided_slice %get3A_150 {offsets = [3], sizes = [1], strides = [1]} : vector<16xf32> to vector<1xf32>
      %squeeze3A_258 = vector.extract %slice3A_257[0] : f32 from vector<1xf32>
      %get3A_259 = arith.constant 3 : i32
      %get3A_260 = arith.index_cast %get3A_259 : i32 to index
      %get3A_261 = arith.index_cast %mul3A_175 : i32 to index
      %get3A_262 = tpu.vector_load %arg15[%get3A_260, %get3A_261] {strides = array<i32>} : memref<16x1024xf32, #tpu.memory_space<vmem>>, vector<1x16xf32>,
      %get3A_263 = vector.shape_cast %get3A_262 : vector<1x16xf32> to vector<16xf32>
      %mul3A_264 = vector.broadcast %squeeze3A_258 : f32 to vector<16xf32>
      %mul3A_265 = arith.mulf %mul3A_264, %get3A_263 : vector<16xf32>
      %add3A_266 = arith.addf %mul3A_256, %mul3A_265 : vector<16xf32>
      %swap3A_267 = arith.constant 3 : i32
      %swap3A_268 = arith.index_cast %swap3A_267 : i32 to index
      %swap3A_269 = arith.index_cast %mul3A_175 : i32 to index
      %swap3A_270 = tpu.vector_load %arg17[%swap3A_268, %swap3A_269] {strides = array<i32>} : memref<16x1024xf32, #tpu.memory_space<vmem>>, vector<1x16xf32>,
      %swap3A_271 = vector.shape_cast %swap3A_270 : vector<1x16xf32> to vector<16xf32>
      %swap3A_272 = vector.shape_cast %add3A_266 : vector<16xf32> to vector<1x16xf32>
      tpu.vector_store %arg17[%swap3A_268, %swap3A_269], %swap3A_272 {strides = array<i32>} : memref<16x1024xf32, #tpu.memory_space<vmem>>, vector<1x16xf32>,
      %slice3A_273 = vector.extract_strided_slice %get3A_147 {offsets = [4], sizes = [1], strides = [1]} : vector<16xf32> to vector<1xf32>
      %squeeze3A_274 = vector.extract %slice3A_273[0] : f32 from vector<1xf32>
      %get3A_275 = arith.constant 4 : i32
      %get3A_276 = arith.index_cast %get3A_275 : i32 to index
      %get3A_277 = arith.index_cast %mul3A_175 : i32 to index
      %get3A_278 = tpu.vector_load %arg14[%get3A_276, %get3A_277] {strides = array<i32>} : memref<16x1024xf32, #tpu.memory_space<vmem>>, vector<1x16xf32>,
      %get3A_279 = vector.shape_cast %get3A_278 : vector<1x16xf32> to vector<16xf32>
      %mul3A_280 = vector.broadcast %squeeze3A_274 : f32 to vector<16xf32>
      %mul3A_281 = arith.mulf %mul3A_280, %get3A_279 : vector<16xf32>
      %slice3A_282 = vector.extract_strided_slice %get3A_150 {offsets = [4], sizes = [1], strides = [1]} : vector<16xf32> to vector<1xf32>
      %squeeze3A_283 = vector.extract %slice3A_282[0] : f32 from vector<1xf32>
      %get3A_284 = arith.constant 4 : i32
      %get3A_285 = arith.index_cast %get3A_284 : i32 to index
      %get3A_286 = arith.index_cast %mul3A_175 : i32 to index
      %get3A_287 = tpu.vector_load %arg15[%get3A_285, %get3A_286] {strides = array<i32>} : memref<16x1024xf32, #tpu.memory_space<vmem>>, vector<1x16xf32>,
      %get3A_288 = vector.shape_cast %get3A_287 : vector<1x16xf32> to vector<16xf32>
      %mul3A_289 = vector.broadcast %squeeze3A_283 : f32 to vector<16xf32>
      %mul3A_290 = arith.mulf %mul3A_289, %get3A_288 : vector<16xf32>
      %add3A_291 = arith.addf %mul3A_281, %mul3A_290 : vector<16xf32>
      %swap3A_292 = arith.constant 4 : i32
      %swap3A_293 = arith.index_cast %swap3A_292 : i32 to index
      %swap3A_294 = arith.index_cast %mul3A_175 : i32 to index
      %swap3A_295 = tpu.vector_load %arg17[%swap3A_293, %swap3A_294] {strides = array<i32>} : memref<16x1024xf32, #tpu.memory_space<vmem>>, vector<1x16xf32>,
      %swap3A_296 = vector.shape_cast %swap3A_295 : vector<1x16xf32> to vector<16xf32>
      %swap3A_297 = vector.shape_cast %add3A_291 : vector<16xf32> to vector<1x16xf32>
      tpu.vector_store %arg17[%swap3A_293, %swap3A_294], %swap3A_297 {strides = array<i32>} : memref<16x1024xf32, #tpu.memory_space<vmem>>, vector<1x16xf32>,
      %slice3A_298 = vector.extract_strided_slice %get3A_147 {offsets = [5], sizes = [1], strides = [1]} : vector<16xf32> to vector<1xf32>
      %squeeze3A_299 = vector.extract %slice3A_298[0] : f32 from vector<1xf32>
      %get3A_300 = arith.constant 5 : i32
      %get3A_301 = arith.index_cast %get3A_300 : i32 to index
      %get3A_302 = arith.index_cast %mul3A_175 : i32 to index
      %get3A_303 = tpu.vector_load %arg14[%get3A_301, %get3A_302] {strides = array<i32>} : memref<16x1024xf32, #tpu.memory_space<vmem>>, vector<1x16xf32>,
      %get3A_304 = vector.shape_cast %get3A_303 : vector<1x16xf32> to vector<16xf32>
      %mul3A_305 = vector.broadcast %squeeze3A_299 : f32 to vector<16xf32>
      %mul3A_306 = arith.mulf %mul3A_305, %get3A_304 : vector<16xf32>
      %slice3A_307 = vector.extract_strided_slice %get3A_150 {offsets = [5], sizes = [1], strides = [1]} : vector<16xf32> to vector<1xf32>
      %squeeze3A_308 = vector.extract %slice3A_307[0] : f32 from vector<1xf32>
      %get3A_309 = arith.constant 5 : i32
      %get3A_310 = arith.index_cast %get3A_309 : i32 to index
      %get3A_311 = arith.index_cast %mul3A_175 : i32 to index
      %get3A_312 = tpu.vector_load %arg15[%get3A_310, %get3A_311] {strides = array<i32>} : memref<16x1024xf32, #tpu.memory_space<vmem>>, vector<1x16xf32>,
      %get3A_313 = vector.shape_cast %get3A_312 : vector<1x16xf32> to vector<16xf32>
      %mul3A_314 = vector.broadcast %squeeze3A_308 : f32 to vector<16xf32>
      %mul3A_315 = arith.mulf %mul3A_314, %get3A_313 : vector<16xf32>
      %add3A_316 = arith.addf %mul3A_306, %mul3A_315 : vector<16xf32>
      %swap3A_317 = arith.constant 5 : i32
      %swap3A_318 = arith.index_cast %swap3A_317 : i32 to index
      %swap3A_319 = arith.index_cast %mul3A_175 : i32 to index
      %swap3A_320 = tpu.vector_load %arg17[%swap3A_318, %swap3A_319] {strides = array<i32>} : memref<16x1024xf32, #tpu.memory_space<vmem>>, vector<1x16xf32>,
      %swap3A_321 = vector.shape_cast %swap3A_320 : vector<1x16xf32> to vector<16xf32>
      %swap3A_322 = vector.shape_cast %add3A_316 : vector<16xf32> to vector<1x16xf32>
      tpu.vector_store %arg17[%swap3A_318, %swap3A_319], %swap3A_322 {strides = array<i32>} : memref<16x1024xf32, #tpu.memory_space<vmem>>, vector<1x16xf32>,
      %slice3A_323 = vector.extract_strided_slice %get3A_147 {offsets = [6], sizes = [1], strides = [1]} : vector<16xf32> to vector<1xf32>
      %squeeze3A_324 = vector.extract %slice3A_323[0] : f32 from vector<1xf32>
      %get3A_325 = arith.constant 6 : i32
      %get3A_326 = arith.index_cast %get3A_325 : i32 to index
      %get3A_327 = arith.index_cast %mul3A_175 : i32 to index
      %get3A_328 = tpu.vector_load %arg14[%get3A_326, %get3A_327] {strides = array<i32>} : memref<16x1024xf32, #tpu.memory_space<vmem>>, vector<1x16xf32>,
      %get3A_329 = vector.shape_cast %get3A_328 : vector<1x16xf32> to vector<16xf32>
      %mul3A_330 = vector.broadcast %squeeze3A_324 : f32 to vector<16xf32>
      %mul3A_331 = arith.mulf %mul3A_330, %get3A_329 : vector<16xf32>
      %slice3A_332 = vector.extract_strided_slice %get3A_150 {offsets = [6], sizes = [1], strides = [1]} : vector<16xf32> to vector<1xf32>
      %squeeze3A_333 = vector.extract %slice3A_332[0] : f32 from vector<1xf32>
      %get3A_334 = arith.constant 6 : i32
      %get3A_335 = arith.index_cast %get3A_334 : i32 to index
      %get3A_336 = arith.index_cast %mul3A_175 : i32 to index
      %get3A_337 = tpu.vector_load %arg15[%get3A_335, %get3A_336] {strides = array<i32>} : memref<16x1024xf32, #tpu.memory_space<vmem>>, vector<1x16xf32>,
      %get3A_338 = vector.shape_cast %get3A_337 : vector<1x16xf32> to vector<16xf32>
      %mul3A_339 = vector.broadcast %squeeze3A_333 : f32 to vector<16xf32>
      %mul3A_340 = arith.mulf %mul3A_339, %get3A_338 : vector<16xf32>
      %add3A_341 = arith.addf %mul3A_331, %mul3A_340 : vector<16xf32>
      %swap3A_342 = arith.constant 6 : i32
      %swap3A_343 = arith.index_cast %swap3A_342 : i32 to index
      %swap3A_344 = arith.index_cast %mul3A_175 : i32 to index
      %swap3A_345 = tpu.vector_load %arg17[%swap3A_343, %swap3A_344] {strides = array<i32>} : memref<16x1024xf32, #tpu.memory_space<vmem>>, vector<1x16xf32>,
      %swap3A_346 = vector.shape_cast %swap3A_345 : vector<1x16xf32> to vector<16xf32>
      %swap3A_347 = vector.shape_cast %add3A_341 : vector<16xf32> to vector<1x16xf32>
      tpu.vector_store %arg17[%swap3A_343, %swap3A_344], %swap3A_347 {strides = array<i32>} : memref<16x1024xf32, #tpu.memory_space<vmem>>, vector<1x16xf32>,
      %slice3A_348 = vector.extract_strided_slice %get3A_147 {offsets = [7], sizes = [1], strides = [1]} : vector<16xf32> to vector<1xf32>
      %squeeze3A_349 = vector.extract %slice3A_348[0] : f32 from vector<1xf32>
      %get3A_350 = arith.constant 7 : i32
      %get3A_351 = arith.index_cast %get3A_350 : i32 to index
      %get3A_352 = arith.index_cast %mul3A_175 : i32 to index
      %get3A_353 = tpu.vector_load %arg14[%get3A_351, %get3A_352] {strides = array<i32>} : memref<16x1024xf32, #tpu.memory_space<vmem>>, vector<1x16xf32>,
      %get3A_354 = vector.shape_cast %get3A_353 : vector<1x16xf32> to vector<16xf32>
      %mul3A_355 = vector.broadcast %squeeze3A_349 : f32 to vector<16xf32>
      %mul3A_356 = arith.mulf %mul3A_355, %get3A_354 : vector<16xf32>
      %slice3A_357 = vector.extract_strided_slice %get3A_150 {offsets = [7], sizes = [1], strides = [1]} : vector<16xf32> to vector<1xf32>
      %squeeze3A_358 = vector.extract %slice3A_357[0] : f32 from vector<1xf32>
      %get3A_359 = arith.constant 7 : i32
      %get3A_360 = arith.index_cast %get3A_359 : i32 to index
      %get3A_361 = arith.index_cast %mul3A_175 : i32 to index
      %get3A_362 = tpu.vector_load %arg15[%get3A_360, %get3A_361] {strides = array<i32>} : memref<16x1024xf32, #tpu.memory_space<vmem>>, vector<1x16xf32>,
      %get3A_363 = vector.shape_cast %get3A_362 : vector<1x16xf32> to vector<16xf32>
      %mul3A_364 = vector.broadcast %squeeze3A_358 : f32 to vector<16xf32>
      %mul3A_365 = arith.mulf %mul3A_364, %get3A_363 : vector<16xf32>
      %add3A_366 = arith.addf %mul3A_356, %mul3A_365 : vector<16xf32>
      %swap3A_367 = arith.constant 7 : i32
      %swap3A_368 = arith.index_cast %swap3A_367 : i32 to index
      %swap3A_369 = arith.index_cast %mul3A_175 : i32 to index
      %swap3A_370 = tpu.vector_load %arg17[%swap3A_368, %swap3A_369] {strides = array<i32>} : memref<16x1024xf32, #tpu.memory_space<vmem>>, vector<1x16xf32>,
      %swap3A_371 = vector.shape_cast %swap3A_370 : vector<1x16xf32> to vector<16xf32>
      %swap3A_372 = vector.shape_cast %add3A_366 : vector<16xf32> to vector<1x16xf32>
      tpu.vector_store %arg17[%swap3A_368, %swap3A_369], %swap3A_372 {strides = array<i32>} : memref<16x1024xf32, #tpu.memory_space<vmem>>, vector<1x16xf32>,
      %slice3A_373 = vector.extract_strided_slice %get3A_147 {offsets = [8], sizes = [1], strides = [1]} : vector<16xf32> to vector<1xf32>
      %squeeze3A_374 = vector.extract %slice3A_373[0] : f32 from vector<1xf32>
      %get3A_375 = arith.constant 8 : i32
      %get3A_376 = arith.index_cast %get3A_375 : i32 to index
      %get3A_377 = arith.index_cast %mul3A_175 : i32 to index
      %get3A_378 = tpu.vector_load %arg14[%get3A_376, %get3A_377] {strides = array<i32>} : memref<16x1024xf32, #tpu.memory_space<vmem>>, vector<1x16xf32>,
      %get3A_379 = vector.shape_cast %get3A_378 : vector<1x16xf32> to vector<16xf32>
      %mul3A_380 = vector.broadcast %squeeze3A_374 : f32 to vector<16xf32>
      %mul3A_381 = arith.mulf %mul3A_380, %get3A_379 : vector<16xf32>
      %slice3A_382 = vector.extract_strided_slice %get3A_150 {offsets = [8], sizes = [1], strides = [1]} : vector<16xf32> to vector<1xf32>
      %squeeze3A_383 = vector.extract %slice3A_382[0] : f32 from vector<1xf32>
      %get3A_384 = arith.constant 8 : i32
      %get3A_385 = arith.index_cast %get3A_384 : i32 to index
      %get3A_386 = arith.index_cast %mul3A_175 : i32 to index
      %get3A_387 = tpu.vector_load %arg15[%get3A_385, %get3A_386] {strides = array<i32>} : memref<16x1024xf32, #tpu.memory_space<vmem>>, vector<1x16xf32>,
      %get3A_388 = vector.shape_cast %get3A_387 : vector<1x16xf32> to vector<16xf32>
      %mul3A_389 = vector.broadcast %squeeze3A_383 : f32 to vector<16xf32>
      %mul3A_390 = arith.mulf %mul3A_389, %get3A_388 : vector<16xf32>
      %add3A_391 = arith.addf %mul3A_381, %mul3A_390 : vector<16xf32>
      %swap3A_392 = arith.constant 8 : i32
      %swap3A_393 = arith.index_cast %swap3A_392 : i32 to index
      %swap3A_394 = arith.index_cast %mul3A_175 : i32 to index
      %swap3A_395 = tpu.vector_load %arg17[%swap3A_393, %swap3A_394] {strides = array<i32>} : memref<16x1024xf32, #tpu.memory_space<vmem>>, vector<1x16xf32>,
      %swap3A_396 = vector.shape_cast %swap3A_395 : vector<1x16xf32> to vector<16xf32>
      %swap3A_397 = vector.shape_cast %add3A_391 : vector<16xf32> to vector<1x16xf32>
      tpu.vector_store %arg17[%swap3A_393, %swap3A_394], %swap3A_397 {strides = array<i32>} : memref<16x1024xf32, #tpu.memory_space<vmem>>, vector<1x16xf32>,
      %slice3A_398 = vector.extract_strided_slice %get3A_147 {offsets = [9], sizes = [1], strides = [1]} : vector<16xf32> to vector<1xf32>
      %squeeze3A_399 = vector.extract %slice3A_398[0] : f32 from vector<1xf32>
      %get3A_400 = arith.constant 9 : i32
      %get3A_401 = arith.index_cast %get3A_400 : i32 to index
      %get3A_402 = arith.index_cast %mul3A_175 : i32 to index
      %get3A_403 = tpu.vector_load %arg14[%get3A_401, %get3A_402] {strides = array<i32>} : memref<16x1024xf32, #tpu.memory_space<vmem>>, vector<1x16xf32>,
      %get3A_404 = vector.shape_cast %get3A_403 : vector<1x16xf32> to vector<16xf32>
      %mul3A_405 = vector.broadcast %squeeze3A_399 : f32 to vector<16xf32>
      %mul3A_406 = arith.mulf %mul3A_405, %get3A_404 : vector<16xf32>
      %slice3A_407 = vector.extract_strided_slice %get3A_150 {offsets = [9], sizes = [1], strides = [1]} : vector<16xf32> to vector<1xf32>
      %squeeze3A_408 = vector.extract %slice3A_407[0] : f32 from vector<1xf32>
      %get3A_409 = arith.constant 9 : i32
      %get3A_410 = arith.index_cast %get3A_409 : i32 to index
      %get3A_411 = arith.index_cast %mul3A_175 : i32 to index
      %get3A_412 = tpu.vector_load %arg15[%get3A_410, %get3A_411] {strides = array<i32>} : memref<16x1024xf32, #tpu.memory_space<vmem>>, vector<1x16xf32>,
      %get3A_413 = vector.shape_cast %get3A_412 : vector<1x16xf32> to vector<16xf32>
      %mul3A_414 = vector.broadcast %squeeze3A_408 : f32 to vector<16xf32>
      %mul3A_415 = arith.mulf %mul3A_414, %get3A_413 : vector<16xf32>
      %add3A_416 = arith.addf %mul3A_406, %mul3A_415 : vector<16xf32>
      %swap3A_417 = arith.constant 9 : i32
      %swap3A_418 = arith.index_cast %swap3A_417 : i32 to index
      %swap3A_419 = arith.index_cast %mul3A_175 : i32 to index
      %swap3A_420 = tpu.vector_load %arg17[%swap3A_418, %swap3A_419] {strides = array<i32>} : memref<16x1024xf32, #tpu.memory_space<vmem>>, vector<1x16xf32>,
      %swap3A_421 = vector.shape_cast %swap3A_420 : vector<1x16xf32> to vector<16xf32>
      %swap3A_422 = vector.shape_cast %add3A_416 : vector<16xf32> to vector<1x16xf32>
      tpu.vector_store %arg17[%swap3A_418, %swap3A_419], %swap3A_422 {strides = array<i32>} : memref<16x1024xf32, #tpu.memory_space<vmem>>, vector<1x16xf32>,
      %slice3A_423 = vector.extract_strided_slice %get3A_147 {offsets = [10], sizes = [1], strides = [1]} : vector<16xf32> to vector<1xf32>
      %squeeze3A_424 = vector.extract %slice3A_423[0] : f32 from vector<1xf32>
      %get3A_425 = arith.constant 10 : i32
      %get3A_426 = arith.index_cast %get3A_425 : i32 to index
      %get3A_427 = arith.index_cast %mul3A_175 : i32 to index
      %get3A_428 = tpu.vector_load %arg14[%get3A_426, %get3A_427] {strides = array<i32>} : memref<16x1024xf32, #tpu.memory_space<vmem>>, vector<1x16xf32>,
      %get3A_429 = vector.shape_cast %get3A_428 : vector<1x16xf32> to vector<16xf32>
      %mul3A_430 = vector.broadcast %squeeze3A_424 : f32 to vector<16xf32>
      %mul3A_431 = arith.mulf %mul3A_430, %get3A_429 : vector<16xf32>
      %slice3A_432 = vector.extract_strided_slice %get3A_150 {offsets = [10], sizes = [1], strides = [1]} : vector<16xf32> to vector<1xf32>
      %squeeze3A_433 = vector.extract %slice3A_432[0] : f32 from vector<1xf32>
      %get3A_434 = arith.constant 10 : i32
      %get3A_435 = arith.index_cast %get3A_434 : i32 to index
      %get3A_436 = arith.index_cast %mul3A_175 : i32 to index
      %get3A_437 = tpu.vector_load %arg15[%get3A_435, %get3A_436] {strides = array<i32>} : memref<16x1024xf32, #tpu.memory_space<vmem>>, vector<1x16xf32>,
      %get3A_438 = vector.shape_cast %get3A_437 : vector<1x16xf32> to vector<16xf32>
      %mul3A_439 = vector.broadcast %squeeze3A_433 : f32 to vector<16xf32>
      %mul3A_440 = arith.mulf %mul3A_439, %get3A_438 : vector<16xf32>
      %add3A_441 = arith.addf %mul3A_431, %mul3A_440 : vector<16xf32>
      %swap3A_442 = arith.constant 10 : i32
      %swap3A_443 = arith.index_cast %swap3A_442 : i32 to index
      %swap3A_444 = arith.index_cast %mul3A_175 : i32 to index
      %swap3A_445 = tpu.vector_load %arg17[%swap3A_443, %swap3A_444] {strides = array<i32>} : memref<16x1024xf32, #tpu.memory_space<vmem>>, vector<1x16xf32>,
      %swap3A_446 = vector.shape_cast %swap3A_445 : vector<1x16xf32> to vector<16xf32>
      %swap3A_447 = vector.shape_cast %add3A_441 : vector<16xf32> to vector<1x16xf32>
      tpu.vector_store %arg17[%swap3A_443, %swap3A_444], %swap3A_447 {strides = array<i32>} : memref<16x1024xf32, #tpu.memory_space<vmem>>, vector<1x16xf32>,
      %slice3A_448 = vector.extract_strided_slice %get3A_147 {offsets = [11], sizes = [1], strides = [1]} : vector<16xf32> to vector<1xf32>
      %squeeze3A_449 = vector.extract %slice3A_448[0] : f32 from vector<1xf32>
      %get3A_450 = arith.constant 11 : i32
      %get3A_451 = arith.index_cast %get3A_450 : i32 to index
      %get3A_452 = arith.index_cast %mul3A_175 : i32 to index
      %get3A_453 = tpu.vector_load %arg14[%get3A_451, %get3A_452] {strides = array<i32>} : memref<16x1024xf32, #tpu.memory_space<vmem>>, vector<1x16xf32>,
      %get3A_454 = vector.shape_cast %get3A_453 : vector<1x16xf32> to vector<16xf32>
      %mul3A_455 = vector.broadcast %squeeze3A_449 : f32 to vector<16xf32>
      %mul3A_456 = arith.mulf %mul3A_455, %get3A_454 : vector<16xf32>
      %slice3A_457 = vector.extract_strided_slice %get3A_150 {offsets = [11], sizes = [1], strides = [1]} : vector<16xf32> to vector<1xf32>
      %squeeze3A_458 = vector.extract %slice3A_457[0] : f32 from vector<1xf32>
      %get3A_459 = arith.constant 11 : i32
      %get3A_460 = arith.index_cast %get3A_459 : i32 to index
      %get3A_461 = arith.index_cast %mul3A_175 : i32 to index
      %get3A_462 = tpu.vector_load %arg15[%get3A_460, %get3A_461] {strides = array<i32>} : memref<16x1024xf32, #tpu.memory_space<vmem>>, vector<1x16xf32>,
      %get3A_463 = vector.shape_cast %get3A_462 : vector<1x16xf32> to vector<16xf32>
      %mul3A_464 = vector.broadcast %squeeze3A_458 : f32 to vector<16xf32>
      %mul3A_465 = arith.mulf %mul3A_464, %get3A_463 : vector<16xf32>
      %add3A_466 = arith.addf %mul3A_456, %mul3A_465 : vector<16xf32>
      %swap3A_467 = arith.constant 11 : i32
      %swap3A_468 = arith.index_cast %swap3A_467 : i32 to index
      %swap3A_469 = arith.index_cast %mul3A_175 : i32 to index
      %swap3A_470 = tpu.vector_load %arg17[%swap3A_468, %swap3A_469] {strides = array<i32>} : memref<16x1024xf32, #tpu.memory_space<vmem>>, vector<1x16xf32>,
      %swap3A_471 = vector.shape_cast %swap3A_470 : vector<1x16xf32> to vector<16xf32>
      %swap3A_472 = vector.shape_cast %add3A_466 : vector<16xf32> to vector<1x16xf32>
      tpu.vector_store %arg17[%swap3A_468, %swap3A_469], %swap3A_472 {strides = array<i32>} : memref<16x1024xf32, #tpu.memory_space<vmem>>, vector<1x16xf32>,
      %slice3A_473 = vector.extract_strided_slice %get3A_147 {offsets = [12], sizes = [1], strides = [1]} : vector<16xf32> to vector<1xf32>
      %squeeze3A_474 = vector.extract %slice3A_473[0] : f32 from vector<1xf32>
      %get3A_475 = arith.constant 12 : i32
      %get3A_476 = arith.index_cast %get3A_475 : i32 to index
      %get3A_477 = arith.index_cast %mul3A_175 : i32 to index
      %get3A_478 = tpu.vector_load %arg14[%get3A_476, %get3A_477] {strides = array<i32>} : memref<16x1024xf32, #tpu.memory_space<vmem>>, vector<1x16xf32>,
      %get3A_479 = vector.shape_cast %get3A_478 : vector<1x16xf32> to vector<16xf32>
      %mul3A_480 = vector.broadcast %squeeze3A_474 : f32 to vector<16xf32>
      %mul3A_481 = arith.mulf %mul3A_480, %get3A_479 : vector<16xf32>
      %slice3A_482 = vector.extract_strided_slice %get3A_150 {offsets = [12], sizes = [1], strides = [1]} : vector<16xf32> to vector<1xf32>
      %squeeze3A_483 = vector.extract %slice3A_482[0] : f32 from vector<1xf32>
      %get3A_484 = arith.constant 12 : i32
      %get3A_485 = arith.index_cast %get3A_484 : i32 to index
      %get3A_486 = arith.index_cast %mul3A_175 : i32 to index
      %get3A_487 = tpu.vector_load %arg15[%get3A_485, %get3A_486] {strides = array<i32>} : memref<16x1024xf32, #tpu.memory_space<vmem>>, vector<1x16xf32>,
      %get3A_488 = vector.shape_cast %get3A_487 : vector<1x16xf32> to vector<16xf32>
      %mul3A_489 = vector.broadcast %squeeze3A_483 : f32 to vector<16xf32>
      %mul3A_490 = arith.mulf %mul3A_489, %get3A_488 : vector<16xf32>
      %add3A_491 = arith.addf %mul3A_481, %mul3A_490 : vector<16xf32>
      %swap3A_492 = arith.constant 12 : i32
      %swap3A_493 = arith.index_cast %swap3A_492 : i32 to index
      %swap3A_494 = arith.index_cast %mul3A_175 : i32 to index
      %swap3A_495 = tpu.vector_load %arg17[%swap3A_493, %swap3A_494] {strides = array<i32>} : memref<16x1024xf32, #tpu.memory_space<vmem>>, vector<1x16xf32>,
      %swap3A_496 = vector.shape_cast %swap3A_495 : vector<1x16xf32> to vector<16xf32>
      %swap3A_497 = vector.shape_cast %add3A_491 : vector<16xf32> to vector<1x16xf32>
      tpu.vector_store %arg17[%swap3A_493, %swap3A_494], %swap3A_497 {strides = array<i32>} : memref<16x1024xf32, #tpu.memory_space<vmem>>, vector<1x16xf32>,
      %slice3A_498 = vector.extract_strided_slice %get3A_147 {offsets = [13], sizes = [1], strides = [1]} : vector<16xf32> to vector<1xf32>
      %squeeze3A_499 = vector.extract %slice3A_498[0] : f32 from vector<1xf32>
      %get3A_500 = arith.constant 13 : i32
      %get3A_501 = arith.index_cast %get3A_500 : i32 to index
      %get3A_502 = arith.index_cast %mul3A_175 : i32 to index
      %get3A_503 = tpu.vector_load %arg14[%get3A_501, %get3A_502] {strides = array<i32>} : memref<16x1024xf32, #tpu.memory_space<vmem>>, vector<1x16xf32>,
      %get3A_504 = vector.shape_cast %get3A_503 : vector<1x16xf32> to vector<16xf32>
      %mul3A_505 = vector.broadcast %squeeze3A_499 : f32 to vector<16xf32>
      %mul3A_506 = arith.mulf %mul3A_505, %get3A_504 : vector<16xf32>
      %slice3A_507 = vector.extract_strided_slice %get3A_150 {offsets = [13], sizes = [1], strides = [1]} : vector<16xf32> to vector<1xf32>
      %squeeze3A_508 = vector.extract %slice3A_507[0] : f32 from vector<1xf32>
      %get3A_509 = arith.constant 13 : i32
      %get3A_510 = arith.index_cast %get3A_509 : i32 to index
      %get3A_511 = arith.index_cast %mul3A_175 : i32 to index
      %get3A_512 = tpu.vector_load %arg15[%get3A_510, %get3A_511] {strides = array<i32>} : memref<16x1024xf32, #tpu.memory_space<vmem>>, vector<1x16xf32>,
      %get3A_513 = vector.shape_cast %get3A_512 : vector<1x16xf32> to vector<16xf32>
      %mul3A_514 = vector.broadcast %squeeze3A_508 : f32 to vector<16xf32>
      %mul3A_515 = arith.mulf %mul3A_514, %get3A_513 : vector<16xf32>
      %add3A_516 = arith.addf %mul3A_506, %mul3A_515 : vector<16xf32>
      %swap3A_517 = arith.constant 13 : i32
      %swap3A_518 = arith.index_cast %swap3A_517 : i32 to index
      %swap3A_519 = arith.index_cast %mul3A_175 : i32 to index
      %swap3A_520 = tpu.vector_load %arg17[%swap3A_518, %swap3A_519] {strides = array<i32>} : memref<16x1024xf32, #tpu.memory_space<vmem>>, vector<1x16xf32>,
      %swap3A_521 = vector.shape_cast %swap3A_520 : vector<1x16xf32> to vector<16xf32>
      %swap3A_522 = vector.shape_cast %add3A_516 : vector<16xf32> to vector<1x16xf32>
      tpu.vector_store %arg17[%swap3A_518, %swap3A_519], %swap3A_522 {strides = array<i32>} : memref<16x1024xf32, #tpu.memory_space<vmem>>, vector<1x16xf32>,
      %slice3A_523 = vector.extract_strided_slice %get3A_147 {offsets = [14], sizes = [1], strides = [1]} : vector<16xf32> to vector<1xf32>
      %squeeze3A_524 = vector.extract %slice3A_523[0] : f32 from vector<1xf32>
      %get3A_525 = arith.constant 14 : i32
      %get3A_526 = arith.index_cast %get3A_525 : i32 to index
      %get3A_527 = arith.index_cast %mul3A_175 : i32 to index
      %get3A_528 = tpu.vector_load %arg14[%get3A_526, %get3A_527] {strides = array<i32>} : memref<16x1024xf32, #tpu.memory_space<vmem>>, vector<1x16xf32>,
      %get3A_529 = vector.shape_cast %get3A_528 : vector<1x16xf32> to vector<16xf32>
      %mul3A_530 = vector.broadcast %squeeze3A_524 : f32 to vector<16xf32>
      %mul3A_531 = arith.mulf %mul3A_530, %get3A_529 : vector<16xf32>
      %slice3A_532 = vector.extract_strided_slice %get3A_150 {offsets = [14], sizes = [1], strides = [1]} : vector<16xf32> to vector<1xf32>
      %squeeze3A_533 = vector.extract %slice3A_532[0] : f32 from vector<1xf32>
      %get3A_534 = arith.constant 14 : i32
      %get3A_535 = arith.index_cast %get3A_534 : i32 to index
      %get3A_536 = arith.index_cast %mul3A_175 : i32 to index
      %get3A_537 = tpu.vector_load %arg15[%get3A_535, %get3A_536] {strides = array<i32>} : memref<16x1024xf32, #tpu.memory_space<vmem>>, vector<1x16xf32>,
      %get3A_538 = vector.shape_cast %get3A_537 : vector<1x16xf32> to vector<16xf32>
      %mul3A_539 = vector.broadcast %squeeze3A_533 : f32 to vector<16xf32>
      %mul3A_540 = arith.mulf %mul3A_539, %get3A_538 : vector<16xf32>
      %add3A_541 = arith.addf %mul3A_531, %mul3A_540 : vector<16xf32>
      %swap3A_542 = arith.constant 14 : i32
      %swap3A_543 = arith.index_cast %swap3A_542 : i32 to index
      %swap3A_544 = arith.index_cast %mul3A_175 : i32 to index
      %swap3A_545 = tpu.vector_load %arg17[%swap3A_543, %swap3A_544] {strides = array<i32>} : memref<16x1024xf32, #tpu.memory_space<vmem>>, vector<1x16xf32>,
      %swap3A_546 = vector.shape_cast %swap3A_545 : vector<1x16xf32> to vector<16xf32>
      %swap3A_547 = vector.shape_cast %add3A_541 : vector<16xf32> to vector<1x16xf32>
      tpu.vector_store %arg17[%swap3A_543, %swap3A_544], %swap3A_547 {strides = array<i32>} : memref<16x1024xf32, #tpu.memory_space<vmem>>, vector<1x16xf32>,
      %slice3A_548 = vector.extract_strided_slice %get3A_147 {offsets = [15], sizes = [1], strides = [1]} : vector<16xf32> to vector<1xf32>
      %squeeze3A_549 = vector.extract %slice3A_548[0] : f32 from vector<1xf32>
      %get3A_550 = arith.constant 15 : i32
      %get3A_551 = arith.index_cast %get3A_550 : i32 to index
      %get3A_552 = arith.index_cast %mul3A_175 : i32 to index
      %get3A_553 = tpu.vector_load %arg14[%get3A_551, %get3A_552] {strides = array<i32>} : memref<16x1024xf32, #tpu.memory_space<vmem>>, vector<1x16xf32>,
      %get3A_554 = vector.shape_cast %get3A_553 : vector<1x16xf32> to vector<16xf32>
      %mul3A_555 = vector.broadcast %squeeze3A_549 : f32 to vector<16xf32>
      %mul3A_556 = arith.mulf %mul3A_555, %get3A_554 : vector<16xf32>
      %slice3A_557 = vector.extract_strided_slice %get3A_150 {offsets = [15], sizes = [1], strides = [1]} : vector<16xf32> to vector<1xf32>
      %squeeze3A_558 = vector.extract %slice3A_557[0] : f32 from vector<1xf32>
      %get3A_559 = arith.constant 15 : i32
      %get3A_560 = arith.index_cast %get3A_559 : i32 to index
      %get3A_561 = arith.index_cast %mul3A_175 : i32 to index
      %get3A_562 = tpu.vector_load %arg15[%get3A_560, %get3A_561] {strides = array<i32>} : memref<16x1024xf32, #tpu.memory_space<vmem>>, vector<1x16xf32>,
      %get3A_563 = vector.shape_cast %get3A_562 : vector<1x16xf32> to vector<16xf32>
      %mul3A_564 = vector.broadcast %squeeze3A_558 : f32 to vector<16xf32>
      %mul3A_565 = arith.mulf %mul3A_564, %get3A_563 : vector<16xf32>
      %add3A_566 = arith.addf %mul3A_556, %mul3A_565 : vector<16xf32>
      %swap3A_567 = arith.constant 15 : i32
      %swap3A_568 = arith.index_cast %swap3A_567 : i32 to index
      %swap3A_569 = arith.index_cast %mul3A_175 : i32 to index
      %swap3A_570 = tpu.vector_load %arg17[%swap3A_568, %swap3A_569] {strides = array<i32>} : memref<16x1024xf32, #tpu.memory_space<vmem>>, vector<1x16xf32>,
      %swap3A_571 = vector.shape_cast %swap3A_570 : vector<1x16xf32> to vector<16xf32>
      %swap3A_572 = vector.shape_cast %add3A_566 : vector<16xf32> to vector<1x16xf32>
      tpu.vector_store %arg17[%swap3A_568, %swap3A_569], %swap3A_572 {strides = array<i32>} : memref<16x1024xf32, #tpu.memory_space<vmem>>, vector<1x16xf32>,
    }
    %scan3A_156 = arith.constant 64 : i32
    %mul3A_157 = arith.constant 64 : i32
    %mul3A_158 = arith.muli %add3A, %mul3A_157 : i32
    %add3A_159 = arith.constant 48 : i32
    %add3A_160 = arith.addi %mul3A_158, %add3A_159 : i32
    %dma_start3A_161 = arith.constant 0 : i32
    %dma_start3A_162 = tpu.memref_slice %arg7[%add3A_160, %dma_start3A_161] : memref<2048x1024xf32, #tpu.memory_space<hbm>> -> memref<16x1024xf32, #tpu.memory_space<hbm>>
    %dma_start3A_163 = arith.constant 0 : i32
    %dma_start3A_164 = tpu.memref_slice %arg7[%add3A_160, %dma_start3A_163] : memref<2048x1024xf32, #tpu.memory_space<hbm>> -> memref<16x1024xf32, #tpu.memory_space<hbm>>
    tpu.enqueue_dma source(%arg17 : memref<16x1024xf32, #tpu.memory_space<vmem>>) target(%dma_start3A_164 : memref<16x1024xf32, #tpu.memory_space<hbm>>) target_semaphore(%arg21 : memref<!tpu.dma_semaphore, #tpu.memory_space<semaphore_mem>>)
    %dma_wait3A_165 = arith.constant 0 : i32
    %dma_wait3A_166 = tpu.memref_slice %arg7[%add3A_126, %dma_wait3A_165] : memref<2048x1024xf32, #tpu.memory_space<hbm>> -> memref<16x1024xf32, #tpu.memory_space<hbm>>
    %dma_wait3A_167 = arith.constant 0 : i32
    %dma_wait3A_168 = tpu.memref_slice %arg7[%add3A_126, %dma_wait3A_167] : memref<2048x1024xf32, #tpu.memory_space<hbm>> -> memref<16x1024xf32, #tpu.memory_space<hbm>>
    tpu.wait_dma2 semaphore(%arg20 : memref<!tpu.dma_semaphore, #tpu.memory_space<semaphore_mem>>) src(%arg16 : memref<16x1024xf32, #tpu.memory_space<vmem>>) dst(%dma_wait3A_168 : memref<16x1024xf32, #tpu.memory_space<hbm>>)
    %dma_wait3A_169 = arith.constant 0 : i32
    %dma_wait3A_170 = tpu.memref_slice %arg7[%add3A_160, %dma_wait3A_169] : memref<2048x1024xf32, #tpu.memory_space<hbm>> -> memref<16x1024xf32, #tpu.memory_space<hbm>>
    %dma_wait3A_171 = arith.constant 0 : i32
    %dma_wait3A_172 = tpu.memref_slice %arg7[%add3A_160, %dma_wait3A_171] : memref<2048x1024xf32, #tpu.memory_space<hbm>> -> memref<16x1024xf32, #tpu.memory_space<hbm>>
    tpu.wait_dma2 semaphore(%arg21 : memref<!tpu.dma_semaphore, #tpu.memory_space<semaphore_mem>>) src(%arg17 : memref<16x1024xf32, #tpu.memory_space<vmem>>) dst(%dma_wait3A_172 : memref<16x1024xf32, #tpu.memory_space<hbm>>)
    return
  }
}

#map = affine_map<(d0, d1) -> (0, 0)>
module attributes {stable_mosaic.version = 14 : i64} {
  func.func @_dispatch(%arg0: i32, %arg1: i32, %arg2: memref<32x64xi32, #tpu.memory_space<hbm>>, %arg3: memref<32x64xi32, #tpu.memory_space<hbm>>, %arg4: memref<2048x512xi32, #tpu.memory_space<hbm>>, %arg5: memref<8192x512xi32, #tpu.memory_space<hbm>>, %arg6: memref<2x64xi32, #tpu.memory_space<vmem>>, %arg7: memref<64x512xi32, #tpu.memory_space<vmem>>, %arg8: memref<!tpu.dma_semaphore, #tpu.memory_space<semaphore_mem>>) attributes {dimension_semantics = [#tpu.dimension_semantics<core_parallel>, #tpu.dimension_semantics<subcore_parallel>], iteration_bounds = array<i64: 2, 16>, scalar_prefetch = 0 : i64, scratch_operands = 3 : i64, tpu.core_type = #tpu.core_type<sc_vector_subcore>, window_params = [{transform_indices = #map}, {transform_indices = #map}, {transform_indices = #map}, {transform_indices = #map}]} {
    %mul3A = arith.constant 2 : i32
    %mul3A_0 = arith.muli %arg1, %mul3A : i32
    %add3A = arith.addi %mul3A_0, %arg0 : i32
    %run_scoped3A = arith.constant 0 : i32
    "tpu.region"() ({
      %run_scoped3A_30 = tpu.sem_alloc : memref<!tpu.dma_semaphore, #tpu.memory_space<semaphore_mem>>
      %dma_start3A_31 = arith.constant 0 : i32
      %dma_start3A_32 = tpu.memref_slice %arg6[%run_scoped3A, %dma_start3A_31] : memref<2x64xi32, #tpu.memory_space<vmem>> -> memref<1x64xi32, #tpu.memory_space<vmem>>
      %dma_start3A_33 = tpu.memref_squeeze %dma_start3A_32 : memref<1x64xi32, #tpu.memory_space<vmem>> -> memref<64xi32, #tpu.memory_space<vmem>>
      %dma_start3A_34 = arith.constant 0 : i32
      %dma_start3A_35 = tpu.memref_slice %arg2[%add3A, %dma_start3A_34] : memref<32x64xi32, #tpu.memory_space<hbm>> -> memref<1x64xi32, #tpu.memory_space<hbm>>
      %dma_start3A_36 = tpu.memref_squeeze %dma_start3A_35 : memref<1x64xi32, #tpu.memory_space<hbm>> -> memref<64xi32, #tpu.memory_space<hbm>>
      %dma_start3A_37 = arith.constant 0 : i32
      %dma_start3A_38 = tpu.memref_slice %arg6[%run_scoped3A, %dma_start3A_37] : memref<2x64xi32, #tpu.memory_space<vmem>> -> memref<1x64xi32, #tpu.memory_space<vmem>>
      %dma_start3A_39 = tpu.memref_squeeze %dma_start3A_38 : memref<1x64xi32, #tpu.memory_space<vmem>> -> memref<64xi32, #tpu.memory_space<vmem>>
      %dma_start3A_40 = arith.constant 0 : i32
      %dma_start3A_41 = tpu.memref_slice %arg2[%add3A, %dma_start3A_40] : memref<32x64xi32, #tpu.memory_space<hbm>> -> memref<1x64xi32, #tpu.memory_space<hbm>>
      %dma_start3A_42 = tpu.memref_squeeze %dma_start3A_41 : memref<1x64xi32, #tpu.memory_space<hbm>> -> memref<64xi32, #tpu.memory_space<hbm>>
      tpu.enqueue_dma source(%dma_start3A_42 : memref<64xi32, #tpu.memory_space<hbm>>) target(%dma_start3A_39 : memref<64xi32, #tpu.memory_space<vmem>>) target_semaphore(%run_scoped3A_30 : memref<!tpu.dma_semaphore, #tpu.memory_space<semaphore_mem>>)
      %dma_wait3A_43 = arith.constant 0 : i32
      %dma_wait3A_44 = tpu.memref_slice %arg6[%run_scoped3A, %dma_wait3A_43] : memref<2x64xi32, #tpu.memory_space<vmem>> -> memref<1x64xi32, #tpu.memory_space<vmem>>
      %dma_wait3A_45 = tpu.memref_squeeze %dma_wait3A_44 : memref<1x64xi32, #tpu.memory_space<vmem>> -> memref<64xi32, #tpu.memory_space<vmem>>
      %dma_wait3A_46 = arith.constant 0 : i32
      %dma_wait3A_47 = tpu.memref_slice %arg2[%add3A, %dma_wait3A_46] : memref<32x64xi32, #tpu.memory_space<hbm>> -> memref<1x64xi32, #tpu.memory_space<hbm>>
      %dma_wait3A_48 = tpu.memref_squeeze %dma_wait3A_47 : memref<1x64xi32, #tpu.memory_space<hbm>> -> memref<64xi32, #tpu.memory_space<hbm>>
      %dma_wait3A_49 = arith.constant 0 : i32
      %dma_wait3A_50 = tpu.memref_slice %arg6[%run_scoped3A, %dma_wait3A_49] : memref<2x64xi32, #tpu.memory_space<vmem>> -> memref<1x64xi32, #tpu.memory_space<vmem>>
      %dma_wait3A_51 = tpu.memref_squeeze %dma_wait3A_50 : memref<1x64xi32, #tpu.memory_space<vmem>> -> memref<64xi32, #tpu.memory_space<vmem>>
      %dma_wait3A_52 = arith.constant 0 : i32
      %dma_wait3A_53 = tpu.memref_slice %arg2[%add3A, %dma_wait3A_52] : memref<32x64xi32, #tpu.memory_space<hbm>> -> memref<1x64xi32, #tpu.memory_space<hbm>>
      %dma_wait3A_54 = tpu.memref_squeeze %dma_wait3A_53 : memref<1x64xi32, #tpu.memory_space<hbm>> -> memref<64xi32, #tpu.memory_space<hbm>>
      tpu.wait_dma2 semaphore(%run_scoped3A_30 : memref<!tpu.dma_semaphore, #tpu.memory_space<semaphore_mem>>) src(%dma_wait3A_54 : memref<64xi32, #tpu.memory_space<hbm>>) dst(%dma_wait3A_51 : memref<64xi32, #tpu.memory_space<vmem>>)
      tpu.yield
    }) : () -> ()
    %run_scoped3A_1 = arith.constant 1 : i32
    "tpu.region"() ({
      %run_scoped3A_30 = tpu.sem_alloc : memref<!tpu.dma_semaphore, #tpu.memory_space<semaphore_mem>>
      %dma_start3A_31 = arith.constant 0 : i32
      %dma_start3A_32 = tpu.memref_slice %arg6[%run_scoped3A_1, %dma_start3A_31] : memref<2x64xi32, #tpu.memory_space<vmem>> -> memref<1x64xi32, #tpu.memory_space<vmem>>
      %dma_start3A_33 = tpu.memref_squeeze %dma_start3A_32 : memref<1x64xi32, #tpu.memory_space<vmem>> -> memref<64xi32, #tpu.memory_space<vmem>>
      %dma_start3A_34 = arith.constant 0 : i32
      %dma_start3A_35 = tpu.memref_slice %arg3[%add3A, %dma_start3A_34] : memref<32x64xi32, #tpu.memory_space<hbm>> -> memref<1x64xi32, #tpu.memory_space<hbm>>
      %dma_start3A_36 = tpu.memref_squeeze %dma_start3A_35 : memref<1x64xi32, #tpu.memory_space<hbm>> -> memref<64xi32, #tpu.memory_space<hbm>>
      %dma_start3A_37 = arith.constant 0 : i32
      %dma_start3A_38 = tpu.memref_slice %arg6[%run_scoped3A_1, %dma_start3A_37] : memref<2x64xi32, #tpu.memory_space<vmem>> -> memref<1x64xi32, #tpu.memory_space<vmem>>
      %dma_start3A_39 = tpu.memref_squeeze %dma_start3A_38 : memref<1x64xi32, #tpu.memory_space<vmem>> -> memref<64xi32, #tpu.memory_space<vmem>>
      %dma_start3A_40 = arith.constant 0 : i32
      %dma_start3A_41 = tpu.memref_slice %arg3[%add3A, %dma_start3A_40] : memref<32x64xi32, #tpu.memory_space<hbm>> -> memref<1x64xi32, #tpu.memory_space<hbm>>
      %dma_start3A_42 = tpu.memref_squeeze %dma_start3A_41 : memref<1x64xi32, #tpu.memory_space<hbm>> -> memref<64xi32, #tpu.memory_space<hbm>>
      tpu.enqueue_dma source(%dma_start3A_42 : memref<64xi32, #tpu.memory_space<hbm>>) target(%dma_start3A_39 : memref<64xi32, #tpu.memory_space<vmem>>) target_semaphore(%run_scoped3A_30 : memref<!tpu.dma_semaphore, #tpu.memory_space<semaphore_mem>>)
      %dma_wait3A_43 = arith.constant 0 : i32
      %dma_wait3A_44 = tpu.memref_slice %arg6[%run_scoped3A_1, %dma_wait3A_43] : memref<2x64xi32, #tpu.memory_space<vmem>> -> memref<1x64xi32, #tpu.memory_space<vmem>>
      %dma_wait3A_45 = tpu.memref_squeeze %dma_wait3A_44 : memref<1x64xi32, #tpu.memory_space<vmem>> -> memref<64xi32, #tpu.memory_space<vmem>>
      %dma_wait3A_46 = arith.constant 0 : i32
      %dma_wait3A_47 = tpu.memref_slice %arg3[%add3A, %dma_wait3A_46] : memref<32x64xi32, #tpu.memory_space<hbm>> -> memref<1x64xi32, #tpu.memory_space<hbm>>
      %dma_wait3A_48 = tpu.memref_squeeze %dma_wait3A_47 : memref<1x64xi32, #tpu.memory_space<hbm>> -> memref<64xi32, #tpu.memory_space<hbm>>
      %dma_wait3A_49 = arith.constant 0 : i32
      %dma_wait3A_50 = tpu.memref_slice %arg6[%run_scoped3A_1, %dma_wait3A_49] : memref<2x64xi32, #tpu.memory_space<vmem>> -> memref<1x64xi32, #tpu.memory_space<vmem>>
      %dma_wait3A_51 = tpu.memref_squeeze %dma_wait3A_50 : memref<1x64xi32, #tpu.memory_space<vmem>> -> memref<64xi32, #tpu.memory_space<vmem>>
      %dma_wait3A_52 = arith.constant 0 : i32
      %dma_wait3A_53 = tpu.memref_slice %arg3[%add3A, %dma_wait3A_52] : memref<32x64xi32, #tpu.memory_space<hbm>> -> memref<1x64xi32, #tpu.memory_space<hbm>>
      %dma_wait3A_54 = tpu.memref_squeeze %dma_wait3A_53 : memref<1x64xi32, #tpu.memory_space<hbm>> -> memref<64xi32, #tpu.memory_space<hbm>>
      tpu.wait_dma2 semaphore(%run_scoped3A_30 : memref<!tpu.dma_semaphore, #tpu.memory_space<semaphore_mem>>) src(%dma_wait3A_54 : memref<64xi32, #tpu.memory_space<hbm>>) dst(%dma_wait3A_51 : memref<64xi32, #tpu.memory_space<vmem>>)
      tpu.yield
    }) : () -> ()
    %mul3A_2 = arith.constant 64 : i32
    %mul3A_3 = arith.muli %add3A, %mul3A_2 : i32
    "tpu.region"() ({
      %run_scoped3A_30 = tpu.sem_alloc : memref<!tpu.dma_semaphore, #tpu.memory_space<semaphore_mem>>
      %dma_start3A_31 = arith.constant 0 : i32
      %dma_start3A_32 = tpu.memref_slice %arg4[%mul3A_3, %dma_start3A_31] : memref<2048x512xi32, #tpu.memory_space<hbm>> -> memref<64x512xi32, #tpu.memory_space<hbm>>
      %dma_start3A_33 = arith.constant 0 : i32
      %dma_start3A_34 = tpu.memref_slice %arg4[%mul3A_3, %dma_start3A_33] : memref<2048x512xi32, #tpu.memory_space<hbm>> -> memref<64x512xi32, #tpu.memory_space<hbm>>
      tpu.enqueue_dma source(%dma_start3A_34 : memref<64x512xi32, #tpu.memory_space<hbm>>) target(%arg7 : memref<64x512xi32, #tpu.memory_space<vmem>>) target_semaphore(%run_scoped3A_30 : memref<!tpu.dma_semaphore, #tpu.memory_space<semaphore_mem>>)
      %dma_wait3A_35 = arith.constant 0 : i32
      %dma_wait3A_36 = tpu.memref_slice %arg4[%mul3A_3, %dma_wait3A_35] : memref<2048x512xi32, #tpu.memory_space<hbm>> -> memref<64x512xi32, #tpu.memory_space<hbm>>
      %dma_wait3A_37 = arith.constant 0 : i32
      %dma_wait3A_38 = tpu.memref_slice %arg4[%mul3A_3, %dma_wait3A_37] : memref<2048x512xi32, #tpu.memory_space<hbm>> -> memref<64x512xi32, #tpu.memory_space<hbm>>
      tpu.wait_dma2 semaphore(%run_scoped3A_30 : memref<!tpu.dma_semaphore, #tpu.memory_space<semaphore_mem>>) src(%dma_wait3A_38 : memref<64x512xi32, #tpu.memory_space<hbm>>) dst(%arg7 : memref<64x512xi32, #tpu.memory_space<vmem>>)
      tpu.yield
    }) : () -> ()
    %dma_start3A = arith.constant 0 : i32
    %dma_start3A_4 = arith.constant 0 : i32
    %dma_start3A_5 = tpu.memref_slice %arg6[%dma_start3A, %dma_start3A_4] : memref<2x64xi32, #tpu.memory_space<vmem>> -> memref<1x64xi32, #tpu.memory_space<vmem>>
    %dma_start3A_6 = tpu.memref_squeeze %dma_start3A_5 : memref<1x64xi32, #tpu.memory_space<vmem>> -> memref<64xi32, #tpu.memory_space<vmem>>
    %dma_start3A_7 = arith.constant 0 : i32
    %dma_start3A_8 = arith.constant 0 : i32
    %dma_start3A_9 = tpu.memref_slice %arg5[%dma_start3A_7, %dma_start3A_8] : memref<8192x512xi32, #tpu.memory_space<hbm>> -> memref<8192x512xi32, #tpu.memory_space<hbm>>
    tpu.enqueue_indirect_dma source(%arg7 : memref<64x512xi32, #tpu.memory_space<vmem>>) target(%dma_start3A_9 : memref<8192x512xi32, #tpu.memory_space<hbm>>) offsets(%dma_start3A_6 : memref<64xi32, #tpu.memory_space<vmem>>) semaphore(%arg8 : memref<!tpu.dma_semaphore, #tpu.memory_space<semaphore_mem>>)
    %dma_start3A_10 = arith.constant 1 : i32
    %dma_start3A_11 = arith.constant 0 : i32
    %dma_start3A_12 = tpu.memref_slice %arg6[%dma_start3A_10, %dma_start3A_11] : memref<2x64xi32, #tpu.memory_space<vmem>> -> memref<1x64xi32, #tpu.memory_space<vmem>>
    %dma_start3A_13 = tpu.memref_squeeze %dma_start3A_12 : memref<1x64xi32, #tpu.memory_space<vmem>> -> memref<64xi32, #tpu.memory_space<vmem>>
    %dma_start3A_14 = arith.constant 0 : i32
    %dma_start3A_15 = arith.constant 0 : i32
    %dma_start3A_16 = tpu.memref_slice %arg5[%dma_start3A_14, %dma_start3A_15] : memref<8192x512xi32, #tpu.memory_space<hbm>> -> memref<8192x512xi32, #tpu.memory_space<hbm>>
    tpu.enqueue_indirect_dma source(%arg7 : memref<64x512xi32, #tpu.memory_space<vmem>>) target(%dma_start3A_16 : memref<8192x512xi32, #tpu.memory_space<hbm>>) offsets(%dma_start3A_13 : memref<64xi32, #tpu.memory_space<vmem>>) semaphore(%arg8 : memref<!tpu.dma_semaphore, #tpu.memory_space<semaphore_mem>>)
    %dma_wait3A = arith.constant 0 : i32
    %dma_wait3A_17 = arith.constant 0 : i32
    %dma_wait3A_18 = tpu.memref_slice %arg6[%dma_wait3A, %dma_wait3A_17] : memref<2x64xi32, #tpu.memory_space<vmem>> -> memref<1x64xi32, #tpu.memory_space<vmem>>
    %dma_wait3A_19 = tpu.memref_squeeze %dma_wait3A_18 : memref<1x64xi32, #tpu.memory_space<vmem>> -> memref<64xi32, #tpu.memory_space<vmem>>
    %dma_wait3A_20 = arith.constant 0 : i32
    %dma_wait3A_21 = arith.constant 0 : i32
    %dma_wait3A_22 = tpu.memref_slice %arg5[%dma_wait3A_20, %dma_wait3A_21] : memref<8192x512xi32, #tpu.memory_space<hbm>> -> memref<8192x512xi32, #tpu.memory_space<hbm>>
    tpu.wait_indirect_dma semaphore(%arg8 : memref<!tpu.dma_semaphore, #tpu.memory_space<semaphore_mem>>) src(%arg7 : memref<64x512xi32, #tpu.memory_space<vmem>>) dst(%dma_wait3A_22 : memref<8192x512xi32, #tpu.memory_space<hbm>>)
    %dma_wait3A_23 = arith.constant 1 : i32
    %dma_wait3A_24 = arith.constant 0 : i32
    %dma_wait3A_25 = tpu.memref_slice %arg6[%dma_wait3A_23, %dma_wait3A_24] : memref<2x64xi32, #tpu.memory_space<vmem>> -> memref<1x64xi32, #tpu.memory_space<vmem>>
    %dma_wait3A_26 = tpu.memref_squeeze %dma_wait3A_25 : memref<1x64xi32, #tpu.memory_space<vmem>> -> memref<64xi32, #tpu.memory_space<vmem>>
    %dma_wait3A_27 = arith.constant 0 : i32
    %dma_wait3A_28 = arith.constant 0 : i32
    %dma_wait3A_29 = tpu.memref_slice %arg5[%dma_wait3A_27, %dma_wait3A_28] : memref<8192x512xi32, #tpu.memory_space<hbm>> -> memref<8192x512xi32, #tpu.memory_space<hbm>>
    tpu.wait_indirect_dma semaphore(%arg8 : memref<!tpu.dma_semaphore, #tpu.memory_space<semaphore_mem>>) src(%arg7 : memref<64x512xi32, #tpu.memory_space<vmem>>) dst(%dma_wait3A_29 : memref<8192x512xi32, #tpu.memory_space<hbm>>)
    return
  }
}

module attributes {stable_mosaic.version = 14 : i64} {
  func.func @_gmm_body(%arg0: i32, %arg1: memref<16x1xi32, #tpu.memory_space<smem>>, %arg2: memref<16x1xi32, #tpu.memory_space<smem>>, %arg3: memref<16x1xi32, #tpu.memory_space<smem>>, %arg4: memref<512x512xi32, #tpu.memory_space<vmem>>, %arg5: memref<1x1024x1024xf32, #tpu.memory_space<vmem>>, %arg6: memref<1x1024x1024xf32, #tpu.memory_space<vmem>>, %arg7: memref<512x1024xf32, #tpu.memory_space<vmem>>) attributes {dimension_semantics = [#tpu.dimension_semantics<arbitrary>], iteration_bounds = array<i64: 16>, scalar_prefetch = 3 : i64, scratch_operands = 0 : i64, tpu.core_type = #tpu.core_type<tc>, window_params = [{transform_indices = @transform_0, window_bounds = array<i64: 512, 512>}, {transform_indices = @transform_1, window_bounds = array<i64: 1, 1024, 1024>}, {transform_indices = @transform_2, window_bounds = array<i64: 1, 1024, 1024>}, {transform_indices = @transform_3, window_bounds = array<i64: 512, 1024>}]} {
    %get3A = arith.index_cast %arg0 : i32 to index
    %get3A_0 = arith.constant 0 : index
    %get3A_1 = memref.load %arg2[%get3A, %get3A_0] : memref<16x1xi32, #tpu.memory_space<smem>>
    %gt3A = arith.constant 0 : i32
    %gt3A_2 = arith.cmpi sgt, %get3A_1, %gt3A : i32
    %convert_element_type3A = arith.extui %gt3A_2 : i1 to i32
    %cond3A = arith.constant 0 : i32
    %cond3A_3 = arith.cmpi ne, %convert_element_type3A, %cond3A : i32
    scf.if %cond3A_3 {
      %get3A_4 = arith.constant 0 : index
      %get3A_5 = arith.constant 0 : index
      %get3A_6 = vector.load %arg4[%get3A_4, %get3A_5] : memref<512x512xi32, #tpu.memory_space<vmem>>, vector<512x512xi32>
      %and3A = arith.constant 65535 : i32
      %and3A_7 = vector.broadcast %and3A : i32 to vector<512x512xi32>
      %and3A_8 = arith.andi %get3A_6, %and3A_7 : vector<512x512xi32>
      %convert_element_type3A_9 = arith.trunci %and3A_8 : vector<512x512xi32> to vector<512x512xi16>
      %bitcast3A = tpu.bitcast %convert_element_type3A_9 : vector<512x512xi16> -> vector<512x512xbf16>
      %shift_right_arithmetic3A = arith.constant 16 : i32
      %shift_right_arithmetic3A_10 = vector.broadcast %shift_right_arithmetic3A : i32 to vector<512x512xi32>
      %shift_right_arithmetic3A_11 = arith.shrsi %get3A_6, %shift_right_arithmetic3A_10 : vector<512x512xi32>
      %and3A_12 = arith.constant 65535 : i32
      %and3A_13 = vector.broadcast %and3A_12 : i32 to vector<512x512xi32>
      %and3A_14 = arith.andi %shift_right_arithmetic3A_11, %and3A_13 : vector<512x512xi32>
      %convert_element_type3A_15 = arith.trunci %and3A_14 : vector<512x512xi32> to vector<512x512xi16>
      %bitcast3A_16 = tpu.bitcast %convert_element_type3A_15 : vector<512x512xi16> -> vector<512x512xbf16>
      %get3A_17 = arith.constant 0 : index
      %get3A_18 = arith.constant 0 : index
      %get3A_19 = arith.constant 0 : index
      %get3A_20 = vector.load %arg5[%get3A_17, %get3A_18, %get3A_19] : memref<1x1024x1024xf32, #tpu.memory_space<vmem>>, vector<1x1024x1024xf32>
      %get3A_21 = vector.shape_cast %get3A_20 : vector<1x1024x1024xf32> to vector<1024x1024xf32>
      %convert_element_type3A_22 = arith.truncf %get3A_21 : vector<1024x1024xf32> to vector<1024x1024xbf16>
      %get3A_23 = arith.constant 0 : index
      %get3A_24 = arith.constant 0 : index
      %get3A_25 = arith.constant 0 : index
      %get3A_26 = vector.load %arg6[%get3A_23, %get3A_24, %get3A_25] : memref<1x1024x1024xf32, #tpu.memory_space<vmem>>, vector<1x1024x1024xf32>
      %get3A_27 = vector.shape_cast %get3A_26 : vector<1x1024x1024xf32> to vector<1024x1024xf32>
      %convert_element_type3A_28 = arith.truncf %get3A_27 : vector<1024x1024xf32> to vector<1024x1024xbf16>
      %slice3A = vector.extract_strided_slice %convert_element_type3A_22 {offsets = [0, 0], sizes = [512, 1024], strides = [1, 1]} : vector<1024x1024xbf16> to vector<512x1024xbf16>
      %dot_general3A = arith.constant dense<0.000000e+00> : vector<512x1024xf32>
      %dot_general3A_29 = tpu.matmul %bitcast3A, %slice3A, %dot_general3A {dimension_numbers = #tpu.dot_dimension_numbers<[1], [0], [0], [1], [0, 0, 1, 1], [], []>, transpose_lhs_hint = false} : vector<512x512xbf16>, vector<512x1024xbf16>, vector<512x1024xf32> -> vector<512x1024xf32>
      %slice3A_30 = vector.extract_strided_slice %convert_element_type3A_22 {offsets = [512, 0], sizes = [512, 1024], strides = [1, 1]} : vector<1024x1024xbf16> to vector<512x1024xbf16>
      %dot_general3A_31 = arith.constant dense<0.000000e+00> : vector<512x1024xf32>
      %dot_general3A_32 = tpu.matmul %bitcast3A_16, %slice3A_30, %dot_general3A_31 {dimension_numbers = #tpu.dot_dimension_numbers<[1], [0], [0], [1], [0, 0, 1, 1], [], []>, transpose_lhs_hint = false} : vector<512x512xbf16>, vector<512x1024xbf16>, vector<512x1024xf32> -> vector<512x1024xf32>
      %add3A = arith.addf %dot_general3A_29, %dot_general3A_32 : vector<512x1024xf32>
      %slice3A_33 = vector.extract_strided_slice %convert_element_type3A_28 {offsets = [0, 0], sizes = [512, 1024], strides = [1, 1]} : vector<1024x1024xbf16> to vector<512x1024xbf16>
      %dot_general3A_34 = arith.constant dense<0.000000e+00> : vector<512x1024xf32>
      %dot_general3A_35 = tpu.matmul %bitcast3A, %slice3A_33, %dot_general3A_34 {dimension_numbers = #tpu.dot_dimension_numbers<[1], [0], [0], [1], [0, 0, 1, 1], [], []>, transpose_lhs_hint = false} : vector<512x512xbf16>, vector<512x1024xbf16>, vector<512x1024xf32> -> vector<512x1024xf32>
      %slice3A_36 = vector.extract_strided_slice %convert_element_type3A_28 {offsets = [512, 0], sizes = [512, 1024], strides = [1, 1]} : vector<1024x1024xbf16> to vector<512x1024xbf16>
      %dot_general3A_37 = arith.constant dense<0.000000e+00> : vector<512x1024xf32>
      %dot_general3A_38 = tpu.matmul %bitcast3A_16, %slice3A_36, %dot_general3A_37 {dimension_numbers = #tpu.dot_dimension_numbers<[1], [0], [0], [1], [0, 0, 1, 1], [], []>, transpose_lhs_hint = false} : vector<512x512xbf16>, vector<512x1024xbf16>, vector<512x1024xf32> -> vector<512x1024xf32>
      %add3A_39 = arith.addf %dot_general3A_35, %dot_general3A_38 : vector<512x1024xf32>
      %logistic3A = arith.negf %add3A : vector<512x1024xf32>
      %logistic3A_40 = math.exp %logistic3A : vector<512x1024xf32>
      %logistic3A_41 = arith.constant 1.000000e+00 : f32
      %logistic3A_42 = vector.broadcast %logistic3A_41 : f32 to vector<512x1024xf32>
      %logistic3A_43 = arith.addf %logistic3A_42, %logistic3A_40 : vector<512x1024xf32>
      %logistic3A_44 = arith.divf %logistic3A_42, %logistic3A_43 : vector<512x1024xf32>
      %mul3A = arith.mulf %add3A, %logistic3A_44 : vector<512x1024xf32>
      %mul3A_45 = arith.mulf %mul3A, %add3A_39 : vector<512x1024xf32>
      %swap3A = arith.constant 0 : index
      %swap3A_46 = arith.constant 0 : index
      %swap3A_47 = vector.load %arg7[%swap3A, %swap3A_46] : memref<512x1024xf32, #tpu.memory_space<vmem>>, vector<512x1024xf32>
      tpu.vector_store %arg7[%swap3A, %swap3A_46], %mul3A_45 {strides = array<i32>} : memref<512x1024xf32, #tpu.memory_space<vmem>>, vector<512x1024xf32>,
    } else {
    }
    return
  }
  func.func @transform_0(%arg0: i32, %arg1: memref<16x1xi32, #tpu.memory_space<smem>>, %arg2: memref<16x1xi32, #tpu.memory_space<smem>>, %arg3: memref<16x1xi32, #tpu.memory_space<smem>>) -> (i32, i32) {
    %get3A = arith.index_cast %arg0 : i32 to index
    %get3A_0 = arith.constant 0 : index
    %get3A_1 = memref.load %arg3[%get3A, %get3A_0] : memref<16x1xi32, #tpu.memory_space<smem>>
    %c0_i32 = arith.constant 0 : i32
    %c0_i32_2 = arith.constant 0 : i32
    return %get3A_1, %c0_i32 : i32, i32
  }
  func.func @transform_1(%arg0: i32, %arg1: memref<16x1xi32, #tpu.memory_space<smem>>, %arg2: memref<16x1xi32, #tpu.memory_space<smem>>, %arg3: memref<16x1xi32, #tpu.memory_space<smem>>) -> (i32, i32, i32) {
    %get3A = arith.index_cast %arg0 : i32 to index
    %get3A_0 = arith.constant 0 : index
    %get3A_1 = memref.load %arg1[%get3A, %get3A_0] : memref<16x1xi32, #tpu.memory_space<smem>>
    %c0_i32 = arith.constant 0 : i32
    %c0_i32_2 = arith.constant 0 : i32
    %c0_i32_3 = arith.constant 0 : i32
    return %get3A_1, %c0_i32, %c0_i32_2 : i32, i32, i32
  }
  func.func @transform_2(%arg0: i32, %arg1: memref<16x1xi32, #tpu.memory_space<smem>>, %arg2: memref<16x1xi32, #tpu.memory_space<smem>>, %arg3: memref<16x1xi32, #tpu.memory_space<smem>>) -> (i32, i32, i32) {
    %get3A = arith.index_cast %arg0 : i32 to index
    %get3A_0 = arith.constant 0 : index
    %get3A_1 = memref.load %arg1[%get3A, %get3A_0] : memref<16x1xi32, #tpu.memory_space<smem>>
    %c0_i32 = arith.constant 0 : i32
    %c0_i32_2 = arith.constant 0 : i32
    %c0_i32_3 = arith.constant 0 : i32
    return %get3A_1, %c0_i32, %c0_i32_2 : i32, i32, i32
  }
  func.func @transform_3(%arg0: i32, %arg1: memref<16x1xi32, #tpu.memory_space<smem>>, %arg2: memref<16x1xi32, #tpu.memory_space<smem>>, %arg3: memref<16x1xi32, #tpu.memory_space<smem>>) -> (i32, i32) {
    %get3A = arith.index_cast %arg0 : i32 to index
    %get3A_0 = arith.constant 0 : index
    %get3A_1 = memref.load %arg3[%get3A, %get3A_0] : memref<16x1xi32, #tpu.memory_space<smem>>
    %c0_i32 = arith.constant 0 : i32
    %c0_i32_2 = arith.constant 0 : i32
    return %get3A_1, %c0_i32 : i32, i32
  }
}

module attributes {stable_mosaic.version = 14 : i64} {
  func.func @_router_body(%arg0: memref<2048x1024xf32, #tpu.memory_space<vmem>>, %arg1: memref<1024x8xf32, #tpu.memory_space<vmem>>, %arg2: memref<32x64xi32, #tpu.memory_space<vmem>>, %arg3: memref<32x64xi32, #tpu.memory_space<vmem>>, %arg4: memref<32x64xf32, #tpu.memory_space<vmem>>, %arg5: memref<32x64xf32, #tpu.memory_space<vmem>>, %arg6: memref<16x1xi32, #tpu.memory_space<vmem>>, %arg7: memref<16x1xi32, #tpu.memory_space<vmem>>, %arg8: memref<16x1xi32, #tpu.memory_space<vmem>>, %arg9: memref<2048x512xi32, #tpu.memory_space<vmem>>) attributes {dimension_semantics = [], scalar_prefetch = 0 : i64, scratch_operands = 0 : i64, tpu.core_type = #tpu.core_type<tc>} {
    %get3A = arith.constant 0 : index
    %get3A_0 = arith.constant 0 : index
    %get3A_1 = vector.load %arg0[%get3A, %get3A_0] : memref<2048x1024xf32, #tpu.memory_space<vmem>>, vector<2048x1024xf32>
    %bitcast3A = tpu.bitcast %get3A_1 : vector<2048x1024xf32> -> vector<2048x1024xi32>
    %shift_right_logical3A = arith.constant 16 : i32
    %shift_right_logical3A_2 = vector.broadcast %shift_right_logical3A : i32 to vector<2048x1024xi32>
    %shift_right_logical3A_3 = arith.shrui %bitcast3A, %shift_right_logical3A_2 : vector<2048x1024xi32>
    %and3A = arith.constant 1 : i32
    %and3A_4 = vector.broadcast %and3A : i32 to vector<2048x1024xi32>
    %and3A_5 = arith.andi %shift_right_logical3A_3, %and3A_4 : vector<2048x1024xi32>
    %add3A = arith.constant 32767 : i32
    %add3A_6 = vector.broadcast %add3A : i32 to vector<2048x1024xi32>
    %add3A_7 = arith.addi %and3A_5, %add3A_6 : vector<2048x1024xi32>
    %add3A_8 = arith.addi %bitcast3A, %add3A_7 : vector<2048x1024xi32>
    %shift_right_logical3A_9 = arith.constant 16 : i32
    %shift_right_logical3A_10 = vector.broadcast %shift_right_logical3A_9 : i32 to vector<2048x1024xi32>
    %shift_right_logical3A_11 = arith.shrui %add3A_8, %shift_right_logical3A_10 : vector<2048x1024xi32>
    %slice3A = vector.extract_strided_slice %shift_right_logical3A_11 {offsets = [0, 0], sizes = [2048, 512], strides = [1, 1]} : vector<2048x1024xi32> to vector<2048x512xi32>
    %slice3A_12 = vector.extract_strided_slice %shift_right_logical3A_11 {offsets = [0, 512], sizes = [2048, 512], strides = [1, 1]} : vector<2048x1024xi32> to vector<2048x512xi32>
    %shift_left3A = arith.constant 16 : i32
    %shift_left3A_13 = vector.broadcast %shift_left3A : i32 to vector<2048x512xi32>
    %shift_left3A_14 = arith.shli %slice3A_12, %shift_left3A_13 : vector<2048x512xi32>
    %or3A = arith.ori %slice3A, %shift_left3A_14 : vector<2048x512xi32>
    %bitcast3A_15 = tpu.bitcast %or3A : vector<2048x512xi32> -> vector<2048x512xi32>
    %swap3A = arith.constant 0 : index
    %swap3A_16 = arith.constant 0 : index
    %swap3A_17 = vector.load %arg9[%swap3A, %swap3A_16] : memref<2048x512xi32, #tpu.memory_space<vmem>>, vector<2048x512xi32>
    tpu.vector_store %arg9[%swap3A, %swap3A_16], %bitcast3A_15 {strides = array<i32>} : memref<2048x512xi32, #tpu.memory_space<vmem>>, vector<2048x512xi32>,
    %get3A_18 = arith.constant 0 : index
    %get3A_19 = arith.constant 0 : index
    %get3A_20 = vector.load %arg1[%get3A_18, %get3A_19] : memref<1024x8xf32, #tpu.memory_space<vmem>>, vector<1024x8xf32>
    %dot_general3A = arith.constant dense<0.000000e+00> : vector<2048x8xf32>
    %dot_general3A_21 = tpu.matmul %get3A_1, %get3A_20, %dot_general3A {dimension_numbers = #tpu.dot_dimension_numbers<[1], [0], [0], [1], [0, 0, 1, 1], [], []>, transpose_lhs_hint = false} : vector<2048x1024xf32>, vector<1024x8xf32>, vector<2048x8xf32> -> vector<2048x8xf32>
    %iota3A = tpu.iota {dimensions = array<i32: 1>} : vector<2048x8xi32>
    %reduce_max3A = arith.constant dense<0xFF800000> : vector<2048xf32>
    %reduce_max3A_22 = vector.multi_reduction <maximumf>, %dot_general3A_21, %reduce_max3A [1] : vector<2048x8xf32> to vector<2048xf32>
    %broadcast_in_dim3A = vector.shape_cast %reduce_max3A_22 : vector<2048xf32> to vector<2048x1xf32>
    %eq3A = vector.broadcast %broadcast_in_dim3A : vector<2048x1xf32> to vector<2048x8xf32>
    %eq3A_23 = arith.cmpf oeq, %dot_general3A_21, %eq3A : vector<2048x8xf32>
    %jit3A = arith.constant 8 : i32
    %broadcast_in_dim3A_24 = vector.broadcast %jit3A : i32 to vector<2048x8xi32>
    %select_n3A = arith.select %eq3A_23, %iota3A, %broadcast_in_dim3A_24 : vector<2048x8xi1>, vector<2048x8xi32>
    %reduce_min3A = arith.constant dense<2147483647> : vector<2048xi32>
    %reduce_min3A_25 = vector.multi_reduction <minsi>, %select_n3A, %reduce_min3A [1] : vector<2048x8xi32> to vector<2048xi32>
    %broadcast_in_dim3A_26 = vector.shape_cast %reduce_min3A_25 : vector<2048xi32> to vector<2048x1xi32>
    %eq3A_27 = vector.broadcast %broadcast_in_dim3A_26 : vector<2048x1xi32> to vector<2048x8xi32>
    %eq3A_28 = arith.cmpi eq, %iota3A, %eq3A_27 : vector<2048x8xi32>
    %jit3A_29 = arith.constant 0xFF800000 : f32
    %broadcast_in_dim3A_30 = vector.broadcast %jit3A_29 : f32 to vector<2048x8xf32>
    %select_n3A_31 = arith.select %eq3A_28, %broadcast_in_dim3A_30, %dot_general3A_21 : vector<2048x8xi1>, vector<2048x8xf32>
    %reduce_max3A_32 = arith.constant dense<0xFF800000> : vector<2048xf32>
    %reduce_max3A_33 = vector.multi_reduction <maximumf>, %select_n3A_31, %reduce_max3A_32 [1] : vector<2048x8xf32> to vector<2048xf32>
    %broadcast_in_dim3A_34 = vector.shape_cast %reduce_max3A_33 : vector<2048xf32> to vector<2048x1xf32>
    %eq3A_35 = vector.broadcast %broadcast_in_dim3A_34 : vector<2048x1xf32> to vector<2048x8xf32>
    %eq3A_36 = arith.cmpf oeq, %select_n3A_31, %eq3A_35 : vector<2048x8xf32>
    %jit3A_37 = arith.constant 8 : i32
    %broadcast_in_dim3A_38 = vector.broadcast %jit3A_37 : i32 to vector<2048x8xi32>
    %select_n3A_39 = arith.select %eq3A_36, %iota3A, %broadcast_in_dim3A_38 : vector<2048x8xi1>, vector<2048x8xi32>
    %reduce_min3A_40 = arith.constant dense<2147483647> : vector<2048xi32>
    %reduce_min3A_41 = vector.multi_reduction <minsi>, %select_n3A_39, %reduce_min3A_40 [1] : vector<2048x8xi32> to vector<2048xi32>
    %broadcast_in_dim3A_42 = vector.shape_cast %reduce_min3A_41 : vector<2048xi32> to vector<2048x1xi32>
    %sub3A = arith.subf %broadcast_in_dim3A_34, %broadcast_in_dim3A : vector<2048x1xf32>
    %exp3A = math.exp %sub3A : vector<2048x1xf32>
    %add3A_43 = arith.constant 1.000000e+00 : f32
    %add3A_44 = vector.broadcast %add3A_43 : f32 to vector<2048x1xf32>
    %add3A_45 = arith.addf %add3A_44, %exp3A : vector<2048x1xf32>
    %div3A = arith.constant 1.000000e+00 : f32
    %div3A_46 = vector.broadcast %div3A : f32 to vector<2048x1xf32>
    %div3A_47 = arith.divf %div3A_46, %add3A_45 : vector<2048x1xf32>
    %reshape3A = vector.shape_cast %div3A_47 : vector<2048x1xf32> to vector<32x64xf32>
    %swap3A_48 = arith.constant 0 : index
    %swap3A_49 = arith.constant 0 : index
    %swap3A_50 = vector.load %arg4[%swap3A_48, %swap3A_49] : memref<32x64xf32, #tpu.memory_space<vmem>>, vector<32x64xf32>
    tpu.vector_store %arg4[%swap3A_48, %swap3A_49], %reshape3A {strides = array<i32>} : memref<32x64xf32, #tpu.memory_space<vmem>>, vector<32x64xf32>,
    %add3A_51 = arith.constant 1.000000e+00 : f32
    %add3A_52 = vector.broadcast %add3A_51 : f32 to vector<2048x1xf32>
    %add3A_53 = arith.addf %add3A_52, %exp3A : vector<2048x1xf32>
    %div3A_54 = arith.divf %exp3A, %add3A_53 : vector<2048x1xf32>
    %reshape3A_55 = vector.shape_cast %div3A_54 : vector<2048x1xf32> to vector<32x64xf32>
    %swap3A_56 = arith.constant 0 : index
    %swap3A_57 = arith.constant 0 : index
    %swap3A_58 = vector.load %arg5[%swap3A_56, %swap3A_57] : memref<32x64xf32, #tpu.memory_space<vmem>>, vector<32x64xf32>
    tpu.vector_store %arg5[%swap3A_56, %swap3A_57], %reshape3A_55 {strides = array<i32>} : memref<32x64xf32, #tpu.memory_space<vmem>>, vector<32x64xf32>,
    %eq3A_59 = vector.broadcast %broadcast_in_dim3A_26 : vector<2048x1xi32> to vector<2048x8xi32>
    %eq3A_60 = arith.cmpi eq, %iota3A, %eq3A_59 : vector<2048x8xi32>
    %convert_element_type3A = arith.extui %eq3A_60 : vector<2048x8xi1> to vector<2048x8xi32>
    %convert_element_type3A_61 = arith.sitofp %convert_element_type3A : vector<2048x8xi32> to vector<2048x8xf32>
    %eq3A_62 = vector.broadcast %broadcast_in_dim3A_42 : vector<2048x1xi32> to vector<2048x8xi32>
    %eq3A_63 = arith.cmpi eq, %iota3A, %eq3A_62 : vector<2048x8xi32>
    %convert_element_type3A_64 = arith.extui %eq3A_63 : vector<2048x8xi1> to vector<2048x8xi32>
    %convert_element_type3A_65 = arith.sitofp %convert_element_type3A_64 : vector<2048x8xi32> to vector<2048x8xf32>
    %concatenate3A = tpu.concatenate %convert_element_type3A_61, %convert_element_type3A_65 in 1 : vector<2048x8xf32>, vector<2048x8xf32> -> vector<2048x16xf32>
    %iota3A_66 = tpu.iota {dimensions = array<i32: 0>} : vector<256x256xi32>
    %iota3A_67 = tpu.iota {dimensions = array<i32: 1>} : vector<256x256xi32>
    %lt3A = arith.cmpi slt, %iota3A_67, %iota3A_66 : vector<256x256xi32>
    %convert_element_type3A_68 = arith.extui %lt3A : vector<256x256xi1> to vector<256x256xi32>
    %convert_element_type3A_69 = arith.sitofp %convert_element_type3A_68 : vector<256x256xi32> to vector<256x256xf32>
    %broadcast_in_dim3A_70 = arith.constant 0.000000e+00 : f32
    %broadcast_in_dim3A_71 = vector.broadcast %broadcast_in_dim3A_70 : f32 to vector<1x16xf32>
    %slice3A_72 = vector.extract_strided_slice %concatenate3A {offsets = [0, 0], sizes = [256, 16], strides = [1, 1]} : vector<2048x16xf32> to vector<256x16xf32>
    %dot_general3A_73 = arith.constant dense<0.000000e+00> : vector<256x16xf32>
    %dot_general3A_74 = tpu.matmul %convert_element_type3A_69, %slice3A_72, %dot_general3A_73 {dimension_numbers = #tpu.dot_dimension_numbers<[1], [0], [0], [1], [0, 0, 1, 1], [], []>, transpose_lhs_hint = false} : vector<256x256xf32>, vector<256x16xf32>, vector<256x16xf32> -> vector<256x16xf32>
    %add3A_75 = vector.broadcast %broadcast_in_dim3A_71 : vector<1x16xf32> to vector<256x16xf32>
    %add3A_76 = arith.addf %dot_general3A_74, %add3A_75 : vector<256x16xf32>
    %reduce_sum3A = arith.constant dense<0.000000e+00> : vector<16xf32>
    %reduce_sum3A_77 = vector.multi_reduction <add>, %slice3A_72, %reduce_sum3A [0] : vector<256x16xf32> to vector<16xf32>
    %broadcast_in_dim3A_78 = vector.shape_cast %reduce_sum3A_77 : vector<16xf32> to vector<1x16xf32>
    %add3A_79 = arith.addf %broadcast_in_dim3A_71, %broadcast_in_dim3A_78 : vector<1x16xf32>
    %slice3A_80 = vector.extract_strided_slice %concatenate3A {offsets = [256, 0], sizes = [256, 16], strides = [1, 1]} : vector<2048x16xf32> to vector<256x16xf32>
    %dot_general3A_81 = arith.constant dense<0.000000e+00> : vector<256x16xf32>
    %dot_general3A_82 = tpu.matmul %convert_element_type3A_69, %slice3A_80, %dot_general3A_81 {dimension_numbers = #tpu.dot_dimension_numbers<[1], [0], [0], [1], [0, 0, 1, 1], [], []>, transpose_lhs_hint = false} : vector<256x256xf32>, vector<256x16xf32>, vector<256x16xf32> -> vector<256x16xf32>
    %add3A_83 = vector.broadcast %add3A_79 : vector<1x16xf32> to vector<256x16xf32>
    %add3A_84 = arith.addf %dot_general3A_82, %add3A_83 : vector<256x16xf32>
    %reduce_sum3A_85 = arith.constant dense<0.000000e+00> : vector<16xf32>
    %reduce_sum3A_86 = vector.multi_reduction <add>, %slice3A_80, %reduce_sum3A_85 [0] : vector<256x16xf32> to vector<16xf32>
    %broadcast_in_dim3A_87 = vector.shape_cast %reduce_sum3A_86 : vector<16xf32> to vector<1x16xf32>
    %add3A_88 = arith.addf %add3A_79, %broadcast_in_dim3A_87 : vector<1x16xf32>
    %slice3A_89 = vector.extract_strided_slice %concatenate3A {offsets = [512, 0], sizes = [256, 16], strides = [1, 1]} : vector<2048x16xf32> to vector<256x16xf32>
    %dot_general3A_90 = arith.constant dense<0.000000e+00> : vector<256x16xf32>
    %dot_general3A_91 = tpu.matmul %convert_element_type3A_69, %slice3A_89, %dot_general3A_90 {dimension_numbers = #tpu.dot_dimension_numbers<[1], [0], [0], [1], [0, 0, 1, 1], [], []>, transpose_lhs_hint = false} : vector<256x256xf32>, vector<256x16xf32>, vector<256x16xf32> -> vector<256x16xf32>
    %add3A_92 = vector.broadcast %add3A_88 : vector<1x16xf32> to vector<256x16xf32>
    %add3A_93 = arith.addf %dot_general3A_91, %add3A_92 : vector<256x16xf32>
    %reduce_sum3A_94 = arith.constant dense<0.000000e+00> : vector<16xf32>
    %reduce_sum3A_95 = vector.multi_reduction <add>, %slice3A_89, %reduce_sum3A_94 [0] : vector<256x16xf32> to vector<16xf32>
    %broadcast_in_dim3A_96 = vector.shape_cast %reduce_sum3A_95 : vector<16xf32> to vector<1x16xf32>
    %add3A_97 = arith.addf %add3A_88, %broadcast_in_dim3A_96 : vector<1x16xf32>
    %slice3A_98 = vector.extract_strided_slice %concatenate3A {offsets = [768, 0], sizes = [256, 16], strides = [1, 1]} : vector<2048x16xf32> to vector<256x16xf32>
    %dot_general3A_99 = arith.constant dense<0.000000e+00> : vector<256x16xf32>
    %dot_general3A_100 = tpu.matmul %convert_element_type3A_69, %slice3A_98, %dot_general3A_99 {dimension_numbers = #tpu.dot_dimension_numbers<[1], [0], [0], [1], [0, 0, 1, 1], [], []>, transpose_lhs_hint = false} : vector<256x256xf32>, vector<256x16xf32>, vector<256x16xf32> -> vector<256x16xf32>
    %add3A_101 = vector.broadcast %add3A_97 : vector<1x16xf32> to vector<256x16xf32>
    %add3A_102 = arith.addf %dot_general3A_100, %add3A_101 : vector<256x16xf32>
    %reduce_sum3A_103 = arith.constant dense<0.000000e+00> : vector<16xf32>
    %reduce_sum3A_104 = vector.multi_reduction <add>, %slice3A_98, %reduce_sum3A_103 [0] : vector<256x16xf32> to vector<16xf32>
    %broadcast_in_dim3A_105 = vector.shape_cast %reduce_sum3A_104 : vector<16xf32> to vector<1x16xf32>
    %add3A_106 = arith.addf %add3A_97, %broadcast_in_dim3A_105 : vector<1x16xf32>
    %slice3A_107 = vector.extract_strided_slice %concatenate3A {offsets = [1024, 0], sizes = [256, 16], strides = [1, 1]} : vector<2048x16xf32> to vector<256x16xf32>
    %dot_general3A_108 = arith.constant dense<0.000000e+00> : vector<256x16xf32>
    %dot_general3A_109 = tpu.matmul %convert_element_type3A_69, %slice3A_107, %dot_general3A_108 {dimension_numbers = #tpu.dot_dimension_numbers<[1], [0], [0], [1], [0, 0, 1, 1], [], []>, transpose_lhs_hint = false} : vector<256x256xf32>, vector<256x16xf32>, vector<256x16xf32> -> vector<256x16xf32>
    %add3A_110 = vector.broadcast %add3A_106 : vector<1x16xf32> to vector<256x16xf32>
    %add3A_111 = arith.addf %dot_general3A_109, %add3A_110 : vector<256x16xf32>
    %reduce_sum3A_112 = arith.constant dense<0.000000e+00> : vector<16xf32>
    %reduce_sum3A_113 = vector.multi_reduction <add>, %slice3A_107, %reduce_sum3A_112 [0] : vector<256x16xf32> to vector<16xf32>
    %broadcast_in_dim3A_114 = vector.shape_cast %reduce_sum3A_113 : vector<16xf32> to vector<1x16xf32>
    %add3A_115 = arith.addf %add3A_106, %broadcast_in_dim3A_114 : vector<1x16xf32>
    %slice3A_116 = vector.extract_strided_slice %concatenate3A {offsets = [1280, 0], sizes = [256, 16], strides = [1, 1]} : vector<2048x16xf32> to vector<256x16xf32>
    %dot_general3A_117 = arith.constant dense<0.000000e+00> : vector<256x16xf32>
    %dot_general3A_118 = tpu.matmul %convert_element_type3A_69, %slice3A_116, %dot_general3A_117 {dimension_numbers = #tpu.dot_dimension_numbers<[1], [0], [0], [1], [0, 0, 1, 1], [], []>, transpose_lhs_hint = false} : vector<256x256xf32>, vector<256x16xf32>, vector<256x16xf32> -> vector<256x16xf32>
    %add3A_119 = vector.broadcast %add3A_115 : vector<1x16xf32> to vector<256x16xf32>
    %add3A_120 = arith.addf %dot_general3A_118, %add3A_119 : vector<256x16xf32>
    %reduce_sum3A_121 = arith.constant dense<0.000000e+00> : vector<16xf32>
    %reduce_sum3A_122 = vector.multi_reduction <add>, %slice3A_116, %reduce_sum3A_121 [0] : vector<256x16xf32> to vector<16xf32>
    %broadcast_in_dim3A_123 = vector.shape_cast %reduce_sum3A_122 : vector<16xf32> to vector<1x16xf32>
    %add3A_124 = arith.addf %add3A_115, %broadcast_in_dim3A_123 : vector<1x16xf32>
    %slice3A_125 = vector.extract_strided_slice %concatenate3A {offsets = [1536, 0], sizes = [256, 16], strides = [1, 1]} : vector<2048x16xf32> to vector<256x16xf32>
    %dot_general3A_126 = arith.constant dense<0.000000e+00> : vector<256x16xf32>
    %dot_general3A_127 = tpu.matmul %convert_element_type3A_69, %slice3A_125, %dot_general3A_126 {dimension_numbers = #tpu.dot_dimension_numbers<[1], [0], [0], [1], [0, 0, 1, 1], [], []>, transpose_lhs_hint = false} : vector<256x256xf32>, vector<256x16xf32>, vector<256x16xf32> -> vector<256x16xf32>
    %add3A_128 = vector.broadcast %add3A_124 : vector<1x16xf32> to vector<256x16xf32>
    %add3A_129 = arith.addf %dot_general3A_127, %add3A_128 : vector<256x16xf32>
    %reduce_sum3A_130 = arith.constant dense<0.000000e+00> : vector<16xf32>
    %reduce_sum3A_131 = vector.multi_reduction <add>, %slice3A_125, %reduce_sum3A_130 [0] : vector<256x16xf32> to vector<16xf32>
    %broadcast_in_dim3A_132 = vector.shape_cast %reduce_sum3A_131 : vector<16xf32> to vector<1x16xf32>
    %add3A_133 = arith.addf %add3A_124, %broadcast_in_dim3A_132 : vector<1x16xf32>
    %slice3A_134 = vector.extract_strided_slice %concatenate3A {offsets = [1792, 0], sizes = [256, 16], strides = [1, 1]} : vector<2048x16xf32> to vector<256x16xf32>
    %dot_general3A_135 = arith.constant dense<0.000000e+00> : vector<256x16xf32>
    %dot_general3A_136 = tpu.matmul %convert_element_type3A_69, %slice3A_134, %dot_general3A_135 {dimension_numbers = #tpu.dot_dimension_numbers<[1], [0], [0], [1], [0, 0, 1, 1], [], []>, transpose_lhs_hint = false} : vector<256x256xf32>, vector<256x16xf32>, vector<256x16xf32> -> vector<256x16xf32>
    %add3A_137 = vector.broadcast %add3A_133 : vector<1x16xf32> to vector<256x16xf32>
    %add3A_138 = arith.addf %dot_general3A_136, %add3A_137 : vector<256x16xf32>
    %reduce_sum3A_139 = arith.constant dense<0.000000e+00> : vector<16xf32>
    %reduce_sum3A_140 = vector.multi_reduction <add>, %slice3A_134, %reduce_sum3A_139 [0] : vector<256x16xf32> to vector<16xf32>
    %broadcast_in_dim3A_141 = vector.shape_cast %reduce_sum3A_140 : vector<16xf32> to vector<1x16xf32>
    %add3A_142 = arith.addf %add3A_133, %broadcast_in_dim3A_141 : vector<1x16xf32>
    %concatenate3A_143 = tpu.concatenate %add3A_76, %add3A_84, %add3A_93, %add3A_102, %add3A_111, %add3A_120, %add3A_129, %add3A_138 in 0 : vector<256x16xf32>, vector<256x16xf32>, vector<256x16xf32>, vector<256x16xf32>, vector<256x16xf32>, vector<256x16xf32>, vector<256x16xf32>, vector<256x16xf32> -> vector<2048x16xf32>
    %slice3A_144 = vector.extract_strided_slice %add3A_142 {offsets = [0, 0], sizes = [1, 8], strides = [1, 1]} : vector<1x16xf32> to vector<1x8xf32>
    %slice3A_145 = vector.extract_strided_slice %add3A_142 {offsets = [0, 8], sizes = [1, 8], strides = [1, 1]} : vector<1x16xf32> to vector<1x8xf32>
    %add3A_146 = arith.addf %slice3A_144, %slice3A_145 : vector<1x8xf32>
    %mul3A = arith.constant 0.001953125 : f32
    %mul3A_147 = vector.broadcast %mul3A : f32 to vector<1x8xf32>
    %mul3A_148 = arith.mulf %add3A_146, %mul3A_147 : vector<1x8xf32>
    %ceil3A = math.ceil %mul3A_148 : vector<1x8xf32>
    %mul3A_149 = arith.constant 5.120000e+02 : f32
    %mul3A_150 = vector.broadcast %mul3A_149 : f32 to vector<1x8xf32>
    %mul3A_151 = arith.mulf %ceil3A, %mul3A_150 : vector<1x8xf32>
    %iota3A_152 = tpu.iota {dimensions = array<i32: 0>} : vector<8x8xi32>
    %iota3A_153 = tpu.iota {dimensions = array<i32: 1>} : vector<8x8xi32>
    %lt3A_154 = arith.cmpi slt, %iota3A_152, %iota3A_153 : vector<8x8xi32>
    %convert_element_type3A_155 = arith.extui %lt3A_154 : vector<8x8xi1> to vector<8x8xi32>
    %convert_element_type3A_156 = arith.sitofp %convert_element_type3A_155 : vector<8x8xi32> to vector<8x8xf32>
    %dot_general3A_157 = arith.constant dense<0.000000e+00> : vector<1x8xf32>
    %dot_general3A_158 = tpu.matmul %mul3A_151, %convert_element_type3A_156, %dot_general3A_157 {dimension_numbers = #tpu.dot_dimension_numbers<[1], [0], [0], [1], [0, 0, 1, 1], [], []>, transpose_lhs_hint = false} : vector<1x8xf32>, vector<8x8xf32>, vector<1x8xf32> -> vector<1x8xf32>
    %slice3A_159 = vector.extract_strided_slice %concatenate3A_143 {offsets = [0, 0], sizes = [2048, 8], strides = [1, 1]} : vector<2048x16xf32> to vector<2048x8xf32>
    %mul3A_160 = arith.mulf %convert_element_type3A_61, %slice3A_159 : vector<2048x8xf32>
    %reduce_sum3A_161 = arith.constant dense<0.000000e+00> : vector<2048xf32>
    %reduce_sum3A_162 = vector.multi_reduction <add>, %mul3A_160, %reduce_sum3A_161 [1] : vector<2048x8xf32> to vector<2048xf32>
    %broadcast_in_dim3A_163 = vector.shape_cast %reduce_sum3A_162 : vector<2048xf32> to vector<2048x1xf32>
    %slice3A_164 = vector.extract_strided_slice %concatenate3A_143 {offsets = [0, 8], sizes = [2048, 8], strides = [1, 1]} : vector<2048x16xf32> to vector<2048x8xf32>
    %mul3A_165 = arith.mulf %convert_element_type3A_65, %slice3A_164 : vector<2048x8xf32>
    %reduce_sum3A_166 = arith.constant dense<0.000000e+00> : vector<2048xf32>
    %reduce_sum3A_167 = vector.multi_reduction <add>, %mul3A_165, %reduce_sum3A_166 [1] : vector<2048x8xf32> to vector<2048xf32>
    %broadcast_in_dim3A_168 = vector.shape_cast %reduce_sum3A_167 : vector<2048xf32> to vector<2048x1xf32>
    %mul3A_169 = vector.broadcast %dot_general3A_158 : vector<1x8xf32> to vector<2048x8xf32>
    %mul3A_170 = arith.mulf %convert_element_type3A_61, %mul3A_169 : vector<2048x8xf32>
    %reduce_sum3A_171 = arith.constant dense<0.000000e+00> : vector<2048xf32>
    %reduce_sum3A_172 = vector.multi_reduction <add>, %mul3A_170, %reduce_sum3A_171 [1] : vector<2048x8xf32> to vector<2048xf32>
    %broadcast_in_dim3A_173 = vector.shape_cast %reduce_sum3A_172 : vector<2048xf32> to vector<2048x1xf32>
    %mul3A_174 = vector.broadcast %dot_general3A_158 : vector<1x8xf32> to vector<2048x8xf32>
    %mul3A_175 = arith.mulf %convert_element_type3A_65, %mul3A_174 : vector<2048x8xf32>
    %reduce_sum3A_176 = arith.constant dense<0.000000e+00> : vector<2048xf32>
    %reduce_sum3A_177 = vector.multi_reduction <add>, %mul3A_175, %reduce_sum3A_176 [1] : vector<2048x8xf32> to vector<2048xf32>
    %broadcast_in_dim3A_178 = vector.shape_cast %reduce_sum3A_177 : vector<2048xf32> to vector<2048x1xf32>
    %mul3A_179 = vector.broadcast %slice3A_144 : vector<1x8xf32> to vector<2048x8xf32>
    %mul3A_180 = arith.mulf %convert_element_type3A_65, %mul3A_179 : vector<2048x8xf32>
    %reduce_sum3A_181 = arith.constant dense<0.000000e+00> : vector<2048xf32>
    %reduce_sum3A_182 = vector.multi_reduction <add>, %mul3A_180, %reduce_sum3A_181 [1] : vector<2048x8xf32> to vector<2048xf32>
    %broadcast_in_dim3A_183 = vector.shape_cast %reduce_sum3A_182 : vector<2048xf32> to vector<2048x1xf32>
    %add3A_184 = arith.addf %broadcast_in_dim3A_173, %broadcast_in_dim3A_163 : vector<2048x1xf32>
    %convert_element_type3A_185 = arith.fptosi %add3A_184 : vector<2048x1xf32> to vector<2048x1xi32>
    %reshape3A_186 = vector.shape_cast %convert_element_type3A_185 : vector<2048x1xi32> to vector<32x64xi32>
    %swap3A_187 = arith.constant 0 : index
    %swap3A_188 = arith.constant 0 : index
    %swap3A_189 = vector.load %arg2[%swap3A_187, %swap3A_188] : memref<32x64xi32, #tpu.memory_space<vmem>>, vector<32x64xi32>
    tpu.vector_store %arg2[%swap3A_187, %swap3A_188], %reshape3A_186 {strides = array<i32>} : memref<32x64xi32, #tpu.memory_space<vmem>>, vector<32x64xi32>,
    %add3A_190 = arith.addf %broadcast_in_dim3A_178, %broadcast_in_dim3A_183 : vector<2048x1xf32>
    %add3A_191 = arith.addf %add3A_190, %broadcast_in_dim3A_168 : vector<2048x1xf32>
    %convert_element_type3A_192 = arith.fptosi %add3A_191 : vector<2048x1xf32> to vector<2048x1xi32>
    %reshape3A_193 = vector.shape_cast %convert_element_type3A_192 : vector<2048x1xi32> to vector<32x64xi32>
    %swap3A_194 = arith.constant 0 : index
    %swap3A_195 = arith.constant 0 : index
    %swap3A_196 = vector.load %arg3[%swap3A_194, %swap3A_195] : memref<32x64xi32, #tpu.memory_space<vmem>>, vector<32x64xi32>
    tpu.vector_store %arg3[%swap3A_194, %swap3A_195], %reshape3A_193 {strides = array<i32>} : memref<32x64xi32, #tpu.memory_space<vmem>>, vector<32x64xi32>,
    %add3A_197 = arith.addf %dot_general3A_158, %mul3A_151 : vector<1x8xf32>
    %reduce_max3A_198 = arith.constant dense<0xFF800000> : vector<1xf32>
    %reduce_max3A_199 = vector.multi_reduction <maximumf>, %add3A_197, %reduce_max3A_198 [1] : vector<1x8xf32> to vector<1xf32>
    %broadcast_in_dim3A_200 = vector.shape_cast %reduce_max3A_199 : vector<1xf32> to vector<1x1xf32>
    %iota3A_201 = tpu.iota {dimensions = array<i32: 0>} : vector<16x1xi32>
    %mul3A_202 = arith.constant 512 : i32
    %mul3A_203 = vector.broadcast %mul3A_202 : i32 to vector<16x1xi32>
    %mul3A_204 = arith.muli %iota3A_201, %mul3A_203 : vector<16x1xi32>
    %convert_element_type3A_205 = arith.sitofp %mul3A_204 : vector<16x1xi32> to vector<16x1xf32>
    %ge3A = vector.broadcast %convert_element_type3A_205 : vector<16x1xf32> to vector<16x8xf32>
    %ge3A_206 = vector.broadcast %add3A_197 : vector<1x8xf32> to vector<16x8xf32>
    %ge3A_207 = arith.cmpf oge, %ge3A, %ge3A_206 : vector<16x8xf32>
    %convert_element_type3A_208 = arith.extui %ge3A_207 : vector<16x8xi1> to vector<16x8xi32>
    %reduce_sum3A_209 = arith.constant dense<0> : vector<16xi32>
    %reduce_sum3A_210 = vector.multi_reduction <add>, %convert_element_type3A_208, %reduce_sum3A_209 [1] : vector<16x8xi32> to vector<16xi32>
    %broadcast_in_dim3A_211 = vector.shape_cast %reduce_sum3A_210 : vector<16xi32> to vector<16x1xi32>
    %lt3A_212 = vector.broadcast %broadcast_in_dim3A_200 : vector<1x1xf32> to vector<16x1xf32>
    %lt3A_213 = arith.cmpf olt, %convert_element_type3A_205, %lt3A_212 : vector<16x1xf32>
    %convert_element_type3A_214 = arith.extui %lt3A_213 : vector<16x1xi1> to vector<16x1xi32>
    %iota3A_215 = tpu.iota {dimensions = array<i32: 1>} : vector<1x8xi32>
    %gt3A = arith.constant 0.000000e+00 : f32
    %gt3A_216 = vector.broadcast %gt3A : f32 to vector<1x8xf32>
    %gt3A_217 = arith.cmpf ogt, %mul3A_151, %gt3A_216 : vector<1x8xf32>
    %jit3A_218 = arith.constant 0 : i32
    %broadcast_in_dim3A_219 = vector.broadcast %jit3A_218 : i32 to vector<1x8xi32>
    %select_n3A_220 = arith.select %gt3A_217, %iota3A_215, %broadcast_in_dim3A_219 : vector<1x8xi1>, vector<1x8xi32>
    %reduce_max3A_221 = arith.constant dense<-2147483648> : vector<1xi32>
    %reduce_max3A_222 = vector.multi_reduction <maxsi>, %select_n3A_220, %reduce_max3A_221 [1] : vector<1x8xi32> to vector<1xi32>
    %broadcast_in_dim3A_223 = vector.shape_cast %reduce_max3A_222 : vector<1xi32> to vector<1x1xi32>
    %gt3A_224 = arith.constant 0 : i32
    %gt3A_225 = vector.broadcast %gt3A_224 : i32 to vector<16x1xi32>
    %gt3A_226 = arith.cmpi sgt, %convert_element_type3A_214, %gt3A_225 : vector<16x1xi32>
    %broadcast_in_dim3A_227 = vector.shape_cast %broadcast_in_dim3A_223 : vector<1x1xi32> to vector<1x1xi32>
    %broadcast_in_dim3A_228 = vector.broadcast %broadcast_in_dim3A_227 : vector<1x1xi32> to vector<16x1xi32>
    %select_n3A_229 = arith.select %gt3A_226, %broadcast_in_dim3A_211, %broadcast_in_dim3A_228 : vector<16x1xi1>, vector<16x1xi32>
    %swap3A_230 = arith.constant 0 : index
    %swap3A_231 = arith.constant 0 : index
    %swap3A_232 = vector.load %arg6[%swap3A_230, %swap3A_231] : memref<16x1xi32, #tpu.memory_space<vmem>>, vector<16x1xi32>
    tpu.vector_store %arg6[%swap3A_230, %swap3A_231], %select_n3A_229 {strides = array<i32>} : memref<16x1xi32, #tpu.memory_space<vmem>>, vector<16x1xi32>,
    %swap3A_233 = arith.constant 0 : index
    %swap3A_234 = arith.constant 0 : index
    %swap3A_235 = vector.load %arg7[%swap3A_233, %swap3A_234] : memref<16x1xi32, #tpu.memory_space<vmem>>, vector<16x1xi32>
    tpu.vector_store %arg7[%swap3A_233, %swap3A_234], %convert_element_type3A_214 {strides = array<i32>} : memref<16x1xi32, #tpu.memory_space<vmem>>, vector<16x1xi32>,
    %reduce_sum3A_236 = arith.constant dense<0> : vector<1xi32>
    %reduce_sum3A_237 = vector.multi_reduction <add>, %convert_element_type3A_214, %reduce_sum3A_236 [0] : vector<16x1xi32> to vector<1xi32>
    %broadcast_in_dim3A_238 = vector.shape_cast %reduce_sum3A_237 : vector<1xi32> to vector<1x1xi32>
    %sub3A_239 = arith.constant 1 : i32
    %sub3A_240 = vector.broadcast %sub3A_239 : i32 to vector<1x1xi32>
    %sub3A_241 = arith.subi %broadcast_in_dim3A_238, %sub3A_240 : vector<1x1xi32>
    %gt3A_242 = arith.constant 0 : i32
    %gt3A_243 = vector.broadcast %gt3A_242 : i32 to vector<16x1xi32>
    %gt3A_244 = arith.cmpi sgt, %convert_element_type3A_214, %gt3A_243 : vector<16x1xi32>
    %broadcast_in_dim3A_245 = vector.shape_cast %sub3A_241 : vector<1x1xi32> to vector<1x1xi32>
    %broadcast_in_dim3A_246 = vector.broadcast %broadcast_in_dim3A_245 : vector<1x1xi32> to vector<16x1xi32>
    %select_n3A_247 = arith.select %gt3A_244, %iota3A_201, %broadcast_in_dim3A_246 : vector<16x1xi1>, vector<16x1xi32>
    %swap3A_248 = arith.constant 0 : index
    %swap3A_249 = arith.constant 0 : index
    %swap3A_250 = vector.load %arg8[%swap3A_248, %swap3A_249] : memref<16x1xi32, #tpu.memory_space<vmem>>, vector<16x1xi32>
    tpu.vector_store %arg8[%swap3A_248, %swap3A_249], %select_n3A_247 {strides = array<i32>} : memref<16x1xi32, #tpu.memory_space<vmem>>, vector<16x1xi32>,
    return
  }
}

</mosaic_0001>

<sc_bundles>
// kernel: kernel.6.cloned.1.call-start
scs
__scs_entry_jumppad:
0x0: {  	(pc) =	sbr.rel $0x88, $3  }
0x1: {  	(tag) =	ssettag $0x0;
	lr =	simm.s32 $0x1  }
0x2: {  	[smem:$0x3F9D] =	sst lr;
	_ =	strace $0xD0000000  }
0x3: {  	_ = 	snop  }
0x4: {  	_ = 	snop  }
0x5: {  	_ = 	snop  }
0x6: {  	_ = 	snop  }
0x7: {  	_ = 	snop  }
__scs_overlays_trampoline_lowered:
0x8: {  	[smem:$0x3FAC] =	sst s0  }
0x9: {  	[smem:$0x3FAD] =	sst s1  }
0xa: {  	[smem:$0x3FAE] =	sst s2  }
0xb: {  	[smem:$0x3FAF] =	sst s3  }
0xc: {  	[smem:$0x3FB0] =	sst s4  }
0xd: {  	[smem:$0x3FB1] =	sst s5  }
0xe: {  	[smem:$0x3FB2] =	sst s6  }
0xf: {  	[smem:$0x3FB3] =	sst s7  }
0x10: {  	[smem:$0x3FB4] =	sst s8  }
0x11: {  	[smem:$0x3FB5] =	sst s9;
	s0 =	simm.s32 @!p0 $0x0  }
0x12: {  	s1 =	sld [smem:$0x3F9B];
	s0 =	simm.s32 @p0 $0x1  }
0x13: {  	[smem:$0x3FB6] =	sst s0;
	s0 =	simm.s32 @!p1 $0x0  }
0x14: {  	s2 =	sld [smem:$0x3F9A];
	s0 =	simm.s32 @p1 $0x1  }
0x15: {  	[smem:$0x3FB7] =	sst s0;
	s0 =	simm.s32 @!p2 $0x0  }
0x16: {  	s3 =	sld [smem:$0x3FDB];
	s0 =	simm.s32 @p2 $0x1  }
0x17: {  	s4 =	simm.s32 $0x1BF5;
	[smem:$0x3FB9] =	sst s0  }
0x18: {  	s0 =	sld [smem:$0x3F9C];
	_ =	swait.ge [sflag:s4], $0x0  }
0x19: {  	s7 =	sld [smem:$0x3F9D]  }
0x1a: {  	s8 =	sadd.s32 $0xFFFFE003, lr  }
0x1b: {  	s9 =	sadd.s32 $0xFFFFFEF7, lr;
	s5 =	simm.s32 $0xFFFFFFFF;
	p2 =	slt.u32 s8, $0xFFFFF086  }
0x1c: {  	p1 =	slt.u32 s9, $0xF7A;
	s5 =	simm.s32 @!p2 $0x0  }
0x1d: {  	s5 =	simm.s32 @p1 $0x1;
	p0 =	seq.s32 s7, s2  }
0x1e: {  	s7 =	smul.u32 @!p0 $0xF7A, s2;
	p2 =	seq.s32 @!p0 s5, $0x0  }
0x1f: {  	s9 =	smul.u32 $0xF7A, s1;
	s8 =	simm.s32 @!p0 $0x1BF5;
	p2 =	por !p2, p0  }
0x20: {  	[sflag:s8] =	ssyncset.s32 @!p0 $0xFFFFF086;
	s6 =	sadd.s32 @!p0 s3, s7;
	s7 =	simm.s32 @!p0 $0x108  }
0x21: {  	s3 =	sadd.s32 s3, s9;
	s6 =	sadd.s32 @!p0 $0x88, s6;
	s7 =	simm.s32 @p2 $0x1082  }
0x22: {  	[simem:s7], [sflag:s8] =	dma.local @!p0 [hbm:s6], $0xF7A  }
0x23: {  	s9 =	sor.u32 $0xD0000000, s2;
	s6 =	simm.s32 $0x108;
	_ =	swait.ge @!p0 [sflag:s8], $0x0  }
0x24: {  	s3 =	sadd.s32 $0x88, s3;
	s6 =	simm.s32 @!p1 $0x1082;
	[sflag:s4] =	ssyncset.s32 $0xFFFFF086  }
0x25: {  	[simem:s6], [sflag:s4] =	dma.local [hbm:s3], $0xF7A  }
0x26: {  	[smem:$0x3F9D] =	sst s1;
	(tag) =	ssettag s2;
	_ =	strace s9  }
0x27: {  	s1 =	sld [smem:$0x3FAD]  }
0x28: {  	s2 =	sld [smem:$0x3FAE]  }
0x29: {  	s4 =	sld [smem:$0x3FB0]  }
0x2a: {  	p0 =	seq.s32 s5, $0x0;
	s5 =	sld [smem:$0x3FB1]  }
0x2b: {  	s6 =	sld [smem:$0x3FB2]  }
0x2c: {  	s7 =	sld [smem:$0x3FB3]  }
0x2d: {  	s3 =	simm.s32 $0x108;
	s8 =	sld [smem:$0x3FB4]  }
0x2e: {  	s3 =	simm.s32 @!p0 $0x1082;
	s9 =	sld [smem:$0x3FB5]  }
0x2f: {  	lr =	sadd.s32 s0, s3;
	s0 =	sld [smem:$0x3FAC]  }
0x30: {  	s3 =	sld [smem:$0x3FAF]  }
0x31: {  	[smem:$0x3FB8] =	sst s10  }
0x32: {  	s10 =	sld [smem:$0x3FB6];
	_ =	sdelay $0x3  }
0x33: {  	p0 =	seq.s32 s10, $0x1;
	s10 =	sld [smem:$0x3FB8];
	_ =	sdelay $0x3  }
0x34: {  	[smem:$0x3FB8] =	sst s10  }
0x35: {  	s10 =	sld [smem:$0x3FB7];
	_ =	sdelay $0x3  }
0x36: {  	p1 =	seq.s32 s10, $0x1;
	s10 =	sld [smem:$0x3FB8];
	_ =	sdelay $0x3  }
0x37: {  	[smem:$0x3FB8] =	sst s10  }
0x38: {  	s10 =	sld [smem:$0x3FB9]  }
0x39: {  	_ = 	snop;
	(pc) =	sbr.ind lr, $3  }
0x3a: {  	_ = 	snop  }
0x3b: {  	_ = 	snop  }
0x3c: {  	p2 =	seq.s32 s10, $0x1;
	s10 =	sld [smem:$0x3FB8]  }
0x3d: {  	_ =	shalt  }
0x3e: {  	_ =	shalt  }
0x3f: {  	_ =	shalt  }
0x40: {  	_ =	shalt  }
0x41: {  	_ =	shalt  }
0x42: {  	_ =	shalt  }
0x43: {  	_ =	shalt  }
0x44: {  	_ =	shalt  }
0x45: {  	_ =	shalt  }
0x46: {  	_ =	shalt  }
0x47: {  	_ =	shalt  }
0x48: {  	_ =	shalt  }
0x49: {  	_ =	shalt  }
0x4a: {  	_ =	shalt  }
0x4b: {  	_ =	shalt  }
0x4c: {  	_ =	shalt  }
0x4d: {  	_ =	shalt  }
0x4e: {  	_ =	shalt  }
0x4f: {  	_ =	shalt  }
0x50: {  	_ =	shalt  }
0x51: {  	_ =	shalt  }
0x52: {  	_ =	shalt  }
0x53: {  	_ =	shalt  }
0x54: {  	_ =	shalt  }
0x55: {  	_ =	shalt  }
0x56: {  	_ =	shalt  }
0x57: {  	_ =	shalt  }
0x58: {  	_ =	shalt  }
0x59: {  	_ =	shalt  }
0x5a: {  	_ =	shalt  }
0x5b: {  	_ =	shalt  }
0x5c: {  	_ =	shalt  }
0x5d: {  	_ =	shalt  }
0x5e: {  	_ =	shalt  }
0x5f: {  	_ =	shalt  }
0x60: {  	_ =	shalt  }
0x61: {  	_ =	shalt  }
0x62: {  	_ =	shalt  }
0x63: {  	_ =	shalt  }
0x64: {  	_ =	shalt  }
0x65: {  	_ =	shalt  }
0x66: {  	_ =	shalt  }
0x67: {  	_ =	shalt  }
0x68: {  	_ =	shalt  }
0x69: {  	_ =	shalt  }
0x6a: {  	_ =	shalt  }
0x6b: {  	_ =	shalt  }
0x6c: {  	_ =	shalt  }
0x6d: {  	_ =	shalt  }
0x6e: {  	_ =	shalt  }
0x6f: {  	_ =	shalt  }
0x70: {  	_ =	shalt  }
0x71: {  	_ =	shalt  }
0x72: {  	_ =	shalt  }
0x73: {  	_ =	shalt  }
0x74: {  	_ =	shalt  }
0x75: {  	_ =	shalt  }
0x76: {  	_ =	shalt  }
0x77: {  	_ =	shalt  }
0x78: {  	_ =	shalt  }
0x79: {  	_ =	shalt  }
0x7a: {  	_ =	shalt  }
0x7b: {  	_ =	shalt  }
0x7c: {  	_ =	shalt  }
0x7d: {  	_ =	shalt  }
0x7e: {  	_ =	shalt  }
0x7f: {  	_ =	shalt  }
0x80: {  	_ =	shalt  }
0x81: {  	_ =	shalt  }
0x82: {  	_ =	shalt  }
0x83: {  	_ =	shalt  }
0x84: {  	_ =	shalt  }
0x85: {  	_ =	shalt  }
0x86: {  	_ =	shalt  }
0x87: {  	_ =	shalt  }
.Lfunc_end0:
.L_simem_size_0:
called_computation_lowered:
.L_overlay_start_0:
0x88: {  	s2 =	sld [smem:$0x3FD9]  }
0x89: {  	s3 =	sld [smem:$0x3FFE];
	_ =	sdelay $0x1  }
0x8a: {  	s1 =	srdreg.scid  }
0x8b: {  	s0 =	sand.u32 $0x1, s1  }
0x8c: {  	s17 =	sshll.u32 s0, $0xA;
	s2 =	sadd.s32 s3, s2  }
0x8d: {  	s2 =	sadd.s32 s2, s17  }
0x8e: {  	[smem:$0x3FC4] =	sst s2  }
0x8f: {  	_ = 	snop  }
0x90: {  	s2 =	sld [smem:$0x3FD0];
	(tm) =	ssettm $0x1  }
0x91: {  	s18 =	sld [smem:$0x3FFB];
	_ =	sdelay $0x3  }
0x92: {  	_ =	strace s18  }
0x93: {  	s3 =	sld [smem:$0x3FFC];
	_ =	sdelay $0x3  }
0x94: {  	_ =	strace s3  }
0x95: {  	s3 =	sld [smem:$0x3FFD];
	_ =	sdelay $0x3  }
0x96: {  	_ =	strace s3  }
0x97: {  	_ =	strace $0x8FFFFFFF  }
0x98: {  	s19 =	sld [smem:$0x3FDB];
	_ =	sdelay $0x1  }
0x99: {  	s4 =	simm.s32 $_scs_section_size  }
0x9a: {  	s5 =	simm.s32 $_size__tile_overlayer_lowered;
	s6 =	simm.s32 $_tile_overlayer_lowered  }
0x9b: {  	s22 =	simm.s32 $0x1BFF;
	s21 =	sshll.u32 s6, $0x1;
	s3 =	sadd.s32 s4, s19  }
0x9c: {  	s7 =	simm.s32 $0x0;
	s20 =	sshll.u32 s5, $0x1;
	s5 =	sadd.s32 s21, s3  }
0x9d: {  	[timem:s7], [sflag:s22] =	dma.local [hbm:s5], s20  }
0x9e: {  	_ =	swait.ge [sflag:s22], s20  }
0x9f: {  	s4 =	ssub.s32 $0x0, s20;
	[sflag:s22] =	ssyncset.done $0x0  }
0xa0: {  	[sflag:s22] =	ssyncadd.s32 s4;
	_ =	sdelay $0x1  }
0xa1: {  	s23 =	simm.s32 $0x1B8B  }
0xa2: {  	_ =	swait.ge [sflag:s23], $0x1  }
0xa3: {  	[sflag:s23] =	ssyncset.done $0x0  }
0xa4: {  	s25 =	simm.s32 $0x1B8E;
	s24 =	sld [smem:$0x3FFE];
	[sflag:s23] =	ssyncadd.s32 $0xFFFFFFFF  }
0xa5: {  	s26 =	simm.s32 $execute0_lowered;
	[smem:$0x3FD2] =	sst s25  }
0xa6: {  	s5 =	sshll.u32 s26, $0x1;
	_ =	strace $0x80000046;
	[dreg:$0x1] =	wrdreg $0xFFFFFFFF  }
0xa7: {  	s28 =	simm.s32 $_size_execute0_lowered;
	s3 =	sadd.s32 s3, s5;
	[dreg:$0x0] =	wrdreg $0x0  }
0xa8: {  	s5 =	sshll.u32 s28, $0x1;
	[dreg:$0x2] =	wrdreg s3  }
0xa9: {  	[dreg:$0x3] =	wrdreg s5  }
0xaa: {  	[dreg:$0x4] =	wrdreg $0xC0  }
0xab: {  	_ =	task [dreg:s7], $0x5FFFF  }
0xac: {  	[dreg:$0x1] =	wrdreg $0xFFFFFFFF  }
0xad: {  	[dreg:$0x0] =	wrdreg $0x60  }
0xae: {  	[dreg:$0x2] =	wrdreg s24  }
0xaf: {  	[dreg:$0x3] =	wrdreg s2  }
0xb0: {  	[dreg:$0x4] =	wrdreg $0x9  }
0xb1: {  	_ =	task.clear_ibuf [dreg:s7], $0x5FFFF;
	_ =	strace $0x90000046  }
0xb2: {  	s29 =	simm.s32 $0x9;
	_ =	strace $0x80000048  }
0xb3: {  	_ =	swait.ge [sflag:s29], $0x1  }
0xb4: {  	[sflag:s29] =	ssyncadd.s32 $0xFFFFFFFF  }
0xb5: {  	_ =	strace $0x90000048  }
0xb6: {  	_ =	sfence  }
0xb7: {  	s30 =	sld [smem:$0x0];
	_ =	sdelay $0x2  }
0xb8: {  	s31 =	sshll.u32 s1, $0xD;
	s1 =	sshrl.u32 s1, $0x2  }
0xb9: {  	s3 =	sand.u32 $0x4000, s31;
	s1 =	sadd.s32 s1, s30  }
0xba: {  	s0 =	sor.u32 s3, s0;
	s1 =	sshll.u32 s1, $0x11  }
0xbb: {  	s0 =	sor.u32 s1, s0  }
0xbc: {  	s0 =	sadd.s32 $0x8F2B, s0  }
0xbd: {  	[sflag:s0] =	ssyncadd.remote.s32 $0x1  }
0xbe: {  	_ =	sfence.sel $0xFFFF  }
0xbf: {  	[dreg:$0x0] =	wrdreg $0xFFFFFFFF;
	(pc) =	sbr.abs _section_cstart, $3  }
0xc0: {  	[dreg:$0x1] =	wrdreg $0xFFFFFFFF  }
0xc1: {  	_ =	task.clear_ibuf [dreg:s7], $0x2FFFF;
	_ =	strace $0x9FFFFFFF  }
0xc2: {  	(tm) =	ssettm $0x7FFFFFFF  }
0xc3: {  	_ =	shalt  }
tec
execute0_lowered:
.L_overlay_start_1:
0x0: {  	(tag) =	ssettag $0x1  }
0x1: {  	s7 =	rddreg [dreg:$0x0]  }
0x2: {  	s1 =	srdreg.scid;
	s0 =	stileid.u32  }
0x3: {  	s6 =	rddreg [dreg:$0x1];
	s2 =	simm.s32 $0x0;
	s10 =	simm.s32 $0x80  }
0x4: {  	s11 =	simm.s32 $0x100;
	s12 =	simm.s32 $0x900;
	s13 =	simm.s32 $0x1100  }
0x5: {  	s14 =	simm.s32 $0x1900;
	s15 =	simm.s32 $0x2100;
	s16 =	simm.s32 $0x2900  }
0x6: {  	s17 =	simm.s32 $0x3100;
	s18 =	simm.s32 $0x3900;
	s19 =	simm.s32 $0x4100  }
0x7: {  	s20 =	simm.s32 $0x4900;
	s21 =	simm.s32 $0x5100;
	s22 =	simm.s32 $0x5900  }
0x8: {  	s23 =	simm.s32 $0x6100;
	s24 =	simm.s32 $0x6900;
	s25 =	simm.s32 $0x7100  }
0x9: {  	s26 =	simm.s32 $0x7900;
	s3 =	sand.u32 $0x1, s1;
	s1 =	rddreg [dreg:$0x2]  }
0xa: {  	s28 =	simm.s32 $0x1;
	s4 =	sshll.u32 s0, $0x1;
	[smem:$0x7FF] =	sst s2  }
0xb: {  	s4 =	sor.u32 s3, s4;
	s8 =	ssub.s32 $0x2, s3;
	_ =	strace $0x80000047  }
0xc: {  	s3 =	sadd.s32 $0x2000, s7;
	s5 =	sshll.u32 s4, $0x4;
	s9 =	sshrl.u32 s8, $0x1  }
0xd: {  	v2 =	vlaneseq.u32;
	s31 =	sshll.u32 s4, $0xC;
	s5 =	sadd.s32 s5, s7;
	s8 =	ssub.s32 s8, s9  }
0xe: {  	vm0 =	vmmov $0xffff;
	v1 =	vshrl.u32 v2, $0x3;
	s6 =	sadd.s32 s6, s31;
	s7 =	sadd.s32 $0x2100, s7;
	s9 =	simm.s32 $0x2  }
0xf: {  	v0 =	vand.u32 $0x7, v2;
	v2 =	vor.u32 $0x8, v2;
	v1 =	vmul.u32 $0x8, v1;
	s4 =	sadd.s32 $0x1800, s5;
	s5 =	sadd.s32 $0x1A00, s5;
	s8 =	smax.u32 s8, $0x1  }
.LBB2_1:
0x10: {  	[tilespmem:s2], [sflag:$0x2] =	stream.linear.gather [hbm4b:s4+s2], $0x80, $0x38;
	[tilespmem:$0x8100] =	vst v63  }
0x11: {  	_ =	swait.ge [sflag:s9], $0x80  }
0x12: {  	[sflag:s9] =	ssyncset.done $0x0  }
0x13: {  	[sflag:s9] =	ssyncadd.s32 $0xFFFFFF80  }
0x14: {  	[tilespmem:s10], [sflag:$0x2] =	stream.linear.gather [hbm4b:s5+s2], $0x80, $0x38;
	[tilespmem:$0x8100] =	vst v63  }
0x15: {  	_ =	swait.ge [sflag:s9], $0x80  }
0x16: {  	[sflag:s9] =	ssyncset.done $0x0  }
0x17: {  	[sflag:s9] =	ssyncadd.s32 $0xFFFFFF80  }
0x18: {  	[tilespmem:s11], [sflag:$0x2] =	stream.linear.gather [hbm4b:s6+s2], $0x8000, $0x38;
	[tilespmem:$0x8100] =	vst v63  }
0x19: {  	_ =	swait.ge [sflag:s9], $0x8000  }
0x1a: {  	[sflag:s9] =	ssyncset.done $0x0  }
0x1b: {  	[sflag:s9] =	ssyncadd.s32 $0xFFFF8000  }
0x1c: {  	v3 =	vld [tilespmem:$0x0];
	_ =	sdelay $0x4  }
0x1d: {  	v4 =	vshll.u32 v3, $0x2  }
0x1e: {  	v3 =	vand.u32 $0x7, v3;
	v4 =	vand.u32 $0xFFFFFFE0, v4  }
0x1f: {  	v3 =	vor.u32 v3, v4  }
0x20: {  	v4 =	vperm.xlane v3, v0;
	_ =	sdelay $0x1  }
0x21: {  	v4 =	vadd.s32 v1, v4;
	_ =	sdelay $0x1  }
0x22: {  	v3 =	vperm.xlane v3, v2;
	_ =	sdelay $0x1  }
0x23: {  	v3 =	vadd.s32 v1, v3  }
0x24: {  	[hbm4b:s3+s2] =	stream.indirect_vreg.scatter [tilespmem:s11], [sflag:$0x1], $0x80, v4, vm0, $0xb8;
	[tilespmem:$0x8100] =	vst v63  }
0x25: {  	_ = 	snop  }
0x26: {  	[hbm4b:s7+s2] =	stream.indirect_vreg.scatter [tilespmem:s12], [sflag:$0x1], $0x80, v4, vm0, $0xb8;
	[tilespmem:$0x8100] =	vst v63  }
0x27: {  	_ = 	snop  }
0x28: {  	[hbm4b:s3+s2] =	stream.indirect_vreg.scatter [tilespmem:s13], [sflag:$0x1], $0x80, v3, vm0, $0xb8;
	[tilespmem:$0x8100] =	vst v63  }
0x29: {  	_ = 	snop  }
0x2a: {  	[hbm4b:s7+s2] =	stream.indirect_vreg.scatter [tilespmem:s14], [sflag:$0x1], $0x80, v3, vm0, $0xb8;
	[tilespmem:$0x8100] =	vst v63  }
0x2b: {  	v3 =	vld [tilespmem:$0x10];
	_ =	sdelay $0x4  }
0x2c: {  	v57 =	vshll.u32 v3, $0x2  }
0x2d: {  	v3 =	vand.u32 $0x7, v3;
	v4 =	vand.u32 $0xFFFFFFE0, v57  }
0x2e: {  	v3 =	vor.u32 v3, v4  }
0x2f: {  	v4 =	vperm.xlane v3, v0;
	_ =	sdelay $0x1  }
0x30: {  	v4 =	vadd.s32 v1, v4;
	_ =	sdelay $0x1  }
0x31: {  	v3 =	vperm.xlane v3, v2;
	_ =	sdelay $0x1  }
0x32: {  	v3 =	vadd.s32 v1, v3  }
0x33: {  	[hbm4b:s3+s2] =	stream.indirect_vreg.scatter [tilespmem:s15], [sflag:$0x1], $0x80, v4, vm0, $0xb8;
	[tilespmem:$0x8100] =	vst v63  }
0x34: {  	_ = 	snop  }
0x35: {  	[hbm4b:s7+s2] =	stream.indirect_vreg.scatter [tilespmem:s16], [sflag:$0x1], $0x80, v4, vm0, $0xb8;
	[tilespmem:$0x8100] =	vst v63  }
0x36: {  	_ = 	snop  }
0x37: {  	[hbm4b:s3+s2] =	stream.indirect_vreg.scatter [tilespmem:s17], [sflag:$0x1], $0x80, v3, vm0, $0xb8;
	[tilespmem:$0x8100] =	vst v63  }
0x38: {  	_ = 	snop  }
0x39: {  	[hbm4b:s7+s2] =	stream.indirect_vreg.scatter [tilespmem:s18], [sflag:$0x1], $0x80, v3, vm0, $0xb8;
	[tilespmem:$0x8100] =	vst v63  }
0x3a: {  	v3 =	vld [tilespmem:$0x20];
	_ =	sdelay $0x4  }
0x3b: {  	v58 =	vshll.u32 v3, $0x2  }
0x3c: {  	v3 =	vand.u32 $0x7, v3;
	v4 =	vand.u32 $0xFFFFFFE0, v58  }
0x3d: {  	v3 =	vor.u32 v3, v4  }
0x3e: {  	v4 =	vperm.xlane v3, v0;
	_ =	sdelay $0x1  }
0x3f: {  	v4 =	vadd.s32 v1, v4;
	_ =	sdelay $0x1  }
0x40: {  	v3 =	vperm.xlane v3, v2;
	_ =	sdelay $0x1  }
0x41: {  	v3 =	vadd.s32 v1, v3  }
0x42: {  	[hbm4b:s3+s2] =	stream.indirect_vreg.scatter [tilespmem:s19], [sflag:$0x1], $0x80, v4, vm0, $0xb8;
	[tilespmem:$0x8100] =	vst v63  }
0x43: {  	_ = 	snop  }
0x44: {  	[hbm4b:s7+s2] =	stream.indirect_vreg.scatter [tilespmem:s20], [sflag:$0x1], $0x80, v4, vm0, $0xb8;
	[tilespmem:$0x8100] =	vst v63  }
0x45: {  	_ = 	snop  }
0x46: {  	[hbm4b:s3+s2] =	stream.indirect_vreg.scatter [tilespmem:s21], [sflag:$0x1], $0x80, v3, vm0, $0xb8;
	[tilespmem:$0x8100] =	vst v63  }
0x47: {  	_ = 	snop  }
0x48: {  	[hbm4b:s7+s2] =	stream.indirect_vreg.scatter [tilespmem:s22], [sflag:$0x1], $0x80, v3, vm0, $0xb8;
	[tilespmem:$0x8100] =	vst v63  }
0x49: {  	v3 =	vld [tilespmem:$0x30];
	_ =	sdelay $0x4  }
0x4a: {  	v59 =	vshll.u32 v3, $0x2  }
0x4b: {  	v3 =	vand.u32 $0x7, v3;
	v4 =	vand.u32 $0xFFFFFFE0, v59  }
0x4c: {  	v3 =	vor.u32 v3, v4  }
0x4d: {  	v4 =	vperm.xlane v3, v0;
	_ =	sdelay $0x1  }
0x4e: {  	v4 =	vadd.s32 v1, v4;
	_ =	sdelay $0x1  }
0x4f: {  	v3 =	vperm.xlane v3, v2;
	_ =	sdelay $0x1  }
0x50: {  	v3 =	vadd.s32 v1, v3  }
0x51: {  	[hbm4b:s3+s2] =	stream.indirect_vreg.scatter [tilespmem:s23], [sflag:$0x1], $0x80, v4, vm0, $0xb8;
	[tilespmem:$0x8100] =	vst v63  }
0x52: {  	_ = 	snop  }
0x53: {  	[hbm4b:s7+s2] =	stream.indirect_vreg.scatter [tilespmem:s24], [sflag:$0x1], $0x80, v4, vm0, $0xb8;
	[tilespmem:$0x8100] =	vst v63  }
0x54: {  	_ = 	snop  }
0x55: {  	[hbm4b:s3+s2] =	stream.indirect_vreg.scatter [tilespmem:s25], [sflag:$0x1], $0x80, v3, vm0, $0xb8;
	[tilespmem:$0x8100] =	vst v63  }
0x56: {  	_ = 	snop  }
0x57: {  	[hbm4b:s7+s2] =	stream.indirect_vreg.scatter [tilespmem:s26], [sflag:$0x1], $0x80, v3, vm0, $0xb8;
	[tilespmem:$0x8100] =	vst v63  }
0x58: {  	v3 =	vld [tilespmem:$0x80];
	_ =	sdelay $0x4  }
0x59: {  	v60 =	vshll.u32 v3, $0x2  }
0x5a: {  	v3 =	vand.u32 $0x7, v3;
	v4 =	vand.u32 $0xFFFFFFE0, v60  }
0x5b: {  	v3 =	vor.u32 v3, v4  }
0x5c: {  	v4 =	vperm.xlane v3, v0;
	_ =	sdelay $0x1  }
0x5d: {  	v4 =	vadd.s32 v1, v4;
	_ =	sdelay $0x1  }
0x5e: {  	v3 =	vperm.xlane v3, v2;
	_ =	sdelay $0x1  }
0x5f: {  	v3 =	vadd.s32 v1, v3  }
0x60: {  	[hbm4b:s3+s2] =	stream.indirect_vreg.scatter [tilespmem:s11], [sflag:$0x1], $0x80, v4, vm0, $0xb8;
	[tilespmem:$0x8100] =	vst v63  }
0x61: {  	_ = 	snop  }
0x62: {  	[hbm4b:s7+s2] =	stream.indirect_vreg.scatter [tilespmem:s12], [sflag:$0x1], $0x80, v4, vm0, $0xb8;
	[tilespmem:$0x8100] =	vst v63  }
0x63: {  	_ = 	snop  }
0x64: {  	[hbm4b:s3+s2] =	stream.indirect_vreg.scatter [tilespmem:s13], [sflag:$0x1], $0x80, v3, vm0, $0xb8;
	[tilespmem:$0x8100] =	vst v63  }
0x65: {  	_ = 	snop  }
0x66: {  	[hbm4b:s7+s2] =	stream.indirect_vreg.scatter [tilespmem:s14], [sflag:$0x1], $0x80, v3, vm0, $0xb8;
	[tilespmem:$0x8100] =	vst v63  }
0x67: {  	v3 =	vld [tilespmem:$0x90];
	_ =	sdelay $0x4  }
0x68: {  	v61 =	vshll.u32 v3, $0x2  }
0x69: {  	v3 =	vand.u32 $0x7, v3;
	v4 =	vand.u32 $0xFFFFFFE0, v61  }
0x6a: {  	v3 =	vor.u32 v3, v4  }
0x6b: {  	v4 =	vperm.xlane v3, v0;
	_ =	sdelay $0x1  }
0x6c: {  	v4 =	vadd.s32 v1, v4;
	_ =	sdelay $0x1  }
0x6d: {  	v3 =	vperm.xlane v3, v2;
	_ =	sdelay $0x1  }
0x6e: {  	v3 =	vadd.s32 v1, v3  }
0x6f: {  	[hbm4b:s3+s2] =	stream.indirect_vreg.scatter [tilespmem:s15], [sflag:$0x1], $0x80, v4, vm0, $0xb8;
	[tilespmem:$0x8100] =	vst v63  }
0x70: {  	_ = 	snop  }
0x71: {  	[hbm4b:s7+s2] =	stream.indirect_vreg.scatter [tilespmem:s16], [sflag:$0x1], $0x80, v4, vm0, $0xb8;
	[tilespmem:$0x8100] =	vst v63  }
0x72: {  	_ = 	snop  }
0x73: {  	[hbm4b:s3+s2] =	stream.indirect_vreg.scatter [tilespmem:s17], [sflag:$0x1], $0x80, v3, vm0, $0xb8;
	[tilespmem:$0x8100] =	vst v63  }
0x74: {  	_ = 	snop  }
0x75: {  	[hbm4b:s7+s2] =	stream.indirect_vreg.scatter [tilespmem:s18], [sflag:$0x1], $0x80, v3, vm0, $0xb8;
	[tilespmem:$0x8100] =	vst v63  }
0x76: {  	v3 =	vld [tilespmem:$0xA0];
	_ =	sdelay $0x4  }
0x77: {  	v62 =	vshll.u32 v3, $0x2  }
0x78: {  	v3 =	vand.u32 $0x7, v3;
	v4 =	vand.u32 $0xFFFFFFE0, v62  }
0x79: {  	v3 =	vor.u32 v3, v4  }
0x7a: {  	v4 =	vperm.xlane v3, v0;
	_ =	sdelay $0x1  }
0x7b: {  	v4 =	vadd.s32 v1, v4;
	_ =	sdelay $0x1  }
0x7c: {  	v3 =	vperm.xlane v3, v2;
	_ =	sdelay $0x1  }
0x7d: {  	v3 =	vadd.s32 v1, v3  }
0x7e: {  	[hbm4b:s3+s2] =	stream.indirect_vreg.scatter [tilespmem:s19], [sflag:$0x1], $0x80, v4, vm0, $0xb8;
	[tilespmem:$0x8100] =	vst v63  }
0x7f: {  	_ = 	snop  }
0x80: {  	[hbm4b:s7+s2] =	stream.indirect_vreg.scatter [tilespmem:s20], [sflag:$0x1], $0x80, v4, vm0, $0xb8;
	[tilespmem:$0x8100] =	vst v63  }
0x81: {  	_ = 	snop  }
0x82: {  	[hbm4b:s3+s2] =	stream.indirect_vreg.scatter [tilespmem:s21], [sflag:$0x1], $0x80, v3, vm0, $0xb8;
	[tilespmem:$0x8100] =	vst v63  }
0x83: {  	_ = 	snop  }
0x84: {  	[hbm4b:s7+s2] =	stream.indirect_vreg.scatter [tilespmem:s22], [sflag:$0x1], $0x80, v3, vm0, $0xb8;
	[tilespmem:$0x8100] =	vst v63  }
0x85: {  	v3 =	vld [tilespmem:$0xB0];
	_ =	sdelay $0x4  }
0x86: {  	v63 =	vshll.u32 v3, $0x2  }
0x87: {  	v3 =	vand.u32 $0x7, v3;
	v4 =	vand.u32 $0xFFFFFFE0, v63  }
0x88: {  	v3 =	vor.u32 v3, v4  }
0x89: {  	v4 =	vperm.xlane v3, v0;
	_ =	sdelay $0x1  }
0x8a: {  	v4 =	vadd.s32 v1, v4;
	_ =	sdelay $0x1  }
0x8b: {  	v3 =	vperm.xlane v3, v2;
	_ =	sdelay $0x1  }
0x8c: {  	v3 =	vadd.s32 v1, v3  }
0x8d: {  	[hbm4b:s3+s2] =	stream.indirect_vreg.scatter [tilespmem:s23], [sflag:$0x1], $0x80, v4, vm0, $0xb8;
	[tilespmem:$0x8100] =	vst v63  }
0x8e: {  	_ = 	snop  }
0x8f: {  	[hbm4b:s7+s2] =	stream.indirect_vreg.scatter [tilespmem:s24], [sflag:$0x1], $0x80, v4, vm0, $0xb8;
	[tilespmem:$0x8100] =	vst v63  }
0x90: {  	_ = 	snop  }
0x91: {  	[hbm4b:s3+s2] =	stream.indirect_vreg.scatter [tilespmem:s25], [sflag:$0x1], $0x80, v3, vm0, $0xb8;
	[tilespmem:$0x8100] =	vst v63  }
0x92: {  	_ = 	snop  }
0x93: {  	[hbm4b:s7+s2] =	stream.indirect_vreg.scatter [tilespmem:s26], [sflag:$0x1], $0x80, v3, vm0, $0xb8;
	[tilespmem:$0x8100] =	vst v63  }
0x94: {  	p0 =	sne.s32 s8, $0x1;
	_ =	swait.ge [sflag:s28], $0x8000  }
.Ltmp0:
0x95: {  	[sflag:s28] =	ssyncset.done $0x0;
	(pc) =	sbr.rel @p0 .LBB2_1-.Ltmp0, $4  }
0x96: {  	[sflag:s28] =	ssyncadd.s32 $0xFFFF8000  }
0x97: {  	_ =	swait.ge [sflag:s28], $0x8000  }
0x98: {  	[sflag:s28] =	ssyncset.done $0x0  }
0x99: {  	s8 =	sadd.s32 $0xFFFFFFFF, s8;
	[sflag:s28] =	ssyncadd.s32 $0xFFFF8000  }
0x9a: {  	_ =	sfence.sel $0x180000  }
0x9b: {  	[bflag:$0x0] =	sbarrier.arrive $0xFFFF  }
0x9c: {  	p0 =	sne.s32 s0, $0x0;
	_ =	strace $0x90000047  }
0x9d: {  	s0 =	sadd.s32 @!p0 $0x100000, s1;
	[bflag:$0x2] =	sbarrier.arrive $0xFFFF  }
0x9e: {  	[sflag:s0] =	ssyncadd.tile.s32 @!p0 $0x1;
	_ =	shalt  }
.Lfunc_end2:
_tile_overlayer_lowered:
.L_overlay_start_2:
0x9f: {  	(tag) =	ssettag $0x2  }
0xa0: {  	s0 =	rddreg [dreg:$0x0];
	s2 =	stileid.u32  }
0xa1: {  	s1 =	rddreg [dreg:$0x1];
	p0 =	sne.s32 s2, $0x0  }
0xa2: {  	s3 =	rddreg [dreg:$0x2];
	[bflag:$0x3] =	sbarrier.arrive $0xFFFF;
	s2 =	simm.s32 @!p0 $0x1C02  }
0xa3: {  	[timem:s3], [sflag:s2] =	dma.local @!p0 [hbm:s0], s1  }
0xa4: {  	s0 =	simm.s32 @!p0 $0x2  }
0xa5: {  	_ =	swait.ge @!p0 [sflag:s0], s1  }
0xa6: {  	s1 =	ssub.s32 @!p0 $0x0, s1;
	[sflag:s0] =	ssyncset.done @!p0 $0x0  }
0xa7: {  	[sflag:s0] =	ssyncadd.s32 @!p0 s1  }
0xa8: {  	[bflag:$0x3] =	sbarrier.arrive $0xFFFF  }
0xa9: {  	_ =	shalt  }

// kernel: kernel.9.cloned.1.call-start
scs
__scs_entry_jumppad:
0x0: {  	(pc) =	sbr.rel $0x88, $3  }
0x1: {  	(tag) =	ssettag $0x0;
	lr =	simm.s32 $0x1  }
0x2: {  	[smem:$0x3F9D] =	sst lr;
	_ =	strace $0xD0000000  }
0x3: {  	_ = 	snop  }
0x4: {  	_ = 	snop  }
0x5: {  	_ = 	snop  }
0x6: {  	_ = 	snop  }
0x7: {  	_ = 	snop  }
__scs_overlays_trampoline_lowered:
0x8: {  	[smem:$0x3FAC] =	sst s0  }
0x9: {  	[smem:$0x3FAD] =	sst s1  }
0xa: {  	[smem:$0x3FAE] =	sst s2  }
0xb: {  	[smem:$0x3FAF] =	sst s3  }
0xc: {  	[smem:$0x3FB0] =	sst s4  }
0xd: {  	[smem:$0x3FB1] =	sst s5  }
0xe: {  	[smem:$0x3FB2] =	sst s6  }
0xf: {  	[smem:$0x3FB3] =	sst s7  }
0x10: {  	[smem:$0x3FB4] =	sst s8  }
0x11: {  	[smem:$0x3FB5] =	sst s9;
	s0 =	simm.s32 @!p0 $0x0  }
0x12: {  	s1 =	sld [smem:$0x3F9B];
	s0 =	simm.s32 @p0 $0x1  }
0x13: {  	[smem:$0x3FB6] =	sst s0;
	s0 =	simm.s32 @!p1 $0x0  }
0x14: {  	s2 =	sld [smem:$0x3F9A];
	s0 =	simm.s32 @p1 $0x1  }
0x15: {  	[smem:$0x3FB7] =	sst s0;
	s0 =	simm.s32 @!p2 $0x0  }
0x16: {  	s3 =	sld [smem:$0x3FDB];
	s0 =	simm.s32 @p2 $0x1  }
0x17: {  	s4 =	simm.s32 $0x1BF5;
	[smem:$0x3FB9] =	sst s0  }
0x18: {  	s0 =	sld [smem:$0x3F9C];
	_ =	swait.ge [sflag:s4], $0x0  }
0x19: {  	s7 =	sld [smem:$0x3F9D]  }
0x1a: {  	s8 =	sadd.s32 $0xFFFFE003, lr  }
0x1b: {  	s9 =	sadd.s32 $0xFFFFFEF7, lr;
	s5 =	simm.s32 $0xFFFFFFFF;
	p2 =	slt.u32 s8, $0xFFFFF086  }
0x1c: {  	p1 =	slt.u32 s9, $0xF7A;
	s5 =	simm.s32 @!p2 $0x0  }
0x1d: {  	s5 =	simm.s32 @p1 $0x1;
	p0 =	seq.s32 s7, s2  }
0x1e: {  	s7 =	smul.u32 @!p0 $0xF7A, s2;
	p2 =	seq.s32 @!p0 s5, $0x0  }
0x1f: {  	s9 =	smul.u32 $0xF7A, s1;
	s8 =	simm.s32 @!p0 $0x1BF5;
	p2 =	por !p2, p0  }
0x20: {  	[sflag:s8] =	ssyncset.s32 @!p0 $0xFFFFF086;
	s6 =	sadd.s32 @!p0 s3, s7;
	s7 =	simm.s32 @!p0 $0x108  }
0x21: {  	s3 =	sadd.s32 s3, s9;
	s6 =	sadd.s32 @!p0 $0x88, s6;
	s7 =	simm.s32 @p2 $0x1082  }
0x22: {  	[simem:s7], [sflag:s8] =	dma.local @!p0 [hbm:s6], $0xF7A  }
0x23: {  	s9 =	sor.u32 $0xD0000000, s2;
	s6 =	simm.s32 $0x108;
	_ =	swait.ge @!p0 [sflag:s8], $0x0  }
0x24: {  	s3 =	sadd.s32 $0x88, s3;
	s6 =	simm.s32 @!p1 $0x1082;
	[sflag:s4] =	ssyncset.s32 $0xFFFFF086  }
0x25: {  	[simem:s6], [sflag:s4] =	dma.local [hbm:s3], $0xF7A  }
0x26: {  	[smem:$0x3F9D] =	sst s1;
	(tag) =	ssettag s2;
	_ =	strace s9  }
0x27: {  	s1 =	sld [smem:$0x3FAD]  }
0x28: {  	s2 =	sld [smem:$0x3FAE]  }
0x29: {  	s4 =	sld [smem:$0x3FB0]  }
0x2a: {  	p0 =	seq.s32 s5, $0x0;
	s5 =	sld [smem:$0x3FB1]  }
0x2b: {  	s6 =	sld [smem:$0x3FB2]  }
0x2c: {  	s7 =	sld [smem:$0x3FB3]  }
0x2d: {  	s3 =	simm.s32 $0x108;
	s8 =	sld [smem:$0x3FB4]  }
0x2e: {  	s3 =	simm.s32 @!p0 $0x1082;
	s9 =	sld [smem:$0x3FB5]  }
0x2f: {  	lr =	sadd.s32 s0, s3;
	s0 =	sld [smem:$0x3FAC]  }
0x30: {  	s3 =	sld [smem:$0x3FAF]  }
0x31: {  	[smem:$0x3FB8] =	sst s10  }
0x32: {  	s10 =	sld [smem:$0x3FB6];
	_ =	sdelay $0x3  }
0x33: {  	p0 =	seq.s32 s10, $0x1;
	s10 =	sld [smem:$0x3FB8];
	_ =	sdelay $0x3  }
0x34: {  	[smem:$0x3FB8] =	sst s10  }
0x35: {  	s10 =	sld [smem:$0x3FB7];
	_ =	sdelay $0x3  }
0x36: {  	p1 =	seq.s32 s10, $0x1;
	s10 =	sld [smem:$0x3FB8];
	_ =	sdelay $0x3  }
0x37: {  	[smem:$0x3FB8] =	sst s10  }
0x38: {  	s10 =	sld [smem:$0x3FB9]  }
0x39: {  	_ = 	snop;
	(pc) =	sbr.ind lr, $3  }
0x3a: {  	_ = 	snop  }
0x3b: {  	_ = 	snop  }
0x3c: {  	p2 =	seq.s32 s10, $0x1;
	s10 =	sld [smem:$0x3FB8]  }
0x3d: {  	_ =	shalt  }
0x3e: {  	_ =	shalt  }
0x3f: {  	_ =	shalt  }
0x40: {  	_ =	shalt  }
0x41: {  	_ =	shalt  }
0x42: {  	_ =	shalt  }
0x43: {  	_ =	shalt  }
0x44: {  	_ =	shalt  }
0x45: {  	_ =	shalt  }
0x46: {  	_ =	shalt  }
0x47: {  	_ =	shalt  }
0x48: {  	_ =	shalt  }
0x49: {  	_ =	shalt  }
0x4a: {  	_ =	shalt  }
0x4b: {  	_ =	shalt  }
0x4c: {  	_ =	shalt  }
0x4d: {  	_ =	shalt  }
0x4e: {  	_ =	shalt  }
0x4f: {  	_ =	shalt  }
0x50: {  	_ =	shalt  }
0x51: {  	_ =	shalt  }
0x52: {  	_ =	shalt  }
0x53: {  	_ =	shalt  }
0x54: {  	_ =	shalt  }
0x55: {  	_ =	shalt  }
0x56: {  	_ =	shalt  }
0x57: {  	_ =	shalt  }
0x58: {  	_ =	shalt  }
0x59: {  	_ =	shalt  }
0x5a: {  	_ =	shalt  }
0x5b: {  	_ =	shalt  }
0x5c: {  	_ =	shalt  }
0x5d: {  	_ =	shalt  }
0x5e: {  	_ =	shalt  }
0x5f: {  	_ =	shalt  }
0x60: {  	_ =	shalt  }
0x61: {  	_ =	shalt  }
0x62: {  	_ =	shalt  }
0x63: {  	_ =	shalt  }
0x64: {  	_ =	shalt  }
0x65: {  	_ =	shalt  }
0x66: {  	_ =	shalt  }
0x67: {  	_ =	shalt  }
0x68: {  	_ =	shalt  }
0x69: {  	_ =	shalt  }
0x6a: {  	_ =	shalt  }
0x6b: {  	_ =	shalt  }
0x6c: {  	_ =	shalt  }
0x6d: {  	_ =	shalt  }
0x6e: {  	_ =	shalt  }
0x6f: {  	_ =	shalt  }
0x70: {  	_ =	shalt  }
0x71: {  	_ =	shalt  }
0x72: {  	_ =	shalt  }
0x73: {  	_ =	shalt  }
0x74: {  	_ =	shalt  }
0x75: {  	_ =	shalt  }
0x76: {  	_ =	shalt  }
0x77: {  	_ =	shalt  }
0x78: {  	_ =	shalt  }
0x79: {  	_ =	shalt  }
0x7a: {  	_ =	shalt  }
0x7b: {  	_ =	shalt  }
0x7c: {  	_ =	shalt  }
0x7d: {  	_ =	shalt  }
0x7e: {  	_ =	shalt  }
0x7f: {  	_ =	shalt  }
0x80: {  	_ =	shalt  }
0x81: {  	_ =	shalt  }
0x82: {  	_ =	shalt  }
0x83: {  	_ =	shalt  }
0x84: {  	_ =	shalt  }
0x85: {  	_ =	shalt  }
0x86: {  	_ =	shalt  }
0x87: {  	_ =	shalt  }
.Lfunc_end0:
.L_simem_size_0:
called_computation.1_lowered:
.L_overlay_start_0:
0x88: {  	s2 =	sld [smem:$0x3FD9]  }
0x89: {  	s3 =	sld [smem:$0x3FFE];
	_ =	sdelay $0x1  }
0x8a: {  	s1 =	srdreg.scid  }
0x8b: {  	s0 =	sand.u32 $0x1, s1  }
0x8c: {  	s17 =	sshll.u32 s0, $0xA;
	s2 =	sadd.s32 s3, s2  }
0x8d: {  	s2 =	sadd.s32 s2, s17  }
0x8e: {  	[smem:$0x3FC4] =	sst s2  }
0x8f: {  	_ = 	snop  }
0x90: {  	s2 =	sld [smem:$0x3FD0];
	(tm) =	ssettm $0x1  }
0x91: {  	s18 =	sld [smem:$0x3FFB];
	_ =	sdelay $0x3  }
0x92: {  	_ =	strace s18  }
0x93: {  	s3 =	sld [smem:$0x3FFC];
	_ =	sdelay $0x3  }
0x94: {  	_ =	strace s3  }
0x95: {  	s3 =	sld [smem:$0x3FFD];
	_ =	sdelay $0x3  }
0x96: {  	_ =	strace s3  }
0x97: {  	_ =	strace $0x8FFFFFFF  }
0x98: {  	s19 =	sld [smem:$0x3FDB];
	_ =	sdelay $0x1  }
0x99: {  	s4 =	simm.s32 $_scs_section_size  }
0x9a: {  	s5 =	simm.s32 $_size__tile_overlayer_lowered;
	s6 =	simm.s32 $_tile_overlayer_lowered  }
0x9b: {  	s22 =	simm.s32 $0x1BFF;
	s21 =	sshll.u32 s6, $0x1;
	s3 =	sadd.s32 s4, s19  }
0x9c: {  	s7 =	simm.s32 $0x0;
	s20 =	sshll.u32 s5, $0x1;
	s5 =	sadd.s32 s21, s3  }
0x9d: {  	[timem:s7], [sflag:s22] =	dma.local [hbm:s5], s20  }
0x9e: {  	_ =	swait.ge [sflag:s22], s20  }
0x9f: {  	s4 =	ssub.s32 $0x0, s20;
	[sflag:s22] =	ssyncset.done $0x0  }
0xa0: {  	[sflag:s22] =	ssyncadd.s32 s4;
	_ =	sdelay $0x1  }
0xa1: {  	s23 =	simm.s32 $0x1B8B  }
0xa2: {  	_ =	swait.ge [sflag:s23], $0x1  }
0xa3: {  	[sflag:s23] =	ssyncset.done $0x0  }
0xa4: {  	s25 =	simm.s32 $0x1B8E;
	s24 =	sld [smem:$0x3FFE];
	[sflag:s23] =	ssyncadd.s32 $0xFFFFFFFF  }
0xa5: {  	s26 =	simm.s32 $execute0_lowered;
	[smem:$0x3FD2] =	sst s25  }
0xa6: {  	s5 =	sshll.u32 s26, $0x1;
	_ =	strace $0x80000049;
	[dreg:$0x1] =	wrdreg $0xFFFFFFFF  }
0xa7: {  	s28 =	simm.s32 $_size_execute0_lowered;
	s3 =	sadd.s32 s3, s5;
	[dreg:$0x0] =	wrdreg $0x0  }
0xa8: {  	s5 =	sshll.u32 s28, $0x1;
	[dreg:$0x2] =	wrdreg s3  }
0xa9: {  	[dreg:$0x3] =	wrdreg s5  }
0xaa: {  	[dreg:$0x4] =	wrdreg $0xC0  }
0xab: {  	_ =	task [dreg:s7], $0x5FFFF  }
0xac: {  	[dreg:$0x1] =	wrdreg $0xFFFFFFFF  }
0xad: {  	[dreg:$0x0] =	wrdreg $0x60  }
0xae: {  	[dreg:$0x2] =	wrdreg s24  }
0xaf: {  	[dreg:$0x3] =	wrdreg s2  }
0xb0: {  	[dreg:$0x4] =	wrdreg $0x9  }
0xb1: {  	_ =	task.clear_ibuf [dreg:s7], $0x5FFFF;
	_ =	strace $0x90000049  }
0xb2: {  	s29 =	simm.s32 $0x9;
	_ =	strace $0x8000004B  }
0xb3: {  	_ =	swait.ge [sflag:s29], $0x1  }
0xb4: {  	[sflag:s29] =	ssyncadd.s32 $0xFFFFFFFF  }
0xb5: {  	_ =	strace $0x9000004B  }
0xb6: {  	_ =	sfence  }
0xb7: {  	s30 =	sld [smem:$0x0];
	_ =	sdelay $0x2  }
0xb8: {  	s31 =	sshll.u32 s1, $0xD;
	s1 =	sshrl.u32 s1, $0x2  }
0xb9: {  	s3 =	sand.u32 $0x4000, s31;
	s1 =	sadd.s32 s1, s30  }
0xba: {  	s0 =	sor.u32 s3, s0;
	s1 =	sshll.u32 s1, $0x11  }
0xbb: {  	s0 =	sor.u32 s1, s0  }
0xbc: {  	s0 =	sadd.s32 $0x8F2B, s0  }
0xbd: {  	[sflag:s0] =	ssyncadd.remote.s32 $0x1  }
0xbe: {  	_ =	sfence.sel $0xFFFF  }
0xbf: {  	[dreg:$0x0] =	wrdreg $0xFFFFFFFF;
	(pc) =	sbr.abs _section_cstart, $3  }
0xc0: {  	[dreg:$0x1] =	wrdreg $0xFFFFFFFF  }
0xc1: {  	_ =	task.clear_ibuf [dreg:s7], $0x2FFFF;
	_ =	strace $0x9FFFFFFF  }
0xc2: {  	(tm) =	ssettm $0x7FFFFFFF  }
0xc3: {  	_ =	shalt  }
tec
execute0_lowered:
.L_overlay_start_1:
0x0: {  	(tag) =	ssettag $0x1  }
0x1: {  	s0 =	rddreg [dreg:$0x0]  }
0x2: {  	s1 =	rddreg [dreg:$0x1]  }
0x3: {  	s3 =	srdreg.scid;
	s4 =	stileid.u32;
	s2 =	simm.s32 $0x0  }
0x4: {  	s16 =	simm.s32 $0x5;
	s28 =	simm.s32 $0xC200;
	s29 =	simm.s32 $0xD200  }
0x5: {  	s30 =	simm.s32 $0xE200;
	s31 =	simm.s32 $0xF200;
	s17 =	simm.s32 $0x10200  }
0x6: {  	s18 =	simm.s32 $0x2;
	s19 =	simm.s32 $0x14200;
	s12 =	simm.s32 $0x3  }
0x7: {  	s13 =	simm.s32 $0x0;
	s3 =	sand.u32 $0x1, s3;
	s4 =	sshll.u32 s4, $0x1  }
0x8: {  	[smem:$0x7FF] =	sst s2;
	s8 =	sadd.s32 $0x2100, s0;
	s4 =	sor.u32 s3, s4  }
0x9: {  	s9 =	sadd.s32 $0x2200, s0;
	s11 =	sadd.s32 $0x2300, s0;
	s5 =	sshll.u32 s4, $0x4  }
0xa: {  	_ =	strace $0x8000004A;
	s6 =	ssub.s32 $0x2, s3;
	s5 =	sadd.s32 s5, s0  }
0xb: {  	s3 =	sadd.s32 $0x2000, s0;
	s7 =	sshrl.u32 s6, $0x1;
	s20 =	sadd.s32 $0x1800, s5  }
0xc: {  	s4 =	sshll.u32 s4, $0xD;
	s21 =	sadd.s32 $0x1A00, s5;
	[dreg:$0x3] =	wrdreg s20  }
0xd: {  	s6 =	ssub.s32 s6, s7;
	s22 =	sadd.s32 $0x1C00, s5;
	[dreg:$0x4] =	wrdreg s21  }
0xe: {  	s10 =	sadd.s32 s1, s4;
	s5 =	sadd.s32 $0x1E00, s5;
	[dreg:$0x5] =	wrdreg s22  }
0xf: {  	s4 =	simm.s32 $0xBA00;
	s23 =	sadd.s32 $0x800, s10;
	[dreg:$0x6] =	wrdreg s5  }
0x10: {  	s7 =	simm.s32 $0xEA00;
	s24 =	sadd.s32 $0x1000, s10;
	[dreg:$0x7] =	wrdreg s23  }
0x11: {  	s0 =	simm.s32 $0xFA00;
	s25 =	sadd.s32 $0x1800, s10;
	[dreg:$0x8] =	wrdreg s24  }
0x12: {  	v2 =	vlaneseq.u32;
	s1 =	simm.s32 $0x1;
	s26 =	smax.u32 s6, $0x1;
	[dreg:$0x9] =	wrdreg s25  }
0x13: {  	vm0 =	vmmov $0xffff;
	v1 =	vshrl.u32 v2, $0x3;
	s6 =	simm.s32 $0xDA00;
	[dreg:$0xa] =	wrdreg s26;
	s25 =	simm.s32 $0xAA00  }
0x14: {  	v0 =	vand.u32 $0x7, v2;
	v2 =	vor.u32 $0x8, v2;
	v1 =	vmul.u32 $0x8, v1;
	s26 =	simm.s32 $0xB200;
	s5 =	simm.s32 $0xCA00;
	s20 =	simm.s32 $0x4  }
.LBB2_1:
0x15: {  	s14 =	rddreg [dreg:$0x3]  }
0x16: {  	[tilespmem:s2], [sflag:$0x5] =	stream.linear.gather [hbm4b:s14+s2], $0x80, $0x38;
	[tilespmem:$0x18200] =	vst v63  }
0x17: {  	_ =	swait.ge [sflag:s16], $0x80  }
0x18: {  	[sflag:s16] =	ssyncset.done $0x0  }
0x19: {  	s15 =	simm.s32 $0x80;
	s24 =	rddreg [dreg:$0x4];
	[sflag:s16] =	ssyncadd.s32 $0xFFFFFF80  }
0x1a: {  	[tilespmem:s15], [sflag:$0x5] =	stream.linear.gather [hbm4b:s24+s2], $0x80, $0x38;
	[tilespmem:$0x18200] =	vst v63  }
0x1b: {  	_ =	swait.ge [sflag:s16], $0x80  }
0x1c: {  	[sflag:s16] =	ssyncset.done $0x0  }
0x1d: {  	s22 =	simm.s32 $0x100;
	s21 =	rddreg [dreg:$0x5];
	[sflag:s16] =	ssyncadd.s32 $0xFFFFFF80  }
0x1e: {  	[tilespmem:s22], [sflag:$0x5] =	stream.linear.gather [hbm4b:s21+s2], $0x80, $0x38;
	[tilespmem:$0x18200] =	vst v63  }
0x1f: {  	_ =	swait.ge [sflag:s16], $0x80  }
0x20: {  	[sflag:s16] =	ssyncset.done $0x0  }
0x21: {  	s24 =	simm.s32 $0x180;
	s23 =	rddreg [dreg:$0x6];
	[sflag:s16] =	ssyncadd.s32 $0xFFFFFF80  }
0x22: {  	[tilespmem:s24], [sflag:$0x5] =	stream.linear.gather [hbm4b:s23+s2], $0x80, $0x38;
	[tilespmem:$0x18200] =	vst v63  }
0x23: {  	_ =	swait.ge [sflag:s16], $0x80  }
0x24: {  	[sflag:s16] =	ssyncset.done $0x0  }
0x25: {  	[sflag:s16] =	ssyncadd.s32 $0xFFFFFF80  }
0x26: {  	v3 =	vld [tilespmem:$0x0];
	_ =	sdelay $0x4  }
0x27: {  	v4 =	vshll.u32 v3, $0x3  }
0x28: {  	v3 =	vand.u32 $0x7, v3;
	v4 =	vand.u32 $0xFFFFFFC0, v4  }
0x29: {  	v3 =	vor.u32 v3, v4  }
0x2a: {  	v4 =	vperm.xlane v3, v0;
	_ =	sdelay $0x1  }
0x2b: {  	v4 =	vadd.s32 v1, v4;
	_ =	sdelay $0x3  }
0x2c: {  	s21 =	simm.s32 $0x200  }
0x2d: {  	[tilespmem:s21], [sflag:$0x1] =	stream.indirect_vreg.gather [hbm4b:s3+s2], $0x80, v4, vm0, $0xb8;
	[tilespmem:$0x18200] =	vst v63  }
0x2e: {  	s22 =	simm.s32 $0xA00;
	v3 =	vperm.xlane v3, v2  }
0x2f: {  	[tilespmem:s22], [sflag:$0x1] =	stream.indirect_vreg.gather [hbm4b:s8+s2], $0x80, v4, vm0, $0xb8;
	[tilespmem:$0x18200] =	vst v63  }
0x30: {  	s23 =	simm.s32 $0x1200;
	v3 =	vadd.s32 v1, v3  }
0x31: {  	[tilespmem:s23], [sflag:$0x1] =	stream.indirect_vreg.gather [hbm4b:s9+s2], $0x80, v4, vm0, $0xb8;
	[tilespmem:$0x18200] =	vst v63  }
0x32: {  	s24 =	simm.s32 $0x1A00  }
0x33: {  	[tilespmem:s24], [sflag:$0x1] =	stream.indirect_vreg.gather [hbm4b:s11+s2], $0x80, v4, vm0, $0xb8;
	[tilespmem:$0x18200] =	vst v63  }
0x34: {  	s15 =	simm.s32 $0x2200  }
0x35: {  	[tilespmem:s15], [sflag:$0x1] =	stream.indirect_vreg.gather [hbm4b:s3+s2], $0x80, v3, vm0, $0xb8;
	[tilespmem:$0x18200] =	vst v63  }
0x36: {  	s21 =	simm.s32 $0x2A00  }
0x37: {  	[tilespmem:s21], [sflag:$0x1] =	stream.indirect_vreg.gather [hbm4b:s8+s2], $0x80, v3, vm0, $0xb8;
	[tilespmem:$0x18200] =	vst v63  }
0x38: {  	s22 =	simm.s32 $0x3200  }
0x39: {  	[tilespmem:s22], [sflag:$0x1] =	stream.indirect_vreg.gather [hbm4b:s9+s2], $0x80, v3, vm0, $0xb8;
	[tilespmem:$0x18200] =	vst v63  }
0x3a: {  	s23 =	simm.s32 $0x3A00  }
0x3b: {  	[tilespmem:s23], [sflag:$0x1] =	stream.indirect_vreg.gather [hbm4b:s11+s2], $0x80, v3, vm0, $0xb8;
	[tilespmem:$0x18200] =	vst v63  }
0x3c: {  	v3 =	vld [tilespmem:$0x80];
	_ =	sdelay $0x4  }
0x3d: {  	v4 =	vshll.u32 v3, $0x3  }
0x3e: {  	v3 =	vand.u32 $0x7, v3;
	v4 =	vand.u32 $0xFFFFFFC0, v4  }
0x3f: {  	v3 =	vor.u32 v3, v4  }
0x40: {  	v4 =	vperm.xlane v3, v0;
	_ =	sdelay $0x1  }
0x41: {  	v4 =	vadd.s32 v1, v4;
	_ =	sdelay $0x3  }
0x42: {  	s24 =	simm.s32 $0x4200  }
0x43: {  	[tilespmem:s24], [sflag:$0x1] =	stream.indirect_vreg.gather [hbm4b:s3+s2], $0x80, v4, vm0, $0xb8;
	[tilespmem:$0x18200] =	vst v63  }
0x44: {  	s15 =	simm.s32 $0x4A00;
	v3 =	vperm.xlane v3, v2  }
0x45: {  	[tilespmem:s15], [sflag:$0x1] =	stream.indirect_vreg.gather [hbm4b:s8+s2], $0x80, v4, vm0, $0xb8;
	[tilespmem:$0x18200] =	vst v63  }
0x46: {  	s21 =	simm.s32 $0x5200;
	v3 =	vadd.s32 v1, v3  }
0x47: {  	[tilespmem:s21], [sflag:$0x1] =	stream.indirect_vreg.gather [hbm4b:s9+s2], $0x80, v4, vm0, $0xb8;
	[tilespmem:$0x18200] =	vst v63  }
0x48: {  	s22 =	simm.s32 $0x5A00  }
0x49: {  	[tilespmem:s22], [sflag:$0x1] =	stream.indirect_vreg.gather [hbm4b:s11+s2], $0x80, v4, vm0, $0xb8;
	[tilespmem:$0x18200] =	vst v63  }
0x4a: {  	s23 =	simm.s32 $0x6200  }
0x4b: {  	[tilespmem:s23], [sflag:$0x1] =	stream.indirect_vreg.gather [hbm4b:s3+s2], $0x80, v3, vm0, $0xb8;
	[tilespmem:$0x18200] =	vst v63  }
0x4c: {  	s24 =	simm.s32 $0x6A00  }
0x4d: {  	[tilespmem:s24], [sflag:$0x1] =	stream.indirect_vreg.gather [hbm4b:s8+s2], $0x80, v3, vm0, $0xb8;
	[tilespmem:$0x18200] =	vst v63  }
0x4e: {  	s15 =	simm.s32 $0x7200  }
0x4f: {  	[tilespmem:s15], [sflag:$0x1] =	stream.indirect_vreg.gather [hbm4b:s9+s2], $0x80, v3, vm0, $0xb8;
	[tilespmem:$0x18200] =	vst v63  }
0x50: {  	s21 =	simm.s32 $0x7A00  }
0x51: {  	[tilespmem:s21], [sflag:$0x1] =	stream.indirect_vreg.gather [hbm4b:s11+s2], $0x80, v3, vm0, $0xb8;
	[tilespmem:$0x18200] =	vst v63  }
0x52: {  	v3 =	vld [tilespmem:$0x10];
	_ =	sdelay $0x4  }
0x53: {  	v4 =	vshll.u32 v3, $0x3  }
0x54: {  	v3 =	vand.u32 $0x7, v3;
	v4 =	vand.u32 $0xFFFFFFC0, v4  }
0x55: {  	v3 =	vor.u32 v3, v4  }
0x56: {  	v4 =	vperm.xlane v3, v0;
	_ =	sdelay $0x1  }
0x57: {  	v4 =	vadd.s32 v1, v4;
	_ =	sdelay $0x3  }
0x58: {  	s22 =	simm.s32 $0x8200  }
0x59: {  	[tilespmem:s22], [sflag:$0x2] =	stream.indirect_vreg.gather [hbm4b:s3+s2], $0x80, v4, vm0, $0xb8;
	[tilespmem:$0x18200] =	vst v63  }
0x5a: {  	s23 =	simm.s32 $0x8A00;
	v3 =	vperm.xlane v3, v2  }
0x5b: {  	[tilespmem:s23], [sflag:$0x2] =	stream.indirect_vreg.gather [hbm4b:s8+s2], $0x80, v4, vm0, $0xb8;
	[tilespmem:$0x18200] =	vst v63  }
0x5c: {  	s24 =	simm.s32 $0x9200;
	v3 =	vadd.s32 v1, v3  }
0x5d: {  	[tilespmem:s24], [sflag:$0x2] =	stream.indirect_vreg.gather [hbm4b:s9+s2], $0x80, v4, vm0, $0xb8;
	[tilespmem:$0x18200] =	vst v63  }
0x5e: {  	s15 =	simm.s32 $0x9A00  }
0x5f: {  	[tilespmem:s15], [sflag:$0x2] =	stream.indirect_vreg.gather [hbm4b:s11+s2], $0x80, v4, vm0, $0xb8;
	[tilespmem:$0x18200] =	vst v63  }
0x60: {  	s21 =	simm.s32 $0xA200  }
0x61: {  	[tilespmem:s21], [sflag:$0x2] =	stream.indirect_vreg.gather [hbm4b:s3+s2], $0x80, v3, vm0, $0xb8;
	[tilespmem:$0x18200] =	vst v63  }
0x62: {  	_ = 	snop  }
0x63: {  	[tilespmem:s25], [sflag:$0x2] =	stream.indirect_vreg.gather [hbm4b:s8+s2], $0x80, v3, vm0, $0xb8;
	[tilespmem:$0x18200] =	vst v63  }
0x64: {  	_ = 	snop  }
0x65: {  	[tilespmem:s26], [sflag:$0x2] =	stream.indirect_vreg.gather [hbm4b:s9+s2], $0x80, v3, vm0, $0xb8;
	[tilespmem:$0x18200] =	vst v63  }
0x66: {  	_ = 	snop  }
0x67: {  	[tilespmem:s4], [sflag:$0x2] =	stream.indirect_vreg.gather [hbm4b:s11+s2], $0x80, v3, vm0, $0xb8;
	[tilespmem:$0x18200] =	vst v63  }
0x68: {  	v3 =	vld [tilespmem:$0x90];
	_ =	sdelay $0x4  }
0x69: {  	v4 =	vshll.u32 v3, $0x3  }
0x6a: {  	v3 =	vand.u32 $0x7, v3;
	v4 =	vand.u32 $0xFFFFFFC0, v4  }
0x6b: {  	v3 =	vor.u32 v3, v4  }
0x6c: {  	v4 =	vperm.xlane v3, v0;
	_ =	sdelay $0x1  }
0x6d: {  	v4 =	vadd.s32 v1, v4;
	_ =	sdelay $0x4  }
0x6e: {  	[tilespmem:s28], [sflag:$0x2] =	stream.indirect_vreg.gather [hbm4b:s3+s2], $0x80, v4, vm0, $0xb8;
	[tilespmem:$0x18200] =	vst v63  }
0x6f: {  	v3 =	vperm.xlane v3, v2  }
0x70: {  	[tilespmem:s5], [sflag:$0x2] =	stream.indirect_vreg.gather [hbm4b:s8+s2], $0x80, v4, vm0, $0xb8;
	[tilespmem:$0x18200] =	vst v63  }
0x71: {  	v3 =	vadd.s32 v1, v3  }
0x72: {  	[tilespmem:s29], [sflag:$0x2] =	stream.indirect_vreg.gather [hbm4b:s9+s2], $0x80, v4, vm0, $0xb8;
	[tilespmem:$0x18200] =	vst v63  }
0x73: {  	_ = 	snop  }
0x74: {  	[tilespmem:s6], [sflag:$0x2] =	stream.indirect_vreg.gather [hbm4b:s11+s2], $0x80, v4, vm0, $0xb8;
	[tilespmem:$0x18200] =	vst v63  }
0x75: {  	_ = 	snop  }
0x76: {  	[tilespmem:s30], [sflag:$0x2] =	stream.indirect_vreg.gather [hbm4b:s3+s2], $0x80, v3, vm0, $0xb8;
	[tilespmem:$0x18200] =	vst v63  }
0x77: {  	_ = 	snop  }
0x78: {  	[tilespmem:s7], [sflag:$0x2] =	stream.indirect_vreg.gather [hbm4b:s8+s2], $0x80, v3, vm0, $0xb8;
	[tilespmem:$0x18200] =	vst v63  }
0x79: {  	_ = 	snop  }
0x7a: {  	[tilespmem:s31], [sflag:$0x2] =	stream.indirect_vreg.gather [hbm4b:s9+s2], $0x80, v3, vm0, $0xb8;
	[tilespmem:$0x18200] =	vst v63  }
0x7b: {  	_ = 	snop  }
0x7c: {  	[tilespmem:s0], [sflag:$0x2] =	stream.indirect_vreg.gather [hbm4b:s11+s2], $0x80, v3, vm0, $0xb8;
	[tilespmem:$0x18200] =	vst v63  }
0x7d: {  	_ =	swait.ge [sflag:s1], $0x4000  }
0x7e: {  	[sflag:s1] =	ssyncset.done $0x0  }
0x7f: {  	[sflag:s1] =	ssyncadd.s32 $0xFFFFC000  }
0x80: {  	_ =	swait.ge [sflag:s1], $0x4000  }
0x81: {  	[sflag:s1] =	ssyncset.done $0x0  }
0x82: {  	[sflag:s1] =	ssyncadd.s32 $0xFFFFC000  }
0x83: {  	s22 =	sand.u32 $0x70, s2;
	s23 =	sand.u32 $0x1C00, s2;
	v21 =	vld [tilespmem:$0x100]  }
0x84: {  	s21 =	sor.u32 s22, s23;
	v22 =	vld [tilespmem:$0x180]  }
0x85: {  	v17 =	vld [tilespmem:s21+$0x400]  }
0x86: {  	v18 =	vld [tilespmem:s21+$0x4300]  }
0x87: {  	v19 =	vld [tilespmem:s21+$0x4500]  }
0x88: {  	v20 =	vld [tilespmem:s21+$0x4400]  }
0x89: {  	v23 =	vld [tilespmem:s21+$0x280]  }
0x8a: {  	v24 =	vld [tilespmem:s21+$0x500];
	v3 =	vbroadcast v21, $0x0;
	v4 =	vbroadcast v22, $0x0  }
0x8b: {  	v25 =	vld [tilespmem:s21+$0x300];
	v5 =	vbroadcast v21, $0x1;
	v6 =	vbroadcast v22, $0x1  }
0x8c: {  	v26 =	vld [tilespmem:s21+$0x4200];
	v7 =	vbroadcast v21, $0x2;
	v8 =	vbroadcast v22, $0x2  }
0x8d: {  	v27 =	vld [tilespmem:s21+$0x4280];
	v9 =	vbroadcast v21, $0x3;
	v10 =	vbroadcast v22, $0x3  }
0x8e: {  	v28 =	vld [tilespmem:s21+$0x380];
	v11 =	vbroadcast v21, $0x4;
	v12 =	vbroadcast v22, $0x4  }
0x8f: {  	v29 =	vld [tilespmem:s21+$0x200];
	v13 =	vbroadcast v21, $0x6;
	v14 =	vbroadcast v22, $0x6  }
0x90: {  	v30 =	vld [tilespmem:s21+$0x4480];
	v15 =	vbroadcast v21, $0x5;
	v16 =	vbroadcast v22, $0x5  }
0x91: {  	v31 =	vld [tilespmem:s21+$0x480];
	v19 =	vmul.f32 v19, v14;
	v24 =	vmul.f32 v24, v13  }
0x92: {  	v32 =	vld [tilespmem:s21+$0x4380];
	v18 =	vmul.f32 v18, v8;
	v25 =	vmul.f32 v25, v7  }
0x93: {  	v20 =	vmul.f32 v20, v12;
	v17 =	vmul.f32 v17, v11;
	v19 =	vadd.f32 v19, v24  }
0x94: {  	v23 =	vmul.f32 v23, v5;
	v24 =	vmul.f32 v27, v6;
	v18 =	vadd.f32 v18, v25  }
0x95: {  	v25 =	vmul.f32 v26, v4;
	v26 =	vmul.f32 v29, v3;
	v17 =	vadd.f32 v20, v17;
	[tilespmem:s21+$0x10500] =	vst v19  }
0x96: {  	v20 =	vmul.f32 v30, v16;
	v19 =	vadd.f32 v24, v23;
	[tilespmem:s21+$0x10300] =	vst v18;
	v18 =	vmul.f32 v31, v15  }
0x97: {  	v23 =	vmul.f32 v28, v9;
	v24 =	vadd.f32 v25, v26;
	v25 =	vmul.f32 v32, v10;
	[tilespmem:s21+$0x10400] =	vst v17  }
0x98: {  	[tilespmem:s21+$0x10280] =	vst v19;
	v17 =	vadd.f32 v20, v18  }
0x99: {  	v18 =	vadd.f32 v25, v23;
	[tilespmem:s21+$0x10200] =	vst v24  }
0x9a: {  	s15 =	sor.u32 s2, s2;
	[tilespmem:s21+$0x10480] =	vst v17  }
0x9b: {  	s24 =	sor.u32 $0x380, s15;
	[tilespmem:s21+$0x10380] =	vst v18  }
0x9c: {  	v17 =	vld [tilespmem:s24+$0x200]  }
0x9d: {  	v18 =	vld [tilespmem:s24+$0x4200];
	_ =	sdelay $0x2  }
0x9e: {  	v29 =	vbroadcast v21, $0x7;
	v32 =	vbroadcast v22, $0x7;
	_ =	sdelay $0x1  }
0x9f: {  	v17 =	vmul.f32 v17, v29;
	v18 =	vmul.f32 v18, v32  }
0xa0: {  	v33 =	vbroadcast v21, $0xE;
	v34 =	vbroadcast v22, $0xE  }
0xa1: {  	v30 =	vbroadcast v21, $0x8;
	v27 =	vbroadcast v21, $0xD;
	v25 =	vadd.f32 v18, v17  }
0xa2: {  	v31 =	vbroadcast v22, $0x8;
	v26 =	vbroadcast v22, $0xC  }
0xa3: {  	v28 =	vbroadcast v22, $0xD;
	v20 =	vbroadcast v21, $0x9;
	[tilespmem:s24+$0x10200] =	vst v25  }
0xa4: {  	v19 =	vbroadcast v22, $0x9;
	v23 =	vbroadcast v21, $0xB;
	v37 =	vld [tilespmem:s21+$0x2200]  }
0xa5: {  	v24 =	vbroadcast v22, $0xB;
	v17 =	vbroadcast v21, $0xA;
	v38 =	vld [tilespmem:s21+$0x6200]  }
0xa6: {  	v18 =	vbroadcast v22, $0xA;
	v22 =	vbroadcast v22, $0xF;
	v35 =	vld [tilespmem:s21+$0x2480]  }
0xa7: {  	s14 =	simm.s32 $0x10;
	s22 =	simm.s32 $0x0;
	v25 =	vbroadcast v21, $0xC;
	v21 =	vbroadcast v21, $0xF;
	v36 =	vld [tilespmem:s21+$0x6400]  }
.LBB2_2:
0xa8: {  	p0 =	sne.s32 s14, $0x3F0  }
0xa9: {  	v39 =	vld [tilespmem:s21+$0x6500];
	s22 =	sadd.s32 $0x80, s22;
	s23 =	smov.u32 s14;
	s14 =	sadd.s32 $0x10, s14  }
0xaa: {  	v40 =	vld [tilespmem:s21+$0x2500]  }
0xab: {  	v37 =	vmul.f32 v37, v30;
	v38 =	vmul.f32 v38, v31;
	v41 =	vld [tilespmem:s21+$0x6480]  }
0xac: {  	v42 =	vld [tilespmem:s21+$0x2400]  }
0xad: {  	v37 =	vadd.f32 v38, v37;
	v38 =	vld [tilespmem:s21+$0x6300]  }
0xae: {  	v43 =	vld [tilespmem:s21+$0x6380];
	v39 =	vmul.f32 v39, v34  }
0xaf: {  	[tilespmem:s21+$0x12200] =	vst v37;
	v37 =	vld [tilespmem:s21+$0x2380];
	v40 =	vmul.f32 v40, v33  }
0xb0: {  	v44 =	vld [tilespmem:s21+$0x2280]  }
0xb1: {  	v45 =	vld [tilespmem:s21+$0x6280];
	v39 =	vadd.f32 v39, v40  }
0xb2: {  	v36 =	vmul.f32 v36, v26;
	v42 =	vmul.f32 v42, v25;
	v40 =	vld [tilespmem:s21+$0x2300]  }
0xb3: {  	v35 =	vmul.f32 v35, v27;
	v41 =	vmul.f32 v41, v28;
	[tilespmem:s21+$0x12500] =	vst v39  }
0xb4: {  	v39 =	vmul.f32 v43, v24;
	v36 =	vadd.f32 v36, v42;
	v37 =	vmul.f32 v37, v23  }
0xb5: {  	v35 =	vadd.f32 v41, v35;
	v42 =	vmul.f32 v44, v20  }
0xb6: {  	v41 =	vmul.f32 v45, v19;
	v37 =	vadd.f32 v39, v37;
	[tilespmem:s21+$0x12400] =	vst v36  }
0xb7: {  	v38 =	vmul.f32 v38, v18;
	v36 =	vmul.f32 v40, v17;
	[tilespmem:s21+$0x12480] =	vst v35  }
0xb8: {  	v35 =	vadd.f32 v41, v42;
	[tilespmem:s21+$0x12380] =	vst v37  }
0xb9: {  	v36 =	vadd.f32 v38, v36  }
0xba: {  	[tilespmem:s21+$0x12280] =	vst v35  }
0xbb: {  	s15 =	sor.u32 $0x2380, s15;
	[tilespmem:s21+$0x12300] =	vst v36  }
0xbc: {  	v35 =	vld [tilespmem:s15+$0x200]  }
0xbd: {  	v36 =	vld [tilespmem:s15+$0x4200];
	_ =	sdelay $0x3  }
0xbe: {  	v35 =	vmul.f32 v35, v21  }
0xbf: {  	v36 =	vmul.f32 v36, v22;
	_ =	sdelay $0x1  }
0xc0: {  	v35 =	vadd.f32 v36, v35  }
0xc1: {  	s24 =	sand.u32 $0x1C00, s22;
	s21 =	sand.u32 $0x70, s23  }
0xc2: {  	s21 =	sor.u32 s21, s24;
	[tilespmem:s15+$0x10200] =	vst v35  }
0xc3: {  	v35 =	vld [tilespmem:s21+$0x400]  }
0xc4: {  	v36 =	vld [tilespmem:s21+$0x4300]  }
0xc5: {  	v37 =	vld [tilespmem:s21+$0x4500]  }
0xc6: {  	v38 =	vld [tilespmem:s21+$0x4400]  }
0xc7: {  	v39 =	vld [tilespmem:s21+$0x280]  }
0xc8: {  	v40 =	vld [tilespmem:s21+$0x500]  }
0xc9: {  	v41 =	vld [tilespmem:s21+$0x300]  }
0xca: {  	v42 =	vld [tilespmem:s21+$0x4200]  }
0xcb: {  	v37 =	vmul.f32 v37, v14;
	v43 =	vld [tilespmem:s21+$0x4280]  }
0xcc: {  	v36 =	vmul.f32 v36, v8;
	v44 =	vld [tilespmem:s21+$0x380]  }
0xcd: {  	v39 =	vmul.f32 v39, v5;
	v45 =	vld [tilespmem:s21+$0x200];
	v40 =	vmul.f32 v40, v13  }
0xce: {  	v41 =	vmul.f32 v41, v7;
	v46 =	vld [tilespmem:s21+$0x4480]  }
0xcf: {  	v38 =	vmul.f32 v38, v12;
	v42 =	vmul.f32 v42, v4;
	v47 =	vld [tilespmem:s21+$0x4380];
	v37 =	vadd.f32 v37, v40  }
0xd0: {  	v35 =	vmul.f32 v35, v11;
	v40 =	vmul.f32 v43, v6;
	v36 =	vadd.f32 v36, v41;
	v41 =	vld [tilespmem:s21+$0x480]  }
0xd1: {  	v43 =	vmul.f32 v44, v9  }
0xd2: {  	v35 =	vadd.f32 v38, v35;
	v44 =	vmul.f32 v45, v3;
	v39 =	vadd.f32 v40, v39;
	_ =	sdelay $0x1  }
0xd3: {  	v38 =	vadd.f32 v42, v44;
	v40 =	vmul.f32 v47, v10;
	[tilespmem:s21+$0x10500] =	vst v37  }
0xd4: {  	v37 =	vmul.f32 v46, v16;
	[tilespmem:s21+$0x10300] =	vst v36;
	v36 =	vmul.f32 v41, v15  }
0xd5: {  	v40 =	vadd.f32 v40, v43;
	[tilespmem:s21+$0x10400] =	vst v35  }
0xd6: {  	[tilespmem:s21+$0x10280] =	vst v39;
	v35 =	vadd.f32 v37, v36  }
0xd7: {  	[tilespmem:s21+$0x10200] =	vst v38  }
0xd8: {  	s15 =	sor.u32 s23, s22;
	[tilespmem:s21+$0x10480] =	vst v35  }
0xd9: {  	s23 =	sor.u32 $0x380, s15;
	[tilespmem:s21+$0x10380] =	vst v40  }
0xda: {  	v35 =	vld [tilespmem:s23+$0x200]  }
0xdb: {  	v36 =	vld [tilespmem:s23+$0x4200];
	_ =	sdelay $0x4  }
0xdc: {  	v35 =	vmul.f32 v35, v29;
	v36 =	vmul.f32 v36, v32;
	_ =	sdelay $0x1  }
0xdd: {  	v35 =	vadd.f32 v36, v35;
	_ =	sdelay $0x1  }
.Ltmp0:
0xde: {  	[tilespmem:s23+$0x10200] =	vst v35;
	(pc) =	sbr.rel @p0 .LBB2_2-.Ltmp0, $4  }
0xdf: {  	v37 =	vld [tilespmem:s21+$0x2200]  }
0xe0: {  	v38 =	vld [tilespmem:s21+$0x6200]  }
0xe1: {  	v35 =	vld [tilespmem:s21+$0x2480]  }
0xe2: {  	v36 =	vld [tilespmem:s21+$0x6400]  }
0xe3: {  	v3 =	vld [tilespmem:s21+$0x6500]  }
0xe4: {  	v4 =	vld [tilespmem:s21+$0x2500]  }
0xe5: {  	v7 =	vld [tilespmem:s21+$0x6480]  }
0xe6: {  	v8 =	vld [tilespmem:s21+$0x2400]  }
0xe7: {  	v9 =	vld [tilespmem:s21+$0x6380]  }
0xe8: {  	v10 =	vld [tilespmem:s21+$0x2280];
	v5 =	vmul.f32 v37, v30;
	v6 =	vmul.f32 v38, v31  }
0xe9: {  	v11 =	vld [tilespmem:s21+$0x6280]  }
0xea: {  	v12 =	vld [tilespmem:s21+$0x2300];
	v5 =	vadd.f32 v6, v5  }
0xeb: {  	v6 =	vld [tilespmem:s21+$0x6300];
	v3 =	vmul.f32 v3, v34;
	v4 =	vmul.f32 v4, v33  }
0xec: {  	v13 =	vmul.f32 v36, v26;
	v8 =	vmul.f32 v8, v25;
	[tilespmem:s21+$0x12200] =	vst v5;
	v5 =	vld [tilespmem:s21+$0x2380]  }
0xed: {  	v7 =	vmul.f32 v7, v28;
	v3 =	vadd.f32 v3, v4;
	v4 =	vmul.f32 v35, v27  }
0xee: {  	v8 =	vadd.f32 v13, v8  }
0xef: {  	[tilespmem:s21+$0x12500] =	vst v3;
	v3 =	vmul.f32 v10, v20;
	v4 =	vadd.f32 v7, v4;
	v7 =	vmul.f32 v11, v19  }
0xf0: {  	[tilespmem:s21+$0x12400] =	vst v8;
	v8 =	vmul.f32 v12, v17;
	v6 =	vmul.f32 v6, v18  }
0xf1: {  	v9 =	vmul.f32 v9, v24;
	v5 =	vmul.f32 v5, v23;
	v3 =	vadd.f32 v7, v3  }
0xf2: {  	[tilespmem:s21+$0x12480] =	vst v4;
	v4 =	vadd.f32 v6, v8  }
0xf3: {  	v5 =	vadd.f32 v9, v5;
	[tilespmem:s21+$0x12280] =	vst v3  }
0xf4: {  	[tilespmem:s21+$0x12300] =	vst v4  }
0xf5: {  	s14 =	sor.u32 $0x2380, s15;
	[tilespmem:s21+$0x12380] =	vst v5  }
0xf6: {  	v3 =	vld [tilespmem:s14+$0x200]  }
0xf7: {  	v4 =	vld [tilespmem:s14+$0x4200];
	_ =	sdelay $0x4  }
0xf8: {  	v3 =	vmul.f32 v3, v21;
	v4 =	vmul.f32 v4, v22;
	_ =	sdelay $0x1  }
0xf9: {  	v3 =	vadd.f32 v4, v3;
	_ =	sdelay $0x1  }
0xfa: {  	s21 =	simm.s32 $0x0;
	[tilespmem:s14+$0x10200] =	vst v3  }
0xfb: {  	[hbm4b:s10+s21] =	stream.linear.scatter [tilespmem:s17], [sflag:$0x3], $0x4000, $0x38;
	[tilespmem:$0x18200] =	vst v63  }
0xfc: {  	v3 =	vld [tilespmem:$0x20];
	_ =	sdelay $0x4  }
0xfd: {  	v4 =	vshll.u32 v3, $0x3  }
0xfe: {  	v3 =	vand.u32 $0x7, v3;
	v4 =	vand.u32 $0xFFFFFFC0, v4  }
0xff: {  	v3 =	vor.u32 v3, v4  }
0x100: {  	v4 =	vperm.xlane v3, v0;
	_ =	sdelay $0x1  }
0x101: {  	v4 =	vadd.s32 v1, v4;
	_ =	sdelay $0x3  }
0x102: {  	s23 =	simm.s32 $0x200  }
0x103: {  	[tilespmem:s23], [sflag:$0x1] =	stream.indirect_vreg.gather [hbm4b:s3+s21], $0x80, v4, vm0, $0xb8;
	[tilespmem:$0x18200] =	vst v63  }
0x104: {  	s24 =	simm.s32 $0xA00;
	v3 =	vperm.xlane v3, v2  }
0x105: {  	[tilespmem:s24], [sflag:$0x1] =	stream.indirect_vreg.gather [hbm4b:s8+s21], $0x80, v4, vm0, $0xb8;
	[tilespmem:$0x18200] =	vst v63  }
0x106: {  	s15 =	simm.s32 $0x1200;
	v3 =	vadd.s32 v1, v3  }
0x107: {  	[tilespmem:s15], [sflag:$0x1] =	stream.indirect_vreg.gather [hbm4b:s9+s21], $0x80, v4, vm0, $0xb8;
	[tilespmem:$0x18200] =	vst v63  }
0x108: {  	s22 =	simm.s32 $0x1A00  }
0x109: {  	[tilespmem:s22], [sflag:$0x1] =	stream.indirect_vreg.gather [hbm4b:s11+s21], $0x80, v4, vm0, $0xb8;
	[tilespmem:$0x18200] =	vst v63  }
0x10a: {  	s23 =	simm.s32 $0x2200  }
0x10b: {  	[tilespmem:s23], [sflag:$0x1] =	stream.indirect_vreg.gather [hbm4b:s3+s21], $0x80, v3, vm0, $0xb8;
	[tilespmem:$0x18200] =	vst v63  }
0x10c: {  	s24 =	simm.s32 $0x2A00  }
0x10d: {  	[tilespmem:s24], [sflag:$0x1] =	stream.indirect_vreg.gather [hbm4b:s8+s21], $0x80, v3, vm0, $0xb8;
	[tilespmem:$0x18200] =	vst v63  }
0x10e: {  	s15 =	simm.s32 $0x3200  }
0x10f: {  	[tilespmem:s15], [sflag:$0x1] =	stream.indirect_vreg.gather [hbm4b:s9+s21], $0x80, v3, vm0, $0xb8;
	[tilespmem:$0x18200] =	vst v63  }
0x110: {  	s22 =	simm.s32 $0x3A00  }
0x111: {  	[tilespmem:s22], [sflag:$0x1] =	stream.indirect_vreg.gather [hbm4b:s11+s21], $0x80, v3, vm0, $0xb8;
	[tilespmem:$0x18200] =	vst v63  }
0x112: {  	v3 =	vld [tilespmem:$0xA0];
	_ =	sdelay $0x4  }
0x113: {  	v4 =	vshll.u32 v3, $0x3  }
0x114: {  	v3 =	vand.u32 $0x7, v3;
	v4 =	vand.u32 $0xFFFFFFC0, v4  }
0x115: {  	v3 =	vor.u32 v3, v4  }
0x116: {  	v4 =	vperm.xlane v3, v0;
	_ =	sdelay $0x1  }
0x117: {  	v4 =	vadd.s32 v1, v4;
	_ =	sdelay $0x3  }
0x118: {  	s23 =	simm.s32 $0x4200  }
0x119: {  	[tilespmem:s23], [sflag:$0x1] =	stream.indirect_vreg.gather [hbm4b:s3+s21], $0x80, v4, vm0, $0xb8;
	[tilespmem:$0x18200] =	vst v63  }
0x11a: {  	s24 =	simm.s32 $0x4A00;
	v3 =	vperm.xlane v3, v2  }
0x11b: {  	[tilespmem:s24], [sflag:$0x1] =	stream.indirect_vreg.gather [hbm4b:s8+s21], $0x80, v4, vm0, $0xb8;
	[tilespmem:$0x18200] =	vst v63  }
0x11c: {  	s15 =	simm.s32 $0x5200;
	v3 =	vadd.s32 v1, v3  }
0x11d: {  	[tilespmem:s15], [sflag:$0x1] =	stream.indirect_vreg.gather [hbm4b:s9+s21], $0x80, v4, vm0, $0xb8;
	[tilespmem:$0x18200] =	vst v63  }
0x11e: {  	s22 =	simm.s32 $0x5A00  }
0x11f: {  	[tilespmem:s22], [sflag:$0x1] =	stream.indirect_vreg.gather [hbm4b:s11+s21], $0x80, v4, vm0, $0xb8;
	[tilespmem:$0x18200] =	vst v63  }
0x120: {  	s23 =	simm.s32 $0x6200  }
0x121: {  	[tilespmem:s23], [sflag:$0x1] =	stream.indirect_vreg.gather [hbm4b:s3+s21], $0x80, v3, vm0, $0xb8;
	[tilespmem:$0x18200] =	vst v63  }
0x122: {  	s24 =	simm.s32 $0x6A00  }
0x123: {  	[tilespmem:s24], [sflag:$0x1] =	stream.indirect_vreg.gather [hbm4b:s8+s21], $0x80, v3, vm0, $0xb8;
	[tilespmem:$0x18200] =	vst v63  }
0x124: {  	s15 =	simm.s32 $0x7200  }
0x125: {  	[tilespmem:s15], [sflag:$0x1] =	stream.indirect_vreg.gather [hbm4b:s9+s21], $0x80, v3, vm0, $0xb8;
	[tilespmem:$0x18200] =	vst v63  }
0x126: {  	s22 =	simm.s32 $0x7A00  }
0x127: {  	[tilespmem:s22], [sflag:$0x1] =	stream.indirect_vreg.gather [hbm4b:s11+s21], $0x80, v3, vm0, $0xb8;
	[tilespmem:$0x18200] =	vst v63  }
0x128: {  	_ =	swait.ge [sflag:s18], $0x4000  }
0x129: {  	[sflag:s18] =	ssyncset.done $0x0  }
0x12a: {  	[sflag:s18] =	ssyncadd.s32 $0xFFFFC000  }
0x12b: {  	_ =	swait.ge [sflag:s18], $0x4000  }
0x12c: {  	[sflag:s18] =	ssyncset.done $0x0  }
0x12d: {  	[sflag:s18] =	ssyncadd.s32 $0xFFFFC000  }
0x12e: {  	s23 =	sand.u32 $0x70, s21;
	s24 =	sand.u32 $0x1C00, s21;
	v21 =	vld [tilespmem:$0x110]  }
0x12f: {  	s14 =	sor.u32 s23, s24;
	v22 =	vld [tilespmem:$0x190]  }
0x130: {  	v17 =	vld [tilespmem:s14+$0x8400]  }
0x131: {  	v18 =	vld [tilespmem:s14+$0xC300]  }
0x132: {  	v19 =	vld [tilespmem:s14+$0xC500]  }
0x133: {  	v20 =	vld [tilespmem:s14+$0xC400]  }
0x134: {  	v23 =	vld [tilespmem:s14+$0x8280]  }
0x135: {  	v24 =	vld [tilespmem:s14+$0x8500];
	v3 =	vbroadcast v21, $0x0;
	v4 =	vbroadcast v22, $0x0  }
0x136: {  	v25 =	vld [tilespmem:s14+$0x8300];
	v5 =	vbroadcast v21, $0x1;
	v6 =	vbroadcast v22, $0x1  }
0x137: {  	v26 =	vld [tilespmem:s14+$0xC200];
	v7 =	vbroadcast v21, $0x2;
	v8 =	vbroadcast v22, $0x2  }
0x138: {  	v27 =	vld [tilespmem:s14+$0xC280];
	v9 =	vbroadcast v21, $0x3;
	v10 =	vbroadcast v22, $0x3  }
0x139: {  	v28 =	vld [tilespmem:s14+$0x8380];
	v11 =	vbroadcast v21, $0x4;
	v12 =	vbroadcast v22, $0x4  }
0x13a: {  	v29 =	vld [tilespmem:s14+$0x8200];
	v13 =	vbroadcast v21, $0x6;
	v14 =	vbroadcast v22, $0x6  }
0x13b: {  	v30 =	vld [tilespmem:s14+$0xC480];
	v15 =	vbroadcast v21, $0x5;
	v16 =	vbroadcast v22, $0x5  }
0x13c: {  	v31 =	vld [tilespmem:s14+$0x8480];
	v19 =	vmul.f32 v19, v14;
	v24 =	vmul.f32 v24, v13  }
0x13d: {  	v32 =	vld [tilespmem:s14+$0xC380];
	v18 =	vmul.f32 v18, v8;
	v25 =	vmul.f32 v25, v7  }
0x13e: {  	v20 =	vmul.f32 v20, v12;
	v17 =	vmul.f32 v17, v11;
	v19 =	vadd.f32 v19, v24  }
0x13f: {  	v23 =	vmul.f32 v23, v5;
	v24 =	vmul.f32 v27, v6;
	v18 =	vadd.f32 v18, v25  }
0x140: {  	v25 =	vmul.f32 v26, v4;
	v26 =	vmul.f32 v29, v3;
	v17 =	vadd.f32 v20, v17;
	[tilespmem:s14+$0x14500] =	vst v19  }
0x141: {  	v20 =	vmul.f32 v30, v16;
	v19 =	vadd.f32 v24, v23;
	[tilespmem:s14+$0x14300] =	vst v18;
	v18 =	vmul.f32 v31, v15  }
0x142: {  	v23 =	vmul.f32 v28, v9;
	v24 =	vadd.f32 v25, v26;
	v25 =	vmul.f32 v32, v10;
	[tilespmem:s14+$0x14400] =	vst v17  }
0x143: {  	[tilespmem:s14+$0x14280] =	vst v19;
	v17 =	vadd.f32 v20, v18  }
0x144: {  	v18 =	vadd.f32 v25, v23;
	[tilespmem:s14+$0x14200] =	vst v24  }
0x145: {  	s15 =	sor.u32 s21, s21;
	[tilespmem:s14+$0x14480] =	vst v17  }
0x146: {  	s22 =	sor.u32 $0x380, s15;
	[tilespmem:s14+$0x14380] =	vst v18  }
0x147: {  	v17 =	vld [tilespmem:s22+$0x8200]  }
0x148: {  	v18 =	vld [tilespmem:s22+$0xC200];
	_ =	sdelay $0x2  }
0x149: {  	v29 =	vbroadcast v21, $0x7;
	v32 =	vbroadcast v22, $0x7;
	_ =	sdelay $0x1  }
0x14a: {  	v17 =	vmul.f32 v17, v29;
	v18 =	vmul.f32 v18, v32  }
0x14b: {  	v33 =	vbroadcast v21, $0xE;
	v34 =	vbroadcast v22, $0xE  }
0x14c: {  	v30 =	vbroadcast v21, $0x8;
	v27 =	vbroadcast v21, $0xD;
	v25 =	vadd.f32 v18, v17  }
0x14d: {  	v31 =	vbroadcast v22, $0x8;
	v26 =	vbroadcast v22, $0xC  }
0x14e: {  	v28 =	vbroadcast v22, $0xD;
	v20 =	vbroadcast v21, $0x9;
	[tilespmem:s22+$0x14200] =	vst v25  }
0x14f: {  	v19 =	vbroadcast v22, $0x9;
	v23 =	vbroadcast v21, $0xB;
	v37 =	vld [tilespmem:s14+$0xA200]  }
0x150: {  	v24 =	vbroadcast v22, $0xB;
	v17 =	vbroadcast v21, $0xA;
	v38 =	vld [tilespmem:s14+$0xE200]  }
0x151: {  	v18 =	vbroadcast v22, $0xA;
	v22 =	vbroadcast v22, $0xF;
	v35 =	vld [tilespmem:s14+$0xA480]  }
0x152: {  	v25 =	vbroadcast v21, $0xC;
	v21 =	vbroadcast v21, $0xF;
	s22 =	simm.s32 $0x10;
	v36 =	vld [tilespmem:s14+$0xE400]  }
.LBB2_4:
0x153: {  	p0 =	sne.s32 s22, $0x3F0  }
0x154: {  	v39 =	vld [tilespmem:s14+$0xE500];
	s21 =	sadd.s32 $0x80, s21;
	s23 =	smov.u32 s22;
	s22 =	sadd.s32 $0x10, s22  }
0x155: {  	v40 =	vld [tilespmem:s14+$0xA500]  }
0x156: {  	v37 =	vmul.f32 v37, v30;
	v38 =	vmul.f32 v38, v31;
	v41 =	vld [tilespmem:s14+$0xE480]  }
0x157: {  	v42 =	vld [tilespmem:s14+$0xA400]  }
0x158: {  	v37 =	vadd.f32 v38, v37;
	v38 =	vld [tilespmem:s14+$0xE300]  }
0x159: {  	v43 =	vld [tilespmem:s14+$0xE380];
	v39 =	vmul.f32 v39, v34  }
0x15a: {  	[tilespmem:s14+$0x16200] =	vst v37;
	v37 =	vld [tilespmem:s14+$0xA380];
	v40 =	vmul.f32 v40, v33  }
0x15b: {  	v44 =	vld [tilespmem:s14+$0xA280]  }
0x15c: {  	v45 =	vld [tilespmem:s14+$0xE280];
	v39 =	vadd.f32 v39, v40  }
0x15d: {  	v36 =	vmul.f32 v36, v26;
	v42 =	vmul.f32 v42, v25;
	v40 =	vld [tilespmem:s14+$0xA300]  }
0x15e: {  	v35 =	vmul.f32 v35, v27;
	v41 =	vmul.f32 v41, v28;
	[tilespmem:s14+$0x16500] =	vst v39  }
0x15f: {  	v39 =	vmul.f32 v43, v24;
	v36 =	vadd.f32 v36, v42;
	v37 =	vmul.f32 v37, v23  }
0x160: {  	v35 =	vadd.f32 v41, v35;
	v42 =	vmul.f32 v44, v20  }
0x161: {  	v41 =	vmul.f32 v45, v19;
	v37 =	vadd.f32 v39, v37;
	[tilespmem:s14+$0x16400] =	vst v36  }
0x162: {  	v38 =	vmul.f32 v38, v18;
	v36 =	vmul.f32 v40, v17;
	[tilespmem:s14+$0x16480] =	vst v35  }
0x163: {  	v35 =	vadd.f32 v41, v42;
	[tilespmem:s14+$0x16380] =	vst v37  }
0x164: {  	v36 =	vadd.f32 v38, v36  }
0x165: {  	[tilespmem:s14+$0x16280] =	vst v35  }
0x166: {  	s15 =	sor.u32 $0x2380, s15;
	[tilespmem:s14+$0x16300] =	vst v36  }
0x167: {  	v35 =	vld [tilespmem:s15+$0x8200]  }
0x168: {  	v36 =	vld [tilespmem:s15+$0xC200];
	_ =	sdelay $0x3  }
0x169: {  	v35 =	vmul.f32 v35, v21  }
0x16a: {  	v36 =	vmul.f32 v36, v22;
	_ =	sdelay $0x1  }
0x16b: {  	v35 =	vadd.f32 v36, v35  }
0x16c: {  	s24 =	sand.u32 $0x1C00, s21;
	s14 =	sand.u32 $0x70, s23  }
0x16d: {  	s14 =	sor.u32 s14, s24;
	[tilespmem:s15+$0x14200] =	vst v35  }
0x16e: {  	v35 =	vld [tilespmem:s14+$0x8400]  }
0x16f: {  	v36 =	vld [tilespmem:s14+$0xC300]  }
0x170: {  	v37 =	vld [tilespmem:s14+$0xC500]  }
0x171: {  	v38 =	vld [tilespmem:s14+$0xC400]  }
0x172: {  	v39 =	vld [tilespmem:s14+$0x8280]  }
0x173: {  	v40 =	vld [tilespmem:s14+$0x8500]  }
0x174: {  	v41 =	vld [tilespmem:s14+$0x8300]  }
0x175: {  	v42 =	vld [tilespmem:s14+$0xC200]  }
0x176: {  	v37 =	vmul.f32 v37, v14;
	v43 =	vld [tilespmem:s14+$0xC280]  }
0x177: {  	v36 =	vmul.f32 v36, v8;
	v44 =	vld [tilespmem:s14+$0x8380]  }
0x178: {  	v39 =	vmul.f32 v39, v5;
	v45 =	vld [tilespmem:s14+$0x8200];
	v40 =	vmul.f32 v40, v13  }
0x179: {  	v41 =	vmul.f32 v41, v7;
	v46 =	vld [tilespmem:s14+$0xC480]  }
0x17a: {  	v38 =	vmul.f32 v38, v12;
	v42 =	vmul.f32 v42, v4;
	v47 =	vld [tilespmem:s14+$0xC380];
	v37 =	vadd.f32 v37, v40  }
0x17b: {  	v35 =	vmul.f32 v35, v11;
	v40 =	vmul.f32 v43, v6;
	v36 =	vadd.f32 v36, v41;
	v41 =	vld [tilespmem:s14+$0x8480]  }
0x17c: {  	v43 =	vmul.f32 v44, v9  }
0x17d: {  	v35 =	vadd.f32 v38, v35;
	v44 =	vmul.f32 v45, v3;
	v39 =	vadd.f32 v40, v39;
	_ =	sdelay $0x1  }
0x17e: {  	v38 =	vadd.f32 v42, v44;
	v40 =	vmul.f32 v47, v10;
	[tilespmem:s14+$0x14500] =	vst v37  }
0x17f: {  	v37 =	vmul.f32 v46, v16;
	[tilespmem:s14+$0x14300] =	vst v36;
	v36 =	vmul.f32 v41, v15  }
0x180: {  	v40 =	vadd.f32 v40, v43;
	[tilespmem:s14+$0x14400] =	vst v35  }
0x181: {  	[tilespmem:s14+$0x14280] =	vst v39;
	v35 =	vadd.f32 v37, v36  }
0x182: {  	[tilespmem:s14+$0x14200] =	vst v38  }
0x183: {  	s15 =	sor.u32 s23, s21;
	[tilespmem:s14+$0x14480] =	vst v35  }
0x184: {  	s23 =	sor.u32 $0x380, s15;
	[tilespmem:s14+$0x14380] =	vst v40  }
0x185: {  	v35 =	vld [tilespmem:s23+$0x8200]  }
0x186: {  	v36 =	vld [tilespmem:s23+$0xC200];
	_ =	sdelay $0x4  }
0x187: {  	v35 =	vmul.f32 v35, v29;
	v36 =	vmul.f32 v36, v32;
	_ =	sdelay $0x1  }
0x188: {  	v35 =	vadd.f32 v36, v35;
	_ =	sdelay $0x1  }
.Ltmp1:
0x189: {  	[tilespmem:s23+$0x14200] =	vst v35;
	(pc) =	sbr.rel @p0 .LBB2_4-.Ltmp1, $4  }
0x18a: {  	v37 =	vld [tilespmem:s14+$0xA200]  }
0x18b: {  	v38 =	vld [tilespmem:s14+$0xE200]  }
0x18c: {  	v35 =	vld [tilespmem:s14+$0xA480]  }
0x18d: {  	v36 =	vld [tilespmem:s14+$0xE400]  }
0x18e: {  	v3 =	vld [tilespmem:s14+$0xE500]  }
0x18f: {  	v4 =	vld [tilespmem:s14+$0xA500]  }
0x190: {  	v7 =	vld [tilespmem:s14+$0xE480]  }
0x191: {  	v8 =	vld [tilespmem:s14+$0xA400]  }
0x192: {  	v9 =	vld [tilespmem:s14+$0xE380]  }
0x193: {  	v10 =	vld [tilespmem:s14+$0xA280];
	v5 =	vmul.f32 v37, v30;
	v6 =	vmul.f32 v38, v31  }
0x194: {  	v11 =	vld [tilespmem:s14+$0xE280]  }
0x195: {  	v12 =	vld [tilespmem:s14+$0xA300];
	v5 =	vadd.f32 v6, v5  }
0x196: {  	v6 =	vld [tilespmem:s14+$0xE300];
	v3 =	vmul.f32 v3, v34;
	v4 =	vmul.f32 v4, v33  }
0x197: {  	v13 =	vmul.f32 v36, v26;
	v8 =	vmul.f32 v8, v25;
	[tilespmem:s14+$0x16200] =	vst v5;
	v5 =	vld [tilespmem:s14+$0xA380]  }
0x198: {  	v7 =	vmul.f32 v7, v28;
	v3 =	vadd.f32 v3, v4;
	v4 =	vmul.f32 v35, v27  }
0x199: {  	v8 =	vadd.f32 v13, v8  }
0x19a: {  	[tilespmem:s14+$0x16500] =	vst v3;
	v3 =	vmul.f32 v10, v20;
	v4 =	vadd.f32 v7, v4;
	v7 =	vmul.f32 v11, v19  }
0x19b: {  	[tilespmem:s14+$0x16400] =	vst v8;
	v8 =	vmul.f32 v12, v17;
	v6 =	vmul.f32 v6, v18  }
0x19c: {  	v9 =	vmul.f32 v9, v24;
	v5 =	vmul.f32 v5, v23;
	v3 =	vadd.f32 v7, v3  }
0x19d: {  	[tilespmem:s14+$0x16480] =	vst v4;
	v4 =	vadd.f32 v6, v8  }
0x19e: {  	v5 =	vadd.f32 v9, v5;
	[tilespmem:s14+$0x16280] =	vst v3  }
0x19f: {  	[tilespmem:s14+$0x16300] =	vst v4  }
0x1a0: {  	s24 =	sor.u32 $0x2380, s15;
	[tilespmem:s14+$0x16380] =	vst v5  }
0x1a1: {  	v3 =	vld [tilespmem:s24+$0x8200]  }
0x1a2: {  	v4 =	vld [tilespmem:s24+$0xC200];
	_ =	sdelay $0x4  }
0x1a3: {  	v3 =	vmul.f32 v3, v21;
	v4 =	vmul.f32 v4, v22;
	_ =	sdelay $0x1  }
0x1a4: {  	v3 =	vadd.f32 v4, v3;
	_ =	sdelay $0x1  }
0x1a5: {  	s21 =	simm.s32 $0x0;
	s15 =	rddreg [dreg:$0x7];
	[tilespmem:s24+$0x14200] =	vst v3  }
0x1a6: {  	[hbm4b:s15+s21] =	stream.linear.scatter [tilespmem:s19], [sflag:$0x4], $0x4000, $0x38;
	[tilespmem:$0x18200] =	vst v63  }
0x1a7: {  	v3 =	vld [tilespmem:$0x30];
	_ =	sdelay $0x4  }
0x1a8: {  	v4 =	vshll.u32 v3, $0x3  }
0x1a9: {  	v3 =	vand.u32 $0x7, v3;
	v4 =	vand.u32 $0xFFFFFFC0, v4  }
0x1aa: {  	v3 =	vor.u32 v3, v4  }
0x1ab: {  	v4 =	vperm.xlane v3, v0;
	_ =	sdelay $0x1  }
0x1ac: {  	v4 =	vadd.s32 v1, v4;
	_ =	sdelay $0x3  }
0x1ad: {  	s22 =	simm.s32 $0x8200  }
0x1ae: {  	[tilespmem:s22], [sflag:$0x2] =	stream.indirect_vreg.gather [hbm4b:s3+s21], $0x80, v4, vm0, $0xb8;
	[tilespmem:$0x18200] =	vst v63  }
0x1af: {  	s23 =	simm.s32 $0x8A00;
	v3 =	vperm.xlane v3, v2  }
0x1b0: {  	[tilespmem:s23], [sflag:$0x2] =	stream.indirect_vreg.gather [hbm4b:s8+s21], $0x80, v4, vm0, $0xb8;
	[tilespmem:$0x18200] =	vst v63  }
0x1b1: {  	s24 =	simm.s32 $0x9200;
	v3 =	vadd.s32 v1, v3  }
0x1b2: {  	[tilespmem:s24], [sflag:$0x2] =	stream.indirect_vreg.gather [hbm4b:s9+s21], $0x80, v4, vm0, $0xb8;
	[tilespmem:$0x18200] =	vst v63  }
0x1b3: {  	s15 =	simm.s32 $0x9A00  }
0x1b4: {  	[tilespmem:s15], [sflag:$0x2] =	stream.indirect_vreg.gather [hbm4b:s11+s21], $0x80, v4, vm0, $0xb8;
	[tilespmem:$0x18200] =	vst v63  }
0x1b5: {  	s22 =	simm.s32 $0xA200  }
0x1b6: {  	[tilespmem:s22], [sflag:$0x2] =	stream.indirect_vreg.gather [hbm4b:s3+s21], $0x80, v3, vm0, $0xb8;
	[tilespmem:$0x18200] =	vst v63  }
0x1b7: {  	_ = 	snop  }
0x1b8: {  	[tilespmem:s25], [sflag:$0x2] =	stream.indirect_vreg.gather [hbm4b:s8+s21], $0x80, v3, vm0, $0xb8;
	[tilespmem:$0x18200] =	vst v63  }
0x1b9: {  	_ = 	snop  }
0x1ba: {  	[tilespmem:s26], [sflag:$0x2] =	stream.indirect_vreg.gather [hbm4b:s9+s21], $0x80, v3, vm0, $0xb8;
	[tilespmem:$0x18200] =	vst v63  }
0x1bb: {  	_ = 	snop  }
0x1bc: {  	[tilespmem:s4], [sflag:$0x2] =	stream.indirect_vreg.gather [hbm4b:s11+s21], $0x80, v3, vm0, $0xb8;
	[tilespmem:$0x18200] =	vst v63  }
0x1bd: {  	v3 =	vld [tilespmem:$0xB0];
	_ =	sdelay $0x4  }
0x1be: {  	v4 =	vshll.u32 v3, $0x3  }
0x1bf: {  	v3 =	vand.u32 $0x7, v3;
	v4 =	vand.u32 $0xFFFFFFC0, v4  }
0x1c0: {  	v3 =	vor.u32 v3, v4  }
0x1c1: {  	v4 =	vperm.xlane v3, v0;
	_ =	sdelay $0x1  }
0x1c2: {  	v4 =	vadd.s32 v1, v4;
	_ =	sdelay $0x4  }
0x1c3: {  	[tilespmem:s28], [sflag:$0x2] =	stream.indirect_vreg.gather [hbm4b:s3+s21], $0x80, v4, vm0, $0xb8;
	[tilespmem:$0x18200] =	vst v63  }
0x1c4: {  	v3 =	vperm.xlane v3, v2  }
0x1c5: {  	[tilespmem:s5], [sflag:$0x2] =	stream.indirect_vreg.gather [hbm4b:s8+s21], $0x80, v4, vm0, $0xb8;
	[tilespmem:$0x18200] =	vst v63  }
0x1c6: {  	v3 =	vadd.s32 v1, v3  }
0x1c7: {  	[tilespmem:s29], [sflag:$0x2] =	stream.indirect_vreg.gather [hbm4b:s9+s21], $0x80, v4, vm0, $0xb8;
	[tilespmem:$0x18200] =	vst v63  }
0x1c8: {  	_ = 	snop  }
0x1c9: {  	[tilespmem:s6], [sflag:$0x2] =	stream.indirect_vreg.gather [hbm4b:s11+s21], $0x80, v4, vm0, $0xb8;
	[tilespmem:$0x18200] =	vst v63  }
0x1ca: {  	_ = 	snop  }
0x1cb: {  	[tilespmem:s30], [sflag:$0x2] =	stream.indirect_vreg.gather [hbm4b:s3+s21], $0x80, v3, vm0, $0xb8;
	[tilespmem:$0x18200] =	vst v63  }
0x1cc: {  	_ = 	snop  }
0x1cd: {  	[tilespmem:s7], [sflag:$0x2] =	stream.indirect_vreg.gather [hbm4b:s8+s21], $0x80, v3, vm0, $0xb8;
	[tilespmem:$0x18200] =	vst v63  }
0x1ce: {  	_ = 	snop  }
0x1cf: {  	[tilespmem:s31], [sflag:$0x2] =	stream.indirect_vreg.gather [hbm4b:s9+s21], $0x80, v3, vm0, $0xb8;
	[tilespmem:$0x18200] =	vst v63  }
0x1d0: {  	_ = 	snop  }
0x1d1: {  	[tilespmem:s0], [sflag:$0x2] =	stream.indirect_vreg.gather [hbm4b:s11+s21], $0x80, v3, vm0, $0xb8;
	[tilespmem:$0x18200] =	vst v63  }
0x1d2: {  	_ =	swait.ge [sflag:s1], $0x4000  }
0x1d3: {  	[sflag:s1] =	ssyncset.done $0x0  }
0x1d4: {  	[sflag:s1] =	ssyncadd.s32 $0xFFFFC000  }
0x1d5: {  	_ =	swait.ge [sflag:s1], $0x4000  }
0x1d6: {  	[sflag:s1] =	ssyncset.done $0x0  }
0x1d7: {  	[sflag:s1] =	ssyncadd.s32 $0xFFFFC000  }
0x1d8: {  	_ =	swait.ge [sflag:s12], $0x4000  }
0x1d9: {  	[sflag:s12] =	ssyncset.done $0x0  }
0x1da: {  	[sflag:s12] =	ssyncadd.s32 $0xFFFFC000  }
0x1db: {  	s23 =	sand.u32 $0x70, s21;
	s24 =	sand.u32 $0x1C00, s21;
	v21 =	vld [tilespmem:$0x120]  }
0x1dc: {  	s14 =	sor.u32 s23, s24;
	v22 =	vld [tilespmem:$0x1A0]  }
0x1dd: {  	v17 =	vld [tilespmem:s14+$0x400]  }
0x1de: {  	v18 =	vld [tilespmem:s14+$0x4300]  }
0x1df: {  	v19 =	vld [tilespmem:s14+$0x4500]  }
0x1e0: {  	v20 =	vld [tilespmem:s14+$0x4400]  }
0x1e1: {  	v23 =	vld [tilespmem:s14+$0x280]  }
0x1e2: {  	v24 =	vld [tilespmem:s14+$0x500];
	v3 =	vbroadcast v21, $0x0;
	v4 =	vbroadcast v22, $0x0  }
0x1e3: {  	v25 =	vld [tilespmem:s14+$0x300];
	v5 =	vbroadcast v21, $0x1;
	v6 =	vbroadcast v22, $0x1  }
0x1e4: {  	v26 =	vld [tilespmem:s14+$0x4200];
	v7 =	vbroadcast v21, $0x2;
	v8 =	vbroadcast v22, $0x2  }
0x1e5: {  	v27 =	vld [tilespmem:s14+$0x4280];
	v9 =	vbroadcast v21, $0x3;
	v10 =	vbroadcast v22, $0x3  }
0x1e6: {  	v28 =	vld [tilespmem:s14+$0x380];
	v11 =	vbroadcast v21, $0x4;
	v12 =	vbroadcast v22, $0x4  }
0x1e7: {  	v29 =	vld [tilespmem:s14+$0x200];
	v13 =	vbroadcast v21, $0x6;
	v14 =	vbroadcast v22, $0x6  }
0x1e8: {  	v30 =	vld [tilespmem:s14+$0x4480];
	v15 =	vbroadcast v21, $0x5;
	v16 =	vbroadcast v22, $0x5  }
0x1e9: {  	v31 =	vld [tilespmem:s14+$0x480];
	v19 =	vmul.f32 v19, v14;
	v24 =	vmul.f32 v24, v13  }
0x1ea: {  	v32 =	vld [tilespmem:s14+$0x4380];
	v18 =	vmul.f32 v18, v8;
	v25 =	vmul.f32 v25, v7  }
0x1eb: {  	v20 =	vmul.f32 v20, v12;
	v17 =	vmul.f32 v17, v11;
	v19 =	vadd.f32 v19, v24  }
0x1ec: {  	v23 =	vmul.f32 v23, v5;
	v24 =	vmul.f32 v27, v6;
	v18 =	vadd.f32 v18, v25  }
0x1ed: {  	v25 =	vmul.f32 v26, v4;
	v26 =	vmul.f32 v29, v3;
	v17 =	vadd.f32 v20, v17;
	[tilespmem:s14+$0x10500] =	vst v19  }
0x1ee: {  	v20 =	vmul.f32 v30, v16;
	v19 =	vadd.f32 v24, v23;
	[tilespmem:s14+$0x10300] =	vst v18;
	v18 =	vmul.f32 v31, v15  }
0x1ef: {  	v23 =	vmul.f32 v28, v9;
	v24 =	vadd.f32 v25, v26;
	v25 =	vmul.f32 v32, v10;
	[tilespmem:s14+$0x10400] =	vst v17  }
0x1f0: {  	[tilespmem:s14+$0x10280] =	vst v19;
	v17 =	vadd.f32 v20, v18  }
0x1f1: {  	v18 =	vadd.f32 v25, v23;
	[tilespmem:s14+$0x10200] =	vst v24  }
0x1f2: {  	s15 =	sor.u32 s21, s21;
	[tilespmem:s14+$0x10480] =	vst v17  }
0x1f3: {  	s22 =	sor.u32 $0x380, s15;
	[tilespmem:s14+$0x10380] =	vst v18  }
0x1f4: {  	v17 =	vld [tilespmem:s22+$0x200]  }
0x1f5: {  	v18 =	vld [tilespmem:s22+$0x4200];
	_ =	sdelay $0x2  }
0x1f6: {  	v29 =	vbroadcast v21, $0x7;
	v32 =	vbroadcast v22, $0x7;
	_ =	sdelay $0x1  }
0x1f7: {  	v17 =	vmul.f32 v17, v29;
	v18 =	vmul.f32 v18, v32  }
0x1f8: {  	v33 =	vbroadcast v21, $0xE;
	v34 =	vbroadcast v22, $0xE  }
0x1f9: {  	v30 =	vbroadcast v21, $0x8;
	v27 =	vbroadcast v21, $0xD;
	v25 =	vadd.f32 v18, v17  }
0x1fa: {  	v31 =	vbroadcast v22, $0x8;
	v26 =	vbroadcast v22, $0xC  }
0x1fb: {  	v28 =	vbroadcast v22, $0xD;
	v20 =	vbroadcast v21, $0x9;
	[tilespmem:s22+$0x10200] =	vst v25  }
0x1fc: {  	v19 =	vbroadcast v22, $0x9;
	v23 =	vbroadcast v21, $0xB;
	v37 =	vld [tilespmem:s14+$0x2200]  }
0x1fd: {  	v24 =	vbroadcast v22, $0xB;
	v17 =	vbroadcast v21, $0xA;
	v38 =	vld [tilespmem:s14+$0x6200]  }
0x1fe: {  	v18 =	vbroadcast v22, $0xA;
	v22 =	vbroadcast v22, $0xF;
	v35 =	vld [tilespmem:s14+$0x2480]  }
0x1ff: {  	v25 =	vbroadcast v21, $0xC;
	v21 =	vbroadcast v21, $0xF;
	s22 =	simm.s32 $0x10;
	v36 =	vld [tilespmem:s14+$0x6400]  }
.LBB2_6:
0x200: {  	p0 =	sne.s32 s22, $0x3F0  }
0x201: {  	v39 =	vld [tilespmem:s14+$0x6500];
	s21 =	sadd.s32 $0x80, s21;
	s23 =	smov.u32 s22;
	s22 =	sadd.s32 $0x10, s22  }
0x202: {  	v40 =	vld [tilespmem:s14+$0x2500]  }
0x203: {  	v37 =	vmul.f32 v37, v30;
	v38 =	vmul.f32 v38, v31;
	v41 =	vld [tilespmem:s14+$0x6480]  }
0x204: {  	v42 =	vld [tilespmem:s14+$0x2400]  }
0x205: {  	v37 =	vadd.f32 v38, v37;
	v38 =	vld [tilespmem:s14+$0x6300]  }
0x206: {  	v43 =	vld [tilespmem:s14+$0x6380];
	v39 =	vmul.f32 v39, v34  }
0x207: {  	[tilespmem:s14+$0x12200] =	vst v37;
	v37 =	vld [tilespmem:s14+$0x2380];
	v40 =	vmul.f32 v40, v33  }
0x208: {  	v44 =	vld [tilespmem:s14+$0x2280]  }
0x209: {  	v45 =	vld [tilespmem:s14+$0x6280];
	v39 =	vadd.f32 v39, v40  }
0x20a: {  	v36 =	vmul.f32 v36, v26;
	v42 =	vmul.f32 v42, v25;
	v40 =	vld [tilespmem:s14+$0x2300]  }
0x20b: {  	v35 =	vmul.f32 v35, v27;
	v41 =	vmul.f32 v41, v28;
	[tilespmem:s14+$0x12500] =	vst v39  }
0x20c: {  	v39 =	vmul.f32 v43, v24;
	v36 =	vadd.f32 v36, v42;
	v37 =	vmul.f32 v37, v23  }
0x20d: {  	v35 =	vadd.f32 v41, v35;
	v42 =	vmul.f32 v44, v20  }
0x20e: {  	v41 =	vmul.f32 v45, v19;
	v37 =	vadd.f32 v39, v37;
	[tilespmem:s14+$0x12400] =	vst v36  }
0x20f: {  	v38 =	vmul.f32 v38, v18;
	v36 =	vmul.f32 v40, v17;
	[tilespmem:s14+$0x12480] =	vst v35  }
0x210: {  	v35 =	vadd.f32 v41, v42;
	[tilespmem:s14+$0x12380] =	vst v37  }
0x211: {  	v36 =	vadd.f32 v38, v36  }
0x212: {  	[tilespmem:s14+$0x12280] =	vst v35  }
0x213: {  	s15 =	sor.u32 $0x2380, s15;
	[tilespmem:s14+$0x12300] =	vst v36  }
0x214: {  	v35 =	vld [tilespmem:s15+$0x200]  }
0x215: {  	v36 =	vld [tilespmem:s15+$0x4200];
	_ =	sdelay $0x3  }
0x216: {  	v35 =	vmul.f32 v35, v21  }
0x217: {  	v36 =	vmul.f32 v36, v22;
	_ =	sdelay $0x1  }
0x218: {  	v35 =	vadd.f32 v36, v35  }
0x219: {  	s24 =	sand.u32 $0x1C00, s21;
	s14 =	sand.u32 $0x70, s23  }
0x21a: {  	s14 =	sor.u32 s14, s24;
	[tilespmem:s15+$0x10200] =	vst v35  }
0x21b: {  	v35 =	vld [tilespmem:s14+$0x400]  }
0x21c: {  	v36 =	vld [tilespmem:s14+$0x4300]  }
0x21d: {  	v37 =	vld [tilespmem:s14+$0x4500]  }
0x21e: {  	v38 =	vld [tilespmem:s14+$0x4400]  }
0x21f: {  	v39 =	vld [tilespmem:s14+$0x280]  }
0x220: {  	v40 =	vld [tilespmem:s14+$0x500]  }
0x221: {  	v41 =	vld [tilespmem:s14+$0x300]  }
0x222: {  	v42 =	vld [tilespmem:s14+$0x4200]  }
0x223: {  	v37 =	vmul.f32 v37, v14;
	v43 =	vld [tilespmem:s14+$0x4280]  }
0x224: {  	v36 =	vmul.f32 v36, v8;
	v44 =	vld [tilespmem:s14+$0x380]  }
0x225: {  	v39 =	vmul.f32 v39, v5;
	v45 =	vld [tilespmem:s14+$0x200];
	v40 =	vmul.f32 v40, v13  }
0x226: {  	v41 =	vmul.f32 v41, v7;
	v46 =	vld [tilespmem:s14+$0x4480]  }
0x227: {  	v38 =	vmul.f32 v38, v12;
	v42 =	vmul.f32 v42, v4;
	v47 =	vld [tilespmem:s14+$0x4380];
	v37 =	vadd.f32 v37, v40  }
0x228: {  	v35 =	vmul.f32 v35, v11;
	v40 =	vmul.f32 v43, v6;
	v36 =	vadd.f32 v36, v41;
	v41 =	vld [tilespmem:s14+$0x480]  }
0x229: {  	v43 =	vmul.f32 v44, v9  }
0x22a: {  	v35 =	vadd.f32 v38, v35;
	v44 =	vmul.f32 v45, v3;
	v39 =	vadd.f32 v40, v39;
	_ =	sdelay $0x1  }
0x22b: {  	v38 =	vadd.f32 v42, v44;
	v40 =	vmul.f32 v47, v10;
	[tilespmem:s14+$0x10500] =	vst v37  }
0x22c: {  	v37 =	vmul.f32 v46, v16;
	[tilespmem:s14+$0x10300] =	vst v36;
	v36 =	vmul.f32 v41, v15  }
0x22d: {  	v40 =	vadd.f32 v40, v43;
	[tilespmem:s14+$0x10400] =	vst v35  }
0x22e: {  	[tilespmem:s14+$0x10280] =	vst v39;
	v35 =	vadd.f32 v37, v36  }
0x22f: {  	[tilespmem:s14+$0x10200] =	vst v38  }
0x230: {  	s15 =	sor.u32 s23, s21;
	[tilespmem:s14+$0x10480] =	vst v35  }
0x231: {  	s23 =	sor.u32 $0x380, s15;
	[tilespmem:s14+$0x10380] =	vst v40  }
0x232: {  	v35 =	vld [tilespmem:s23+$0x200]  }
0x233: {  	v36 =	vld [tilespmem:s23+$0x4200];
	_ =	sdelay $0x4  }
0x234: {  	v35 =	vmul.f32 v35, v29;
	v36 =	vmul.f32 v36, v32;
	_ =	sdelay $0x1  }
0x235: {  	v35 =	vadd.f32 v36, v35;
	_ =	sdelay $0x1  }
.Ltmp2:
0x236: {  	[tilespmem:s23+$0x10200] =	vst v35;
	(pc) =	sbr.rel @p0 .LBB2_6-.Ltmp2, $4  }
0x237: {  	v37 =	vld [tilespmem:s14+$0x2200]  }
0x238: {  	v38 =	vld [tilespmem:s14+$0x6200]  }
0x239: {  	v35 =	vld [tilespmem:s14+$0x2480]  }
0x23a: {  	v36 =	vld [tilespmem:s14+$0x6400]  }
0x23b: {  	v3 =	vld [tilespmem:s14+$0x6500]  }
0x23c: {  	v4 =	vld [tilespmem:s14+$0x2500]  }
0x23d: {  	v7 =	vld [tilespmem:s14+$0x6480]  }
0x23e: {  	v8 =	vld [tilespmem:s14+$0x2400]  }
0x23f: {  	v9 =	vld [tilespmem:s14+$0x6380]  }
0x240: {  	v10 =	vld [tilespmem:s14+$0x2280];
	v5 =	vmul.f32 v37, v30;
	v6 =	vmul.f32 v38, v31  }
0x241: {  	v11 =	vld [tilespmem:s14+$0x6280]  }
0x242: {  	v12 =	vld [tilespmem:s14+$0x2300];
	v5 =	vadd.f32 v6, v5  }
0x243: {  	v6 =	vld [tilespmem:s14+$0x6300];
	v3 =	vmul.f32 v3, v34;
	v4 =	vmul.f32 v4, v33  }
0x244: {  	v13 =	vmul.f32 v36, v26;
	v8 =	vmul.f32 v8, v25;
	[tilespmem:s14+$0x12200] =	vst v5;
	v5 =	vld [tilespmem:s14+$0x2380]  }
0x245: {  	v7 =	vmul.f32 v7, v28;
	v3 =	vadd.f32 v3, v4;
	v4 =	vmul.f32 v35, v27  }
0x246: {  	v8 =	vadd.f32 v13, v8  }
0x247: {  	[tilespmem:s14+$0x12500] =	vst v3;
	v3 =	vmul.f32 v10, v20;
	v4 =	vadd.f32 v7, v4;
	v7 =	vmul.f32 v11, v19  }
0x248: {  	[tilespmem:s14+$0x12400] =	vst v8;
	v8 =	vmul.f32 v12, v17;
	v6 =	vmul.f32 v6, v18  }
0x249: {  	v9 =	vmul.f32 v9, v24;
	v5 =	vmul.f32 v5, v23;
	v3 =	vadd.f32 v7, v3  }
0x24a: {  	[tilespmem:s14+$0x12480] =	vst v4;
	v4 =	vadd.f32 v6, v8  }
0x24b: {  	v5 =	vadd.f32 v9, v5;
	[tilespmem:s14+$0x12280] =	vst v3  }
0x24c: {  	[tilespmem:s14+$0x12300] =	vst v4  }
0x24d: {  	s21 =	sor.u32 $0x2380, s15;
	[tilespmem:s14+$0x12380] =	vst v5  }
0x24e: {  	v3 =	vld [tilespmem:s21+$0x200]  }
0x24f: {  	v4 =	vld [tilespmem:s21+$0x4200];
	_ =	sdelay $0x4  }
0x250: {  	v3 =	vmul.f32 v3, v21;
	v4 =	vmul.f32 v4, v22;
	_ =	sdelay $0x1  }
0x251: {  	v3 =	vadd.f32 v4, v3;
	_ =	sdelay $0x1  }
0x252: {  	s22 =	rddreg [dreg:$0x8];
	[tilespmem:s21+$0x10200] =	vst v3;
	s21 =	simm.s32 $0x0  }
0x253: {  	[hbm4b:s22+s21] =	stream.linear.scatter [tilespmem:s17], [sflag:$0x3], $0x4000, $0x38;
	[tilespmem:$0x18200] =	vst v63  }
0x254: {  	_ =	swait.ge [sflag:s18], $0x4000  }
0x255: {  	[sflag:s18] =	ssyncset.done $0x0  }
0x256: {  	[sflag:s18] =	ssyncadd.s32 $0xFFFFC000  }
0x257: {  	_ =	swait.ge [sflag:s18], $0x4000  }
0x258: {  	[sflag:s18] =	ssyncset.done $0x0  }
0x259: {  	[sflag:s18] =	ssyncadd.s32 $0xFFFFC000  }
0x25a: {  	_ =	swait.ge [sflag:s20], $0x4000  }
0x25b: {  	[sflag:s20] =	ssyncset.done $0x0  }
0x25c: {  	[sflag:s20] =	ssyncadd.s32 $0xFFFFC000  }
0x25d: {  	s23 =	sand.u32 $0x70, s21;
	s24 =	sand.u32 $0x1C00, s21;
	v21 =	vld [tilespmem:$0x130]  }
0x25e: {  	s14 =	sor.u32 s23, s24;
	v22 =	vld [tilespmem:$0x1B0]  }
0x25f: {  	v17 =	vld [tilespmem:s14+$0x8400]  }
0x260: {  	v18 =	vld [tilespmem:s14+$0xC300]  }
0x261: {  	v19 =	vld [tilespmem:s14+$0xC500]  }
0x262: {  	v20 =	vld [tilespmem:s14+$0xC400]  }
0x263: {  	v23 =	vld [tilespmem:s14+$0x8280]  }
0x264: {  	v24 =	vld [tilespmem:s14+$0x8500];
	v3 =	vbroadcast v21, $0x0;
	v4 =	vbroadcast v22, $0x0  }
0x265: {  	v25 =	vld [tilespmem:s14+$0x8300];
	v5 =	vbroadcast v21, $0x1;
	v6 =	vbroadcast v22, $0x1  }
0x266: {  	v26 =	vld [tilespmem:s14+$0xC200];
	v7 =	vbroadcast v21, $0x2;
	v8 =	vbroadcast v22, $0x2  }
0x267: {  	v27 =	vld [tilespmem:s14+$0xC280];
	v9 =	vbroadcast v21, $0x3;
	v10 =	vbroadcast v22, $0x3  }
0x268: {  	v28 =	vld [tilespmem:s14+$0x8380];
	v11 =	vbroadcast v21, $0x4;
	v12 =	vbroadcast v22, $0x4  }
0x269: {  	v29 =	vld [tilespmem:s14+$0x8200];
	v13 =	vbroadcast v21, $0x6;
	v14 =	vbroadcast v22, $0x6  }
0x26a: {  	v30 =	vld [tilespmem:s14+$0xC480];
	v15 =	vbroadcast v21, $0x5;
	v16 =	vbroadcast v22, $0x5  }
0x26b: {  	v31 =	vld [tilespmem:s14+$0x8480];
	v19 =	vmul.f32 v19, v14;
	v24 =	vmul.f32 v24, v13  }
0x26c: {  	v32 =	vld [tilespmem:s14+$0xC380];
	v18 =	vmul.f32 v18, v8;
	v25 =	vmul.f32 v25, v7  }
0x26d: {  	v20 =	vmul.f32 v20, v12;
	v17 =	vmul.f32 v17, v11;
	v19 =	vadd.f32 v19, v24  }
0x26e: {  	v23 =	vmul.f32 v23, v5;
	v24 =	vmul.f32 v27, v6;
	v18 =	vadd.f32 v18, v25  }
0x26f: {  	v25 =	vmul.f32 v26, v4;
	v26 =	vmul.f32 v29, v3;
	v17 =	vadd.f32 v20, v17;
	[tilespmem:s14+$0x14500] =	vst v19  }
0x270: {  	v20 =	vmul.f32 v30, v16;
	v19 =	vadd.f32 v24, v23;
	[tilespmem:s14+$0x14300] =	vst v18;
	v18 =	vmul.f32 v31, v15  }
0x271: {  	v23 =	vmul.f32 v28, v9;
	v24 =	vadd.f32 v25, v26;
	v25 =	vmul.f32 v32, v10;
	[tilespmem:s14+$0x14400] =	vst v17  }
0x272: {  	[tilespmem:s14+$0x14280] =	vst v19;
	v17 =	vadd.f32 v20, v18  }
0x273: {  	v18 =	vadd.f32 v25, v23;
	[tilespmem:s14+$0x14200] =	vst v24  }
0x274: {  	s15 =	sor.u32 s21, s21;
	[tilespmem:s14+$0x14480] =	vst v17  }
0x275: {  	s22 =	sor.u32 $0x380, s15;
	[tilespmem:s14+$0x14380] =	vst v18  }
0x276: {  	v17 =	vld [tilespmem:s22+$0x8200]  }
0x277: {  	v18 =	vld [tilespmem:s22+$0xC200];
	_ =	sdelay $0x2  }
0x278: {  	v29 =	vbroadcast v21, $0x7;
	v32 =	vbroadcast v22, $0x7;
	_ =	sdelay $0x1  }
0x279: {  	v17 =	vmul.f32 v17, v29;
	v18 =	vmul.f32 v18, v32  }
0x27a: {  	v33 =	vbroadcast v21, $0xE;
	v34 =	vbroadcast v22, $0xE  }
0x27b: {  	v30 =	vbroadcast v21, $0x8;
	v27 =	vbroadcast v21, $0xD;
	v25 =	vadd.f32 v18, v17  }
0x27c: {  	v31 =	vbroadcast v22, $0x8;
	v26 =	vbroadcast v22, $0xC  }
0x27d: {  	v28 =	vbroadcast v22, $0xD;
	v20 =	vbroadcast v21, $0x9;
	[tilespmem:s22+$0x14200] =	vst v25  }
0x27e: {  	v19 =	vbroadcast v22, $0x9;
	v23 =	vbroadcast v21, $0xB;
	v37 =	vld [tilespmem:s14+$0xA200]  }
0x27f: {  	v24 =	vbroadcast v22, $0xB;
	v17 =	vbroadcast v21, $0xA;
	v38 =	vld [tilespmem:s14+$0xE200]  }
0x280: {  	v18 =	vbroadcast v22, $0xA;
	v22 =	vbroadcast v22, $0xF;
	v35 =	vld [tilespmem:s14+$0xA480]  }
0x281: {  	v25 =	vbroadcast v21, $0xC;
	v21 =	vbroadcast v21, $0xF;
	s22 =	simm.s32 $0x10;
	v36 =	vld [tilespmem:s14+$0xE400]  }
.LBB2_8:
0x282: {  	p0 =	sne.s32 s22, $0x3F0  }
0x283: {  	v39 =	vld [tilespmem:s14+$0xE500];
	s21 =	sadd.s32 $0x80, s21;
	s23 =	smov.u32 s22;
	s22 =	sadd.s32 $0x10, s22  }
0x284: {  	v40 =	vld [tilespmem:s14+$0xA500]  }
0x285: {  	v37 =	vmul.f32 v37, v30;
	v38 =	vmul.f32 v38, v31;
	v41 =	vld [tilespmem:s14+$0xE480]  }
0x286: {  	v42 =	vld [tilespmem:s14+$0xA400]  }
0x287: {  	v37 =	vadd.f32 v38, v37;
	v38 =	vld [tilespmem:s14+$0xE300]  }
0x288: {  	v43 =	vld [tilespmem:s14+$0xE380];
	v39 =	vmul.f32 v39, v34  }
0x289: {  	[tilespmem:s14+$0x16200] =	vst v37;
	v37 =	vld [tilespmem:s14+$0xA380];
	v40 =	vmul.f32 v40, v33  }
0x28a: {  	v44 =	vld [tilespmem:s14+$0xA280]  }
0x28b: {  	v45 =	vld [tilespmem:s14+$0xE280];
	v39 =	vadd.f32 v39, v40  }
0x28c: {  	v36 =	vmul.f32 v36, v26;
	v42 =	vmul.f32 v42, v25;
	v40 =	vld [tilespmem:s14+$0xA300]  }
0x28d: {  	v35 =	vmul.f32 v35, v27;
	v41 =	vmul.f32 v41, v28;
	[tilespmem:s14+$0x16500] =	vst v39  }
0x28e: {  	v39 =	vmul.f32 v43, v24;
	v36 =	vadd.f32 v36, v42;
	v37 =	vmul.f32 v37, v23  }
0x28f: {  	v35 =	vadd.f32 v41, v35;
	v42 =	vmul.f32 v44, v20  }
0x290: {  	v41 =	vmul.f32 v45, v19;
	v37 =	vadd.f32 v39, v37;
	[tilespmem:s14+$0x16400] =	vst v36  }
0x291: {  	v38 =	vmul.f32 v38, v18;
	v36 =	vmul.f32 v40, v17;
	[tilespmem:s14+$0x16480] =	vst v35  }
0x292: {  	v35 =	vadd.f32 v41, v42;
	[tilespmem:s14+$0x16380] =	vst v37  }
0x293: {  	v36 =	vadd.f32 v38, v36  }
0x294: {  	[tilespmem:s14+$0x16280] =	vst v35  }
0x295: {  	s15 =	sor.u32 $0x2380, s15;
	[tilespmem:s14+$0x16300] =	vst v36  }
0x296: {  	v35 =	vld [tilespmem:s15+$0x8200]  }
0x297: {  	v36 =	vld [tilespmem:s15+$0xC200];
	_ =	sdelay $0x3  }
0x298: {  	v35 =	vmul.f32 v35, v21  }
0x299: {  	v36 =	vmul.f32 v36, v22;
	_ =	sdelay $0x1  }
0x29a: {  	v35 =	vadd.f32 v36, v35  }
0x29b: {  	s24 =	sand.u32 $0x1C00, s21;
	s14 =	sand.u32 $0x70, s23  }
0x29c: {  	s14 =	sor.u32 s14, s24;
	[tilespmem:s15+$0x14200] =	vst v35  }
0x29d: {  	v35 =	vld [tilespmem:s14+$0x8400]  }
0x29e: {  	v36 =	vld [tilespmem:s14+$0xC300]  }
0x29f: {  	v37 =	vld [tilespmem:s14+$0xC500]  }
0x2a0: {  	v38 =	vld [tilespmem:s14+$0xC400]  }
0x2a1: {  	v39 =	vld [tilespmem:s14+$0x8280]  }
0x2a2: {  	v40 =	vld [tilespmem:s14+$0x8500]  }
0x2a3: {  	v41 =	vld [tilespmem:s14+$0x8300]  }
0x2a4: {  	v42 =	vld [tilespmem:s14+$0xC200]  }
0x2a5: {  	v37 =	vmul.f32 v37, v14;
	v43 =	vld [tilespmem:s14+$0xC280]  }
0x2a6: {  	v36 =	vmul.f32 v36, v8;
	v44 =	vld [tilespmem:s14+$0x8380]  }
0x2a7: {  	v39 =	vmul.f32 v39, v5;
	v45 =	vld [tilespmem:s14+$0x8200];
	v40 =	vmul.f32 v40, v13  }
0x2a8: {  	v41 =	vmul.f32 v41, v7;
	v46 =	vld [tilespmem:s14+$0xC480]  }
0x2a9: {  	v38 =	vmul.f32 v38, v12;
	v42 =	vmul.f32 v42, v4;
	v47 =	vld [tilespmem:s14+$0xC380];
	v37 =	vadd.f32 v37, v40  }
0x2aa: {  	v35 =	vmul.f32 v35, v11;
	v40 =	vmul.f32 v43, v6;
	v36 =	vadd.f32 v36, v41;
	v41 =	vld [tilespmem:s14+$0x8480]  }
0x2ab: {  	v43 =	vmul.f32 v44, v9  }
0x2ac: {  	v35 =	vadd.f32 v38, v35;
	v44 =	vmul.f32 v45, v3;
	v39 =	vadd.f32 v40, v39;
	_ =	sdelay $0x1  }
0x2ad: {  	v38 =	vadd.f32 v42, v44;
	v40 =	vmul.f32 v47, v10;
	[tilespmem:s14+$0x14500] =	vst v37  }
0x2ae: {  	v37 =	vmul.f32 v46, v16;
	[tilespmem:s14+$0x14300] =	vst v36;
	v36 =	vmul.f32 v41, v15  }
0x2af: {  	v40 =	vadd.f32 v40, v43;
	[tilespmem:s14+$0x14400] =	vst v35  }
0x2b0: {  	[tilespmem:s14+$0x14280] =	vst v39;
	v35 =	vadd.f32 v37, v36  }
0x2b1: {  	[tilespmem:s14+$0x14200] =	vst v38  }
0x2b2: {  	s15 =	sor.u32 s23, s21;
	[tilespmem:s14+$0x14480] =	vst v35  }
0x2b3: {  	s23 =	sor.u32 $0x380, s15;
	[tilespmem:s14+$0x14380] =	vst v40  }
0x2b4: {  	v35 =	vld [tilespmem:s23+$0x8200]  }
0x2b5: {  	v36 =	vld [tilespmem:s23+$0xC200];
	_ =	sdelay $0x4  }
0x2b6: {  	v35 =	vmul.f32 v35, v29;
	v36 =	vmul.f32 v36, v32;
	_ =	sdelay $0x1  }
0x2b7: {  	v35 =	vadd.f32 v36, v35;
	_ =	sdelay $0x1  }
.Ltmp3:
0x2b8: {  	[tilespmem:s23+$0x14200] =	vst v35;
	(pc) =	sbr.rel @p0 .LBB2_8-.Ltmp3, $4  }
0x2b9: {  	v37 =	vld [tilespmem:s14+$0xA200]  }
0x2ba: {  	v38 =	vld [tilespmem:s14+$0xE200]  }
0x2bb: {  	v35 =	vld [tilespmem:s14+$0xA480]  }
0x2bc: {  	v36 =	vld [tilespmem:s14+$0xE400]  }
0x2bd: {  	v3 =	vld [tilespmem:s14+$0xE500]  }
0x2be: {  	v4 =	vld [tilespmem:s14+$0xA500]  }
0x2bf: {  	v7 =	vld [tilespmem:s14+$0xE480]  }
0x2c0: {  	v8 =	vld [tilespmem:s14+$0xA400]  }
0x2c1: {  	v58 =	vld [tilespmem:s14+$0xE300]  }
0x2c2: {  	v9 =	vld [tilespmem:s14+$0xE380]  }
0x2c3: {  	v59 =	vld [tilespmem:s14+$0xA380]  }
0x2c4: {  	v12 =	vld [tilespmem:s14+$0xA300]  }
0x2c5: {  	v10 =	vld [tilespmem:s14+$0xA280];
	v5 =	vmul.f32 v37, v30;
	v6 =	vmul.f32 v38, v31  }
0x2c6: {  	v11 =	vld [tilespmem:s14+$0xE280];
	v3 =	vmul.f32 v3, v34;
	v4 =	vmul.f32 v4, v33  }
0x2c7: {  	v5 =	vadd.f32 v6, v5;
	v13 =	vmul.f32 v36, v26;
	v8 =	vmul.f32 v8, v25  }
0x2c8: {  	v60 =	vmul.f32 v35, v27;
	v7 =	vmul.f32 v7, v28;
	v3 =	vadd.f32 v3, v4  }
0x2c9: {  	v62 =	vmul.f32 v12, v17;
	v6 =	vmul.f32 v58, v18;
	[tilespmem:s14+$0x16200] =	vst v5;
	v8 =	vadd.f32 v13, v8  }
0x2ca: {  	v9 =	vmul.f32 v9, v24;
	v5 =	vmul.f32 v59, v23;
	v4 =	vadd.f32 v7, v60;
	[tilespmem:s14+$0x16500] =	vst v3  }
0x2cb: {  	v61 =	vmul.f32 v11, v19;
	v63 =	vadd.f32 v6, v62;
	v3 =	vmul.f32 v10, v20;
	[tilespmem:s14+$0x16400] =	vst v8  }
0x2cc: {  	v5 =	vadd.f32 v9, v5;
	[tilespmem:s14+$0x16480] =	vst v4  }
0x2cd: {  	[tilespmem:s14+$0x16300] =	vst v63;
	v3 =	vadd.f32 v61, v3  }
0x2ce: {  	[tilespmem:s14+$0x16380] =	vst v5  }
0x2cf: {  	s22 =	sor.u32 $0x2380, s15;
	[tilespmem:s14+$0x16280] =	vst v3  }
0x2d0: {  	v3 =	vld [tilespmem:s22+$0x8200]  }
0x2d1: {  	v4 =	vld [tilespmem:s22+$0xC200];
	_ =	sdelay $0x4  }
0x2d2: {  	v3 =	vmul.f32 v3, v21;
	v4 =	vmul.f32 v4, v22;
	_ =	sdelay $0x1  }
0x2d3: {  	v3 =	vadd.f32 v4, v3;
	_ =	sdelay $0x1  }
0x2d4: {  	s23 =	rddreg [dreg:$0x9];
	[tilespmem:s22+$0x14200] =	vst v3  }
0x2d5: {  	[hbm4b:s23+s2] =	stream.linear.scatter [tilespmem:s19], [sflag:$0x4], $0x4000, $0x38;
	[tilespmem:$0x18200] =	vst v63  }
0x2d6: {  	_ =	swait.ge [sflag:s12], $0x4000  }
0x2d7: {  	[sflag:s12] =	ssyncset.done $0x0  }
0x2d8: {  	[sflag:s12] =	ssyncadd.s32 $0xFFFFC000  }
0x2d9: {  	_ =	swait.ge [sflag:s20], $0x4000  }
0x2da: {  	s13 =	sadd.s32 $0x1, s13;
	s24 =	rddreg [dreg:$0xa]  }
0x2db: {  	p0 =	sne.s32 s13, s24  }
.Ltmp4:
0x2dc: {  	_ = 	snop;
	(pc) =	sbr.rel @p0 .LBB2_1-.Ltmp4, $3  }
0x2dd: {  	_ =	sdelay $0x1  }
0x2de: {  	[sflag:s20] =	ssyncset.done $0x0  }
0x2df: {  	[sflag:s20] =	ssyncadd.s32 $0xFFFFC000  }
0x2e0: {  	_ =	sfence.sel $0x180000  }
0x2e1: {  	[bflag:$0x0] =	sbarrier.arrive $0xFFFF  }
0x2e2: {  	_ =	strace $0x9000004A  }
0x2e3: {  	s0 =	stileid.u32;
	[bflag:$0x2] =	sbarrier.arrive $0xFFFF  }
0x2e4: {  	p0 =	sne.s32 s0, $0x0;
	s0 =	rddreg [dreg:$0x2]  }
0x2e5: {  	s0 =	sadd.s32 @!p0 $0x100000, s0  }
0x2e6: {  	[sflag:s0] =	ssyncadd.tile.s32 @!p0 $0x1;
	_ =	shalt  }
.Lfunc_end2:
_tile_overlayer_lowered:
.L_overlay_start_2:
0x2e7: {  	(tag) =	ssettag $0x2  }
0x2e8: {  	s0 =	rddreg [dreg:$0x0];
	s2 =	stileid.u32  }
0x2e9: {  	s1 =	rddreg [dreg:$0x1];
	p0 =	sne.s32 s2, $0x0  }
0x2ea: {  	s3 =	rddreg [dreg:$0x2];
	[bflag:$0x3] =	sbarrier.arrive $0xFFFF;
	s2 =	simm.s32 @!p0 $0x1C05  }
0x2eb: {  	[timem:s3], [sflag:s2] =	dma.local @!p0 [hbm:s0], s1  }
0x2ec: {  	s0 =	simm.s32 @!p0 $0x5  }
0x2ed: {  	_ =	swait.ge @!p0 [sflag:s0], s1  }
0x2ee: {  	s1 =	ssub.s32 @!p0 $0x0, s1;
	[sflag:s0] =	ssyncset.done @!p0 $0x0  }
0x2ef: {  	[sflag:s0] =	ssyncadd.s32 @!p0 s1  }
0x2f0: {  	[bflag:$0x3] =	sbarrier.arrive $0xFFFF  }
0x2f1: {  	_ =	shalt  }

</sc_bundles>
